<compile_context>
chip_gen: v7x
topology: tpu7x:2x2x1
jax: 0.10.2.dev20260603
libtpu: 0.0.44.dev20260713+nightly
codegen_flags: <defaults>
</compile_context>

<pallas_src>
import functools

import jax
import jax.numpy as jnp
from jax import lax
from jax.experimental import pallas as pl
from jax.experimental.pallas import tpu as pltpu
from jax.experimental.pallas import tpu_sc as plsc

NN = 10000
DD = 8
EE = 320000
D2 = DD * DD
NW = 32
EPW = EE // NW
CH = 80
NCH = EPW // CH
BE = 1000
NEB = EE // BE
NNB = NN // BE


def _mesh():
    return plsc.VectorSubcoreMesh(core_axis_name="c", subcore_axis_name="s")


RUN = 32
NRUN = EE // RUN


def _sc_gather_maps(table, sihash, shash2, tops, tail, rhash):

    @functools.partial(
        pl.kernel,
        mesh=_mesh(),
        compiler_params=pltpu.CompilerParams(use_tc_tiling_on_sc=False,
                                             needs_layout_passes=False),
        out_type=jax.ShapeDtypeStruct((EE, D2), jnp.float32),
        scratch_types=[
            pltpu.VMEM((NRUN,), jnp.int32),
            pltpu.VMEM((RUN,), jnp.int32),
            pltpu.VMEM((CH,), jnp.int32),
            pltpu.VMEM((CH,), jnp.int32),
            pltpu.VMEM((CH, RUN), jnp.int32),
            pltpu.VMEM((CH,), jnp.int32),
            pltpu.VMEM((CH, DD), jnp.int32),
            pltpu.VMEM((CH,), jnp.int32),
            pltpu.VMEM((CH, D2), jnp.float32),
            pltpu.SemaphoreType.DMA,
        ],
    )
    def k(table_hbm, sihash_hbm, shash2_hbm, tops_hbm, tail_hbm, rhash_hbm,
          out_hbm, tops_v, tail_v, rh_v, run_v, runs_v, pos_v, sih_v, sel_v,
          rows_v, sem):
        wid = lax.axis_index("s") * 2 + lax.axis_index("c")
        base = wid * EPW
        pltpu.sync_copy(tops_hbm, tops_v)
        pltpu.sync_copy(tail_hbm, tail_v)
        lanes = lax.iota(jnp.int32, 16)

        def lower_bound(ref, extra_idx, q, lo0, hi0, rounds):
            lo = lanes * 0 + lo0
            hi = lanes * 0 + hi0
            for _ in range(rounds):
                mid = (lo + hi) >> 1
                v = plsc.load_gather(ref, extra_idx + [mid])
                pred = v < q
                lo = jnp.where(pred, mid + 1, lo)
                hi = jnp.where(pred, hi, mid)
            return lo

        def body(i, carry):
            off = pl.multiple_of(base + i * CH, 8)
            pltpu.sync_copy(rhash_hbm.at[pl.ds(off, CH)], rh_v)
            for j in range(CH // 16):
                q = rh_v[pl.ds(j * 16, 16)]
                t = lower_bound(tops_v, [], q, 0, NRUN, 14)
                run_v[pl.ds(j * 16, 16)] = jnp.maximum(t - 1, 0)
            pltpu.async_copy(shash2_hbm.at[run_v], runs_v, sem).wait()
            for j in range(CH // 16):
                q = rh_v[pl.ds(j * 16, 16)]
                rows = j * 16 + lanes
                r = run_v[pl.ds(j * 16, 16)]
                tv = plsc.load_gather(tops_v, [r])
                c1 = lower_bound(runs_v, [rows], q, 1, RUN, 5)
                ct = lower_bound(tail_v, [], q, 1, RUN, 5)
                c1 = jnp.where(r == NRUN - 1, ct, c1)
                c = jnp.where(tv < q, c1, 0)
                pos_v[pl.ds(j * 16, 16)] = jnp.minimum(r * RUN + c, EE - 1)
            pltpu.async_copy(sihash_hbm.at[pos_v], sih_v, sem).wait()
            for j in range(CH // 16):
                rows = j * 16 + lanes
                si = plsc.load_gather(sih_v, [rows, lanes * 0])
                sh = plsc.load_gather(sih_v, [rows, lanes * 0 + 1])
                rh = rh_v[pl.ds(j * 16, 16)]
                eid = off + j * 16 + lanes
                sel_v[pl.ds(j * 16, 16)] = jnp.where(sh == rh, si, eid)
            pltpu.async_copy(table_hbm.at[sel_v], rows_v, sem).wait()
            pltpu.sync_copy(rows_v, out_hbm.at[pl.ds(off, CH)])
            return carry

        lax.fori_loop(0, NCH, body, 0)

    return k(table, sihash, shash2, tops, tail, rhash)


def _sc_degree(rs, row, zeros_nn8):

    @functools.partial(
        pl.kernel,
        mesh=_mesh(),
        compiler_params=pltpu.CompilerParams(use_tc_tiling_on_sc=False),
        out_type=jax.ShapeDtypeStruct((2, NN, DD), jnp.float32),
        scratch_types=[
            pltpu.VMEM((CH,), jnp.int32),
            pltpu.VMEM((CH, DD), jnp.float32),
            pltpu.VMEM_SHARED((NN, DD), jnp.float32),
            pltpu.SemaphoreType.DMA,
        ],
    )
    def k(rs_hbm, row_hbm, zero_hbm, out_hbm, idx_v, val_v, deg_sh, sem):
        c = lax.axis_index("c")
        s = lax.axis_index("s")
        wid = s * 2 + c
        base = wid * EPW

        @pl.when(s < 10)
        def _zero():
            off = pl.multiple_of(s * BE, 8)
            pltpu.sync_copy(zero_hbm.at[pl.ds(off, BE)], deg_sh.at[pl.ds(off, BE)])

        plsc.subcore_barrier()

        def body(i, carry):
            off = pl.multiple_of(base + i * CH, 8)
            pltpu.sync_copy(row_hbm.at[pl.ds(off, CH)], idx_v)
            pltpu.sync_copy(rs_hbm.at[pl.ds(off, CH)], val_v)
            pltpu.async_copy(val_v, deg_sh.at[idx_v], sem, add=True).wait()
            return carry

        lax.fori_loop(0, NCH, body, 0)
        plsc.subcore_barrier()

        @pl.when(s < 10)
        def _flush():
            off = pl.multiple_of(s * BE, 8)
            pltpu.sync_copy(deg_sh.at[pl.ds(off, BE)], out_hbm.at[c, pl.ds(off, BE)])

    return k(rs, row, zeros_nn8)


def _sc_gather_dinv(dinv, row, col):

    @functools.partial(
        pl.kernel,
        mesh=_mesh(),
        compiler_params=pltpu.CompilerParams(use_tc_tiling_on_sc=False),
        out_type=(
            jax.ShapeDtypeStruct((EE, DD), jnp.float32),
            jax.ShapeDtypeStruct((EE, DD), jnp.float32),
        ),
        scratch_types=[
            pltpu.VMEM((CH,), jnp.int32),
            pltpu.VMEM((CH,), jnp.int32),
            pltpu.VMEM((CH, DD), jnp.float32),
            pltpu.VMEM((CH, DD), jnp.float32),
            pltpu.SemaphoreType.DMA,
            pltpu.SemaphoreType.DMA,
        ],
    )
    def k(dinv_hbm, row_hbm, col_hbm, dr_hbm, dc_hbm,
          ridx_v, cidx_v, dr_v, dc_v, sem_r, sem_c):
        wid = lax.axis_index("s") * 2 + lax.axis_index("c")
        base = wid * EPW

        def body(i, carry):
            off = pl.multiple_of(base + i * CH, 8)
            pltpu.sync_copy(row_hbm.at[pl.ds(off, CH)], ridx_v)
            pltpu.sync_copy(col_hbm.at[pl.ds(off, CH)], cidx_v)
            cp_r = pltpu.async_copy(dinv_hbm.at[ridx_v], dr_v, sem_r)
            cp_c = pltpu.async_copy(dinv_hbm.at[cidx_v], dc_v, sem_c)
            cp_r.wait()
            cp_c.wait()
            pltpu.sync_copy(dr_v, dr_hbm.at[pl.ds(off, CH)])
            pltpu.sync_copy(dc_v, dc_hbm.at[pl.ds(off, CH)])
            return carry

        lax.fori_loop(0, NCH, body, 0)

    return k(dinv, row, col)


def _expanders():
    lane = lax.broadcasted_iota(jnp.int32, (DD, D2), 1)
    ridx = lax.broadcasted_iota(jnp.int32, (DD, D2), 0)
    ea = (lane // DD == ridx).astype(jnp.float32)
    ec = (lane % DD == ridx).astype(jnp.float32)
    return ea, ec


def _tc_bmm_body(s_ref, t_ref, p_ref, rs_ref):
    ea, ec = _expanders()
    s = s_ref[...]
    t = t_ref[...]
    acc = jnp.zeros((BE, D2), jnp.float32)
    for b in range(DD):
        sb = s[:, b * DD:(b + 1) * DD]
        tb = t[:, b * DD:(b + 1) * DD]
        acc = acc + (lax.dot(sb, ea, preferred_element_type=jnp.float32)
                     * lax.dot(tb, ec, preferred_element_type=jnp.float32))
    p_ref[...] = acc
    lane = lax.broadcasted_iota(jnp.int32, (D2, DD), 0)
    aidx = lax.broadcasted_iota(jnp.int32, (D2, DD), 1)
    eat = (lane // DD == aidx).astype(jnp.float32)
    rs_ref[...] = lax.dot(jnp.abs(acc), eat, preferred_element_type=jnp.float32)


def _tc_bmm(f2, fd2):
    return pl.pallas_call(
        _tc_bmm_body,
        grid=(NEB,),
        in_specs=[
            pl.BlockSpec((BE, D2), lambda i: (i, 0)),
            pl.BlockSpec((BE, D2), lambda i: (i, 0)),
        ],
        out_specs=[
            pl.BlockSpec((BE, D2), lambda i: (i, 0)),
            pl.BlockSpec((BE, DD), lambda i: (i, 0)),
        ],
        out_shape=[
            jax.ShapeDtypeStruct((EE, D2), jnp.float32),
            jax.ShapeDtypeStruct((EE, DD), jnp.float32),
        ],
    )(f2, fd2)


def _tc_finalize_body(p_ref, dr_ref, dc_ref, row_ref, col_ref, dinv_ref,
                      vals_ref, ind_ref):
    i = pl.program_id(0)
    ea, ec = _expanders()
    lane = lax.broadcasted_iota(jnp.int32, (BE, D2), 1)
    a_ln = lane // DD
    c_ln = lane % DD

    @pl.when(i < NEB)
    def _edges():
        dre = lax.dot(dr_ref[...], ea, preferred_element_type=jnp.float32)
        dce = lax.dot(dc_ref[...], ec, preferred_element_type=jnp.float32)
        vals_ref[0] = dre * p_ref[...] * dce
        r = row_ref[...]
        cc = col_ref[...]
        ind_ref[0, 0] = r * DD + a_ln
        ind_ref[1, 0] = cc * DD + c_ln

    @pl.when(i >= NEB)
    def _diag():
        dv = dinv_ref[...]
        de_a = lax.dot(dv, ea, preferred_element_type=jnp.float32)
        de_c = lax.dot(dv, ec, preferred_element_type=jnp.float32)
        vals_ref[0] = jnp.where(a_ln == c_ln, de_a * de_c, 0.0)
        nid = (i - NEB) * BE + lax.broadcasted_iota(jnp.int32, (BE, D2), 0)
        ind_ref[0, 0] = nid * DD + a_ln
        ind_ref[1, 0] = nid * DD + c_ln


def _tc_finalize(p, dr, dc, row2, col2, dinv):
    nblk = NEB + NNB
    vals, inds = pl.pallas_call(
        _tc_finalize_body,
        grid=(nblk,),
        in_specs=[
            pl.BlockSpec((BE, D2), lambda i: (jnp.minimum(i, NEB - 1), 0)),
            pl.BlockSpec((BE, DD), lambda i: (jnp.minimum(i, NEB - 1), 0)),
            pl.BlockSpec((BE, DD), lambda i: (jnp.minimum(i, NEB - 1), 0)),
            pl.BlockSpec((BE, 1), lambda i: (jnp.minimum(i, NEB - 1), 0)),
            pl.BlockSpec((BE, 1), lambda i: (jnp.minimum(i, NEB - 1), 0)),
            pl.BlockSpec((BE, DD), lambda i: (jnp.maximum(i - NEB, 0), 0)),
        ],
        out_specs=[
            pl.BlockSpec((1, BE, D2), lambda i: (i, 0, 0)),
            pl.BlockSpec((2, 1, BE, D2), lambda i: (0, i, 0, 0)),
        ],
        out_shape=[
            jax.ShapeDtypeStruct((nblk, BE, D2), jnp.float32),
            jax.ShapeDtypeStruct((2, nblk, BE, D2), jnp.int32),
        ],
    )(p, dr, dc, row2, col2, dinv)
    return vals, inds


def kernel(restriction_maps, edge_index):
    row = edge_index[0]
    col = edge_index[1]
    edge_hash = row * NN + col
    reverse_hash = col * NN + row
    sorted_hash, sort_idx = lax.sort(
        (edge_hash, jnp.arange(EE, dtype=jnp.int32)), num_keys=1, is_stable=True)
    sihash = jnp.concatenate(
        [sort_idx[:, None], sorted_hash[:, None],
         jnp.zeros((EE, DD - 2), jnp.int32)], axis=1)
    sihash = jnp.concatenate([sihash, jnp.zeros((8, DD), jnp.int32)], axis=0)
    shash2 = sorted_hash.reshape(NRUN, RUN)
    tops = shash2[:, 0]
    shash2 = jnp.concatenate(
        [shash2, jnp.full((8, RUN), 2**31 - 1, jnp.int32)], axis=0)
    tail = sorted_hash[EE - RUN:]

    f2 = restriction_maps.reshape(EE, D2)
    fd2 = _sc_gather_maps(f2, sihash, shash2, tops, tail, reverse_hash)
    p, rs = _tc_bmm(f2, fd2)
    zeros_nn8 = jnp.zeros((NN, DD), jnp.float32)
    deg_part = _sc_degree(rs, row, zeros_nn8)
    deg = deg_part[0] + deg_part[1] + 1.0
    dinv = jnp.where(deg > 0, deg ** -0.5, 0.0)
    dr, dc = _sc_gather_dinv(dinv, row, col)
    vals4, inds = _tc_finalize(p, dr, dc,
                               row.reshape(EE, 1), col.reshape(EE, 1), dinv)
    indices = inds.reshape(2, (EE + NN) * D2)
    vals = vals4.reshape((EE + NN) * D2)
    transport_maps = p.reshape(EE, DD, DD)
    return indices, vals, transport_maps

# --- scband reference (transcript-rebuilt; emitter-appended) ---
"""Pipeline reference for scband-sheaf-adjacency-builder-31842887533240 (READ-ONLY COPY).

The authoritative reference and input builder live on the scoring server;
editing this copy changes nothing except your own understanding.
"""

import jax, jax.numpy as jnp
import numpy as np

NUM_NODES = 10000
D = 8
E = 320000


def setup_inputs(seed: int = 0) -> dict:
    key = jax.random.key(seed)
    k1, k2 = jax.random.split(key)
    edge_index = jax.random.randint(k1, (2, E), 0, NUM_NODES, dtype=jnp.int32)
    restriction_maps = jax.random.normal(k2, (E, D, D), dtype=jnp.float32)
    return {"restriction_maps": restriction_maps, "edge_index": edge_index}


def reference(restriction_maps, edge_index):
    row = edge_index[0]
    col = edge_index[1]
    num_edges = row.shape[0]
    # ---- precompute reverse-edge index (searchsorted on edge hashes) ----
    edge_hash = row * NUM_NODES + col
    reverse_hash = col * NUM_NODES + row
    sort_idx = jnp.argsort(edge_hash)
    sorted_hash = edge_hash[sort_idx]
    pos = jnp.searchsorted(sorted_hash, reverse_hash)
    pos = jnp.clip(pos, 0, num_edges - 1)
    reverse_idx = sort_idx[pos]
    valid = sorted_hash[pos] == reverse_hash
    reverse_idx = jnp.where(valid, reverse_idx, jnp.arange(num_edges, dtype=reverse_idx.dtype))
    # ---- block index structure ----
    d_range = jnp.arange(D, dtype=row.dtype)
    off_row = jnp.broadcast_to((row * D)[:, None, None] + d_range[None, :, None], (num_edges, D, D)).reshape(-1)
    off_col = jnp.broadcast_to((col * D)[:, None, None] + d_range[None, None, :], (num_edges, D, D)).reshape(-1)
    diag_base = jnp.arange(NUM_NODES, dtype=row.dtype) * D
    diag_row = jnp.broadcast_to(diag_base[:, None, None] + d_range[None, :, None], (NUM_NODES, D, D)).reshape(-1)
    diag_col = jnp.broadcast_to(diag_base[:, None, None] + d_range[None, None, :], (NUM_NODES, D, D)).reshape(-1)
    # ---- transport maps P_ij = F_i^T F_j (batched matmul over gathered maps) ----
    F_src = restriction_maps
    F_dst = restriction_maps[reverse_idx]
    transport_maps = jnp.einsum('eba,ebc->eac', F_src, F_dst)
    off_vals = transport_maps.reshape(-1)
    identity_vals = jnp.broadcast_to(jnp.eye(D, dtype=restriction_maps.dtype)[None], (NUM_NODES, D, D)).reshape(-1)
    rows = jnp.concatenate([off_row, diag_row])
    cols = jnp.concatenate([off_col, diag_col])
    vals = jnp.concatenate([off_vals, identity_vals])
    # ---- symmetric normalization D^{-1/2} A D^{-1/2} via scatter-add degree ----
    Ntot = NUM_NODES * D
    deg = jnp.zeros(Ntot, dtype=vals.dtype).at[rows].add(jnp.abs(vals))
    deg_inv_sqrt = jnp.where(deg > 0, deg ** -0.5, 0.0)
    vals = deg_inv_sqrt[rows] * vals * deg_inv_sqrt[cols]
    indices = jnp.stack([rows, cols], axis=0)
    return indices, vals, transport_maps

if __name__ == "__main__":
    import jax
    _d = setup_inputs()
    print(jax.jit(kernel)(*tuple(_d.values())))

</pallas_src>

<mosaic_0001>
#map = affine_map<(d0, d1) -> (0, 0)>
#map1 = affine_map<(d0, d1) -> (0)>
module attributes {stable_mosaic.version = 14 : i64} {
  func.func @k(%arg0: i32, %arg1: i32, %arg2: memref<320000x64xf32, #tpu.memory_space<hbm>>, %arg3: memref<320008x8xi32, #tpu.memory_space<hbm>>, %arg4: memref<10008x32xi32, #tpu.memory_space<hbm>>, %arg5: memref<10000xi32, #tpu.memory_space<hbm>>, %arg6: memref<32xi32, #tpu.memory_space<hbm>>, %arg7: memref<320000xi32, #tpu.memory_space<hbm>>, %arg8: memref<320000x64xf32, #tpu.memory_space<hbm>>, %arg9: memref<10000xi32, #tpu.memory_space<vmem>>, %arg10: memref<32xi32, #tpu.memory_space<vmem>>, %arg11: memref<80xi32, #tpu.memory_space<vmem>>, %arg12: memref<80xi32, #tpu.memory_space<vmem>>, %arg13: memref<80x32xi32, #tpu.memory_space<vmem>>, %arg14: memref<80xi32, #tpu.memory_space<vmem>>, %arg15: memref<80x8xi32, #tpu.memory_space<vmem>>, %arg16: memref<80xi32, #tpu.memory_space<vmem>>, %arg17: memref<80x64xf32, #tpu.memory_space<vmem>>, %arg18: memref<!tpu.dma_semaphore, #tpu.memory_space<semaphore_mem>>) attributes {dimension_semantics = [#tpu.dimension_semantics<core_parallel>, #tpu.dimension_semantics<subcore_parallel>], iteration_bounds = array<i64: 2, 16>, scalar_prefetch = 0 : i64, scratch_operands = 10 : i64, tpu.core_type = #tpu.core_type<sc_vector_subcore>, window_params = [{transform_indices = #map}, {transform_indices = #map}, {transform_indices = #map}, {transform_indices = #map1}, {transform_indices = #map1}, {transform_indices = #map1}, {transform_indices = #map}]} {
    %mul3A = arith.constant 2 : i32
    %mul3A_0 = arith.muli %arg1, %mul3A : i32
    %add3A = arith.addi %mul3A_0, %arg0 : i32
    %mul3A_1 = arith.constant 10000 : i32
    %mul3A_2 = arith.muli %add3A, %mul3A_1 : i32
    "tpu.region"() ({
      %run_scoped3A = tpu.sem_alloc : memref<!tpu.dma_semaphore, #tpu.memory_space<semaphore_mem>>
      tpu.enqueue_dma source(%arg5 : memref<10000xi32, #tpu.memory_space<hbm>>) target(%arg9 : memref<10000xi32, #tpu.memory_space<vmem>>) target_semaphore(%run_scoped3A : memref<!tpu.dma_semaphore, #tpu.memory_space<semaphore_mem>>)
      tpu.wait_dma2 semaphore(%run_scoped3A : memref<!tpu.dma_semaphore, #tpu.memory_space<semaphore_mem>>) src(%arg5 : memref<10000xi32, #tpu.memory_space<hbm>>) dst(%arg9 : memref<10000xi32, #tpu.memory_space<vmem>>)
      tpu.yield
    }) : () -> ()
    "tpu.region"() ({
      %run_scoped3A = tpu.sem_alloc : memref<!tpu.dma_semaphore, #tpu.memory_space<semaphore_mem>>
      tpu.enqueue_dma source(%arg6 : memref<32xi32, #tpu.memory_space<hbm>>) target(%arg10 : memref<32xi32, #tpu.memory_space<vmem>>) target_semaphore(%run_scoped3A : memref<!tpu.dma_semaphore, #tpu.memory_space<semaphore_mem>>)
      tpu.wait_dma2 semaphore(%run_scoped3A : memref<!tpu.dma_semaphore, #tpu.memory_space<semaphore_mem>>) src(%arg6 : memref<32xi32, #tpu.memory_space<hbm>>) dst(%arg10 : memref<32xi32, #tpu.memory_space<vmem>>)
      tpu.yield
    }) : () -> ()
    %iota3A = tpu.iota {dimensions = array<i32: 0>} : vector<16xi32>
    %scan3A = arith.constant 0 : i32
    %scan3A_3 = arith.constant 0 : i32
    %scan3A_4 = arith.constant 125 : i32
    %scan3A_5 = arith.addi %scan3A_3, %scan3A_4 : i32
    %scan3A_6 = arith.constant 1 : i32
    scf.for %scan3A_8 = %scan3A_3 to %scan3A_5 step %scan3A_6  : i32 {
      %mul3A_9 = arith.constant 80 : i32
      %mul3A_10 = arith.muli %scan3A_8, %mul3A_9 : i32
      %add3A_11 = arith.addi %mul3A_2, %mul3A_10 : i32
      %multiple_of3A = tpu.assume_multiple %add3A_11, 8 : i32
      "tpu.region"() ({
        %run_scoped3A = tpu.sem_alloc : memref<!tpu.dma_semaphore, #tpu.memory_space<semaphore_mem>>
        %dma_start3A_1811 = tpu.memref_slice %arg7[%multiple_of3A] : memref<320000xi32, #tpu.memory_space<hbm>> -> memref<80xi32, #tpu.memory_space<hbm>>
        %dma_start3A_1812 = tpu.memref_slice %arg7[%multiple_of3A] : memref<320000xi32, #tpu.memory_space<hbm>> -> memref<80xi32, #tpu.memory_space<hbm>>
        tpu.enqueue_dma source(%dma_start3A_1812 : memref<80xi32, #tpu.memory_space<hbm>>) target(%arg11 : memref<80xi32, #tpu.memory_space<vmem>>) target_semaphore(%run_scoped3A : memref<!tpu.dma_semaphore, #tpu.memory_space<semaphore_mem>>)
        %dma_wait3A_1813 = tpu.memref_slice %arg7[%multiple_of3A] : memref<320000xi32, #tpu.memory_space<hbm>> -> memref<80xi32, #tpu.memory_space<hbm>>
        %dma_wait3A_1814 = tpu.memref_slice %arg7[%multiple_of3A] : memref<320000xi32, #tpu.memory_space<hbm>> -> memref<80xi32, #tpu.memory_space<hbm>>
        tpu.wait_dma2 semaphore(%run_scoped3A : memref<!tpu.dma_semaphore, #tpu.memory_space<semaphore_mem>>) src(%dma_wait3A_1814 : memref<80xi32, #tpu.memory_space<hbm>>) dst(%arg11 : memref<80xi32, #tpu.memory_space<vmem>>)
        tpu.yield
      }) : () -> ()
      %get3A = arith.constant 0 : index
      %get3A_12 = tpu.vector_load %arg11[%get3A] {strides = array<i32>} : memref<80xi32, #tpu.memory_space<vmem>>, vector<16xi32>,
      %mul3A_13 = arith.constant 0 : i32
      %mul3A_14 = vector.broadcast %mul3A_13 : i32 to vector<16xi32>
      %mul3A_15 = arith.muli %iota3A, %mul3A_14 : vector<16xi32>
      %add3A_16 = arith.constant 0 : i32
      %add3A_17 = vector.broadcast %add3A_16 : i32 to vector<16xi32>
      %add3A_18 = arith.addi %mul3A_15, %add3A_17 : vector<16xi32>
      %mul3A_19 = arith.constant 0 : i32
      %mul3A_20 = vector.broadcast %mul3A_19 : i32 to vector<16xi32>
      %mul3A_21 = arith.muli %iota3A, %mul3A_20 : vector<16xi32>
      %add3A_22 = arith.constant 10000 : i32
      %add3A_23 = vector.broadcast %add3A_22 : i32 to vector<16xi32>
      %add3A_24 = arith.addi %mul3A_21, %add3A_23 : vector<16xi32>
      %add3A_25 = arith.addi %add3A_18, %add3A_24 : vector<16xi32>
      %shift_right_arithmetic3A = arith.constant 1 : i32
      %shift_right_arithmetic3A_26 = vector.broadcast %shift_right_arithmetic3A : i32 to vector<16xi32>
      %shift_right_arithmetic3A_27 = arith.shrsi %add3A_25, %shift_right_arithmetic3A_26 : vector<16xi32>
      %gather3A = tpu.vector_load_idx %arg9[%shift_right_arithmetic3A_27] : memref<10000xi32, #tpu.memory_space<vmem>>[vector<16xi32>], vector<16xi32>,
      %lt3A = arith.cmpi slt, %gather3A, %get3A_12 : vector<16xi32>
      %add3A_28 = arith.constant 1 : i32
      %add3A_29 = vector.broadcast %add3A_28 : i32 to vector<16xi32>
      %add3A_30 = arith.addi %shift_right_arithmetic3A_27, %add3A_29 : vector<16xi32>
      %select_n3A = arith.select %lt3A, %add3A_30, %add3A_18 : vector<16xi1>, vector<16xi32>
      %select_n3A_31 = arith.select %lt3A, %add3A_24, %shift_right_arithmetic3A_27 : vector<16xi1>, vector<16xi32>
      %add3A_32 = arith.addi %select_n3A, %select_n3A_31 : vector<16xi32>
      %shift_right_arithmetic3A_33 = arith.constant 1 : i32
      %shift_right_arithmetic3A_34 = vector.broadcast %shift_right_arithmetic3A_33 : i32 to vector<16xi32>
      %shift_right_arithmetic3A_35 = arith.shrsi %add3A_32, %shift_right_arithmetic3A_34 : vector<16xi32>
      %gather3A_36 = tpu.vector_load_idx %arg9[%shift_right_arithmetic3A_35] : memref<10000xi32, #tpu.memory_space<vmem>>[vector<16xi32>], vector<16xi32>,
      %lt3A_37 = arith.cmpi slt, %gather3A_36, %get3A_12 : vector<16xi32>
      %add3A_38 = arith.constant 1 : i32
      %add3A_39 = vector.broadcast %add3A_38 : i32 to vector<16xi32>
      %add3A_40 = arith.addi %shift_right_arithmetic3A_35, %add3A_39 : vector<16xi32>
      %select_n3A_41 = arith.select %lt3A_37, %add3A_40, %select_n3A : vector<16xi1>, vector<16xi32>
      %select_n3A_42 = arith.select %lt3A_37, %select_n3A_31, %shift_right_arithmetic3A_35 : vector<16xi1>, vector<16xi32>
      %add3A_43 = arith.addi %select_n3A_41, %select_n3A_42 : vector<16xi32>
      %shift_right_arithmetic3A_44 = arith.constant 1 : i32
      %shift_right_arithmetic3A_45 = vector.broadcast %shift_right_arithmetic3A_44 : i32 to vector<16xi32>
      %shift_right_arithmetic3A_46 = arith.shrsi %add3A_43, %shift_right_arithmetic3A_45 : vector<16xi32>
      %gather3A_47 = tpu.vector_load_idx %arg9[%shift_right_arithmetic3A_46] : memref<10000xi32, #tpu.memory_space<vmem>>[vector<16xi32>], vector<16xi32>,
      %lt3A_48 = arith.cmpi slt, %gather3A_47, %get3A_12 : vector<16xi32>
      %add3A_49 = arith.constant 1 : i32
      %add3A_50 = vector.broadcast %add3A_49 : i32 to vector<16xi32>
      %add3A_51 = arith.addi %shift_right_arithmetic3A_46, %add3A_50 : vector<16xi32>
      %select_n3A_52 = arith.select %lt3A_48, %add3A_51, %select_n3A_41 : vector<16xi1>, vector<16xi32>
      %select_n3A_53 = arith.select %lt3A_48, %select_n3A_42, %shift_right_arithmetic3A_46 : vector<16xi1>, vector<16xi32>
      %add3A_54 = arith.addi %select_n3A_52, %select_n3A_53 : vector<16xi32>
      %shift_right_arithmetic3A_55 = arith.constant 1 : i32
      %shift_right_arithmetic3A_56 = vector.broadcast %shift_right_arithmetic3A_55 : i32 to vector<16xi32>
      %shift_right_arithmetic3A_57 = arith.shrsi %add3A_54, %shift_right_arithmetic3A_56 : vector<16xi32>
      %gather3A_58 = tpu.vector_load_idx %arg9[%shift_right_arithmetic3A_57] : memref<10000xi32, #tpu.memory_space<vmem>>[vector<16xi32>], vector<16xi32>,
      %lt3A_59 = arith.cmpi slt, %gather3A_58, %get3A_12 : vector<16xi32>
      %add3A_60 = arith.constant 1 : i32
      %add3A_61 = vector.broadcast %add3A_60 : i32 to vector<16xi32>
      %add3A_62 = arith.addi %shift_right_arithmetic3A_57, %add3A_61 : vector<16xi32>
      %select_n3A_63 = arith.select %lt3A_59, %add3A_62, %select_n3A_52 : vector<16xi1>, vector<16xi32>
      %select_n3A_64 = arith.select %lt3A_59, %select_n3A_53, %shift_right_arithmetic3A_57 : vector<16xi1>, vector<16xi32>
      %add3A_65 = arith.addi %select_n3A_63, %select_n3A_64 : vector<16xi32>
      %shift_right_arithmetic3A_66 = arith.constant 1 : i32
      %shift_right_arithmetic3A_67 = vector.broadcast %shift_right_arithmetic3A_66 : i32 to vector<16xi32>
      %shift_right_arithmetic3A_68 = arith.shrsi %add3A_65, %shift_right_arithmetic3A_67 : vector<16xi32>
      %gather3A_69 = tpu.vector_load_idx %arg9[%shift_right_arithmetic3A_68] : memref<10000xi32, #tpu.memory_space<vmem>>[vector<16xi32>], vector<16xi32>,
      %lt3A_70 = arith.cmpi slt, %gather3A_69, %get3A_12 : vector<16xi32>
      %add3A_71 = arith.constant 1 : i32
      %add3A_72 = vector.broadcast %add3A_71 : i32 to vector<16xi32>
      %add3A_73 = arith.addi %shift_right_arithmetic3A_68, %add3A_72 : vector<16xi32>
      %select_n3A_74 = arith.select %lt3A_70, %add3A_73, %select_n3A_63 : vector<16xi1>, vector<16xi32>
      %select_n3A_75 = arith.select %lt3A_70, %select_n3A_64, %shift_right_arithmetic3A_68 : vector<16xi1>, vector<16xi32>
      %add3A_76 = arith.addi %select_n3A_74, %select_n3A_75 : vector<16xi32>
      %shift_right_arithmetic3A_77 = arith.constant 1 : i32
      %shift_right_arithmetic3A_78 = vector.broadcast %shift_right_arithmetic3A_77 : i32 to vector<16xi32>
      %shift_right_arithmetic3A_79 = arith.shrsi %add3A_76, %shift_right_arithmetic3A_78 : vector<16xi32>
      %gather3A_80 = tpu.vector_load_idx %arg9[%shift_right_arithmetic3A_79] : memref<10000xi32, #tpu.memory_space<vmem>>[vector<16xi32>], vector<16xi32>,
      %lt3A_81 = arith.cmpi slt, %gather3A_80, %get3A_12 : vector<16xi32>
      %add3A_82 = arith.constant 1 : i32
      %add3A_83 = vector.broadcast %add3A_82 : i32 to vector<16xi32>
      %add3A_84 = arith.addi %shift_right_arithmetic3A_79, %add3A_83 : vector<16xi32>
      %select_n3A_85 = arith.select %lt3A_81, %add3A_84, %select_n3A_74 : vector<16xi1>, vector<16xi32>
      %select_n3A_86 = arith.select %lt3A_81, %select_n3A_75, %shift_right_arithmetic3A_79 : vector<16xi1>, vector<16xi32>
      %add3A_87 = arith.addi %select_n3A_85, %select_n3A_86 : vector<16xi32>
      %shift_right_arithmetic3A_88 = arith.constant 1 : i32
      %shift_right_arithmetic3A_89 = vector.broadcast %shift_right_arithmetic3A_88 : i32 to vector<16xi32>
      %shift_right_arithmetic3A_90 = arith.shrsi %add3A_87, %shift_right_arithmetic3A_89 : vector<16xi32>
      %gather3A_91 = tpu.vector_load_idx %arg9[%shift_right_arithmetic3A_90] : memref<10000xi32, #tpu.memory_space<vmem>>[vector<16xi32>], vector<16xi32>,
      %lt3A_92 = arith.cmpi slt, %gather3A_91, %get3A_12 : vector<16xi32>
      %add3A_93 = arith.constant 1 : i32
      %add3A_94 = vector.broadcast %add3A_93 : i32 to vector<16xi32>
      %add3A_95 = arith.addi %shift_right_arithmetic3A_90, %add3A_94 : vector<16xi32>
      %select_n3A_96 = arith.select %lt3A_92, %add3A_95, %select_n3A_85 : vector<16xi1>, vector<16xi32>
      %select_n3A_97 = arith.select %lt3A_92, %select_n3A_86, %shift_right_arithmetic3A_90 : vector<16xi1>, vector<16xi32>
      %add3A_98 = arith.addi %select_n3A_96, %select_n3A_97 : vector<16xi32>
      %shift_right_arithmetic3A_99 = arith.constant 1 : i32
      %shift_right_arithmetic3A_100 = vector.broadcast %shift_right_arithmetic3A_99 : i32 to vector<16xi32>
      %shift_right_arithmetic3A_101 = arith.shrsi %add3A_98, %shift_right_arithmetic3A_100 : vector<16xi32>
      %gather3A_102 = tpu.vector_load_idx %arg9[%shift_right_arithmetic3A_101] : memref<10000xi32, #tpu.memory_space<vmem>>[vector<16xi32>], vector<16xi32>,
      %lt3A_103 = arith.cmpi slt, %gather3A_102, %get3A_12 : vector<16xi32>
      %add3A_104 = arith.constant 1 : i32
      %add3A_105 = vector.broadcast %add3A_104 : i32 to vector<16xi32>
      %add3A_106 = arith.addi %shift_right_arithmetic3A_101, %add3A_105 : vector<16xi32>
      %select_n3A_107 = arith.select %lt3A_103, %add3A_106, %select_n3A_96 : vector<16xi1>, vector<16xi32>
      %select_n3A_108 = arith.select %lt3A_103, %select_n3A_97, %shift_right_arithmetic3A_101 : vector<16xi1>, vector<16xi32>
      %add3A_109 = arith.addi %select_n3A_107, %select_n3A_108 : vector<16xi32>
      %shift_right_arithmetic3A_110 = arith.constant 1 : i32
      %shift_right_arithmetic3A_111 = vector.broadcast %shift_right_arithmetic3A_110 : i32 to vector<16xi32>
      %shift_right_arithmetic3A_112 = arith.shrsi %add3A_109, %shift_right_arithmetic3A_111 : vector<16xi32>
      %gather3A_113 = tpu.vector_load_idx %arg9[%shift_right_arithmetic3A_112] : memref<10000xi32, #tpu.memory_space<vmem>>[vector<16xi32>], vector<16xi32>,
      %lt3A_114 = arith.cmpi slt, %gather3A_113, %get3A_12 : vector<16xi32>
      %add3A_115 = arith.constant 1 : i32
      %add3A_116 = vector.broadcast %add3A_115 : i32 to vector<16xi32>
      %add3A_117 = arith.addi %shift_right_arithmetic3A_112, %add3A_116 : vector<16xi32>
      %select_n3A_118 = arith.select %lt3A_114, %add3A_117, %select_n3A_107 : vector<16xi1>, vector<16xi32>
      %select_n3A_119 = arith.select %lt3A_114, %select_n3A_108, %shift_right_arithmetic3A_112 : vector<16xi1>, vector<16xi32>
      %add3A_120 = arith.addi %select_n3A_118, %select_n3A_119 : vector<16xi32>
      %shift_right_arithmetic3A_121 = arith.constant 1 : i32
      %shift_right_arithmetic3A_122 = vector.broadcast %shift_right_arithmetic3A_121 : i32 to vector<16xi32>
      %shift_right_arithmetic3A_123 = arith.shrsi %add3A_120, %shift_right_arithmetic3A_122 : vector<16xi32>
      %gather3A_124 = tpu.vector_load_idx %arg9[%shift_right_arithmetic3A_123] : memref<10000xi32, #tpu.memory_space<vmem>>[vector<16xi32>], vector<16xi32>,
      %lt3A_125 = arith.cmpi slt, %gather3A_124, %get3A_12 : vector<16xi32>
      %add3A_126 = arith.constant 1 : i32
      %add3A_127 = vector.broadcast %add3A_126 : i32 to vector<16xi32>
      %add3A_128 = arith.addi %shift_right_arithmetic3A_123, %add3A_127 : vector<16xi32>
      %select_n3A_129 = arith.select %lt3A_125, %add3A_128, %select_n3A_118 : vector<16xi1>, vector<16xi32>
      %select_n3A_130 = arith.select %lt3A_125, %select_n3A_119, %shift_right_arithmetic3A_123 : vector<16xi1>, vector<16xi32>
      %add3A_131 = arith.addi %select_n3A_129, %select_n3A_130 : vector<16xi32>
      %shift_right_arithmetic3A_132 = arith.constant 1 : i32
      %shift_right_arithmetic3A_133 = vector.broadcast %shift_right_arithmetic3A_132 : i32 to vector<16xi32>
      %shift_right_arithmetic3A_134 = arith.shrsi %add3A_131, %shift_right_arithmetic3A_133 : vector<16xi32>
      %gather3A_135 = tpu.vector_load_idx %arg9[%shift_right_arithmetic3A_134] : memref<10000xi32, #tpu.memory_space<vmem>>[vector<16xi32>], vector<16xi32>,
      %lt3A_136 = arith.cmpi slt, %gather3A_135, %get3A_12 : vector<16xi32>
      %add3A_137 = arith.constant 1 : i32
      %add3A_138 = vector.broadcast %add3A_137 : i32 to vector<16xi32>
      %add3A_139 = arith.addi %shift_right_arithmetic3A_134, %add3A_138 : vector<16xi32>
      %select_n3A_140 = arith.select %lt3A_136, %add3A_139, %select_n3A_129 : vector<16xi1>, vector<16xi32>
      %select_n3A_141 = arith.select %lt3A_136, %select_n3A_130, %shift_right_arithmetic3A_134 : vector<16xi1>, vector<16xi32>
      %add3A_142 = arith.addi %select_n3A_140, %select_n3A_141 : vector<16xi32>
      %shift_right_arithmetic3A_143 = arith.constant 1 : i32
      %shift_right_arithmetic3A_144 = vector.broadcast %shift_right_arithmetic3A_143 : i32 to vector<16xi32>
      %shift_right_arithmetic3A_145 = arith.shrsi %add3A_142, %shift_right_arithmetic3A_144 : vector<16xi32>
      %gather3A_146 = tpu.vector_load_idx %arg9[%shift_right_arithmetic3A_145] : memref<10000xi32, #tpu.memory_space<vmem>>[vector<16xi32>], vector<16xi32>,
      %lt3A_147 = arith.cmpi slt, %gather3A_146, %get3A_12 : vector<16xi32>
      %add3A_148 = arith.constant 1 : i32
      %add3A_149 = vector.broadcast %add3A_148 : i32 to vector<16xi32>
      %add3A_150 = arith.addi %shift_right_arithmetic3A_145, %add3A_149 : vector<16xi32>
      %select_n3A_151 = arith.select %lt3A_147, %add3A_150, %select_n3A_140 : vector<16xi1>, vector<16xi32>
      %select_n3A_152 = arith.select %lt3A_147, %select_n3A_141, %shift_right_arithmetic3A_145 : vector<16xi1>, vector<16xi32>
      %add3A_153 = arith.addi %select_n3A_151, %select_n3A_152 : vector<16xi32>
      %shift_right_arithmetic3A_154 = arith.constant 1 : i32
      %shift_right_arithmetic3A_155 = vector.broadcast %shift_right_arithmetic3A_154 : i32 to vector<16xi32>
      %shift_right_arithmetic3A_156 = arith.shrsi %add3A_153, %shift_right_arithmetic3A_155 : vector<16xi32>
      %gather3A_157 = tpu.vector_load_idx %arg9[%shift_right_arithmetic3A_156] : memref<10000xi32, #tpu.memory_space<vmem>>[vector<16xi32>], vector<16xi32>,
      %lt3A_158 = arith.cmpi slt, %gather3A_157, %get3A_12 : vector<16xi32>
      %add3A_159 = arith.constant 1 : i32
      %add3A_160 = vector.broadcast %add3A_159 : i32 to vector<16xi32>
      %add3A_161 = arith.addi %shift_right_arithmetic3A_156, %add3A_160 : vector<16xi32>
      %select_n3A_162 = arith.select %lt3A_158, %add3A_161, %select_n3A_151 : vector<16xi1>, vector<16xi32>
      %select_n3A_163 = arith.select %lt3A_158, %select_n3A_152, %shift_right_arithmetic3A_156 : vector<16xi1>, vector<16xi32>
      %add3A_164 = arith.addi %select_n3A_162, %select_n3A_163 : vector<16xi32>
      %shift_right_arithmetic3A_165 = arith.constant 1 : i32
      %shift_right_arithmetic3A_166 = vector.broadcast %shift_right_arithmetic3A_165 : i32 to vector<16xi32>
      %shift_right_arithmetic3A_167 = arith.shrsi %add3A_164, %shift_right_arithmetic3A_166 : vector<16xi32>
      %gather3A_168 = tpu.vector_load_idx %arg9[%shift_right_arithmetic3A_167] : memref<10000xi32, #tpu.memory_space<vmem>>[vector<16xi32>], vector<16xi32>,
      %lt3A_169 = arith.cmpi slt, %gather3A_168, %get3A_12 : vector<16xi32>
      %add3A_170 = arith.constant 1 : i32
      %add3A_171 = vector.broadcast %add3A_170 : i32 to vector<16xi32>
      %add3A_172 = arith.addi %shift_right_arithmetic3A_167, %add3A_171 : vector<16xi32>
      %select_n3A_173 = arith.select %lt3A_169, %add3A_172, %select_n3A_162 : vector<16xi1>, vector<16xi32>
      %select_n3A_174 = arith.select %lt3A_169, %select_n3A_163, %shift_right_arithmetic3A_167 : vector<16xi1>, vector<16xi32>
      %sub3A = arith.constant 1 : i32
      %sub3A_175 = vector.broadcast %sub3A : i32 to vector<16xi32>
      %sub3A_176 = arith.subi %select_n3A_173, %sub3A_175 : vector<16xi32>
      %max3A = arith.constant 0 : i32
      %max3A_177 = vector.broadcast %max3A : i32 to vector<16xi32>
      %max3A_178 = arith.maxsi %sub3A_176, %max3A_177 : vector<16xi32>
      %swap3A = arith.constant 0 : index
      %swap3A_179 = tpu.vector_load %arg12[%swap3A] {strides = array<i32>} : memref<80xi32, #tpu.memory_space<vmem>>, vector<16xi32>,
      tpu.vector_store %arg12[%swap3A], %max3A_178 {strides = array<i32>} : memref<80xi32, #tpu.memory_space<vmem>>, vector<16xi32>,
      %get3A_180 = arith.constant 16 : index
      %get3A_181 = tpu.vector_load %arg11[%get3A_180] {strides = array<i32>} : memref<80xi32, #tpu.memory_space<vmem>>, vector<16xi32>,
      %mul3A_182 = arith.constant 0 : i32
      %mul3A_183 = vector.broadcast %mul3A_182 : i32 to vector<16xi32>
      %mul3A_184 = arith.muli %iota3A, %mul3A_183 : vector<16xi32>
      %add3A_185 = arith.constant 0 : i32
      %add3A_186 = vector.broadcast %add3A_185 : i32 to vector<16xi32>
      %add3A_187 = arith.addi %mul3A_184, %add3A_186 : vector<16xi32>
      %mul3A_188 = arith.constant 0 : i32
      %mul3A_189 = vector.broadcast %mul3A_188 : i32 to vector<16xi32>
      %mul3A_190 = arith.muli %iota3A, %mul3A_189 : vector<16xi32>
      %add3A_191 = arith.constant 10000 : i32
      %add3A_192 = vector.broadcast %add3A_191 : i32 to vector<16xi32>
      %add3A_193 = arith.addi %mul3A_190, %add3A_192 : vector<16xi32>
      %add3A_194 = arith.addi %add3A_187, %add3A_193 : vector<16xi32>
      %shift_right_arithmetic3A_195 = arith.constant 1 : i32
      %shift_right_arithmetic3A_196 = vector.broadcast %shift_right_arithmetic3A_195 : i32 to vector<16xi32>
      %shift_right_arithmetic3A_197 = arith.shrsi %add3A_194, %shift_right_arithmetic3A_196 : vector<16xi32>
      %gather3A_198 = tpu.vector_load_idx %arg9[%shift_right_arithmetic3A_197] : memref<10000xi32, #tpu.memory_space<vmem>>[vector<16xi32>], vector<16xi32>,
      %lt3A_199 = arith.cmpi slt, %gather3A_198, %get3A_181 : vector<16xi32>
      %add3A_200 = arith.constant 1 : i32
      %add3A_201 = vector.broadcast %add3A_200 : i32 to vector<16xi32>
      %add3A_202 = arith.addi %shift_right_arithmetic3A_197, %add3A_201 : vector<16xi32>
      %select_n3A_203 = arith.select %lt3A_199, %add3A_202, %add3A_187 : vector<16xi1>, vector<16xi32>
      %select_n3A_204 = arith.select %lt3A_199, %add3A_193, %shift_right_arithmetic3A_197 : vector<16xi1>, vector<16xi32>
      %add3A_205 = arith.addi %select_n3A_203, %select_n3A_204 : vector<16xi32>
      %shift_right_arithmetic3A_206 = arith.constant 1 : i32
      %shift_right_arithmetic3A_207 = vector.broadcast %shift_right_arithmetic3A_206 : i32 to vector<16xi32>
      %shift_right_arithmetic3A_208 = arith.shrsi %add3A_205, %shift_right_arithmetic3A_207 : vector<16xi32>
      %gather3A_209 = tpu.vector_load_idx %arg9[%shift_right_arithmetic3A_208] : memref<10000xi32, #tpu.memory_space<vmem>>[vector<16xi32>], vector<16xi32>,
      %lt3A_210 = arith.cmpi slt, %gather3A_209, %get3A_181 : vector<16xi32>
      %add3A_211 = arith.constant 1 : i32
      %add3A_212 = vector.broadcast %add3A_211 : i32 to vector<16xi32>
      %add3A_213 = arith.addi %shift_right_arithmetic3A_208, %add3A_212 : vector<16xi32>
      %select_n3A_214 = arith.select %lt3A_210, %add3A_213, %select_n3A_203 : vector<16xi1>, vector<16xi32>
      %select_n3A_215 = arith.select %lt3A_210, %select_n3A_204, %shift_right_arithmetic3A_208 : vector<16xi1>, vector<16xi32>
      %add3A_216 = arith.addi %select_n3A_214, %select_n3A_215 : vector<16xi32>
      %shift_right_arithmetic3A_217 = arith.constant 1 : i32
      %shift_right_arithmetic3A_218 = vector.broadcast %shift_right_arithmetic3A_217 : i32 to vector<16xi32>
      %shift_right_arithmetic3A_219 = arith.shrsi %add3A_216, %shift_right_arithmetic3A_218 : vector<16xi32>
      %gather3A_220 = tpu.vector_load_idx %arg9[%shift_right_arithmetic3A_219] : memref<10000xi32, #tpu.memory_space<vmem>>[vector<16xi32>], vector<16xi32>,
      %lt3A_221 = arith.cmpi slt, %gather3A_220, %get3A_181 : vector<16xi32>
      %add3A_222 = arith.constant 1 : i32
      %add3A_223 = vector.broadcast %add3A_222 : i32 to vector<16xi32>
      %add3A_224 = arith.addi %shift_right_arithmetic3A_219, %add3A_223 : vector<16xi32>
      %select_n3A_225 = arith.select %lt3A_221, %add3A_224, %select_n3A_214 : vector<16xi1>, vector<16xi32>
      %select_n3A_226 = arith.select %lt3A_221, %select_n3A_215, %shift_right_arithmetic3A_219 : vector<16xi1>, vector<16xi32>
      %add3A_227 = arith.addi %select_n3A_225, %select_n3A_226 : vector<16xi32>
      %shift_right_arithmetic3A_228 = arith.constant 1 : i32
      %shift_right_arithmetic3A_229 = vector.broadcast %shift_right_arithmetic3A_228 : i32 to vector<16xi32>
      %shift_right_arithmetic3A_230 = arith.shrsi %add3A_227, %shift_right_arithmetic3A_229 : vector<16xi32>
      %gather3A_231 = tpu.vector_load_idx %arg9[%shift_right_arithmetic3A_230] : memref<10000xi32, #tpu.memory_space<vmem>>[vector<16xi32>], vector<16xi32>,
      %lt3A_232 = arith.cmpi slt, %gather3A_231, %get3A_181 : vector<16xi32>
      %add3A_233 = arith.constant 1 : i32
      %add3A_234 = vector.broadcast %add3A_233 : i32 to vector<16xi32>
      %add3A_235 = arith.addi %shift_right_arithmetic3A_230, %add3A_234 : vector<16xi32>
      %select_n3A_236 = arith.select %lt3A_232, %add3A_235, %select_n3A_225 : vector<16xi1>, vector<16xi32>
      %select_n3A_237 = arith.select %lt3A_232, %select_n3A_226, %shift_right_arithmetic3A_230 : vector<16xi1>, vector<16xi32>
      %add3A_238 = arith.addi %select_n3A_236, %select_n3A_237 : vector<16xi32>
      %shift_right_arithmetic3A_239 = arith.constant 1 : i32
      %shift_right_arithmetic3A_240 = vector.broadcast %shift_right_arithmetic3A_239 : i32 to vector<16xi32>
      %shift_right_arithmetic3A_241 = arith.shrsi %add3A_238, %shift_right_arithmetic3A_240 : vector<16xi32>
      %gather3A_242 = tpu.vector_load_idx %arg9[%shift_right_arithmetic3A_241] : memref<10000xi32, #tpu.memory_space<vmem>>[vector<16xi32>], vector<16xi32>,
      %lt3A_243 = arith.cmpi slt, %gather3A_242, %get3A_181 : vector<16xi32>
      %add3A_244 = arith.constant 1 : i32
      %add3A_245 = vector.broadcast %add3A_244 : i32 to vector<16xi32>
      %add3A_246 = arith.addi %shift_right_arithmetic3A_241, %add3A_245 : vector<16xi32>
      %select_n3A_247 = arith.select %lt3A_243, %add3A_246, %select_n3A_236 : vector<16xi1>, vector<16xi32>
      %select_n3A_248 = arith.select %lt3A_243, %select_n3A_237, %shift_right_arithmetic3A_241 : vector<16xi1>, vector<16xi32>
      %add3A_249 = arith.addi %select_n3A_247, %select_n3A_248 : vector<16xi32>
      %shift_right_arithmetic3A_250 = arith.constant 1 : i32
      %shift_right_arithmetic3A_251 = vector.broadcast %shift_right_arithmetic3A_250 : i32 to vector<16xi32>
      %shift_right_arithmetic3A_252 = arith.shrsi %add3A_249, %shift_right_arithmetic3A_251 : vector<16xi32>
      %gather3A_253 = tpu.vector_load_idx %arg9[%shift_right_arithmetic3A_252] : memref<10000xi32, #tpu.memory_space<vmem>>[vector<16xi32>], vector<16xi32>,
      %lt3A_254 = arith.cmpi slt, %gather3A_253, %get3A_181 : vector<16xi32>
      %add3A_255 = arith.constant 1 : i32
      %add3A_256 = vector.broadcast %add3A_255 : i32 to vector<16xi32>
      %add3A_257 = arith.addi %shift_right_arithmetic3A_252, %add3A_256 : vector<16xi32>
      %select_n3A_258 = arith.select %lt3A_254, %add3A_257, %select_n3A_247 : vector<16xi1>, vector<16xi32>
      %select_n3A_259 = arith.select %lt3A_254, %select_n3A_248, %shift_right_arithmetic3A_252 : vector<16xi1>, vector<16xi32>
      %add3A_260 = arith.addi %select_n3A_258, %select_n3A_259 : vector<16xi32>
      %shift_right_arithmetic3A_261 = arith.constant 1 : i32
      %shift_right_arithmetic3A_262 = vector.broadcast %shift_right_arithmetic3A_261 : i32 to vector<16xi32>
      %shift_right_arithmetic3A_263 = arith.shrsi %add3A_260, %shift_right_arithmetic3A_262 : vector<16xi32>
      %gather3A_264 = tpu.vector_load_idx %arg9[%shift_right_arithmetic3A_263] : memref<10000xi32, #tpu.memory_space<vmem>>[vector<16xi32>], vector<16xi32>,
      %lt3A_265 = arith.cmpi slt, %gather3A_264, %get3A_181 : vector<16xi32>
      %add3A_266 = arith.constant 1 : i32
      %add3A_267 = vector.broadcast %add3A_266 : i32 to vector<16xi32>
      %add3A_268 = arith.addi %shift_right_arithmetic3A_263, %add3A_267 : vector<16xi32>
      %select_n3A_269 = arith.select %lt3A_265, %add3A_268, %select_n3A_258 : vector<16xi1>, vector<16xi32>
      %select_n3A_270 = arith.select %lt3A_265, %select_n3A_259, %shift_right_arithmetic3A_263 : vector<16xi1>, vector<16xi32>
      %add3A_271 = arith.addi %select_n3A_269, %select_n3A_270 : vector<16xi32>
      %shift_right_arithmetic3A_272 = arith.constant 1 : i32
      %shift_right_arithmetic3A_273 = vector.broadcast %shift_right_arithmetic3A_272 : i32 to vector<16xi32>
      %shift_right_arithmetic3A_274 = arith.shrsi %add3A_271, %shift_right_arithmetic3A_273 : vector<16xi32>
      %gather3A_275 = tpu.vector_load_idx %arg9[%shift_right_arithmetic3A_274] : memref<10000xi32, #tpu.memory_space<vmem>>[vector<16xi32>], vector<16xi32>,
      %lt3A_276 = arith.cmpi slt, %gather3A_275, %get3A_181 : vector<16xi32>
      %add3A_277 = arith.constant 1 : i32
      %add3A_278 = vector.broadcast %add3A_277 : i32 to vector<16xi32>
      %add3A_279 = arith.addi %shift_right_arithmetic3A_274, %add3A_278 : vector<16xi32>
      %select_n3A_280 = arith.select %lt3A_276, %add3A_279, %select_n3A_269 : vector<16xi1>, vector<16xi32>
      %select_n3A_281 = arith.select %lt3A_276, %select_n3A_270, %shift_right_arithmetic3A_274 : vector<16xi1>, vector<16xi32>
      %add3A_282 = arith.addi %select_n3A_280, %select_n3A_281 : vector<16xi32>
      %shift_right_arithmetic3A_283 = arith.constant 1 : i32
      %shift_right_arithmetic3A_284 = vector.broadcast %shift_right_arithmetic3A_283 : i32 to vector<16xi32>
      %shift_right_arithmetic3A_285 = arith.shrsi %add3A_282, %shift_right_arithmetic3A_284 : vector<16xi32>
      %gather3A_286 = tpu.vector_load_idx %arg9[%shift_right_arithmetic3A_285] : memref<10000xi32, #tpu.memory_space<vmem>>[vector<16xi32>], vector<16xi32>,
      %lt3A_287 = arith.cmpi slt, %gather3A_286, %get3A_181 : vector<16xi32>
      %add3A_288 = arith.constant 1 : i32
      %add3A_289 = vector.broadcast %add3A_288 : i32 to vector<16xi32>
      %add3A_290 = arith.addi %shift_right_arithmetic3A_285, %add3A_289 : vector<16xi32>
      %select_n3A_291 = arith.select %lt3A_287, %add3A_290, %select_n3A_280 : vector<16xi1>, vector<16xi32>
      %select_n3A_292 = arith.select %lt3A_287, %select_n3A_281, %shift_right_arithmetic3A_285 : vector<16xi1>, vector<16xi32>
      %add3A_293 = arith.addi %select_n3A_291, %select_n3A_292 : vector<16xi32>
      %shift_right_arithmetic3A_294 = arith.constant 1 : i32
      %shift_right_arithmetic3A_295 = vector.broadcast %shift_right_arithmetic3A_294 : i32 to vector<16xi32>
      %shift_right_arithmetic3A_296 = arith.shrsi %add3A_293, %shift_right_arithmetic3A_295 : vector<16xi32>
      %gather3A_297 = tpu.vector_load_idx %arg9[%shift_right_arithmetic3A_296] : memref<10000xi32, #tpu.memory_space<vmem>>[vector<16xi32>], vector<16xi32>,
      %lt3A_298 = arith.cmpi slt, %gather3A_297, %get3A_181 : vector<16xi32>
      %add3A_299 = arith.constant 1 : i32
      %add3A_300 = vector.broadcast %add3A_299 : i32 to vector<16xi32>
      %add3A_301 = arith.addi %shift_right_arithmetic3A_296, %add3A_300 : vector<16xi32>
      %select_n3A_302 = arith.select %lt3A_298, %add3A_301, %select_n3A_291 : vector<16xi1>, vector<16xi32>
      %select_n3A_303 = arith.select %lt3A_298, %select_n3A_292, %shift_right_arithmetic3A_296 : vector<16xi1>, vector<16xi32>
      %add3A_304 = arith.addi %select_n3A_302, %select_n3A_303 : vector<16xi32>
      %shift_right_arithmetic3A_305 = arith.constant 1 : i32
      %shift_right_arithmetic3A_306 = vector.broadcast %shift_right_arithmetic3A_305 : i32 to vector<16xi32>
      %shift_right_arithmetic3A_307 = arith.shrsi %add3A_304, %shift_right_arithmetic3A_306 : vector<16xi32>
      %gather3A_308 = tpu.vector_load_idx %arg9[%shift_right_arithmetic3A_307] : memref<10000xi32, #tpu.memory_space<vmem>>[vector<16xi32>], vector<16xi32>,
      %lt3A_309 = arith.cmpi slt, %gather3A_308, %get3A_181 : vector<16xi32>
      %add3A_310 = arith.constant 1 : i32
      %add3A_311 = vector.broadcast %add3A_310 : i32 to vector<16xi32>
      %add3A_312 = arith.addi %shift_right_arithmetic3A_307, %add3A_311 : vector<16xi32>
      %select_n3A_313 = arith.select %lt3A_309, %add3A_312, %select_n3A_302 : vector<16xi1>, vector<16xi32>
      %select_n3A_314 = arith.select %lt3A_309, %select_n3A_303, %shift_right_arithmetic3A_307 : vector<16xi1>, vector<16xi32>
      %add3A_315 = arith.addi %select_n3A_313, %select_n3A_314 : vector<16xi32>
      %shift_right_arithmetic3A_316 = arith.constant 1 : i32
      %shift_right_arithmetic3A_317 = vector.broadcast %shift_right_arithmetic3A_316 : i32 to vector<16xi32>
      %shift_right_arithmetic3A_318 = arith.shrsi %add3A_315, %shift_right_arithmetic3A_317 : vector<16xi32>
      %gather3A_319 = tpu.vector_load_idx %arg9[%shift_right_arithmetic3A_318] : memref<10000xi32, #tpu.memory_space<vmem>>[vector<16xi32>], vector<16xi32>,
      %lt3A_320 = arith.cmpi slt, %gather3A_319, %get3A_181 : vector<16xi32>
      %add3A_321 = arith.constant 1 : i32
      %add3A_322 = vector.broadcast %add3A_321 : i32 to vector<16xi32>
      %add3A_323 = arith.addi %shift_right_arithmetic3A_318, %add3A_322 : vector<16xi32>
      %select_n3A_324 = arith.select %lt3A_320, %add3A_323, %select_n3A_313 : vector<16xi1>, vector<16xi32>
      %select_n3A_325 = arith.select %lt3A_320, %select_n3A_314, %shift_right_arithmetic3A_318 : vector<16xi1>, vector<16xi32>
      %add3A_326 = arith.addi %select_n3A_324, %select_n3A_325 : vector<16xi32>
      %shift_right_arithmetic3A_327 = arith.constant 1 : i32
      %shift_right_arithmetic3A_328 = vector.broadcast %shift_right_arithmetic3A_327 : i32 to vector<16xi32>
      %shift_right_arithmetic3A_329 = arith.shrsi %add3A_326, %shift_right_arithmetic3A_328 : vector<16xi32>
      %gather3A_330 = tpu.vector_load_idx %arg9[%shift_right_arithmetic3A_329] : memref<10000xi32, #tpu.memory_space<vmem>>[vector<16xi32>], vector<16xi32>,
      %lt3A_331 = arith.cmpi slt, %gather3A_330, %get3A_181 : vector<16xi32>
      %add3A_332 = arith.constant 1 : i32
      %add3A_333 = vector.broadcast %add3A_332 : i32 to vector<16xi32>
      %add3A_334 = arith.addi %shift_right_arithmetic3A_329, %add3A_333 : vector<16xi32>
      %select_n3A_335 = arith.select %lt3A_331, %add3A_334, %select_n3A_324 : vector<16xi1>, vector<16xi32>
      %select_n3A_336 = arith.select %lt3A_331, %select_n3A_325, %shift_right_arithmetic3A_329 : vector<16xi1>, vector<16xi32>
      %add3A_337 = arith.addi %select_n3A_335, %select_n3A_336 : vector<16xi32>
      %shift_right_arithmetic3A_338 = arith.constant 1 : i32
      %shift_right_arithmetic3A_339 = vector.broadcast %shift_right_arithmetic3A_338 : i32 to vector<16xi32>
      %shift_right_arithmetic3A_340 = arith.shrsi %add3A_337, %shift_right_arithmetic3A_339 : vector<16xi32>
      %gather3A_341 = tpu.vector_load_idx %arg9[%shift_right_arithmetic3A_340] : memref<10000xi32, #tpu.memory_space<vmem>>[vector<16xi32>], vector<16xi32>,
      %lt3A_342 = arith.cmpi slt, %gather3A_341, %get3A_181 : vector<16xi32>
      %add3A_343 = arith.constant 1 : i32
      %add3A_344 = vector.broadcast %add3A_343 : i32 to vector<16xi32>
      %add3A_345 = arith.addi %shift_right_arithmetic3A_340, %add3A_344 : vector<16xi32>
      %select_n3A_346 = arith.select %lt3A_342, %add3A_345, %select_n3A_335 : vector<16xi1>, vector<16xi32>
      %select_n3A_347 = arith.select %lt3A_342, %select_n3A_336, %shift_right_arithmetic3A_340 : vector<16xi1>, vector<16xi32>
      %sub3A_348 = arith.constant 1 : i32
      %sub3A_349 = vector.broadcast %sub3A_348 : i32 to vector<16xi32>
      %sub3A_350 = arith.subi %select_n3A_346, %sub3A_349 : vector<16xi32>
      %max3A_351 = arith.constant 0 : i32
      %max3A_352 = vector.broadcast %max3A_351 : i32 to vector<16xi32>
      %max3A_353 = arith.maxsi %sub3A_350, %max3A_352 : vector<16xi32>
      %swap3A_354 = arith.constant 16 : index
      %swap3A_355 = tpu.vector_load %arg12[%swap3A_354] {strides = array<i32>} : memref<80xi32, #tpu.memory_space<vmem>>, vector<16xi32>,
      tpu.vector_store %arg12[%swap3A_354], %max3A_353 {strides = array<i32>} : memref<80xi32, #tpu.memory_space<vmem>>, vector<16xi32>,
      %get3A_356 = arith.constant 32 : index
      %get3A_357 = tpu.vector_load %arg11[%get3A_356] {strides = array<i32>} : memref<80xi32, #tpu.memory_space<vmem>>, vector<16xi32>,
      %mul3A_358 = arith.constant 0 : i32
      %mul3A_359 = vector.broadcast %mul3A_358 : i32 to vector<16xi32>
      %mul3A_360 = arith.muli %iota3A, %mul3A_359 : vector<16xi32>
      %add3A_361 = arith.constant 0 : i32
      %add3A_362 = vector.broadcast %add3A_361 : i32 to vector<16xi32>
      %add3A_363 = arith.addi %mul3A_360, %add3A_362 : vector<16xi32>
      %mul3A_364 = arith.constant 0 : i32
      %mul3A_365 = vector.broadcast %mul3A_364 : i32 to vector<16xi32>
      %mul3A_366 = arith.muli %iota3A, %mul3A_365 : vector<16xi32>
      %add3A_367 = arith.constant 10000 : i32
      %add3A_368 = vector.broadcast %add3A_367 : i32 to vector<16xi32>
      %add3A_369 = arith.addi %mul3A_366, %add3A_368 : vector<16xi32>
      %add3A_370 = arith.addi %add3A_363, %add3A_369 : vector<16xi32>
      %shift_right_arithmetic3A_371 = arith.constant 1 : i32
      %shift_right_arithmetic3A_372 = vector.broadcast %shift_right_arithmetic3A_371 : i32 to vector<16xi32>
      %shift_right_arithmetic3A_373 = arith.shrsi %add3A_370, %shift_right_arithmetic3A_372 : vector<16xi32>
      %gather3A_374 = tpu.vector_load_idx %arg9[%shift_right_arithmetic3A_373] : memref<10000xi32, #tpu.memory_space<vmem>>[vector<16xi32>], vector<16xi32>,
      %lt3A_375 = arith.cmpi slt, %gather3A_374, %get3A_357 : vector<16xi32>
      %add3A_376 = arith.constant 1 : i32
      %add3A_377 = vector.broadcast %add3A_376 : i32 to vector<16xi32>
      %add3A_378 = arith.addi %shift_right_arithmetic3A_373, %add3A_377 : vector<16xi32>
      %select_n3A_379 = arith.select %lt3A_375, %add3A_378, %add3A_363 : vector<16xi1>, vector<16xi32>
      %select_n3A_380 = arith.select %lt3A_375, %add3A_369, %shift_right_arithmetic3A_373 : vector<16xi1>, vector<16xi32>
      %add3A_381 = arith.addi %select_n3A_379, %select_n3A_380 : vector<16xi32>
      %shift_right_arithmetic3A_382 = arith.constant 1 : i32
      %shift_right_arithmetic3A_383 = vector.broadcast %shift_right_arithmetic3A_382 : i32 to vector<16xi32>
      %shift_right_arithmetic3A_384 = arith.shrsi %add3A_381, %shift_right_arithmetic3A_383 : vector<16xi32>
      %gather3A_385 = tpu.vector_load_idx %arg9[%shift_right_arithmetic3A_384] : memref<10000xi32, #tpu.memory_space<vmem>>[vector<16xi32>], vector<16xi32>,
      %lt3A_386 = arith.cmpi slt, %gather3A_385, %get3A_357 : vector<16xi32>
      %add3A_387 = arith.constant 1 : i32
      %add3A_388 = vector.broadcast %add3A_387 : i32 to vector<16xi32>
      %add3A_389 = arith.addi %shift_right_arithmetic3A_384, %add3A_388 : vector<16xi32>
      %select_n3A_390 = arith.select %lt3A_386, %add3A_389, %select_n3A_379 : vector<16xi1>, vector<16xi32>
      %select_n3A_391 = arith.select %lt3A_386, %select_n3A_380, %shift_right_arithmetic3A_384 : vector<16xi1>, vector<16xi32>
      %add3A_392 = arith.addi %select_n3A_390, %select_n3A_391 : vector<16xi32>
      %shift_right_arithmetic3A_393 = arith.constant 1 : i32
      %shift_right_arithmetic3A_394 = vector.broadcast %shift_right_arithmetic3A_393 : i32 to vector<16xi32>
      %shift_right_arithmetic3A_395 = arith.shrsi %add3A_392, %shift_right_arithmetic3A_394 : vector<16xi32>
      %gather3A_396 = tpu.vector_load_idx %arg9[%shift_right_arithmetic3A_395] : memref<10000xi32, #tpu.memory_space<vmem>>[vector<16xi32>], vector<16xi32>,
      %lt3A_397 = arith.cmpi slt, %gather3A_396, %get3A_357 : vector<16xi32>
      %add3A_398 = arith.constant 1 : i32
      %add3A_399 = vector.broadcast %add3A_398 : i32 to vector<16xi32>
      %add3A_400 = arith.addi %shift_right_arithmetic3A_395, %add3A_399 : vector<16xi32>
      %select_n3A_401 = arith.select %lt3A_397, %add3A_400, %select_n3A_390 : vector<16xi1>, vector<16xi32>
      %select_n3A_402 = arith.select %lt3A_397, %select_n3A_391, %shift_right_arithmetic3A_395 : vector<16xi1>, vector<16xi32>
      %add3A_403 = arith.addi %select_n3A_401, %select_n3A_402 : vector<16xi32>
      %shift_right_arithmetic3A_404 = arith.constant 1 : i32
      %shift_right_arithmetic3A_405 = vector.broadcast %shift_right_arithmetic3A_404 : i32 to vector<16xi32>
      %shift_right_arithmetic3A_406 = arith.shrsi %add3A_403, %shift_right_arithmetic3A_405 : vector<16xi32>
      %gather3A_407 = tpu.vector_load_idx %arg9[%shift_right_arithmetic3A_406] : memref<10000xi32, #tpu.memory_space<vmem>>[vector<16xi32>], vector<16xi32>,
      %lt3A_408 = arith.cmpi slt, %gather3A_407, %get3A_357 : vector<16xi32>
      %add3A_409 = arith.constant 1 : i32
      %add3A_410 = vector.broadcast %add3A_409 : i32 to vector<16xi32>
      %add3A_411 = arith.addi %shift_right_arithmetic3A_406, %add3A_410 : vector<16xi32>
      %select_n3A_412 = arith.select %lt3A_408, %add3A_411, %select_n3A_401 : vector<16xi1>, vector<16xi32>
      %select_n3A_413 = arith.select %lt3A_408, %select_n3A_402, %shift_right_arithmetic3A_406 : vector<16xi1>, vector<16xi32>
      %add3A_414 = arith.addi %select_n3A_412, %select_n3A_413 : vector<16xi32>
      %shift_right_arithmetic3A_415 = arith.constant 1 : i32
      %shift_right_arithmetic3A_416 = vector.broadcast %shift_right_arithmetic3A_415 : i32 to vector<16xi32>
      %shift_right_arithmetic3A_417 = arith.shrsi %add3A_414, %shift_right_arithmetic3A_416 : vector<16xi32>
      %gather3A_418 = tpu.vector_load_idx %arg9[%shift_right_arithmetic3A_417] : memref<10000xi32, #tpu.memory_space<vmem>>[vector<16xi32>], vector<16xi32>,
      %lt3A_419 = arith.cmpi slt, %gather3A_418, %get3A_357 : vector<16xi32>
      %add3A_420 = arith.constant 1 : i32
      %add3A_421 = vector.broadcast %add3A_420 : i32 to vector<16xi32>
      %add3A_422 = arith.addi %shift_right_arithmetic3A_417, %add3A_421 : vector<16xi32>
      %select_n3A_423 = arith.select %lt3A_419, %add3A_422, %select_n3A_412 : vector<16xi1>, vector<16xi32>
      %select_n3A_424 = arith.select %lt3A_419, %select_n3A_413, %shift_right_arithmetic3A_417 : vector<16xi1>, vector<16xi32>
      %add3A_425 = arith.addi %select_n3A_423, %select_n3A_424 : vector<16xi32>
      %shift_right_arithmetic3A_426 = arith.constant 1 : i32
      %shift_right_arithmetic3A_427 = vector.broadcast %shift_right_arithmetic3A_426 : i32 to vector<16xi32>
      %shift_right_arithmetic3A_428 = arith.shrsi %add3A_425, %shift_right_arithmetic3A_427 : vector<16xi32>
      %gather3A_429 = tpu.vector_load_idx %arg9[%shift_right_arithmetic3A_428] : memref<10000xi32, #tpu.memory_space<vmem>>[vector<16xi32>], vector<16xi32>,
      %lt3A_430 = arith.cmpi slt, %gather3A_429, %get3A_357 : vector<16xi32>
      %add3A_431 = arith.constant 1 : i32
      %add3A_432 = vector.broadcast %add3A_431 : i32 to vector<16xi32>
      %add3A_433 = arith.addi %shift_right_arithmetic3A_428, %add3A_432 : vector<16xi32>
      %select_n3A_434 = arith.select %lt3A_430, %add3A_433, %select_n3A_423 : vector<16xi1>, vector<16xi32>
      %select_n3A_435 = arith.select %lt3A_430, %select_n3A_424, %shift_right_arithmetic3A_428 : vector<16xi1>, vector<16xi32>
      %add3A_436 = arith.addi %select_n3A_434, %select_n3A_435 : vector<16xi32>
      %shift_right_arithmetic3A_437 = arith.constant 1 : i32
      %shift_right_arithmetic3A_438 = vector.broadcast %shift_right_arithmetic3A_437 : i32 to vector<16xi32>
      %shift_right_arithmetic3A_439 = arith.shrsi %add3A_436, %shift_right_arithmetic3A_438 : vector<16xi32>
      %gather3A_440 = tpu.vector_load_idx %arg9[%shift_right_arithmetic3A_439] : memref<10000xi32, #tpu.memory_space<vmem>>[vector<16xi32>], vector<16xi32>,
      %lt3A_441 = arith.cmpi slt, %gather3A_440, %get3A_357 : vector<16xi32>
      %add3A_442 = arith.constant 1 : i32
      %add3A_443 = vector.broadcast %add3A_442 : i32 to vector<16xi32>
      %add3A_444 = arith.addi %shift_right_arithmetic3A_439, %add3A_443 : vector<16xi32>
      %select_n3A_445 = arith.select %lt3A_441, %add3A_444, %select_n3A_434 : vector<16xi1>, vector<16xi32>
      %select_n3A_446 = arith.select %lt3A_441, %select_n3A_435, %shift_right_arithmetic3A_439 : vector<16xi1>, vector<16xi32>
      %add3A_447 = arith.addi %select_n3A_445, %select_n3A_446 : vector<16xi32>
      %shift_right_arithmetic3A_448 = arith.constant 1 : i32
      %shift_right_arithmetic3A_449 = vector.broadcast %shift_right_arithmetic3A_448 : i32 to vector<16xi32>
      %shift_right_arithmetic3A_450 = arith.shrsi %add3A_447, %shift_right_arithmetic3A_449 : vector<16xi32>
      %gather3A_451 = tpu.vector_load_idx %arg9[%shift_right_arithmetic3A_450] : memref<10000xi32, #tpu.memory_space<vmem>>[vector<16xi32>], vector<16xi32>,
      %lt3A_452 = arith.cmpi slt, %gather3A_451, %get3A_357 : vector<16xi32>
      %add3A_453 = arith.constant 1 : i32
      %add3A_454 = vector.broadcast %add3A_453 : i32 to vector<16xi32>
      %add3A_455 = arith.addi %shift_right_arithmetic3A_450, %add3A_454 : vector<16xi32>
      %select_n3A_456 = arith.select %lt3A_452, %add3A_455, %select_n3A_445 : vector<16xi1>, vector<16xi32>
      %select_n3A_457 = arith.select %lt3A_452, %select_n3A_446, %shift_right_arithmetic3A_450 : vector<16xi1>, vector<16xi32>
      %add3A_458 = arith.addi %select_n3A_456, %select_n3A_457 : vector<16xi32>
      %shift_right_arithmetic3A_459 = arith.constant 1 : i32
      %shift_right_arithmetic3A_460 = vector.broadcast %shift_right_arithmetic3A_459 : i32 to vector<16xi32>
      %shift_right_arithmetic3A_461 = arith.shrsi %add3A_458, %shift_right_arithmetic3A_460 : vector<16xi32>
      %gather3A_462 = tpu.vector_load_idx %arg9[%shift_right_arithmetic3A_461] : memref<10000xi32, #tpu.memory_space<vmem>>[vector<16xi32>], vector<16xi32>,
      %lt3A_463 = arith.cmpi slt, %gather3A_462, %get3A_357 : vector<16xi32>
      %add3A_464 = arith.constant 1 : i32
      %add3A_465 = vector.broadcast %add3A_464 : i32 to vector<16xi32>
      %add3A_466 = arith.addi %shift_right_arithmetic3A_461, %add3A_465 : vector<16xi32>
      %select_n3A_467 = arith.select %lt3A_463, %add3A_466, %select_n3A_456 : vector<16xi1>, vector<16xi32>
      %select_n3A_468 = arith.select %lt3A_463, %select_n3A_457, %shift_right_arithmetic3A_461 : vector<16xi1>, vector<16xi32>
      %add3A_469 = arith.addi %select_n3A_467, %select_n3A_468 : vector<16xi32>
      %shift_right_arithmetic3A_470 = arith.constant 1 : i32
      %shift_right_arithmetic3A_471 = vector.broadcast %shift_right_arithmetic3A_470 : i32 to vector<16xi32>
      %shift_right_arithmetic3A_472 = arith.shrsi %add3A_469, %shift_right_arithmetic3A_471 : vector<16xi32>
      %gather3A_473 = tpu.vector_load_idx %arg9[%shift_right_arithmetic3A_472] : memref<10000xi32, #tpu.memory_space<vmem>>[vector<16xi32>], vector<16xi32>,
      %lt3A_474 = arith.cmpi slt, %gather3A_473, %get3A_357 : vector<16xi32>
      %add3A_475 = arith.constant 1 : i32
      %add3A_476 = vector.broadcast %add3A_475 : i32 to vector<16xi32>
      %add3A_477 = arith.addi %shift_right_arithmetic3A_472, %add3A_476 : vector<16xi32>
      %select_n3A_478 = arith.select %lt3A_474, %add3A_477, %select_n3A_467 : vector<16xi1>, vector<16xi32>
      %select_n3A_479 = arith.select %lt3A_474, %select_n3A_468, %shift_right_arithmetic3A_472 : vector<16xi1>, vector<16xi32>
      %add3A_480 = arith.addi %select_n3A_478, %select_n3A_479 : vector<16xi32>
      %shift_right_arithmetic3A_481 = arith.constant 1 : i32
      %shift_right_arithmetic3A_482 = vector.broadcast %shift_right_arithmetic3A_481 : i32 to vector<16xi32>
      %shift_right_arithmetic3A_483 = arith.shrsi %add3A_480, %shift_right_arithmetic3A_482 : vector<16xi32>
      %gather3A_484 = tpu.vector_load_idx %arg9[%shift_right_arithmetic3A_483] : memref<10000xi32, #tpu.memory_space<vmem>>[vector<16xi32>], vector<16xi32>,
      %lt3A_485 = arith.cmpi slt, %gather3A_484, %get3A_357 : vector<16xi32>
      %add3A_486 = arith.constant 1 : i32
      %add3A_487 = vector.broadcast %add3A_486 : i32 to vector<16xi32>
      %add3A_488 = arith.addi %shift_right_arithmetic3A_483, %add3A_487 : vector<16xi32>
      %select_n3A_489 = arith.select %lt3A_485, %add3A_488, %select_n3A_478 : vector<16xi1>, vector<16xi32>
      %select_n3A_490 = arith.select %lt3A_485, %select_n3A_479, %shift_right_arithmetic3A_483 : vector<16xi1>, vector<16xi32>
      %add3A_491 = arith.addi %select_n3A_489, %select_n3A_490 : vector<16xi32>
      %shift_right_arithmetic3A_492 = arith.constant 1 : i32
      %shift_right_arithmetic3A_493 = vector.broadcast %shift_right_arithmetic3A_492 : i32 to vector<16xi32>
      %shift_right_arithmetic3A_494 = arith.shrsi %add3A_491, %shift_right_arithmetic3A_493 : vector<16xi32>
      %gather3A_495 = tpu.vector_load_idx %arg9[%shift_right_arithmetic3A_494] : memref<10000xi32, #tpu.memory_space<vmem>>[vector<16xi32>], vector<16xi32>,
      %lt3A_496 = arith.cmpi slt, %gather3A_495, %get3A_357 : vector<16xi32>
      %add3A_497 = arith.constant 1 : i32
      %add3A_498 = vector.broadcast %add3A_497 : i32 to vector<16xi32>
      %add3A_499 = arith.addi %shift_right_arithmetic3A_494, %add3A_498 : vector<16xi32>
      %select_n3A_500 = arith.select %lt3A_496, %add3A_499, %select_n3A_489 : vector<16xi1>, vector<16xi32>
      %select_n3A_501 = arith.select %lt3A_496, %select_n3A_490, %shift_right_arithmetic3A_494 : vector<16xi1>, vector<16xi32>
      %add3A_502 = arith.addi %select_n3A_500, %select_n3A_501 : vector<16xi32>
      %shift_right_arithmetic3A_503 = arith.constant 1 : i32
      %shift_right_arithmetic3A_504 = vector.broadcast %shift_right_arithmetic3A_503 : i32 to vector<16xi32>
      %shift_right_arithmetic3A_505 = arith.shrsi %add3A_502, %shift_right_arithmetic3A_504 : vector<16xi32>
      %gather3A_506 = tpu.vector_load_idx %arg9[%shift_right_arithmetic3A_505] : memref<10000xi32, #tpu.memory_space<vmem>>[vector<16xi32>], vector<16xi32>,
      %lt3A_507 = arith.cmpi slt, %gather3A_506, %get3A_357 : vector<16xi32>
      %add3A_508 = arith.constant 1 : i32
      %add3A_509 = vector.broadcast %add3A_508 : i32 to vector<16xi32>
      %add3A_510 = arith.addi %shift_right_arithmetic3A_505, %add3A_509 : vector<16xi32>
      %select_n3A_511 = arith.select %lt3A_507, %add3A_510, %select_n3A_500 : vector<16xi1>, vector<16xi32>
      %select_n3A_512 = arith.select %lt3A_507, %select_n3A_501, %shift_right_arithmetic3A_505 : vector<16xi1>, vector<16xi32>
      %add3A_513 = arith.addi %select_n3A_511, %select_n3A_512 : vector<16xi32>
      %shift_right_arithmetic3A_514 = arith.constant 1 : i32
      %shift_right_arithmetic3A_515 = vector.broadcast %shift_right_arithmetic3A_514 : i32 to vector<16xi32>
      %shift_right_arithmetic3A_516 = arith.shrsi %add3A_513, %shift_right_arithmetic3A_515 : vector<16xi32>
      %gather3A_517 = tpu.vector_load_idx %arg9[%shift_right_arithmetic3A_516] : memref<10000xi32, #tpu.memory_space<vmem>>[vector<16xi32>], vector<16xi32>,
      %lt3A_518 = arith.cmpi slt, %gather3A_517, %get3A_357 : vector<16xi32>
      %add3A_519 = arith.constant 1 : i32
      %add3A_520 = vector.broadcast %add3A_519 : i32 to vector<16xi32>
      %add3A_521 = arith.addi %shift_right_arithmetic3A_516, %add3A_520 : vector<16xi32>
      %select_n3A_522 = arith.select %lt3A_518, %add3A_521, %select_n3A_511 : vector<16xi1>, vector<16xi32>
      %select_n3A_523 = arith.select %lt3A_518, %select_n3A_512, %shift_right_arithmetic3A_516 : vector<16xi1>, vector<16xi32>
      %sub3A_524 = arith.constant 1 : i32
      %sub3A_525 = vector.broadcast %sub3A_524 : i32 to vector<16xi32>
      %sub3A_526 = arith.subi %select_n3A_522, %sub3A_525 : vector<16xi32>
      %max3A_527 = arith.constant 0 : i32
      %max3A_528 = vector.broadcast %max3A_527 : i32 to vector<16xi32>
      %max3A_529 = arith.maxsi %sub3A_526, %max3A_528 : vector<16xi32>
      %swap3A_530 = arith.constant 32 : index
      %swap3A_531 = tpu.vector_load %arg12[%swap3A_530] {strides = array<i32>} : memref<80xi32, #tpu.memory_space<vmem>>, vector<16xi32>,
      tpu.vector_store %arg12[%swap3A_530], %max3A_529 {strides = array<i32>} : memref<80xi32, #tpu.memory_space<vmem>>, vector<16xi32>,
      %get3A_532 = arith.constant 48 : index
      %get3A_533 = tpu.vector_load %arg11[%get3A_532] {strides = array<i32>} : memref<80xi32, #tpu.memory_space<vmem>>, vector<16xi32>,
      %mul3A_534 = arith.constant 0 : i32
      %mul3A_535 = vector.broadcast %mul3A_534 : i32 to vector<16xi32>
      %mul3A_536 = arith.muli %iota3A, %mul3A_535 : vector<16xi32>
      %add3A_537 = arith.constant 0 : i32
      %add3A_538 = vector.broadcast %add3A_537 : i32 to vector<16xi32>
      %add3A_539 = arith.addi %mul3A_536, %add3A_538 : vector<16xi32>
      %mul3A_540 = arith.constant 0 : i32
      %mul3A_541 = vector.broadcast %mul3A_540 : i32 to vector<16xi32>
      %mul3A_542 = arith.muli %iota3A, %mul3A_541 : vector<16xi32>
      %add3A_543 = arith.constant 10000 : i32
      %add3A_544 = vector.broadcast %add3A_543 : i32 to vector<16xi32>
      %add3A_545 = arith.addi %mul3A_542, %add3A_544 : vector<16xi32>
      %add3A_546 = arith.addi %add3A_539, %add3A_545 : vector<16xi32>
      %shift_right_arithmetic3A_547 = arith.constant 1 : i32
      %shift_right_arithmetic3A_548 = vector.broadcast %shift_right_arithmetic3A_547 : i32 to vector<16xi32>
      %shift_right_arithmetic3A_549 = arith.shrsi %add3A_546, %shift_right_arithmetic3A_548 : vector<16xi32>
      %gather3A_550 = tpu.vector_load_idx %arg9[%shift_right_arithmetic3A_549] : memref<10000xi32, #tpu.memory_space<vmem>>[vector<16xi32>], vector<16xi32>,
      %lt3A_551 = arith.cmpi slt, %gather3A_550, %get3A_533 : vector<16xi32>
      %add3A_552 = arith.constant 1 : i32
      %add3A_553 = vector.broadcast %add3A_552 : i32 to vector<16xi32>
      %add3A_554 = arith.addi %shift_right_arithmetic3A_549, %add3A_553 : vector<16xi32>
      %select_n3A_555 = arith.select %lt3A_551, %add3A_554, %add3A_539 : vector<16xi1>, vector<16xi32>
      %select_n3A_556 = arith.select %lt3A_551, %add3A_545, %shift_right_arithmetic3A_549 : vector<16xi1>, vector<16xi32>
      %add3A_557 = arith.addi %select_n3A_555, %select_n3A_556 : vector<16xi32>
      %shift_right_arithmetic3A_558 = arith.constant 1 : i32
      %shift_right_arithmetic3A_559 = vector.broadcast %shift_right_arithmetic3A_558 : i32 to vector<16xi32>
      %shift_right_arithmetic3A_560 = arith.shrsi %add3A_557, %shift_right_arithmetic3A_559 : vector<16xi32>
      %gather3A_561 = tpu.vector_load_idx %arg9[%shift_right_arithmetic3A_560] : memref<10000xi32, #tpu.memory_space<vmem>>[vector<16xi32>], vector<16xi32>,
      %lt3A_562 = arith.cmpi slt, %gather3A_561, %get3A_533 : vector<16xi32>
      %add3A_563 = arith.constant 1 : i32
      %add3A_564 = vector.broadcast %add3A_563 : i32 to vector<16xi32>
      %add3A_565 = arith.addi %shift_right_arithmetic3A_560, %add3A_564 : vector<16xi32>
      %select_n3A_566 = arith.select %lt3A_562, %add3A_565, %select_n3A_555 : vector<16xi1>, vector<16xi32>
      %select_n3A_567 = arith.select %lt3A_562, %select_n3A_556, %shift_right_arithmetic3A_560 : vector<16xi1>, vector<16xi32>
      %add3A_568 = arith.addi %select_n3A_566, %select_n3A_567 : vector<16xi32>
      %shift_right_arithmetic3A_569 = arith.constant 1 : i32
      %shift_right_arithmetic3A_570 = vector.broadcast %shift_right_arithmetic3A_569 : i32 to vector<16xi32>
      %shift_right_arithmetic3A_571 = arith.shrsi %add3A_568, %shift_right_arithmetic3A_570 : vector<16xi32>
      %gather3A_572 = tpu.vector_load_idx %arg9[%shift_right_arithmetic3A_571] : memref<10000xi32, #tpu.memory_space<vmem>>[vector<16xi32>], vector<16xi32>,
      %lt3A_573 = arith.cmpi slt, %gather3A_572, %get3A_533 : vector<16xi32>
      %add3A_574 = arith.constant 1 : i32
      %add3A_575 = vector.broadcast %add3A_574 : i32 to vector<16xi32>
      %add3A_576 = arith.addi %shift_right_arithmetic3A_571, %add3A_575 : vector<16xi32>
      %select_n3A_577 = arith.select %lt3A_573, %add3A_576, %select_n3A_566 : vector<16xi1>, vector<16xi32>
      %select_n3A_578 = arith.select %lt3A_573, %select_n3A_567, %shift_right_arithmetic3A_571 : vector<16xi1>, vector<16xi32>
      %add3A_579 = arith.addi %select_n3A_577, %select_n3A_578 : vector<16xi32>
      %shift_right_arithmetic3A_580 = arith.constant 1 : i32
      %shift_right_arithmetic3A_581 = vector.broadcast %shift_right_arithmetic3A_580 : i32 to vector<16xi32>
      %shift_right_arithmetic3A_582 = arith.shrsi %add3A_579, %shift_right_arithmetic3A_581 : vector<16xi32>
      %gather3A_583 = tpu.vector_load_idx %arg9[%shift_right_arithmetic3A_582] : memref<10000xi32, #tpu.memory_space<vmem>>[vector<16xi32>], vector<16xi32>,
      %lt3A_584 = arith.cmpi slt, %gather3A_583, %get3A_533 : vector<16xi32>
      %add3A_585 = arith.constant 1 : i32
      %add3A_586 = vector.broadcast %add3A_585 : i32 to vector<16xi32>
      %add3A_587 = arith.addi %shift_right_arithmetic3A_582, %add3A_586 : vector<16xi32>
      %select_n3A_588 = arith.select %lt3A_584, %add3A_587, %select_n3A_577 : vector<16xi1>, vector<16xi32>
      %select_n3A_589 = arith.select %lt3A_584, %select_n3A_578, %shift_right_arithmetic3A_582 : vector<16xi1>, vector<16xi32>
      %add3A_590 = arith.addi %select_n3A_588, %select_n3A_589 : vector<16xi32>
      %shift_right_arithmetic3A_591 = arith.constant 1 : i32
      %shift_right_arithmetic3A_592 = vector.broadcast %shift_right_arithmetic3A_591 : i32 to vector<16xi32>
      %shift_right_arithmetic3A_593 = arith.shrsi %add3A_590, %shift_right_arithmetic3A_592 : vector<16xi32>
      %gather3A_594 = tpu.vector_load_idx %arg9[%shift_right_arithmetic3A_593] : memref<10000xi32, #tpu.memory_space<vmem>>[vector<16xi32>], vector<16xi32>,
      %lt3A_595 = arith.cmpi slt, %gather3A_594, %get3A_533 : vector<16xi32>
      %add3A_596 = arith.constant 1 : i32
      %add3A_597 = vector.broadcast %add3A_596 : i32 to vector<16xi32>
      %add3A_598 = arith.addi %shift_right_arithmetic3A_593, %add3A_597 : vector<16xi32>
      %select_n3A_599 = arith.select %lt3A_595, %add3A_598, %select_n3A_588 : vector<16xi1>, vector<16xi32>
      %select_n3A_600 = arith.select %lt3A_595, %select_n3A_589, %shift_right_arithmetic3A_593 : vector<16xi1>, vector<16xi32>
      %add3A_601 = arith.addi %select_n3A_599, %select_n3A_600 : vector<16xi32>
      %shift_right_arithmetic3A_602 = arith.constant 1 : i32
      %shift_right_arithmetic3A_603 = vector.broadcast %shift_right_arithmetic3A_602 : i32 to vector<16xi32>
      %shift_right_arithmetic3A_604 = arith.shrsi %add3A_601, %shift_right_arithmetic3A_603 : vector<16xi32>
      %gather3A_605 = tpu.vector_load_idx %arg9[%shift_right_arithmetic3A_604] : memref<10000xi32, #tpu.memory_space<vmem>>[vector<16xi32>], vector<16xi32>,
      %lt3A_606 = arith.cmpi slt, %gather3A_605, %get3A_533 : vector<16xi32>
      %add3A_607 = arith.constant 1 : i32
      %add3A_608 = vector.broadcast %add3A_607 : i32 to vector<16xi32>
      %add3A_609 = arith.addi %shift_right_arithmetic3A_604, %add3A_608 : vector<16xi32>
      %select_n3A_610 = arith.select %lt3A_606, %add3A_609, %select_n3A_599 : vector<16xi1>, vector<16xi32>
      %select_n3A_611 = arith.select %lt3A_606, %select_n3A_600, %shift_right_arithmetic3A_604 : vector<16xi1>, vector<16xi32>
      %add3A_612 = arith.addi %select_n3A_610, %select_n3A_611 : vector<16xi32>
      %shift_right_arithmetic3A_613 = arith.constant 1 : i32
      %shift_right_arithmetic3A_614 = vector.broadcast %shift_right_arithmetic3A_613 : i32 to vector<16xi32>
      %shift_right_arithmetic3A_615 = arith.shrsi %add3A_612, %shift_right_arithmetic3A_614 : vector<16xi32>
      %gather3A_616 = tpu.vector_load_idx %arg9[%shift_right_arithmetic3A_615] : memref<10000xi32, #tpu.memory_space<vmem>>[vector<16xi32>], vector<16xi32>,
      %lt3A_617 = arith.cmpi slt, %gather3A_616, %get3A_533 : vector<16xi32>
      %add3A_618 = arith.constant 1 : i32
      %add3A_619 = vector.broadcast %add3A_618 : i32 to vector<16xi32>
      %add3A_620 = arith.addi %shift_right_arithmetic3A_615, %add3A_619 : vector<16xi32>
      %select_n3A_621 = arith.select %lt3A_617, %add3A_620, %select_n3A_610 : vector<16xi1>, vector<16xi32>
      %select_n3A_622 = arith.select %lt3A_617, %select_n3A_611, %shift_right_arithmetic3A_615 : vector<16xi1>, vector<16xi32>
      %add3A_623 = arith.addi %select_n3A_621, %select_n3A_622 : vector<16xi32>
      %shift_right_arithmetic3A_624 = arith.constant 1 : i32
      %shift_right_arithmetic3A_625 = vector.broadcast %shift_right_arithmetic3A_624 : i32 to vector<16xi32>
      %shift_right_arithmetic3A_626 = arith.shrsi %add3A_623, %shift_right_arithmetic3A_625 : vector<16xi32>
      %gather3A_627 = tpu.vector_load_idx %arg9[%shift_right_arithmetic3A_626] : memref<10000xi32, #tpu.memory_space<vmem>>[vector<16xi32>], vector<16xi32>,
      %lt3A_628 = arith.cmpi slt, %gather3A_627, %get3A_533 : vector<16xi32>
      %add3A_629 = arith.constant 1 : i32
      %add3A_630 = vector.broadcast %add3A_629 : i32 to vector<16xi32>
      %add3A_631 = arith.addi %shift_right_arithmetic3A_626, %add3A_630 : vector<16xi32>
      %select_n3A_632 = arith.select %lt3A_628, %add3A_631, %select_n3A_621 : vector<16xi1>, vector<16xi32>
      %select_n3A_633 = arith.select %lt3A_628, %select_n3A_622, %shift_right_arithmetic3A_626 : vector<16xi1>, vector<16xi32>
      %add3A_634 = arith.addi %select_n3A_632, %select_n3A_633 : vector<16xi32>
      %shift_right_arithmetic3A_635 = arith.constant 1 : i32
      %shift_right_arithmetic3A_636 = vector.broadcast %shift_right_arithmetic3A_635 : i32 to vector<16xi32>
      %shift_right_arithmetic3A_637 = arith.shrsi %add3A_634, %shift_right_arithmetic3A_636 : vector<16xi32>
      %gather3A_638 = tpu.vector_load_idx %arg9[%shift_right_arithmetic3A_637] : memref<10000xi32, #tpu.memory_space<vmem>>[vector<16xi32>], vector<16xi32>,
      %lt3A_639 = arith.cmpi slt, %gather3A_638, %get3A_533 : vector<16xi32>
      %add3A_640 = arith.constant 1 : i32
      %add3A_641 = vector.broadcast %add3A_640 : i32 to vector<16xi32>
      %add3A_642 = arith.addi %shift_right_arithmetic3A_637, %add3A_641 : vector<16xi32>
      %select_n3A_643 = arith.select %lt3A_639, %add3A_642, %select_n3A_632 : vector<16xi1>, vector<16xi32>
      %select_n3A_644 = arith.select %lt3A_639, %select_n3A_633, %shift_right_arithmetic3A_637 : vector<16xi1>, vector<16xi32>
      %add3A_645 = arith.addi %select_n3A_643, %select_n3A_644 : vector<16xi32>
      %shift_right_arithmetic3A_646 = arith.constant 1 : i32
      %shift_right_arithmetic3A_647 = vector.broadcast %shift_right_arithmetic3A_646 : i32 to vector<16xi32>
      %shift_right_arithmetic3A_648 = arith.shrsi %add3A_645, %shift_right_arithmetic3A_647 : vector<16xi32>
      %gather3A_649 = tpu.vector_load_idx %arg9[%shift_right_arithmetic3A_648] : memref<10000xi32, #tpu.memory_space<vmem>>[vector<16xi32>], vector<16xi32>,
      %lt3A_650 = arith.cmpi slt, %gather3A_649, %get3A_533 : vector<16xi32>
      %add3A_651 = arith.constant 1 : i32
      %add3A_652 = vector.broadcast %add3A_651 : i32 to vector<16xi32>
      %add3A_653 = arith.addi %shift_right_arithmetic3A_648, %add3A_652 : vector<16xi32>
      %select_n3A_654 = arith.select %lt3A_650, %add3A_653, %select_n3A_643 : vector<16xi1>, vector<16xi32>
      %select_n3A_655 = arith.select %lt3A_650, %select_n3A_644, %shift_right_arithmetic3A_648 : vector<16xi1>, vector<16xi32>
      %add3A_656 = arith.addi %select_n3A_654, %select_n3A_655 : vector<16xi32>
      %shift_right_arithmetic3A_657 = arith.constant 1 : i32
      %shift_right_arithmetic3A_658 = vector.broadcast %shift_right_arithmetic3A_657 : i32 to vector<16xi32>
      %shift_right_arithmetic3A_659 = arith.shrsi %add3A_656, %shift_right_arithmetic3A_658 : vector<16xi32>
      %gather3A_660 = tpu.vector_load_idx %arg9[%shift_right_arithmetic3A_659] : memref<10000xi32, #tpu.memory_space<vmem>>[vector<16xi32>], vector<16xi32>,
      %lt3A_661 = arith.cmpi slt, %gather3A_660, %get3A_533 : vector<16xi32>
      %add3A_662 = arith.constant 1 : i32
      %add3A_663 = vector.broadcast %add3A_662 : i32 to vector<16xi32>
      %add3A_664 = arith.addi %shift_right_arithmetic3A_659, %add3A_663 : vector<16xi32>
      %select_n3A_665 = arith.select %lt3A_661, %add3A_664, %select_n3A_654 : vector<16xi1>, vector<16xi32>
      %select_n3A_666 = arith.select %lt3A_661, %select_n3A_655, %shift_right_arithmetic3A_659 : vector<16xi1>, vector<16xi32>
      %add3A_667 = arith.addi %select_n3A_665, %select_n3A_666 : vector<16xi32>
      %shift_right_arithmetic3A_668 = arith.constant 1 : i32
      %shift_right_arithmetic3A_669 = vector.broadcast %shift_right_arithmetic3A_668 : i32 to vector<16xi32>
      %shift_right_arithmetic3A_670 = arith.shrsi %add3A_667, %shift_right_arithmetic3A_669 : vector<16xi32>
      %gather3A_671 = tpu.vector_load_idx %arg9[%shift_right_arithmetic3A_670] : memref<10000xi32, #tpu.memory_space<vmem>>[vector<16xi32>], vector<16xi32>,
      %lt3A_672 = arith.cmpi slt, %gather3A_671, %get3A_533 : vector<16xi32>
      %add3A_673 = arith.constant 1 : i32
      %add3A_674 = vector.broadcast %add3A_673 : i32 to vector<16xi32>
      %add3A_675 = arith.addi %shift_right_arithmetic3A_670, %add3A_674 : vector<16xi32>
      %select_n3A_676 = arith.select %lt3A_672, %add3A_675, %select_n3A_665 : vector<16xi1>, vector<16xi32>
      %select_n3A_677 = arith.select %lt3A_672, %select_n3A_666, %shift_right_arithmetic3A_670 : vector<16xi1>, vector<16xi32>
      %add3A_678 = arith.addi %select_n3A_676, %select_n3A_677 : vector<16xi32>
      %shift_right_arithmetic3A_679 = arith.constant 1 : i32
      %shift_right_arithmetic3A_680 = vector.broadcast %shift_right_arithmetic3A_679 : i32 to vector<16xi32>
      %shift_right_arithmetic3A_681 = arith.shrsi %add3A_678, %shift_right_arithmetic3A_680 : vector<16xi32>
      %gather3A_682 = tpu.vector_load_idx %arg9[%shift_right_arithmetic3A_681] : memref<10000xi32, #tpu.memory_space<vmem>>[vector<16xi32>], vector<16xi32>,
      %lt3A_683 = arith.cmpi slt, %gather3A_682, %get3A_533 : vector<16xi32>
      %add3A_684 = arith.constant 1 : i32
      %add3A_685 = vector.broadcast %add3A_684 : i32 to vector<16xi32>
      %add3A_686 = arith.addi %shift_right_arithmetic3A_681, %add3A_685 : vector<16xi32>
      %select_n3A_687 = arith.select %lt3A_683, %add3A_686, %select_n3A_676 : vector<16xi1>, vector<16xi32>
      %select_n3A_688 = arith.select %lt3A_683, %select_n3A_677, %shift_right_arithmetic3A_681 : vector<16xi1>, vector<16xi32>
      %add3A_689 = arith.addi %select_n3A_687, %select_n3A_688 : vector<16xi32>
      %shift_right_arithmetic3A_690 = arith.constant 1 : i32
      %shift_right_arithmetic3A_691 = vector.broadcast %shift_right_arithmetic3A_690 : i32 to vector<16xi32>
      %shift_right_arithmetic3A_692 = arith.shrsi %add3A_689, %shift_right_arithmetic3A_691 : vector<16xi32>
      %gather3A_693 = tpu.vector_load_idx %arg9[%shift_right_arithmetic3A_692] : memref<10000xi32, #tpu.memory_space<vmem>>[vector<16xi32>], vector<16xi32>,
      %lt3A_694 = arith.cmpi slt, %gather3A_693, %get3A_533 : vector<16xi32>
      %add3A_695 = arith.constant 1 : i32
      %add3A_696 = vector.broadcast %add3A_695 : i32 to vector<16xi32>
      %add3A_697 = arith.addi %shift_right_arithmetic3A_692, %add3A_696 : vector<16xi32>
      %select_n3A_698 = arith.select %lt3A_694, %add3A_697, %select_n3A_687 : vector<16xi1>, vector<16xi32>
      %select_n3A_699 = arith.select %lt3A_694, %select_n3A_688, %shift_right_arithmetic3A_692 : vector<16xi1>, vector<16xi32>
      %sub3A_700 = arith.constant 1 : i32
      %sub3A_701 = vector.broadcast %sub3A_700 : i32 to vector<16xi32>
      %sub3A_702 = arith.subi %select_n3A_698, %sub3A_701 : vector<16xi32>
      %max3A_703 = arith.constant 0 : i32
      %max3A_704 = vector.broadcast %max3A_703 : i32 to vector<16xi32>
      %max3A_705 = arith.maxsi %sub3A_702, %max3A_704 : vector<16xi32>
      %swap3A_706 = arith.constant 48 : index
      %swap3A_707 = tpu.vector_load %arg12[%swap3A_706] {strides = array<i32>} : memref<80xi32, #tpu.memory_space<vmem>>, vector<16xi32>,
      tpu.vector_store %arg12[%swap3A_706], %max3A_705 {strides = array<i32>} : memref<80xi32, #tpu.memory_space<vmem>>, vector<16xi32>,
      %get3A_708 = arith.constant 64 : index
      %get3A_709 = tpu.vector_load %arg11[%get3A_708] {strides = array<i32>} : memref<80xi32, #tpu.memory_space<vmem>>, vector<16xi32>,
      %mul3A_710 = arith.constant 0 : i32
      %mul3A_711 = vector.broadcast %mul3A_710 : i32 to vector<16xi32>
      %mul3A_712 = arith.muli %iota3A, %mul3A_711 : vector<16xi32>
      %add3A_713 = arith.constant 0 : i32
      %add3A_714 = vector.broadcast %add3A_713 : i32 to vector<16xi32>
      %add3A_715 = arith.addi %mul3A_712, %add3A_714 : vector<16xi32>
      %mul3A_716 = arith.constant 0 : i32
      %mul3A_717 = vector.broadcast %mul3A_716 : i32 to vector<16xi32>
      %mul3A_718 = arith.muli %iota3A, %mul3A_717 : vector<16xi32>
      %add3A_719 = arith.constant 10000 : i32
      %add3A_720 = vector.broadcast %add3A_719 : i32 to vector<16xi32>
      %add3A_721 = arith.addi %mul3A_718, %add3A_720 : vector<16xi32>
      %add3A_722 = arith.addi %add3A_715, %add3A_721 : vector<16xi32>
      %shift_right_arithmetic3A_723 = arith.constant 1 : i32
      %shift_right_arithmetic3A_724 = vector.broadcast %shift_right_arithmetic3A_723 : i32 to vector<16xi32>
      %shift_right_arithmetic3A_725 = arith.shrsi %add3A_722, %shift_right_arithmetic3A_724 : vector<16xi32>
      %gather3A_726 = tpu.vector_load_idx %arg9[%shift_right_arithmetic3A_725] : memref<10000xi32, #tpu.memory_space<vmem>>[vector<16xi32>], vector<16xi32>,
      %lt3A_727 = arith.cmpi slt, %gather3A_726, %get3A_709 : vector<16xi32>
      %add3A_728 = arith.constant 1 : i32
      %add3A_729 = vector.broadcast %add3A_728 : i32 to vector<16xi32>
      %add3A_730 = arith.addi %shift_right_arithmetic3A_725, %add3A_729 : vector<16xi32>
      %select_n3A_731 = arith.select %lt3A_727, %add3A_730, %add3A_715 : vector<16xi1>, vector<16xi32>
      %select_n3A_732 = arith.select %lt3A_727, %add3A_721, %shift_right_arithmetic3A_725 : vector<16xi1>, vector<16xi32>
      %add3A_733 = arith.addi %select_n3A_731, %select_n3A_732 : vector<16xi32>
      %shift_right_arithmetic3A_734 = arith.constant 1 : i32
      %shift_right_arithmetic3A_735 = vector.broadcast %shift_right_arithmetic3A_734 : i32 to vector<16xi32>
      %shift_right_arithmetic3A_736 = arith.shrsi %add3A_733, %shift_right_arithmetic3A_735 : vector<16xi32>
      %gather3A_737 = tpu.vector_load_idx %arg9[%shift_right_arithmetic3A_736] : memref<10000xi32, #tpu.memory_space<vmem>>[vector<16xi32>], vector<16xi32>,
      %lt3A_738 = arith.cmpi slt, %gather3A_737, %get3A_709 : vector<16xi32>
      %add3A_739 = arith.constant 1 : i32
      %add3A_740 = vector.broadcast %add3A_739 : i32 to vector<16xi32>
      %add3A_741 = arith.addi %shift_right_arithmetic3A_736, %add3A_740 : vector<16xi32>
      %select_n3A_742 = arith.select %lt3A_738, %add3A_741, %select_n3A_731 : vector<16xi1>, vector<16xi32>
      %select_n3A_743 = arith.select %lt3A_738, %select_n3A_732, %shift_right_arithmetic3A_736 : vector<16xi1>, vector<16xi32>
      %add3A_744 = arith.addi %select_n3A_742, %select_n3A_743 : vector<16xi32>
      %shift_right_arithmetic3A_745 = arith.constant 1 : i32
      %shift_right_arithmetic3A_746 = vector.broadcast %shift_right_arithmetic3A_745 : i32 to vector<16xi32>
      %shift_right_arithmetic3A_747 = arith.shrsi %add3A_744, %shift_right_arithmetic3A_746 : vector<16xi32>
      %gather3A_748 = tpu.vector_load_idx %arg9[%shift_right_arithmetic3A_747] : memref<10000xi32, #tpu.memory_space<vmem>>[vector<16xi32>], vector<16xi32>,
      %lt3A_749 = arith.cmpi slt, %gather3A_748, %get3A_709 : vector<16xi32>
      %add3A_750 = arith.constant 1 : i32
      %add3A_751 = vector.broadcast %add3A_750 : i32 to vector<16xi32>
      %add3A_752 = arith.addi %shift_right_arithmetic3A_747, %add3A_751 : vector<16xi32>
      %select_n3A_753 = arith.select %lt3A_749, %add3A_752, %select_n3A_742 : vector<16xi1>, vector<16xi32>
      %select_n3A_754 = arith.select %lt3A_749, %select_n3A_743, %shift_right_arithmetic3A_747 : vector<16xi1>, vector<16xi32>
      %add3A_755 = arith.addi %select_n3A_753, %select_n3A_754 : vector<16xi32>
      %shift_right_arithmetic3A_756 = arith.constant 1 : i32
      %shift_right_arithmetic3A_757 = vector.broadcast %shift_right_arithmetic3A_756 : i32 to vector<16xi32>
      %shift_right_arithmetic3A_758 = arith.shrsi %add3A_755, %shift_right_arithmetic3A_757 : vector<16xi32>
      %gather3A_759 = tpu.vector_load_idx %arg9[%shift_right_arithmetic3A_758] : memref<10000xi32, #tpu.memory_space<vmem>>[vector<16xi32>], vector<16xi32>,
      %lt3A_760 = arith.cmpi slt, %gather3A_759, %get3A_709 : vector<16xi32>
      %add3A_761 = arith.constant 1 : i32
      %add3A_762 = vector.broadcast %add3A_761 : i32 to vector<16xi32>
      %add3A_763 = arith.addi %shift_right_arithmetic3A_758, %add3A_762 : vector<16xi32>
      %select_n3A_764 = arith.select %lt3A_760, %add3A_763, %select_n3A_753 : vector<16xi1>, vector<16xi32>
      %select_n3A_765 = arith.select %lt3A_760, %select_n3A_754, %shift_right_arithmetic3A_758 : vector<16xi1>, vector<16xi32>
      %add3A_766 = arith.addi %select_n3A_764, %select_n3A_765 : vector<16xi32>
      %shift_right_arithmetic3A_767 = arith.constant 1 : i32
      %shift_right_arithmetic3A_768 = vector.broadcast %shift_right_arithmetic3A_767 : i32 to vector<16xi32>
      %shift_right_arithmetic3A_769 = arith.shrsi %add3A_766, %shift_right_arithmetic3A_768 : vector<16xi32>
      %gather3A_770 = tpu.vector_load_idx %arg9[%shift_right_arithmetic3A_769] : memref<10000xi32, #tpu.memory_space<vmem>>[vector<16xi32>], vector<16xi32>,
      %lt3A_771 = arith.cmpi slt, %gather3A_770, %get3A_709 : vector<16xi32>
      %add3A_772 = arith.constant 1 : i32
      %add3A_773 = vector.broadcast %add3A_772 : i32 to vector<16xi32>
      %add3A_774 = arith.addi %shift_right_arithmetic3A_769, %add3A_773 : vector<16xi32>
      %select_n3A_775 = arith.select %lt3A_771, %add3A_774, %select_n3A_764 : vector<16xi1>, vector<16xi32>
      %select_n3A_776 = arith.select %lt3A_771, %select_n3A_765, %shift_right_arithmetic3A_769 : vector<16xi1>, vector<16xi32>
      %add3A_777 = arith.addi %select_n3A_775, %select_n3A_776 : vector<16xi32>
      %shift_right_arithmetic3A_778 = arith.constant 1 : i32
      %shift_right_arithmetic3A_779 = vector.broadcast %shift_right_arithmetic3A_778 : i32 to vector<16xi32>
      %shift_right_arithmetic3A_780 = arith.shrsi %add3A_777, %shift_right_arithmetic3A_779 : vector<16xi32>
      %gather3A_781 = tpu.vector_load_idx %arg9[%shift_right_arithmetic3A_780] : memref<10000xi32, #tpu.memory_space<vmem>>[vector<16xi32>], vector<16xi32>,
      %lt3A_782 = arith.cmpi slt, %gather3A_781, %get3A_709 : vector<16xi32>
      %add3A_783 = arith.constant 1 : i32
      %add3A_784 = vector.broadcast %add3A_783 : i32 to vector<16xi32>
      %add3A_785 = arith.addi %shift_right_arithmetic3A_780, %add3A_784 : vector<16xi32>
      %select_n3A_786 = arith.select %lt3A_782, %add3A_785, %select_n3A_775 : vector<16xi1>, vector<16xi32>
      %select_n3A_787 = arith.select %lt3A_782, %select_n3A_776, %shift_right_arithmetic3A_780 : vector<16xi1>, vector<16xi32>
      %add3A_788 = arith.addi %select_n3A_786, %select_n3A_787 : vector<16xi32>
      %shift_right_arithmetic3A_789 = arith.constant 1 : i32
      %shift_right_arithmetic3A_790 = vector.broadcast %shift_right_arithmetic3A_789 : i32 to vector<16xi32>
      %shift_right_arithmetic3A_791 = arith.shrsi %add3A_788, %shift_right_arithmetic3A_790 : vector<16xi32>
      %gather3A_792 = tpu.vector_load_idx %arg9[%shift_right_arithmetic3A_791] : memref<10000xi32, #tpu.memory_space<vmem>>[vector<16xi32>], vector<16xi32>,
      %lt3A_793 = arith.cmpi slt, %gather3A_792, %get3A_709 : vector<16xi32>
      %add3A_794 = arith.constant 1 : i32
      %add3A_795 = vector.broadcast %add3A_794 : i32 to vector<16xi32>
      %add3A_796 = arith.addi %shift_right_arithmetic3A_791, %add3A_795 : vector<16xi32>
      %select_n3A_797 = arith.select %lt3A_793, %add3A_796, %select_n3A_786 : vector<16xi1>, vector<16xi32>
      %select_n3A_798 = arith.select %lt3A_793, %select_n3A_787, %shift_right_arithmetic3A_791 : vector<16xi1>, vector<16xi32>
      %add3A_799 = arith.addi %select_n3A_797, %select_n3A_798 : vector<16xi32>
      %shift_right_arithmetic3A_800 = arith.constant 1 : i32
      %shift_right_arithmetic3A_801 = vector.broadcast %shift_right_arithmetic3A_800 : i32 to vector<16xi32>
      %shift_right_arithmetic3A_802 = arith.shrsi %add3A_799, %shift_right_arithmetic3A_801 : vector<16xi32>
      %gather3A_803 = tpu.vector_load_idx %arg9[%shift_right_arithmetic3A_802] : memref<10000xi32, #tpu.memory_space<vmem>>[vector<16xi32>], vector<16xi32>,
      %lt3A_804 = arith.cmpi slt, %gather3A_803, %get3A_709 : vector<16xi32>
      %add3A_805 = arith.constant 1 : i32
      %add3A_806 = vector.broadcast %add3A_805 : i32 to vector<16xi32>
      %add3A_807 = arith.addi %shift_right_arithmetic3A_802, %add3A_806 : vector<16xi32>
      %select_n3A_808 = arith.select %lt3A_804, %add3A_807, %select_n3A_797 : vector<16xi1>, vector<16xi32>
      %select_n3A_809 = arith.select %lt3A_804, %select_n3A_798, %shift_right_arithmetic3A_802 : vector<16xi1>, vector<16xi32>
      %add3A_810 = arith.addi %select_n3A_808, %select_n3A_809 : vector<16xi32>
      %shift_right_arithmetic3A_811 = arith.constant 1 : i32
      %shift_right_arithmetic3A_812 = vector.broadcast %shift_right_arithmetic3A_811 : i32 to vector<16xi32>
      %shift_right_arithmetic3A_813 = arith.shrsi %add3A_810, %shift_right_arithmetic3A_812 : vector<16xi32>
      %gather3A_814 = tpu.vector_load_idx %arg9[%shift_right_arithmetic3A_813] : memref<10000xi32, #tpu.memory_space<vmem>>[vector<16xi32>], vector<16xi32>,
      %lt3A_815 = arith.cmpi slt, %gather3A_814, %get3A_709 : vector<16xi32>
      %add3A_816 = arith.constant 1 : i32
      %add3A_817 = vector.broadcast %add3A_816 : i32 to vector<16xi32>
      %add3A_818 = arith.addi %shift_right_arithmetic3A_813, %add3A_817 : vector<16xi32>
      %select_n3A_819 = arith.select %lt3A_815, %add3A_818, %select_n3A_808 : vector<16xi1>, vector<16xi32>
      %select_n3A_820 = arith.select %lt3A_815, %select_n3A_809, %shift_right_arithmetic3A_813 : vector<16xi1>, vector<16xi32>
      %add3A_821 = arith.addi %select_n3A_819, %select_n3A_820 : vector<16xi32>
      %shift_right_arithmetic3A_822 = arith.constant 1 : i32
      %shift_right_arithmetic3A_823 = vector.broadcast %shift_right_arithmetic3A_822 : i32 to vector<16xi32>
      %shift_right_arithmetic3A_824 = arith.shrsi %add3A_821, %shift_right_arithmetic3A_823 : vector<16xi32>
      %gather3A_825 = tpu.vector_load_idx %arg9[%shift_right_arithmetic3A_824] : memref<10000xi32, #tpu.memory_space<vmem>>[vector<16xi32>], vector<16xi32>,
      %lt3A_826 = arith.cmpi slt, %gather3A_825, %get3A_709 : vector<16xi32>
      %add3A_827 = arith.constant 1 : i32
      %add3A_828 = vector.broadcast %add3A_827 : i32 to vector<16xi32>
      %add3A_829 = arith.addi %shift_right_arithmetic3A_824, %add3A_828 : vector<16xi32>
      %select_n3A_830 = arith.select %lt3A_826, %add3A_829, %select_n3A_819 : vector<16xi1>, vector<16xi32>
      %select_n3A_831 = arith.select %lt3A_826, %select_n3A_820, %shift_right_arithmetic3A_824 : vector<16xi1>, vector<16xi32>
      %add3A_832 = arith.addi %select_n3A_830, %select_n3A_831 : vector<16xi32>
      %shift_right_arithmetic3A_833 = arith.constant 1 : i32
      %shift_right_arithmetic3A_834 = vector.broadcast %shift_right_arithmetic3A_833 : i32 to vector<16xi32>
      %shift_right_arithmetic3A_835 = arith.shrsi %add3A_832, %shift_right_arithmetic3A_834 : vector<16xi32>
      %gather3A_836 = tpu.vector_load_idx %arg9[%shift_right_arithmetic3A_835] : memref<10000xi32, #tpu.memory_space<vmem>>[vector<16xi32>], vector<16xi32>,
      %lt3A_837 = arith.cmpi slt, %gather3A_836, %get3A_709 : vector<16xi32>
      %add3A_838 = arith.constant 1 : i32
      %add3A_839 = vector.broadcast %add3A_838 : i32 to vector<16xi32>
      %add3A_840 = arith.addi %shift_right_arithmetic3A_835, %add3A_839 : vector<16xi32>
      %select_n3A_841 = arith.select %lt3A_837, %add3A_840, %select_n3A_830 : vector<16xi1>, vector<16xi32>
      %select_n3A_842 = arith.select %lt3A_837, %select_n3A_831, %shift_right_arithmetic3A_835 : vector<16xi1>, vector<16xi32>
      %add3A_843 = arith.addi %select_n3A_841, %select_n3A_842 : vector<16xi32>
      %shift_right_arithmetic3A_844 = arith.constant 1 : i32
      %shift_right_arithmetic3A_845 = vector.broadcast %shift_right_arithmetic3A_844 : i32 to vector<16xi32>
      %shift_right_arithmetic3A_846 = arith.shrsi %add3A_843, %shift_right_arithmetic3A_845 : vector<16xi32>
      %gather3A_847 = tpu.vector_load_idx %arg9[%shift_right_arithmetic3A_846] : memref<10000xi32, #tpu.memory_space<vmem>>[vector<16xi32>], vector<16xi32>,
      %lt3A_848 = arith.cmpi slt, %gather3A_847, %get3A_709 : vector<16xi32>
      %add3A_849 = arith.constant 1 : i32
      %add3A_850 = vector.broadcast %add3A_849 : i32 to vector<16xi32>
      %add3A_851 = arith.addi %shift_right_arithmetic3A_846, %add3A_850 : vector<16xi32>
      %select_n3A_852 = arith.select %lt3A_848, %add3A_851, %select_n3A_841 : vector<16xi1>, vector<16xi32>
      %select_n3A_853 = arith.select %lt3A_848, %select_n3A_842, %shift_right_arithmetic3A_846 : vector<16xi1>, vector<16xi32>
      %add3A_854 = arith.addi %select_n3A_852, %select_n3A_853 : vector<16xi32>
      %shift_right_arithmetic3A_855 = arith.constant 1 : i32
      %shift_right_arithmetic3A_856 = vector.broadcast %shift_right_arithmetic3A_855 : i32 to vector<16xi32>
      %shift_right_arithmetic3A_857 = arith.shrsi %add3A_854, %shift_right_arithmetic3A_856 : vector<16xi32>
      %gather3A_858 = tpu.vector_load_idx %arg9[%shift_right_arithmetic3A_857] : memref<10000xi32, #tpu.memory_space<vmem>>[vector<16xi32>], vector<16xi32>,
      %lt3A_859 = arith.cmpi slt, %gather3A_858, %get3A_709 : vector<16xi32>
      %add3A_860 = arith.constant 1 : i32
      %add3A_861 = vector.broadcast %add3A_860 : i32 to vector<16xi32>
      %add3A_862 = arith.addi %shift_right_arithmetic3A_857, %add3A_861 : vector<16xi32>
      %select_n3A_863 = arith.select %lt3A_859, %add3A_862, %select_n3A_852 : vector<16xi1>, vector<16xi32>
      %select_n3A_864 = arith.select %lt3A_859, %select_n3A_853, %shift_right_arithmetic3A_857 : vector<16xi1>, vector<16xi32>
      %add3A_865 = arith.addi %select_n3A_863, %select_n3A_864 : vector<16xi32>
      %shift_right_arithmetic3A_866 = arith.constant 1 : i32
      %shift_right_arithmetic3A_867 = vector.broadcast %shift_right_arithmetic3A_866 : i32 to vector<16xi32>
      %shift_right_arithmetic3A_868 = arith.shrsi %add3A_865, %shift_right_arithmetic3A_867 : vector<16xi32>
      %gather3A_869 = tpu.vector_load_idx %arg9[%shift_right_arithmetic3A_868] : memref<10000xi32, #tpu.memory_space<vmem>>[vector<16xi32>], vector<16xi32>,
      %lt3A_870 = arith.cmpi slt, %gather3A_869, %get3A_709 : vector<16xi32>
      %add3A_871 = arith.constant 1 : i32
      %add3A_872 = vector.broadcast %add3A_871 : i32 to vector<16xi32>
      %add3A_873 = arith.addi %shift_right_arithmetic3A_868, %add3A_872 : vector<16xi32>
      %select_n3A_874 = arith.select %lt3A_870, %add3A_873, %select_n3A_863 : vector<16xi1>, vector<16xi32>
      %select_n3A_875 = arith.select %lt3A_870, %select_n3A_864, %shift_right_arithmetic3A_868 : vector<16xi1>, vector<16xi32>
      %sub3A_876 = arith.constant 1 : i32
      %sub3A_877 = vector.broadcast %sub3A_876 : i32 to vector<16xi32>
      %sub3A_878 = arith.subi %select_n3A_874, %sub3A_877 : vector<16xi32>
      %max3A_879 = arith.constant 0 : i32
      %max3A_880 = vector.broadcast %max3A_879 : i32 to vector<16xi32>
      %max3A_881 = arith.maxsi %sub3A_878, %max3A_880 : vector<16xi32>
      %swap3A_882 = arith.constant 64 : index
      %swap3A_883 = tpu.vector_load %arg12[%swap3A_882] {strides = array<i32>} : memref<80xi32, #tpu.memory_space<vmem>>, vector<16xi32>,
      tpu.vector_store %arg12[%swap3A_882], %max3A_881 {strides = array<i32>} : memref<80xi32, #tpu.memory_space<vmem>>, vector<16xi32>,
      %dma_start3A = arith.constant 0 : i32
      %dma_start3A_884 = arith.constant 0 : i32
      %dma_start3A_885 = tpu.memref_slice %arg4[%dma_start3A, %dma_start3A_884] : memref<10008x32xi32, #tpu.memory_space<hbm>> -> memref<10008x32xi32, #tpu.memory_space<hbm>>
      tpu.enqueue_indirect_dma source(%dma_start3A_885 : memref<10008x32xi32, #tpu.memory_space<hbm>>) target(%arg13 : memref<80x32xi32, #tpu.memory_space<vmem>>) offsets(%arg12 : memref<80xi32, #tpu.memory_space<vmem>>) semaphore(%arg18 : memref<!tpu.dma_semaphore, #tpu.memory_space<semaphore_mem>>)
      %dma_wait3A = arith.constant 0 : i32
      %dma_wait3A_886 = arith.constant 0 : i32
      %dma_wait3A_887 = tpu.memref_slice %arg4[%dma_wait3A, %dma_wait3A_886] : memref<10008x32xi32, #tpu.memory_space<hbm>> -> memref<10008x32xi32, #tpu.memory_space<hbm>>
      tpu.wait_indirect_dma semaphore(%arg18 : memref<!tpu.dma_semaphore, #tpu.memory_space<semaphore_mem>>) src(%dma_wait3A_887 : memref<10008x32xi32, #tpu.memory_space<hbm>>) dst(%arg13 : memref<80x32xi32, #tpu.memory_space<vmem>>)
      %get3A_888 = arith.constant 0 : index
      %get3A_889 = tpu.vector_load %arg11[%get3A_888] {strides = array<i32>} : memref<80xi32, #tpu.memory_space<vmem>>, vector<16xi32>,
      %add3A_890 = arith.constant 0 : i32
      %add3A_891 = vector.broadcast %add3A_890 : i32 to vector<16xi32>
      %add3A_892 = arith.addi %add3A_891, %iota3A : vector<16xi32>
      %get3A_893 = arith.constant 0 : index
      %get3A_894 = tpu.vector_load %arg12[%get3A_893] {strides = array<i32>} : memref<80xi32, #tpu.memory_space<vmem>>, vector<16xi32>,
      %gather3A_895 = tpu.vector_load_idx %arg9[%get3A_894] : memref<10000xi32, #tpu.memory_space<vmem>>[vector<16xi32>], vector<16xi32>,
      %mul3A_896 = arith.constant 0 : i32
      %mul3A_897 = vector.broadcast %mul3A_896 : i32 to vector<16xi32>
      %mul3A_898 = arith.muli %iota3A, %mul3A_897 : vector<16xi32>
      %add3A_899 = arith.constant 1 : i32
      %add3A_900 = vector.broadcast %add3A_899 : i32 to vector<16xi32>
      %add3A_901 = arith.addi %mul3A_898, %add3A_900 : vector<16xi32>
      %mul3A_902 = arith.constant 0 : i32
      %mul3A_903 = vector.broadcast %mul3A_902 : i32 to vector<16xi32>
      %mul3A_904 = arith.muli %iota3A, %mul3A_903 : vector<16xi32>
      %add3A_905 = arith.constant 32 : i32
      %add3A_906 = vector.broadcast %add3A_905 : i32 to vector<16xi32>
      %add3A_907 = arith.addi %mul3A_904, %add3A_906 : vector<16xi32>
      %add3A_908 = arith.addi %add3A_901, %add3A_907 : vector<16xi32>
      %shift_right_arithmetic3A_909 = arith.constant 1 : i32
      %shift_right_arithmetic3A_910 = vector.broadcast %shift_right_arithmetic3A_909 : i32 to vector<16xi32>
      %shift_right_arithmetic3A_911 = arith.shrsi %add3A_908, %shift_right_arithmetic3A_910 : vector<16xi32>
      %gather3A_912 = tpu.vector_load_idx %arg13[%add3A_892, %shift_right_arithmetic3A_911] : memref<80x32xi32, #tpu.memory_space<vmem>>[vector<16xi32>, vector<16xi32>], vector<16xi32>,
      %lt3A_913 = arith.cmpi slt, %gather3A_912, %get3A_889 : vector<16xi32>
      %add3A_914 = arith.constant 1 : i32
      %add3A_915 = vector.broadcast %add3A_914 : i32 to vector<16xi32>
      %add3A_916 = arith.addi %shift_right_arithmetic3A_911, %add3A_915 : vector<16xi32>
      %select_n3A_917 = arith.select %lt3A_913, %add3A_916, %add3A_901 : vector<16xi1>, vector<16xi32>
      %select_n3A_918 = arith.select %lt3A_913, %add3A_907, %shift_right_arithmetic3A_911 : vector<16xi1>, vector<16xi32>
      %add3A_919 = arith.addi %select_n3A_917, %select_n3A_918 : vector<16xi32>
      %shift_right_arithmetic3A_920 = arith.constant 1 : i32
      %shift_right_arithmetic3A_921 = vector.broadcast %shift_right_arithmetic3A_920 : i32 to vector<16xi32>
      %shift_right_arithmetic3A_922 = arith.shrsi %add3A_919, %shift_right_arithmetic3A_921 : vector<16xi32>
      %gather3A_923 = tpu.vector_load_idx %arg13[%add3A_892, %shift_right_arithmetic3A_922] : memref<80x32xi32, #tpu.memory_space<vmem>>[vector<16xi32>, vector<16xi32>], vector<16xi32>,
      %lt3A_924 = arith.cmpi slt, %gather3A_923, %get3A_889 : vector<16xi32>
      %add3A_925 = arith.constant 1 : i32
      %add3A_926 = vector.broadcast %add3A_925 : i32 to vector<16xi32>
      %add3A_927 = arith.addi %shift_right_arithmetic3A_922, %add3A_926 : vector<16xi32>
      %select_n3A_928 = arith.select %lt3A_924, %add3A_927, %select_n3A_917 : vector<16xi1>, vector<16xi32>
      %select_n3A_929 = arith.select %lt3A_924, %select_n3A_918, %shift_right_arithmetic3A_922 : vector<16xi1>, vector<16xi32>
      %add3A_930 = arith.addi %select_n3A_928, %select_n3A_929 : vector<16xi32>
      %shift_right_arithmetic3A_931 = arith.constant 1 : i32
      %shift_right_arithmetic3A_932 = vector.broadcast %shift_right_arithmetic3A_931 : i32 to vector<16xi32>
      %shift_right_arithmetic3A_933 = arith.shrsi %add3A_930, %shift_right_arithmetic3A_932 : vector<16xi32>
      %gather3A_934 = tpu.vector_load_idx %arg13[%add3A_892, %shift_right_arithmetic3A_933] : memref<80x32xi32, #tpu.memory_space<vmem>>[vector<16xi32>, vector<16xi32>], vector<16xi32>,
      %lt3A_935 = arith.cmpi slt, %gather3A_934, %get3A_889 : vector<16xi32>
      %add3A_936 = arith.constant 1 : i32
      %add3A_937 = vector.broadcast %add3A_936 : i32 to vector<16xi32>
      %add3A_938 = arith.addi %shift_right_arithmetic3A_933, %add3A_937 : vector<16xi32>
      %select_n3A_939 = arith.select %lt3A_935, %add3A_938, %select_n3A_928 : vector<16xi1>, vector<16xi32>
      %select_n3A_940 = arith.select %lt3A_935, %select_n3A_929, %shift_right_arithmetic3A_933 : vector<16xi1>, vector<16xi32>
      %add3A_941 = arith.addi %select_n3A_939, %select_n3A_940 : vector<16xi32>
      %shift_right_arithmetic3A_942 = arith.constant 1 : i32
      %shift_right_arithmetic3A_943 = vector.broadcast %shift_right_arithmetic3A_942 : i32 to vector<16xi32>
      %shift_right_arithmetic3A_944 = arith.shrsi %add3A_941, %shift_right_arithmetic3A_943 : vector<16xi32>
      %gather3A_945 = tpu.vector_load_idx %arg13[%add3A_892, %shift_right_arithmetic3A_944] : memref<80x32xi32, #tpu.memory_space<vmem>>[vector<16xi32>, vector<16xi32>], vector<16xi32>,
      %lt3A_946 = arith.cmpi slt, %gather3A_945, %get3A_889 : vector<16xi32>
      %add3A_947 = arith.constant 1 : i32
      %add3A_948 = vector.broadcast %add3A_947 : i32 to vector<16xi32>
      %add3A_949 = arith.addi %shift_right_arithmetic3A_944, %add3A_948 : vector<16xi32>
      %select_n3A_950 = arith.select %lt3A_946, %add3A_949, %select_n3A_939 : vector<16xi1>, vector<16xi32>
      %select_n3A_951 = arith.select %lt3A_946, %select_n3A_940, %shift_right_arithmetic3A_944 : vector<16xi1>, vector<16xi32>
      %add3A_952 = arith.addi %select_n3A_950, %select_n3A_951 : vector<16xi32>
      %shift_right_arithmetic3A_953 = arith.constant 1 : i32
      %shift_right_arithmetic3A_954 = vector.broadcast %shift_right_arithmetic3A_953 : i32 to vector<16xi32>
      %shift_right_arithmetic3A_955 = arith.shrsi %add3A_952, %shift_right_arithmetic3A_954 : vector<16xi32>
      %gather3A_956 = tpu.vector_load_idx %arg13[%add3A_892, %shift_right_arithmetic3A_955] : memref<80x32xi32, #tpu.memory_space<vmem>>[vector<16xi32>, vector<16xi32>], vector<16xi32>,
      %lt3A_957 = arith.cmpi slt, %gather3A_956, %get3A_889 : vector<16xi32>
      %add3A_958 = arith.constant 1 : i32
      %add3A_959 = vector.broadcast %add3A_958 : i32 to vector<16xi32>
      %add3A_960 = arith.addi %shift_right_arithmetic3A_955, %add3A_959 : vector<16xi32>
      %select_n3A_961 = arith.select %lt3A_957, %add3A_960, %select_n3A_950 : vector<16xi1>, vector<16xi32>
      %select_n3A_962 = arith.select %lt3A_957, %select_n3A_951, %shift_right_arithmetic3A_955 : vector<16xi1>, vector<16xi32>
      %mul3A_963 = arith.constant 0 : i32
      %mul3A_964 = vector.broadcast %mul3A_963 : i32 to vector<16xi32>
      %mul3A_965 = arith.muli %iota3A, %mul3A_964 : vector<16xi32>
      %add3A_966 = arith.constant 1 : i32
      %add3A_967 = vector.broadcast %add3A_966 : i32 to vector<16xi32>
      %add3A_968 = arith.addi %mul3A_965, %add3A_967 : vector<16xi32>
      %mul3A_969 = arith.constant 0 : i32
      %mul3A_970 = vector.broadcast %mul3A_969 : i32 to vector<16xi32>
      %mul3A_971 = arith.muli %iota3A, %mul3A_970 : vector<16xi32>
      %add3A_972 = arith.constant 32 : i32
      %add3A_973 = vector.broadcast %add3A_972 : i32 to vector<16xi32>
      %add3A_974 = arith.addi %mul3A_971, %add3A_973 : vector<16xi32>
      %add3A_975 = arith.addi %add3A_968, %add3A_974 : vector<16xi32>
      %shift_right_arithmetic3A_976 = arith.constant 1 : i32
      %shift_right_arithmetic3A_977 = vector.broadcast %shift_right_arithmetic3A_976 : i32 to vector<16xi32>
      %shift_right_arithmetic3A_978 = arith.shrsi %add3A_975, %shift_right_arithmetic3A_977 : vector<16xi32>
      %gather3A_979 = tpu.vector_load_idx %arg10[%shift_right_arithmetic3A_978] : memref<32xi32, #tpu.memory_space<vmem>>[vector<16xi32>], vector<16xi32>,
      %lt3A_980 = arith.cmpi slt, %gather3A_979, %get3A_889 : vector<16xi32>
      %add3A_981 = arith.constant 1 : i32
      %add3A_982 = vector.broadcast %add3A_981 : i32 to vector<16xi32>
      %add3A_983 = arith.addi %shift_right_arithmetic3A_978, %add3A_982 : vector<16xi32>
      %select_n3A_984 = arith.select %lt3A_980, %add3A_983, %add3A_968 : vector<16xi1>, vector<16xi32>
      %select_n3A_985 = arith.select %lt3A_980, %add3A_974, %shift_right_arithmetic3A_978 : vector<16xi1>, vector<16xi32>
      %add3A_986 = arith.addi %select_n3A_984, %select_n3A_985 : vector<16xi32>
      %shift_right_arithmetic3A_987 = arith.constant 1 : i32
      %shift_right_arithmetic3A_988 = vector.broadcast %shift_right_arithmetic3A_987 : i32 to vector<16xi32>
      %shift_right_arithmetic3A_989 = arith.shrsi %add3A_986, %shift_right_arithmetic3A_988 : vector<16xi32>
      %gather3A_990 = tpu.vector_load_idx %arg10[%shift_right_arithmetic3A_989] : memref<32xi32, #tpu.memory_space<vmem>>[vector<16xi32>], vector<16xi32>,
      %lt3A_991 = arith.cmpi slt, %gather3A_990, %get3A_889 : vector<16xi32>
      %add3A_992 = arith.constant 1 : i32
      %add3A_993 = vector.broadcast %add3A_992 : i32 to vector<16xi32>
      %add3A_994 = arith.addi %shift_right_arithmetic3A_989, %add3A_993 : vector<16xi32>
      %select_n3A_995 = arith.select %lt3A_991, %add3A_994, %select_n3A_984 : vector<16xi1>, vector<16xi32>
      %select_n3A_996 = arith.select %lt3A_991, %select_n3A_985, %shift_right_arithmetic3A_989 : vector<16xi1>, vector<16xi32>
      %add3A_997 = arith.addi %select_n3A_995, %select_n3A_996 : vector<16xi32>
      %shift_right_arithmetic3A_998 = arith.constant 1 : i32
      %shift_right_arithmetic3A_999 = vector.broadcast %shift_right_arithmetic3A_998 : i32 to vector<16xi32>
      %shift_right_arithmetic3A_1000 = arith.shrsi %add3A_997, %shift_right_arithmetic3A_999 : vector<16xi32>
      %gather3A_1001 = tpu.vector_load_idx %arg10[%shift_right_arithmetic3A_1000] : memref<32xi32, #tpu.memory_space<vmem>>[vector<16xi32>], vector<16xi32>,
      %lt3A_1002 = arith.cmpi slt, %gather3A_1001, %get3A_889 : vector<16xi32>
      %add3A_1003 = arith.constant 1 : i32
      %add3A_1004 = vector.broadcast %add3A_1003 : i32 to vector<16xi32>
      %add3A_1005 = arith.addi %shift_right_arithmetic3A_1000, %add3A_1004 : vector<16xi32>
      %select_n3A_1006 = arith.select %lt3A_1002, %add3A_1005, %select_n3A_995 : vector<16xi1>, vector<16xi32>
      %select_n3A_1007 = arith.select %lt3A_1002, %select_n3A_996, %shift_right_arithmetic3A_1000 : vector<16xi1>, vector<16xi32>
      %add3A_1008 = arith.addi %select_n3A_1006, %select_n3A_1007 : vector<16xi32>
      %shift_right_arithmetic3A_1009 = arith.constant 1 : i32
      %shift_right_arithmetic3A_1010 = vector.broadcast %shift_right_arithmetic3A_1009 : i32 to vector<16xi32>
      %shift_right_arithmetic3A_1011 = arith.shrsi %add3A_1008, %shift_right_arithmetic3A_1010 : vector<16xi32>
      %gather3A_1012 = tpu.vector_load_idx %arg10[%shift_right_arithmetic3A_1011] : memref<32xi32, #tpu.memory_space<vmem>>[vector<16xi32>], vector<16xi32>,
      %lt3A_1013 = arith.cmpi slt, %gather3A_1012, %get3A_889 : vector<16xi32>
      %add3A_1014 = arith.constant 1 : i32
      %add3A_1015 = vector.broadcast %add3A_1014 : i32 to vector<16xi32>
      %add3A_1016 = arith.addi %shift_right_arithmetic3A_1011, %add3A_1015 : vector<16xi32>
      %select_n3A_1017 = arith.select %lt3A_1013, %add3A_1016, %select_n3A_1006 : vector<16xi1>, vector<16xi32>
      %select_n3A_1018 = arith.select %lt3A_1013, %select_n3A_1007, %shift_right_arithmetic3A_1011 : vector<16xi1>, vector<16xi32>
      %add3A_1019 = arith.addi %select_n3A_1017, %select_n3A_1018 : vector<16xi32>
      %shift_right_arithmetic3A_1020 = arith.constant 1 : i32
      %shift_right_arithmetic3A_1021 = vector.broadcast %shift_right_arithmetic3A_1020 : i32 to vector<16xi32>
      %shift_right_arithmetic3A_1022 = arith.shrsi %add3A_1019, %shift_right_arithmetic3A_1021 : vector<16xi32>
      %gather3A_1023 = tpu.vector_load_idx %arg10[%shift_right_arithmetic3A_1022] : memref<32xi32, #tpu.memory_space<vmem>>[vector<16xi32>], vector<16xi32>,
      %lt3A_1024 = arith.cmpi slt, %gather3A_1023, %get3A_889 : vector<16xi32>
      %add3A_1025 = arith.constant 1 : i32
      %add3A_1026 = vector.broadcast %add3A_1025 : i32 to vector<16xi32>
      %add3A_1027 = arith.addi %shift_right_arithmetic3A_1022, %add3A_1026 : vector<16xi32>
      %select_n3A_1028 = arith.select %lt3A_1024, %add3A_1027, %select_n3A_1017 : vector<16xi1>, vector<16xi32>
      %select_n3A_1029 = arith.select %lt3A_1024, %select_n3A_1018, %shift_right_arithmetic3A_1022 : vector<16xi1>, vector<16xi32>
      %eq3A = arith.constant 9999 : i32
      %eq3A_1030 = vector.broadcast %eq3A : i32 to vector<16xi32>
      %eq3A_1031 = arith.cmpi eq, %get3A_894, %eq3A_1030 : vector<16xi32>
      %select_n3A_1032 = arith.select %eq3A_1031, %select_n3A_1028, %select_n3A_961 : vector<16xi1>, vector<16xi32>
      %lt3A_1033 = arith.cmpi slt, %gather3A_895, %get3A_889 : vector<16xi32>
      %jit3A = arith.constant 0 : i32
      %broadcast_in_dim3A = vector.broadcast %jit3A : i32 to vector<16xi32>
      %select_n3A_1034 = arith.select %lt3A_1033, %select_n3A_1032, %broadcast_in_dim3A : vector<16xi1>, vector<16xi32>
      %mul3A_1035 = arith.constant 32 : i32
      %mul3A_1036 = vector.broadcast %mul3A_1035 : i32 to vector<16xi32>
      %mul3A_1037 = arith.muli %get3A_894, %mul3A_1036 : vector<16xi32>
      %add3A_1038 = arith.addi %mul3A_1037, %select_n3A_1034 : vector<16xi32>
      %min3A = arith.constant 319999 : i32
      %min3A_1039 = vector.broadcast %min3A : i32 to vector<16xi32>
      %min3A_1040 = arith.minsi %add3A_1038, %min3A_1039 : vector<16xi32>
      %swap3A_1041 = arith.constant 0 : index
      %swap3A_1042 = tpu.vector_load %arg14[%swap3A_1041] {strides = array<i32>} : memref<80xi32, #tpu.memory_space<vmem>>, vector<16xi32>,
      tpu.vector_store %arg14[%swap3A_1041], %min3A_1040 {strides = array<i32>} : memref<80xi32, #tpu.memory_space<vmem>>, vector<16xi32>,
      %get3A_1043 = arith.constant 16 : index
      %get3A_1044 = tpu.vector_load %arg11[%get3A_1043] {strides = array<i32>} : memref<80xi32, #tpu.memory_space<vmem>>, vector<16xi32>,
      %add3A_1045 = arith.constant 16 : i32
      %add3A_1046 = vector.broadcast %add3A_1045 : i32 to vector<16xi32>
      %add3A_1047 = arith.addi %add3A_1046, %iota3A : vector<16xi32>
      %get3A_1048 = arith.constant 16 : index
      %get3A_1049 = tpu.vector_load %arg12[%get3A_1048] {strides = array<i32>} : memref<80xi32, #tpu.memory_space<vmem>>, vector<16xi32>,
      %gather3A_1050 = tpu.vector_load_idx %arg9[%get3A_1049] : memref<10000xi32, #tpu.memory_space<vmem>>[vector<16xi32>], vector<16xi32>,
      %mul3A_1051 = arith.constant 0 : i32
      %mul3A_1052 = vector.broadcast %mul3A_1051 : i32 to vector<16xi32>
      %mul3A_1053 = arith.muli %iota3A, %mul3A_1052 : vector<16xi32>
      %add3A_1054 = arith.constant 1 : i32
      %add3A_1055 = vector.broadcast %add3A_1054 : i32 to vector<16xi32>
      %add3A_1056 = arith.addi %mul3A_1053, %add3A_1055 : vector<16xi32>
      %mul3A_1057 = arith.constant 0 : i32
      %mul3A_1058 = vector.broadcast %mul3A_1057 : i32 to vector<16xi32>
      %mul3A_1059 = arith.muli %iota3A, %mul3A_1058 : vector<16xi32>
      %add3A_1060 = arith.constant 32 : i32
      %add3A_1061 = vector.broadcast %add3A_1060 : i32 to vector<16xi32>
      %add3A_1062 = arith.addi %mul3A_1059, %add3A_1061 : vector<16xi32>
      %add3A_1063 = arith.addi %add3A_1056, %add3A_1062 : vector<16xi32>
      %shift_right_arithmetic3A_1064 = arith.constant 1 : i32
      %shift_right_arithmetic3A_1065 = vector.broadcast %shift_right_arithmetic3A_1064 : i32 to vector<16xi32>
      %shift_right_arithmetic3A_1066 = arith.shrsi %add3A_1063, %shift_right_arithmetic3A_1065 : vector<16xi32>
      %gather3A_1067 = tpu.vector_load_idx %arg13[%add3A_1047, %shift_right_arithmetic3A_1066] : memref<80x32xi32, #tpu.memory_space<vmem>>[vector<16xi32>, vector<16xi32>], vector<16xi32>,
      %lt3A_1068 = arith.cmpi slt, %gather3A_1067, %get3A_1044 : vector<16xi32>
      %add3A_1069 = arith.constant 1 : i32
      %add3A_1070 = vector.broadcast %add3A_1069 : i32 to vector<16xi32>
      %add3A_1071 = arith.addi %shift_right_arithmetic3A_1066, %add3A_1070 : vector<16xi32>
      %select_n3A_1072 = arith.select %lt3A_1068, %add3A_1071, %add3A_1056 : vector<16xi1>, vector<16xi32>
      %select_n3A_1073 = arith.select %lt3A_1068, %add3A_1062, %shift_right_arithmetic3A_1066 : vector<16xi1>, vector<16xi32>
      %add3A_1074 = arith.addi %select_n3A_1072, %select_n3A_1073 : vector<16xi32>
      %shift_right_arithmetic3A_1075 = arith.constant 1 : i32
      %shift_right_arithmetic3A_1076 = vector.broadcast %shift_right_arithmetic3A_1075 : i32 to vector<16xi32>
      %shift_right_arithmetic3A_1077 = arith.shrsi %add3A_1074, %shift_right_arithmetic3A_1076 : vector<16xi32>
      %gather3A_1078 = tpu.vector_load_idx %arg13[%add3A_1047, %shift_right_arithmetic3A_1077] : memref<80x32xi32, #tpu.memory_space<vmem>>[vector<16xi32>, vector<16xi32>], vector<16xi32>,
      %lt3A_1079 = arith.cmpi slt, %gather3A_1078, %get3A_1044 : vector<16xi32>
      %add3A_1080 = arith.constant 1 : i32
      %add3A_1081 = vector.broadcast %add3A_1080 : i32 to vector<16xi32>
      %add3A_1082 = arith.addi %shift_right_arithmetic3A_1077, %add3A_1081 : vector<16xi32>
      %select_n3A_1083 = arith.select %lt3A_1079, %add3A_1082, %select_n3A_1072 : vector<16xi1>, vector<16xi32>
      %select_n3A_1084 = arith.select %lt3A_1079, %select_n3A_1073, %shift_right_arithmetic3A_1077 : vector<16xi1>, vector<16xi32>
      %add3A_1085 = arith.addi %select_n3A_1083, %select_n3A_1084 : vector<16xi32>
      %shift_right_arithmetic3A_1086 = arith.constant 1 : i32
      %shift_right_arithmetic3A_1087 = vector.broadcast %shift_right_arithmetic3A_1086 : i32 to vector<16xi32>
      %shift_right_arithmetic3A_1088 = arith.shrsi %add3A_1085, %shift_right_arithmetic3A_1087 : vector<16xi32>
      %gather3A_1089 = tpu.vector_load_idx %arg13[%add3A_1047, %shift_right_arithmetic3A_1088] : memref<80x32xi32, #tpu.memory_space<vmem>>[vector<16xi32>, vector<16xi32>], vector<16xi32>,
      %lt3A_1090 = arith.cmpi slt, %gather3A_1089, %get3A_1044 : vector<16xi32>
      %add3A_1091 = arith.constant 1 : i32
      %add3A_1092 = vector.broadcast %add3A_1091 : i32 to vector<16xi32>
      %add3A_1093 = arith.addi %shift_right_arithmetic3A_1088, %add3A_1092 : vector<16xi32>
      %select_n3A_1094 = arith.select %lt3A_1090, %add3A_1093, %select_n3A_1083 : vector<16xi1>, vector<16xi32>
      %select_n3A_1095 = arith.select %lt3A_1090, %select_n3A_1084, %shift_right_arithmetic3A_1088 : vector<16xi1>, vector<16xi32>
      %add3A_1096 = arith.addi %select_n3A_1094, %select_n3A_1095 : vector<16xi32>
      %shift_right_arithmetic3A_1097 = arith.constant 1 : i32
      %shift_right_arithmetic3A_1098 = vector.broadcast %shift_right_arithmetic3A_1097 : i32 to vector<16xi32>
      %shift_right_arithmetic3A_1099 = arith.shrsi %add3A_1096, %shift_right_arithmetic3A_1098 : vector<16xi32>
      %gather3A_1100 = tpu.vector_load_idx %arg13[%add3A_1047, %shift_right_arithmetic3A_1099] : memref<80x32xi32, #tpu.memory_space<vmem>>[vector<16xi32>, vector<16xi32>], vector<16xi32>,
      %lt3A_1101 = arith.cmpi slt, %gather3A_1100, %get3A_1044 : vector<16xi32>
      %add3A_1102 = arith.constant 1 : i32
      %add3A_1103 = vector.broadcast %add3A_1102 : i32 to vector<16xi32>
      %add3A_1104 = arith.addi %shift_right_arithmetic3A_1099, %add3A_1103 : vector<16xi32>
      %select_n3A_1105 = arith.select %lt3A_1101, %add3A_1104, %select_n3A_1094 : vector<16xi1>, vector<16xi32>
      %select_n3A_1106 = arith.select %lt3A_1101, %select_n3A_1095, %shift_right_arithmetic3A_1099 : vector<16xi1>, vector<16xi32>
      %add3A_1107 = arith.addi %select_n3A_1105, %select_n3A_1106 : vector<16xi32>
      %shift_right_arithmetic3A_1108 = arith.constant 1 : i32
      %shift_right_arithmetic3A_1109 = vector.broadcast %shift_right_arithmetic3A_1108 : i32 to vector<16xi32>
      %shift_right_arithmetic3A_1110 = arith.shrsi %add3A_1107, %shift_right_arithmetic3A_1109 : vector<16xi32>
      %gather3A_1111 = tpu.vector_load_idx %arg13[%add3A_1047, %shift_right_arithmetic3A_1110] : memref<80x32xi32, #tpu.memory_space<vmem>>[vector<16xi32>, vector<16xi32>], vector<16xi32>,
      %lt3A_1112 = arith.cmpi slt, %gather3A_1111, %get3A_1044 : vector<16xi32>
      %add3A_1113 = arith.constant 1 : i32
      %add3A_1114 = vector.broadcast %add3A_1113 : i32 to vector<16xi32>
      %add3A_1115 = arith.addi %shift_right_arithmetic3A_1110, %add3A_1114 : vector<16xi32>
      %select_n3A_1116 = arith.select %lt3A_1112, %add3A_1115, %select_n3A_1105 : vector<16xi1>, vector<16xi32>
      %select_n3A_1117 = arith.select %lt3A_1112, %select_n3A_1106, %shift_right_arithmetic3A_1110 : vector<16xi1>, vector<16xi32>
      %mul3A_1118 = arith.constant 0 : i32
      %mul3A_1119 = vector.broadcast %mul3A_1118 : i32 to vector<16xi32>
      %mul3A_1120 = arith.muli %iota3A, %mul3A_1119 : vector<16xi32>
      %add3A_1121 = arith.constant 1 : i32
      %add3A_1122 = vector.broadcast %add3A_1121 : i32 to vector<16xi32>
      %add3A_1123 = arith.addi %mul3A_1120, %add3A_1122 : vector<16xi32>
      %mul3A_1124 = arith.constant 0 : i32
      %mul3A_1125 = vector.broadcast %mul3A_1124 : i32 to vector<16xi32>
      %mul3A_1126 = arith.muli %iota3A, %mul3A_1125 : vector<16xi32>
      %add3A_1127 = arith.constant 32 : i32
      %add3A_1128 = vector.broadcast %add3A_1127 : i32 to vector<16xi32>
      %add3A_1129 = arith.addi %mul3A_1126, %add3A_1128 : vector<16xi32>
      %add3A_1130 = arith.addi %add3A_1123, %add3A_1129 : vector<16xi32>
      %shift_right_arithmetic3A_1131 = arith.constant 1 : i32
      %shift_right_arithmetic3A_1132 = vector.broadcast %shift_right_arithmetic3A_1131 : i32 to vector<16xi32>
      %shift_right_arithmetic3A_1133 = arith.shrsi %add3A_1130, %shift_right_arithmetic3A_1132 : vector<16xi32>
      %gather3A_1134 = tpu.vector_load_idx %arg10[%shift_right_arithmetic3A_1133] : memref<32xi32, #tpu.memory_space<vmem>>[vector<16xi32>], vector<16xi32>,
      %lt3A_1135 = arith.cmpi slt, %gather3A_1134, %get3A_1044 : vector<16xi32>
      %add3A_1136 = arith.constant 1 : i32
      %add3A_1137 = vector.broadcast %add3A_1136 : i32 to vector<16xi32>
      %add3A_1138 = arith.addi %shift_right_arithmetic3A_1133, %add3A_1137 : vector<16xi32>
      %select_n3A_1139 = arith.select %lt3A_1135, %add3A_1138, %add3A_1123 : vector<16xi1>, vector<16xi32>
      %select_n3A_1140 = arith.select %lt3A_1135, %add3A_1129, %shift_right_arithmetic3A_1133 : vector<16xi1>, vector<16xi32>
      %add3A_1141 = arith.addi %select_n3A_1139, %select_n3A_1140 : vector<16xi32>
      %shift_right_arithmetic3A_1142 = arith.constant 1 : i32
      %shift_right_arithmetic3A_1143 = vector.broadcast %shift_right_arithmetic3A_1142 : i32 to vector<16xi32>
      %shift_right_arithmetic3A_1144 = arith.shrsi %add3A_1141, %shift_right_arithmetic3A_1143 : vector<16xi32>
      %gather3A_1145 = tpu.vector_load_idx %arg10[%shift_right_arithmetic3A_1144] : memref<32xi32, #tpu.memory_space<vmem>>[vector<16xi32>], vector<16xi32>,
      %lt3A_1146 = arith.cmpi slt, %gather3A_1145, %get3A_1044 : vector<16xi32>
      %add3A_1147 = arith.constant 1 : i32
      %add3A_1148 = vector.broadcast %add3A_1147 : i32 to vector<16xi32>
      %add3A_1149 = arith.addi %shift_right_arithmetic3A_1144, %add3A_1148 : vector<16xi32>
      %select_n3A_1150 = arith.select %lt3A_1146, %add3A_1149, %select_n3A_1139 : vector<16xi1>, vector<16xi32>
      %select_n3A_1151 = arith.select %lt3A_1146, %select_n3A_1140, %shift_right_arithmetic3A_1144 : vector<16xi1>, vector<16xi32>
      %add3A_1152 = arith.addi %select_n3A_1150, %select_n3A_1151 : vector<16xi32>
      %shift_right_arithmetic3A_1153 = arith.constant 1 : i32
      %shift_right_arithmetic3A_1154 = vector.broadcast %shift_right_arithmetic3A_1153 : i32 to vector<16xi32>
      %shift_right_arithmetic3A_1155 = arith.shrsi %add3A_1152, %shift_right_arithmetic3A_1154 : vector<16xi32>
      %gather3A_1156 = tpu.vector_load_idx %arg10[%shift_right_arithmetic3A_1155] : memref<32xi32, #tpu.memory_space<vmem>>[vector<16xi32>], vector<16xi32>,
      %lt3A_1157 = arith.cmpi slt, %gather3A_1156, %get3A_1044 : vector<16xi32>
      %add3A_1158 = arith.constant 1 : i32
      %add3A_1159 = vector.broadcast %add3A_1158 : i32 to vector<16xi32>
      %add3A_1160 = arith.addi %shift_right_arithmetic3A_1155, %add3A_1159 : vector<16xi32>
      %select_n3A_1161 = arith.select %lt3A_1157, %add3A_1160, %select_n3A_1150 : vector<16xi1>, vector<16xi32>
      %select_n3A_1162 = arith.select %lt3A_1157, %select_n3A_1151, %shift_right_arithmetic3A_1155 : vector<16xi1>, vector<16xi32>
      %add3A_1163 = arith.addi %select_n3A_1161, %select_n3A_1162 : vector<16xi32>
      %shift_right_arithmetic3A_1164 = arith.constant 1 : i32
      %shift_right_arithmetic3A_1165 = vector.broadcast %shift_right_arithmetic3A_1164 : i32 to vector<16xi32>
      %shift_right_arithmetic3A_1166 = arith.shrsi %add3A_1163, %shift_right_arithmetic3A_1165 : vector<16xi32>
      %gather3A_1167 = tpu.vector_load_idx %arg10[%shift_right_arithmetic3A_1166] : memref<32xi32, #tpu.memory_space<vmem>>[vector<16xi32>], vector<16xi32>,
      %lt3A_1168 = arith.cmpi slt, %gather3A_1167, %get3A_1044 : vector<16xi32>
      %add3A_1169 = arith.constant 1 : i32
      %add3A_1170 = vector.broadcast %add3A_1169 : i32 to vector<16xi32>
      %add3A_1171 = arith.addi %shift_right_arithmetic3A_1166, %add3A_1170 : vector<16xi32>
      %select_n3A_1172 = arith.select %lt3A_1168, %add3A_1171, %select_n3A_1161 : vector<16xi1>, vector<16xi32>
      %select_n3A_1173 = arith.select %lt3A_1168, %select_n3A_1162, %shift_right_arithmetic3A_1166 : vector<16xi1>, vector<16xi32>
      %add3A_1174 = arith.addi %select_n3A_1172, %select_n3A_1173 : vector<16xi32>
      %shift_right_arithmetic3A_1175 = arith.constant 1 : i32
      %shift_right_arithmetic3A_1176 = vector.broadcast %shift_right_arithmetic3A_1175 : i32 to vector<16xi32>
      %shift_right_arithmetic3A_1177 = arith.shrsi %add3A_1174, %shift_right_arithmetic3A_1176 : vector<16xi32>
      %gather3A_1178 = tpu.vector_load_idx %arg10[%shift_right_arithmetic3A_1177] : memref<32xi32, #tpu.memory_space<vmem>>[vector<16xi32>], vector<16xi32>,
      %lt3A_1179 = arith.cmpi slt, %gather3A_1178, %get3A_1044 : vector<16xi32>
      %add3A_1180 = arith.constant 1 : i32
      %add3A_1181 = vector.broadcast %add3A_1180 : i32 to vector<16xi32>
      %add3A_1182 = arith.addi %shift_right_arithmetic3A_1177, %add3A_1181 : vector<16xi32>
      %select_n3A_1183 = arith.select %lt3A_1179, %add3A_1182, %select_n3A_1172 : vector<16xi1>, vector<16xi32>
      %select_n3A_1184 = arith.select %lt3A_1179, %select_n3A_1173, %shift_right_arithmetic3A_1177 : vector<16xi1>, vector<16xi32>
      %eq3A_1185 = arith.constant 9999 : i32
      %eq3A_1186 = vector.broadcast %eq3A_1185 : i32 to vector<16xi32>
      %eq3A_1187 = arith.cmpi eq, %get3A_1049, %eq3A_1186 : vector<16xi32>
      %select_n3A_1188 = arith.select %eq3A_1187, %select_n3A_1183, %select_n3A_1116 : vector<16xi1>, vector<16xi32>
      %lt3A_1189 = arith.cmpi slt, %gather3A_1050, %get3A_1044 : vector<16xi32>
      %jit3A_1190 = arith.constant 0 : i32
      %broadcast_in_dim3A_1191 = vector.broadcast %jit3A_1190 : i32 to vector<16xi32>
      %select_n3A_1192 = arith.select %lt3A_1189, %select_n3A_1188, %broadcast_in_dim3A_1191 : vector<16xi1>, vector<16xi32>
      %mul3A_1193 = arith.constant 32 : i32
      %mul3A_1194 = vector.broadcast %mul3A_1193 : i32 to vector<16xi32>
      %mul3A_1195 = arith.muli %get3A_1049, %mul3A_1194 : vector<16xi32>
      %add3A_1196 = arith.addi %mul3A_1195, %select_n3A_1192 : vector<16xi32>
      %min3A_1197 = arith.constant 319999 : i32
      %min3A_1198 = vector.broadcast %min3A_1197 : i32 to vector<16xi32>
      %min3A_1199 = arith.minsi %add3A_1196, %min3A_1198 : vector<16xi32>
      %swap3A_1200 = arith.constant 16 : index
      %swap3A_1201 = tpu.vector_load %arg14[%swap3A_1200] {strides = array<i32>} : memref<80xi32, #tpu.memory_space<vmem>>, vector<16xi32>,
      tpu.vector_store %arg14[%swap3A_1200], %min3A_1199 {strides = array<i32>} : memref<80xi32, #tpu.memory_space<vmem>>, vector<16xi32>,
      %get3A_1202 = arith.constant 32 : index
      %get3A_1203 = tpu.vector_load %arg11[%get3A_1202] {strides = array<i32>} : memref<80xi32, #tpu.memory_space<vmem>>, vector<16xi32>,
      %add3A_1204 = arith.constant 32 : i32
      %add3A_1205 = vector.broadcast %add3A_1204 : i32 to vector<16xi32>
      %add3A_1206 = arith.addi %add3A_1205, %iota3A : vector<16xi32>
      %get3A_1207 = arith.constant 32 : index
      %get3A_1208 = tpu.vector_load %arg12[%get3A_1207] {strides = array<i32>} : memref<80xi32, #tpu.memory_space<vmem>>, vector<16xi32>,
      %gather3A_1209 = tpu.vector_load_idx %arg9[%get3A_1208] : memref<10000xi32, #tpu.memory_space<vmem>>[vector<16xi32>], vector<16xi32>,
      %mul3A_1210 = arith.constant 0 : i32
      %mul3A_1211 = vector.broadcast %mul3A_1210 : i32 to vector<16xi32>
      %mul3A_1212 = arith.muli %iota3A, %mul3A_1211 : vector<16xi32>
      %add3A_1213 = arith.constant 1 : i32
      %add3A_1214 = vector.broadcast %add3A_1213 : i32 to vector<16xi32>
      %add3A_1215 = arith.addi %mul3A_1212, %add3A_1214 : vector<16xi32>
      %mul3A_1216 = arith.constant 0 : i32
      %mul3A_1217 = vector.broadcast %mul3A_1216 : i32 to vector<16xi32>
      %mul3A_1218 = arith.muli %iota3A, %mul3A_1217 : vector<16xi32>
      %add3A_1219 = arith.constant 32 : i32
      %add3A_1220 = vector.broadcast %add3A_1219 : i32 to vector<16xi32>
      %add3A_1221 = arith.addi %mul3A_1218, %add3A_1220 : vector<16xi32>
      %add3A_1222 = arith.addi %add3A_1215, %add3A_1221 : vector<16xi32>
      %shift_right_arithmetic3A_1223 = arith.constant 1 : i32
      %shift_right_arithmetic3A_1224 = vector.broadcast %shift_right_arithmetic3A_1223 : i32 to vector<16xi32>
      %shift_right_arithmetic3A_1225 = arith.shrsi %add3A_1222, %shift_right_arithmetic3A_1224 : vector<16xi32>
      %gather3A_1226 = tpu.vector_load_idx %arg13[%add3A_1206, %shift_right_arithmetic3A_1225] : memref<80x32xi32, #tpu.memory_space<vmem>>[vector<16xi32>, vector<16xi32>], vector<16xi32>,
      %lt3A_1227 = arith.cmpi slt, %gather3A_1226, %get3A_1203 : vector<16xi32>
      %add3A_1228 = arith.constant 1 : i32
      %add3A_1229 = vector.broadcast %add3A_1228 : i32 to vector<16xi32>
      %add3A_1230 = arith.addi %shift_right_arithmetic3A_1225, %add3A_1229 : vector<16xi32>
      %select_n3A_1231 = arith.select %lt3A_1227, %add3A_1230, %add3A_1215 : vector<16xi1>, vector<16xi32>
      %select_n3A_1232 = arith.select %lt3A_1227, %add3A_1221, %shift_right_arithmetic3A_1225 : vector<16xi1>, vector<16xi32>
      %add3A_1233 = arith.addi %select_n3A_1231, %select_n3A_1232 : vector<16xi32>
      %shift_right_arithmetic3A_1234 = arith.constant 1 : i32
      %shift_right_arithmetic3A_1235 = vector.broadcast %shift_right_arithmetic3A_1234 : i32 to vector<16xi32>
      %shift_right_arithmetic3A_1236 = arith.shrsi %add3A_1233, %shift_right_arithmetic3A_1235 : vector<16xi32>
      %gather3A_1237 = tpu.vector_load_idx %arg13[%add3A_1206, %shift_right_arithmetic3A_1236] : memref<80x32xi32, #tpu.memory_space<vmem>>[vector<16xi32>, vector<16xi32>], vector<16xi32>,
      %lt3A_1238 = arith.cmpi slt, %gather3A_1237, %get3A_1203 : vector<16xi32>
      %add3A_1239 = arith.constant 1 : i32
      %add3A_1240 = vector.broadcast %add3A_1239 : i32 to vector<16xi32>
      %add3A_1241 = arith.addi %shift_right_arithmetic3A_1236, %add3A_1240 : vector<16xi32>
      %select_n3A_1242 = arith.select %lt3A_1238, %add3A_1241, %select_n3A_1231 : vector<16xi1>, vector<16xi32>
      %select_n3A_1243 = arith.select %lt3A_1238, %select_n3A_1232, %shift_right_arithmetic3A_1236 : vector<16xi1>, vector<16xi32>
      %add3A_1244 = arith.addi %select_n3A_1242, %select_n3A_1243 : vector<16xi32>
      %shift_right_arithmetic3A_1245 = arith.constant 1 : i32
      %shift_right_arithmetic3A_1246 = vector.broadcast %shift_right_arithmetic3A_1245 : i32 to vector<16xi32>
      %shift_right_arithmetic3A_1247 = arith.shrsi %add3A_1244, %shift_right_arithmetic3A_1246 : vector<16xi32>
      %gather3A_1248 = tpu.vector_load_idx %arg13[%add3A_1206, %shift_right_arithmetic3A_1247] : memref<80x32xi32, #tpu.memory_space<vmem>>[vector<16xi32>, vector<16xi32>], vector<16xi32>,
      %lt3A_1249 = arith.cmpi slt, %gather3A_1248, %get3A_1203 : vector<16xi32>
      %add3A_1250 = arith.constant 1 : i32
      %add3A_1251 = vector.broadcast %add3A_1250 : i32 to vector<16xi32>
      %add3A_1252 = arith.addi %shift_right_arithmetic3A_1247, %add3A_1251 : vector<16xi32>
      %select_n3A_1253 = arith.select %lt3A_1249, %add3A_1252, %select_n3A_1242 : vector<16xi1>, vector<16xi32>
      %select_n3A_1254 = arith.select %lt3A_1249, %select_n3A_1243, %shift_right_arithmetic3A_1247 : vector<16xi1>, vector<16xi32>
      %add3A_1255 = arith.addi %select_n3A_1253, %select_n3A_1254 : vector<16xi32>
      %shift_right_arithmetic3A_1256 = arith.constant 1 : i32
      %shift_right_arithmetic3A_1257 = vector.broadcast %shift_right_arithmetic3A_1256 : i32 to vector<16xi32>
      %shift_right_arithmetic3A_1258 = arith.shrsi %add3A_1255, %shift_right_arithmetic3A_1257 : vector<16xi32>
      %gather3A_1259 = tpu.vector_load_idx %arg13[%add3A_1206, %shift_right_arithmetic3A_1258] : memref<80x32xi32, #tpu.memory_space<vmem>>[vector<16xi32>, vector<16xi32>], vector<16xi32>,
      %lt3A_1260 = arith.cmpi slt, %gather3A_1259, %get3A_1203 : vector<16xi32>
      %add3A_1261 = arith.constant 1 : i32
      %add3A_1262 = vector.broadcast %add3A_1261 : i32 to vector<16xi32>
      %add3A_1263 = arith.addi %shift_right_arithmetic3A_1258, %add3A_1262 : vector<16xi32>
      %select_n3A_1264 = arith.select %lt3A_1260, %add3A_1263, %select_n3A_1253 : vector<16xi1>, vector<16xi32>
      %select_n3A_1265 = arith.select %lt3A_1260, %select_n3A_1254, %shift_right_arithmetic3A_1258 : vector<16xi1>, vector<16xi32>
      %add3A_1266 = arith.addi %select_n3A_1264, %select_n3A_1265 : vector<16xi32>
      %shift_right_arithmetic3A_1267 = arith.constant 1 : i32
      %shift_right_arithmetic3A_1268 = vector.broadcast %shift_right_arithmetic3A_1267 : i32 to vector<16xi32>
      %shift_right_arithmetic3A_1269 = arith.shrsi %add3A_1266, %shift_right_arithmetic3A_1268 : vector<16xi32>
      %gather3A_1270 = tpu.vector_load_idx %arg13[%add3A_1206, %shift_right_arithmetic3A_1269] : memref<80x32xi32, #tpu.memory_space<vmem>>[vector<16xi32>, vector<16xi32>], vector<16xi32>,
      %lt3A_1271 = arith.cmpi slt, %gather3A_1270, %get3A_1203 : vector<16xi32>
      %add3A_1272 = arith.constant 1 : i32
      %add3A_1273 = vector.broadcast %add3A_1272 : i32 to vector<16xi32>
      %add3A_1274 = arith.addi %shift_right_arithmetic3A_1269, %add3A_1273 : vector<16xi32>
      %select_n3A_1275 = arith.select %lt3A_1271, %add3A_1274, %select_n3A_1264 : vector<16xi1>, vector<16xi32>
      %select_n3A_1276 = arith.select %lt3A_1271, %select_n3A_1265, %shift_right_arithmetic3A_1269 : vector<16xi1>, vector<16xi32>
      %mul3A_1277 = arith.constant 0 : i32
      %mul3A_1278 = vector.broadcast %mul3A_1277 : i32 to vector<16xi32>
      %mul3A_1279 = arith.muli %iota3A, %mul3A_1278 : vector<16xi32>
      %add3A_1280 = arith.constant 1 : i32
      %add3A_1281 = vector.broadcast %add3A_1280 : i32 to vector<16xi32>
      %add3A_1282 = arith.addi %mul3A_1279, %add3A_1281 : vector<16xi32>
      %mul3A_1283 = arith.constant 0 : i32
      %mul3A_1284 = vector.broadcast %mul3A_1283 : i32 to vector<16xi32>
      %mul3A_1285 = arith.muli %iota3A, %mul3A_1284 : vector<16xi32>
      %add3A_1286 = arith.constant 32 : i32
      %add3A_1287 = vector.broadcast %add3A_1286 : i32 to vector<16xi32>
      %add3A_1288 = arith.addi %mul3A_1285, %add3A_1287 : vector<16xi32>
      %add3A_1289 = arith.addi %add3A_1282, %add3A_1288 : vector<16xi32>
      %shift_right_arithmetic3A_1290 = arith.constant 1 : i32
      %shift_right_arithmetic3A_1291 = vector.broadcast %shift_right_arithmetic3A_1290 : i32 to vector<16xi32>
      %shift_right_arithmetic3A_1292 = arith.shrsi %add3A_1289, %shift_right_arithmetic3A_1291 : vector<16xi32>
      %gather3A_1293 = tpu.vector_load_idx %arg10[%shift_right_arithmetic3A_1292] : memref<32xi32, #tpu.memory_space<vmem>>[vector<16xi32>], vector<16xi32>,
      %lt3A_1294 = arith.cmpi slt, %gather3A_1293, %get3A_1203 : vector<16xi32>
      %add3A_1295 = arith.constant 1 : i32
      %add3A_1296 = vector.broadcast %add3A_1295 : i32 to vector<16xi32>
      %add3A_1297 = arith.addi %shift_right_arithmetic3A_1292, %add3A_1296 : vector<16xi32>
      %select_n3A_1298 = arith.select %lt3A_1294, %add3A_1297, %add3A_1282 : vector<16xi1>, vector<16xi32>
      %select_n3A_1299 = arith.select %lt3A_1294, %add3A_1288, %shift_right_arithmetic3A_1292 : vector<16xi1>, vector<16xi32>
      %add3A_1300 = arith.addi %select_n3A_1298, %select_n3A_1299 : vector<16xi32>
      %shift_right_arithmetic3A_1301 = arith.constant 1 : i32
      %shift_right_arithmetic3A_1302 = vector.broadcast %shift_right_arithmetic3A_1301 : i32 to vector<16xi32>
      %shift_right_arithmetic3A_1303 = arith.shrsi %add3A_1300, %shift_right_arithmetic3A_1302 : vector<16xi32>
      %gather3A_1304 = tpu.vector_load_idx %arg10[%shift_right_arithmetic3A_1303] : memref<32xi32, #tpu.memory_space<vmem>>[vector<16xi32>], vector<16xi32>,
      %lt3A_1305 = arith.cmpi slt, %gather3A_1304, %get3A_1203 : vector<16xi32>
      %add3A_1306 = arith.constant 1 : i32
      %add3A_1307 = vector.broadcast %add3A_1306 : i32 to vector<16xi32>
      %add3A_1308 = arith.addi %shift_right_arithmetic3A_1303, %add3A_1307 : vector<16xi32>
      %select_n3A_1309 = arith.select %lt3A_1305, %add3A_1308, %select_n3A_1298 : vector<16xi1>, vector<16xi32>
      %select_n3A_1310 = arith.select %lt3A_1305, %select_n3A_1299, %shift_right_arithmetic3A_1303 : vector<16xi1>, vector<16xi32>
      %add3A_1311 = arith.addi %select_n3A_1309, %select_n3A_1310 : vector<16xi32>
      %shift_right_arithmetic3A_1312 = arith.constant 1 : i32
      %shift_right_arithmetic3A_1313 = vector.broadcast %shift_right_arithmetic3A_1312 : i32 to vector<16xi32>
      %shift_right_arithmetic3A_1314 = arith.shrsi %add3A_1311, %shift_right_arithmetic3A_1313 : vector<16xi32>
      %gather3A_1315 = tpu.vector_load_idx %arg10[%shift_right_arithmetic3A_1314] : memref<32xi32, #tpu.memory_space<vmem>>[vector<16xi32>], vector<16xi32>,
      %lt3A_1316 = arith.cmpi slt, %gather3A_1315, %get3A_1203 : vector<16xi32>
      %add3A_1317 = arith.constant 1 : i32
      %add3A_1318 = vector.broadcast %add3A_1317 : i32 to vector<16xi32>
      %add3A_1319 = arith.addi %shift_right_arithmetic3A_1314, %add3A_1318 : vector<16xi32>
      %select_n3A_1320 = arith.select %lt3A_1316, %add3A_1319, %select_n3A_1309 : vector<16xi1>, vector<16xi32>
      %select_n3A_1321 = arith.select %lt3A_1316, %select_n3A_1310, %shift_right_arithmetic3A_1314 : vector<16xi1>, vector<16xi32>
      %add3A_1322 = arith.addi %select_n3A_1320, %select_n3A_1321 : vector<16xi32>
      %shift_right_arithmetic3A_1323 = arith.constant 1 : i32
      %shift_right_arithmetic3A_1324 = vector.broadcast %shift_right_arithmetic3A_1323 : i32 to vector<16xi32>
      %shift_right_arithmetic3A_1325 = arith.shrsi %add3A_1322, %shift_right_arithmetic3A_1324 : vector<16xi32>
      %gather3A_1326 = tpu.vector_load_idx %arg10[%shift_right_arithmetic3A_1325] : memref<32xi32, #tpu.memory_space<vmem>>[vector<16xi32>], vector<16xi32>,
      %lt3A_1327 = arith.cmpi slt, %gather3A_1326, %get3A_1203 : vector<16xi32>
      %add3A_1328 = arith.constant 1 : i32
      %add3A_1329 = vector.broadcast %add3A_1328 : i32 to vector<16xi32>
      %add3A_1330 = arith.addi %shift_right_arithmetic3A_1325, %add3A_1329 : vector<16xi32>
      %select_n3A_1331 = arith.select %lt3A_1327, %add3A_1330, %select_n3A_1320 : vector<16xi1>, vector<16xi32>
      %select_n3A_1332 = arith.select %lt3A_1327, %select_n3A_1321, %shift_right_arithmetic3A_1325 : vector<16xi1>, vector<16xi32>
      %add3A_1333 = arith.addi %select_n3A_1331, %select_n3A_1332 : vector<16xi32>
      %shift_right_arithmetic3A_1334 = arith.constant 1 : i32
      %shift_right_arithmetic3A_1335 = vector.broadcast %shift_right_arithmetic3A_1334 : i32 to vector<16xi32>
      %shift_right_arithmetic3A_1336 = arith.shrsi %add3A_1333, %shift_right_arithmetic3A_1335 : vector<16xi32>
      %gather3A_1337 = tpu.vector_load_idx %arg10[%shift_right_arithmetic3A_1336] : memref<32xi32, #tpu.memory_space<vmem>>[vector<16xi32>], vector<16xi32>,
      %lt3A_1338 = arith.cmpi slt, %gather3A_1337, %get3A_1203 : vector<16xi32>
      %add3A_1339 = arith.constant 1 : i32
      %add3A_1340 = vector.broadcast %add3A_1339 : i32 to vector<16xi32>
      %add3A_1341 = arith.addi %shift_right_arithmetic3A_1336, %add3A_1340 : vector<16xi32>
      %select_n3A_1342 = arith.select %lt3A_1338, %add3A_1341, %select_n3A_1331 : vector<16xi1>, vector<16xi32>
      %select_n3A_1343 = arith.select %lt3A_1338, %select_n3A_1332, %shift_right_arithmetic3A_1336 : vector<16xi1>, vector<16xi32>
      %eq3A_1344 = arith.constant 9999 : i32
      %eq3A_1345 = vector.broadcast %eq3A_1344 : i32 to vector<16xi32>
      %eq3A_1346 = arith.cmpi eq, %get3A_1208, %eq3A_1345 : vector<16xi32>
      %select_n3A_1347 = arith.select %eq3A_1346, %select_n3A_1342, %select_n3A_1275 : vector<16xi1>, vector<16xi32>
      %lt3A_1348 = arith.cmpi slt, %gather3A_1209, %get3A_1203 : vector<16xi32>
      %jit3A_1349 = arith.constant 0 : i32
      %broadcast_in_dim3A_1350 = vector.broadcast %jit3A_1349 : i32 to vector<16xi32>
      %select_n3A_1351 = arith.select %lt3A_1348, %select_n3A_1347, %broadcast_in_dim3A_1350 : vector<16xi1>, vector<16xi32>
      %mul3A_1352 = arith.constant 32 : i32
      %mul3A_1353 = vector.broadcast %mul3A_1352 : i32 to vector<16xi32>
      %mul3A_1354 = arith.muli %get3A_1208, %mul3A_1353 : vector<16xi32>
      %add3A_1355 = arith.addi %mul3A_1354, %select_n3A_1351 : vector<16xi32>
      %min3A_1356 = arith.constant 319999 : i32
      %min3A_1357 = vector.broadcast %min3A_1356 : i32 to vector<16xi32>
      %min3A_1358 = arith.minsi %add3A_1355, %min3A_1357 : vector<16xi32>
      %swap3A_1359 = arith.constant 32 : index
      %swap3A_1360 = tpu.vector_load %arg14[%swap3A_1359] {strides = array<i32>} : memref<80xi32, #tpu.memory_space<vmem>>, vector<16xi32>,
      tpu.vector_store %arg14[%swap3A_1359], %min3A_1358 {strides = array<i32>} : memref<80xi32, #tpu.memory_space<vmem>>, vector<16xi32>,
      %get3A_1361 = arith.constant 48 : index
      %get3A_1362 = tpu.vector_load %arg11[%get3A_1361] {strides = array<i32>} : memref<80xi32, #tpu.memory_space<vmem>>, vector<16xi32>,
      %add3A_1363 = arith.constant 48 : i32
      %add3A_1364 = vector.broadcast %add3A_1363 : i32 to vector<16xi32>
      %add3A_1365 = arith.addi %add3A_1364, %iota3A : vector<16xi32>
      %get3A_1366 = arith.constant 48 : index
      %get3A_1367 = tpu.vector_load %arg12[%get3A_1366] {strides = array<i32>} : memref<80xi32, #tpu.memory_space<vmem>>, vector<16xi32>,
      %gather3A_1368 = tpu.vector_load_idx %arg9[%get3A_1367] : memref<10000xi32, #tpu.memory_space<vmem>>[vector<16xi32>], vector<16xi32>,
      %mul3A_1369 = arith.constant 0 : i32
      %mul3A_1370 = vector.broadcast %mul3A_1369 : i32 to vector<16xi32>
      %mul3A_1371 = arith.muli %iota3A, %mul3A_1370 : vector<16xi32>
      %add3A_1372 = arith.constant 1 : i32
      %add3A_1373 = vector.broadcast %add3A_1372 : i32 to vector<16xi32>
      %add3A_1374 = arith.addi %mul3A_1371, %add3A_1373 : vector<16xi32>
      %mul3A_1375 = arith.constant 0 : i32
      %mul3A_1376 = vector.broadcast %mul3A_1375 : i32 to vector<16xi32>
      %mul3A_1377 = arith.muli %iota3A, %mul3A_1376 : vector<16xi32>
      %add3A_1378 = arith.constant 32 : i32
      %add3A_1379 = vector.broadcast %add3A_1378 : i32 to vector<16xi32>
      %add3A_1380 = arith.addi %mul3A_1377, %add3A_1379 : vector<16xi32>
      %add3A_1381 = arith.addi %add3A_1374, %add3A_1380 : vector<16xi32>
      %shift_right_arithmetic3A_1382 = arith.constant 1 : i32
      %shift_right_arithmetic3A_1383 = vector.broadcast %shift_right_arithmetic3A_1382 : i32 to vector<16xi32>
      %shift_right_arithmetic3A_1384 = arith.shrsi %add3A_1381, %shift_right_arithmetic3A_1383 : vector<16xi32>
      %gather3A_1385 = tpu.vector_load_idx %arg13[%add3A_1365, %shift_right_arithmetic3A_1384] : memref<80x32xi32, #tpu.memory_space<vmem>>[vector<16xi32>, vector<16xi32>], vector<16xi32>,
      %lt3A_1386 = arith.cmpi slt, %gather3A_1385, %get3A_1362 : vector<16xi32>
      %add3A_1387 = arith.constant 1 : i32
      %add3A_1388 = vector.broadcast %add3A_1387 : i32 to vector<16xi32>
      %add3A_1389 = arith.addi %shift_right_arithmetic3A_1384, %add3A_1388 : vector<16xi32>
      %select_n3A_1390 = arith.select %lt3A_1386, %add3A_1389, %add3A_1374 : vector<16xi1>, vector<16xi32>
      %select_n3A_1391 = arith.select %lt3A_1386, %add3A_1380, %shift_right_arithmetic3A_1384 : vector<16xi1>, vector<16xi32>
      %add3A_1392 = arith.addi %select_n3A_1390, %select_n3A_1391 : vector<16xi32>
      %shift_right_arithmetic3A_1393 = arith.constant 1 : i32
      %shift_right_arithmetic3A_1394 = vector.broadcast %shift_right_arithmetic3A_1393 : i32 to vector<16xi32>
      %shift_right_arithmetic3A_1395 = arith.shrsi %add3A_1392, %shift_right_arithmetic3A_1394 : vector<16xi32>
      %gather3A_1396 = tpu.vector_load_idx %arg13[%add3A_1365, %shift_right_arithmetic3A_1395] : memref<80x32xi32, #tpu.memory_space<vmem>>[vector<16xi32>, vector<16xi32>], vector<16xi32>,
      %lt3A_1397 = arith.cmpi slt, %gather3A_1396, %get3A_1362 : vector<16xi32>
      %add3A_1398 = arith.constant 1 : i32
      %add3A_1399 = vector.broadcast %add3A_1398 : i32 to vector<16xi32>
      %add3A_1400 = arith.addi %shift_right_arithmetic3A_1395, %add3A_1399 : vector<16xi32>
      %select_n3A_1401 = arith.select %lt3A_1397, %add3A_1400, %select_n3A_1390 : vector<16xi1>, vector<16xi32>
      %select_n3A_1402 = arith.select %lt3A_1397, %select_n3A_1391, %shift_right_arithmetic3A_1395 : vector<16xi1>, vector<16xi32>
      %add3A_1403 = arith.addi %select_n3A_1401, %select_n3A_1402 : vector<16xi32>
      %shift_right_arithmetic3A_1404 = arith.constant 1 : i32
      %shift_right_arithmetic3A_1405 = vector.broadcast %shift_right_arithmetic3A_1404 : i32 to vector<16xi32>
      %shift_right_arithmetic3A_1406 = arith.shrsi %add3A_1403, %shift_right_arithmetic3A_1405 : vector<16xi32>
      %gather3A_1407 = tpu.vector_load_idx %arg13[%add3A_1365, %shift_right_arithmetic3A_1406] : memref<80x32xi32, #tpu.memory_space<vmem>>[vector<16xi32>, vector<16xi32>], vector<16xi32>,
      %lt3A_1408 = arith.cmpi slt, %gather3A_1407, %get3A_1362 : vector<16xi32>
      %add3A_1409 = arith.constant 1 : i32
      %add3A_1410 = vector.broadcast %add3A_1409 : i32 to vector<16xi32>
      %add3A_1411 = arith.addi %shift_right_arithmetic3A_1406, %add3A_1410 : vector<16xi32>
      %select_n3A_1412 = arith.select %lt3A_1408, %add3A_1411, %select_n3A_1401 : vector<16xi1>, vector<16xi32>
      %select_n3A_1413 = arith.select %lt3A_1408, %select_n3A_1402, %shift_right_arithmetic3A_1406 : vector<16xi1>, vector<16xi32>
      %add3A_1414 = arith.addi %select_n3A_1412, %select_n3A_1413 : vector<16xi32>
      %shift_right_arithmetic3A_1415 = arith.constant 1 : i32
      %shift_right_arithmetic3A_1416 = vector.broadcast %shift_right_arithmetic3A_1415 : i32 to vector<16xi32>
      %shift_right_arithmetic3A_1417 = arith.shrsi %add3A_1414, %shift_right_arithmetic3A_1416 : vector<16xi32>
      %gather3A_1418 = tpu.vector_load_idx %arg13[%add3A_1365, %shift_right_arithmetic3A_1417] : memref<80x32xi32, #tpu.memory_space<vmem>>[vector<16xi32>, vector<16xi32>], vector<16xi32>,
      %lt3A_1419 = arith.cmpi slt, %gather3A_1418, %get3A_1362 : vector<16xi32>
      %add3A_1420 = arith.constant 1 : i32
      %add3A_1421 = vector.broadcast %add3A_1420 : i32 to vector<16xi32>
      %add3A_1422 = arith.addi %shift_right_arithmetic3A_1417, %add3A_1421 : vector<16xi32>
      %select_n3A_1423 = arith.select %lt3A_1419, %add3A_1422, %select_n3A_1412 : vector<16xi1>, vector<16xi32>
      %select_n3A_1424 = arith.select %lt3A_1419, %select_n3A_1413, %shift_right_arithmetic3A_1417 : vector<16xi1>, vector<16xi32>
      %add3A_1425 = arith.addi %select_n3A_1423, %select_n3A_1424 : vector<16xi32>
      %shift_right_arithmetic3A_1426 = arith.constant 1 : i32
      %shift_right_arithmetic3A_1427 = vector.broadcast %shift_right_arithmetic3A_1426 : i32 to vector<16xi32>
      %shift_right_arithmetic3A_1428 = arith.shrsi %add3A_1425, %shift_right_arithmetic3A_1427 : vector<16xi32>
      %gather3A_1429 = tpu.vector_load_idx %arg13[%add3A_1365, %shift_right_arithmetic3A_1428] : memref<80x32xi32, #tpu.memory_space<vmem>>[vector<16xi32>, vector<16xi32>], vector<16xi32>,
      %lt3A_1430 = arith.cmpi slt, %gather3A_1429, %get3A_1362 : vector<16xi32>
      %add3A_1431 = arith.constant 1 : i32
      %add3A_1432 = vector.broadcast %add3A_1431 : i32 to vector<16xi32>
      %add3A_1433 = arith.addi %shift_right_arithmetic3A_1428, %add3A_1432 : vector<16xi32>
      %select_n3A_1434 = arith.select %lt3A_1430, %add3A_1433, %select_n3A_1423 : vector<16xi1>, vector<16xi32>
      %select_n3A_1435 = arith.select %lt3A_1430, %select_n3A_1424, %shift_right_arithmetic3A_1428 : vector<16xi1>, vector<16xi32>
      %mul3A_1436 = arith.constant 0 : i32
      %mul3A_1437 = vector.broadcast %mul3A_1436 : i32 to vector<16xi32>
      %mul3A_1438 = arith.muli %iota3A, %mul3A_1437 : vector<16xi32>
      %add3A_1439 = arith.constant 1 : i32
      %add3A_1440 = vector.broadcast %add3A_1439 : i32 to vector<16xi32>
      %add3A_1441 = arith.addi %mul3A_1438, %add3A_1440 : vector<16xi32>
      %mul3A_1442 = arith.constant 0 : i32
      %mul3A_1443 = vector.broadcast %mul3A_1442 : i32 to vector<16xi32>
      %mul3A_1444 = arith.muli %iota3A, %mul3A_1443 : vector<16xi32>
      %add3A_1445 = arith.constant 32 : i32
      %add3A_1446 = vector.broadcast %add3A_1445 : i32 to vector<16xi32>
      %add3A_1447 = arith.addi %mul3A_1444, %add3A_1446 : vector<16xi32>
      %add3A_1448 = arith.addi %add3A_1441, %add3A_1447 : vector<16xi32>
      %shift_right_arithmetic3A_1449 = arith.constant 1 : i32
      %shift_right_arithmetic3A_1450 = vector.broadcast %shift_right_arithmetic3A_1449 : i32 to vector<16xi32>
      %shift_right_arithmetic3A_1451 = arith.shrsi %add3A_1448, %shift_right_arithmetic3A_1450 : vector<16xi32>
      %gather3A_1452 = tpu.vector_load_idx %arg10[%shift_right_arithmetic3A_1451] : memref<32xi32, #tpu.memory_space<vmem>>[vector<16xi32>], vector<16xi32>,
      %lt3A_1453 = arith.cmpi slt, %gather3A_1452, %get3A_1362 : vector<16xi32>
      %add3A_1454 = arith.constant 1 : i32
      %add3A_1455 = vector.broadcast %add3A_1454 : i32 to vector<16xi32>
      %add3A_1456 = arith.addi %shift_right_arithmetic3A_1451, %add3A_1455 : vector<16xi32>
      %select_n3A_1457 = arith.select %lt3A_1453, %add3A_1456, %add3A_1441 : vector<16xi1>, vector<16xi32>
      %select_n3A_1458 = arith.select %lt3A_1453, %add3A_1447, %shift_right_arithmetic3A_1451 : vector<16xi1>, vector<16xi32>
      %add3A_1459 = arith.addi %select_n3A_1457, %select_n3A_1458 : vector<16xi32>
      %shift_right_arithmetic3A_1460 = arith.constant 1 : i32
      %shift_right_arithmetic3A_1461 = vector.broadcast %shift_right_arithmetic3A_1460 : i32 to vector<16xi32>
      %shift_right_arithmetic3A_1462 = arith.shrsi %add3A_1459, %shift_right_arithmetic3A_1461 : vector<16xi32>
      %gather3A_1463 = tpu.vector_load_idx %arg10[%shift_right_arithmetic3A_1462] : memref<32xi32, #tpu.memory_space<vmem>>[vector<16xi32>], vector<16xi32>,
      %lt3A_1464 = arith.cmpi slt, %gather3A_1463, %get3A_1362 : vector<16xi32>
      %add3A_1465 = arith.constant 1 : i32
      %add3A_1466 = vector.broadcast %add3A_1465 : i32 to vector<16xi32>
      %add3A_1467 = arith.addi %shift_right_arithmetic3A_1462, %add3A_1466 : vector<16xi32>
      %select_n3A_1468 = arith.select %lt3A_1464, %add3A_1467, %select_n3A_1457 : vector<16xi1>, vector<16xi32>
      %select_n3A_1469 = arith.select %lt3A_1464, %select_n3A_1458, %shift_right_arithmetic3A_1462 : vector<16xi1>, vector<16xi32>
      %add3A_1470 = arith.addi %select_n3A_1468, %select_n3A_1469 : vector<16xi32>
      %shift_right_arithmetic3A_1471 = arith.constant 1 : i32
      %shift_right_arithmetic3A_1472 = vector.broadcast %shift_right_arithmetic3A_1471 : i32 to vector<16xi32>
      %shift_right_arithmetic3A_1473 = arith.shrsi %add3A_1470, %shift_right_arithmetic3A_1472 : vector<16xi32>
      %gather3A_1474 = tpu.vector_load_idx %arg10[%shift_right_arithmetic3A_1473] : memref<32xi32, #tpu.memory_space<vmem>>[vector<16xi32>], vector<16xi32>,
      %lt3A_1475 = arith.cmpi slt, %gather3A_1474, %get3A_1362 : vector<16xi32>
      %add3A_1476 = arith.constant 1 : i32
      %add3A_1477 = vector.broadcast %add3A_1476 : i32 to vector<16xi32>
      %add3A_1478 = arith.addi %shift_right_arithmetic3A_1473, %add3A_1477 : vector<16xi32>
      %select_n3A_1479 = arith.select %lt3A_1475, %add3A_1478, %select_n3A_1468 : vector<16xi1>, vector<16xi32>
      %select_n3A_1480 = arith.select %lt3A_1475, %select_n3A_1469, %shift_right_arithmetic3A_1473 : vector<16xi1>, vector<16xi32>
      %add3A_1481 = arith.addi %select_n3A_1479, %select_n3A_1480 : vector<16xi32>
      %shift_right_arithmetic3A_1482 = arith.constant 1 : i32
      %shift_right_arithmetic3A_1483 = vector.broadcast %shift_right_arithmetic3A_1482 : i32 to vector<16xi32>
      %shift_right_arithmetic3A_1484 = arith.shrsi %add3A_1481, %shift_right_arithmetic3A_1483 : vector<16xi32>
      %gather3A_1485 = tpu.vector_load_idx %arg10[%shift_right_arithmetic3A_1484] : memref<32xi32, #tpu.memory_space<vmem>>[vector<16xi32>], vector<16xi32>,
      %lt3A_1486 = arith.cmpi slt, %gather3A_1485, %get3A_1362 : vector<16xi32>
      %add3A_1487 = arith.constant 1 : i32
      %add3A_1488 = vector.broadcast %add3A_1487 : i32 to vector<16xi32>
      %add3A_1489 = arith.addi %shift_right_arithmetic3A_1484, %add3A_1488 : vector<16xi32>
      %select_n3A_1490 = arith.select %lt3A_1486, %add3A_1489, %select_n3A_1479 : vector<16xi1>, vector<16xi32>
      %select_n3A_1491 = arith.select %lt3A_1486, %select_n3A_1480, %shift_right_arithmetic3A_1484 : vector<16xi1>, vector<16xi32>
      %add3A_1492 = arith.addi %select_n3A_1490, %select_n3A_1491 : vector<16xi32>
      %shift_right_arithmetic3A_1493 = arith.constant 1 : i32
      %shift_right_arithmetic3A_1494 = vector.broadcast %shift_right_arithmetic3A_1493 : i32 to vector<16xi32>
      %shift_right_arithmetic3A_1495 = arith.shrsi %add3A_1492, %shift_right_arithmetic3A_1494 : vector<16xi32>
      %gather3A_1496 = tpu.vector_load_idx %arg10[%shift_right_arithmetic3A_1495] : memref<32xi32, #tpu.memory_space<vmem>>[vector<16xi32>], vector<16xi32>,
      %lt3A_1497 = arith.cmpi slt, %gather3A_1496, %get3A_1362 : vector<16xi32>
      %add3A_1498 = arith.constant 1 : i32
      %add3A_1499 = vector.broadcast %add3A_1498 : i32 to vector<16xi32>
      %add3A_1500 = arith.addi %shift_right_arithmetic3A_1495, %add3A_1499 : vector<16xi32>
      %select_n3A_1501 = arith.select %lt3A_1497, %add3A_1500, %select_n3A_1490 : vector<16xi1>, vector<16xi32>
      %select_n3A_1502 = arith.select %lt3A_1497, %select_n3A_1491, %shift_right_arithmetic3A_1495 : vector<16xi1>, vector<16xi32>
      %eq3A_1503 = arith.constant 9999 : i32
      %eq3A_1504 = vector.broadcast %eq3A_1503 : i32 to vector<16xi32>
      %eq3A_1505 = arith.cmpi eq, %get3A_1367, %eq3A_1504 : vector<16xi32>
      %select_n3A_1506 = arith.select %eq3A_1505, %select_n3A_1501, %select_n3A_1434 : vector<16xi1>, vector<16xi32>
      %lt3A_1507 = arith.cmpi slt, %gather3A_1368, %get3A_1362 : vector<16xi32>
      %jit3A_1508 = arith.constant 0 : i32
      %broadcast_in_dim3A_1509 = vector.broadcast %jit3A_1508 : i32 to vector<16xi32>
      %select_n3A_1510 = arith.select %lt3A_1507, %select_n3A_1506, %broadcast_in_dim3A_1509 : vector<16xi1>, vector<16xi32>
      %mul3A_1511 = arith.constant 32 : i32
      %mul3A_1512 = vector.broadcast %mul3A_1511 : i32 to vector<16xi32>
      %mul3A_1513 = arith.muli %get3A_1367, %mul3A_1512 : vector<16xi32>
      %add3A_1514 = arith.addi %mul3A_1513, %select_n3A_1510 : vector<16xi32>
      %min3A_1515 = arith.constant 319999 : i32
      %min3A_1516 = vector.broadcast %min3A_1515 : i32 to vector<16xi32>
      %min3A_1517 = arith.minsi %add3A_1514, %min3A_1516 : vector<16xi32>
      %swap3A_1518 = arith.constant 48 : index
      %swap3A_1519 = tpu.vector_load %arg14[%swap3A_1518] {strides = array<i32>} : memref<80xi32, #tpu.memory_space<vmem>>, vector<16xi32>,
      tpu.vector_store %arg14[%swap3A_1518], %min3A_1517 {strides = array<i32>} : memref<80xi32, #tpu.memory_space<vmem>>, vector<16xi32>,
      %get3A_1520 = arith.constant 64 : index
      %get3A_1521 = tpu.vector_load %arg11[%get3A_1520] {strides = array<i32>} : memref<80xi32, #tpu.memory_space<vmem>>, vector<16xi32>,
      %add3A_1522 = arith.constant 64 : i32
      %add3A_1523 = vector.broadcast %add3A_1522 : i32 to vector<16xi32>
      %add3A_1524 = arith.addi %add3A_1523, %iota3A : vector<16xi32>
      %get3A_1525 = arith.constant 64 : index
      %get3A_1526 = tpu.vector_load %arg12[%get3A_1525] {strides = array<i32>} : memref<80xi32, #tpu.memory_space<vmem>>, vector<16xi32>,
      %gather3A_1527 = tpu.vector_load_idx %arg9[%get3A_1526] : memref<10000xi32, #tpu.memory_space<vmem>>[vector<16xi32>], vector<16xi32>,
      %mul3A_1528 = arith.constant 0 : i32
      %mul3A_1529 = vector.broadcast %mul3A_1528 : i32 to vector<16xi32>
      %mul3A_1530 = arith.muli %iota3A, %mul3A_1529 : vector<16xi32>
      %add3A_1531 = arith.constant 1 : i32
      %add3A_1532 = vector.broadcast %add3A_1531 : i32 to vector<16xi32>
      %add3A_1533 = arith.addi %mul3A_1530, %add3A_1532 : vector<16xi32>
      %mul3A_1534 = arith.constant 0 : i32
      %mul3A_1535 = vector.broadcast %mul3A_1534 : i32 to vector<16xi32>
      %mul3A_1536 = arith.muli %iota3A, %mul3A_1535 : vector<16xi32>
      %add3A_1537 = arith.constant 32 : i32
      %add3A_1538 = vector.broadcast %add3A_1537 : i32 to vector<16xi32>
      %add3A_1539 = arith.addi %mul3A_1536, %add3A_1538 : vector<16xi32>
      %add3A_1540 = arith.addi %add3A_1533, %add3A_1539 : vector<16xi32>
      %shift_right_arithmetic3A_1541 = arith.constant 1 : i32
      %shift_right_arithmetic3A_1542 = vector.broadcast %shift_right_arithmetic3A_1541 : i32 to vector<16xi32>
      %shift_right_arithmetic3A_1543 = arith.shrsi %add3A_1540, %shift_right_arithmetic3A_1542 : vector<16xi32>
      %gather3A_1544 = tpu.vector_load_idx %arg13[%add3A_1524, %shift_right_arithmetic3A_1543] : memref<80x32xi32, #tpu.memory_space<vmem>>[vector<16xi32>, vector<16xi32>], vector<16xi32>,
      %lt3A_1545 = arith.cmpi slt, %gather3A_1544, %get3A_1521 : vector<16xi32>
      %add3A_1546 = arith.constant 1 : i32
      %add3A_1547 = vector.broadcast %add3A_1546 : i32 to vector<16xi32>
      %add3A_1548 = arith.addi %shift_right_arithmetic3A_1543, %add3A_1547 : vector<16xi32>
      %select_n3A_1549 = arith.select %lt3A_1545, %add3A_1548, %add3A_1533 : vector<16xi1>, vector<16xi32>
      %select_n3A_1550 = arith.select %lt3A_1545, %add3A_1539, %shift_right_arithmetic3A_1543 : vector<16xi1>, vector<16xi32>
      %add3A_1551 = arith.addi %select_n3A_1549, %select_n3A_1550 : vector<16xi32>
      %shift_right_arithmetic3A_1552 = arith.constant 1 : i32
      %shift_right_arithmetic3A_1553 = vector.broadcast %shift_right_arithmetic3A_1552 : i32 to vector<16xi32>
      %shift_right_arithmetic3A_1554 = arith.shrsi %add3A_1551, %shift_right_arithmetic3A_1553 : vector<16xi32>
      %gather3A_1555 = tpu.vector_load_idx %arg13[%add3A_1524, %shift_right_arithmetic3A_1554] : memref<80x32xi32, #tpu.memory_space<vmem>>[vector<16xi32>, vector<16xi32>], vector<16xi32>,
      %lt3A_1556 = arith.cmpi slt, %gather3A_1555, %get3A_1521 : vector<16xi32>
      %add3A_1557 = arith.constant 1 : i32
      %add3A_1558 = vector.broadcast %add3A_1557 : i32 to vector<16xi32>
      %add3A_1559 = arith.addi %shift_right_arithmetic3A_1554, %add3A_1558 : vector<16xi32>
      %select_n3A_1560 = arith.select %lt3A_1556, %add3A_1559, %select_n3A_1549 : vector<16xi1>, vector<16xi32>
      %select_n3A_1561 = arith.select %lt3A_1556, %select_n3A_1550, %shift_right_arithmetic3A_1554 : vector<16xi1>, vector<16xi32>
      %add3A_1562 = arith.addi %select_n3A_1560, %select_n3A_1561 : vector<16xi32>
      %shift_right_arithmetic3A_1563 = arith.constant 1 : i32
      %shift_right_arithmetic3A_1564 = vector.broadcast %shift_right_arithmetic3A_1563 : i32 to vector<16xi32>
      %shift_right_arithmetic3A_1565 = arith.shrsi %add3A_1562, %shift_right_arithmetic3A_1564 : vector<16xi32>
      %gather3A_1566 = tpu.vector_load_idx %arg13[%add3A_1524, %shift_right_arithmetic3A_1565] : memref<80x32xi32, #tpu.memory_space<vmem>>[vector<16xi32>, vector<16xi32>], vector<16xi32>,
      %lt3A_1567 = arith.cmpi slt, %gather3A_1566, %get3A_1521 : vector<16xi32>
      %add3A_1568 = arith.constant 1 : i32
      %add3A_1569 = vector.broadcast %add3A_1568 : i32 to vector<16xi32>
      %add3A_1570 = arith.addi %shift_right_arithmetic3A_1565, %add3A_1569 : vector<16xi32>
      %select_n3A_1571 = arith.select %lt3A_1567, %add3A_1570, %select_n3A_1560 : vector<16xi1>, vector<16xi32>
      %select_n3A_1572 = arith.select %lt3A_1567, %select_n3A_1561, %shift_right_arithmetic3A_1565 : vector<16xi1>, vector<16xi32>
      %add3A_1573 = arith.addi %select_n3A_1571, %select_n3A_1572 : vector<16xi32>
      %shift_right_arithmetic3A_1574 = arith.constant 1 : i32
      %shift_right_arithmetic3A_1575 = vector.broadcast %shift_right_arithmetic3A_1574 : i32 to vector<16xi32>
      %shift_right_arithmetic3A_1576 = arith.shrsi %add3A_1573, %shift_right_arithmetic3A_1575 : vector<16xi32>
      %gather3A_1577 = tpu.vector_load_idx %arg13[%add3A_1524, %shift_right_arithmetic3A_1576] : memref<80x32xi32, #tpu.memory_space<vmem>>[vector<16xi32>, vector<16xi32>], vector<16xi32>,
      %lt3A_1578 = arith.cmpi slt, %gather3A_1577, %get3A_1521 : vector<16xi32>
      %add3A_1579 = arith.constant 1 : i32
      %add3A_1580 = vector.broadcast %add3A_1579 : i32 to vector<16xi32>
      %add3A_1581 = arith.addi %shift_right_arithmetic3A_1576, %add3A_1580 : vector<16xi32>
      %select_n3A_1582 = arith.select %lt3A_1578, %add3A_1581, %select_n3A_1571 : vector<16xi1>, vector<16xi32>
      %select_n3A_1583 = arith.select %lt3A_1578, %select_n3A_1572, %shift_right_arithmetic3A_1576 : vector<16xi1>, vector<16xi32>
      %add3A_1584 = arith.addi %select_n3A_1582, %select_n3A_1583 : vector<16xi32>
      %shift_right_arithmetic3A_1585 = arith.constant 1 : i32
      %shift_right_arithmetic3A_1586 = vector.broadcast %shift_right_arithmetic3A_1585 : i32 to vector<16xi32>
      %shift_right_arithmetic3A_1587 = arith.shrsi %add3A_1584, %shift_right_arithmetic3A_1586 : vector<16xi32>
      %gather3A_1588 = tpu.vector_load_idx %arg13[%add3A_1524, %shift_right_arithmetic3A_1587] : memref<80x32xi32, #tpu.memory_space<vmem>>[vector<16xi32>, vector<16xi32>], vector<16xi32>,
      %lt3A_1589 = arith.cmpi slt, %gather3A_1588, %get3A_1521 : vector<16xi32>
      %add3A_1590 = arith.constant 1 : i32
      %add3A_1591 = vector.broadcast %add3A_1590 : i32 to vector<16xi32>
      %add3A_1592 = arith.addi %shift_right_arithmetic3A_1587, %add3A_1591 : vector<16xi32>
      %select_n3A_1593 = arith.select %lt3A_1589, %add3A_1592, %select_n3A_1582 : vector<16xi1>, vector<16xi32>
      %select_n3A_1594 = arith.select %lt3A_1589, %select_n3A_1583, %shift_right_arithmetic3A_1587 : vector<16xi1>, vector<16xi32>
      %mul3A_1595 = arith.constant 0 : i32
      %mul3A_1596 = vector.broadcast %mul3A_1595 : i32 to vector<16xi32>
      %mul3A_1597 = arith.muli %iota3A, %mul3A_1596 : vector<16xi32>
      %add3A_1598 = arith.constant 1 : i32
      %add3A_1599 = vector.broadcast %add3A_1598 : i32 to vector<16xi32>
      %add3A_1600 = arith.addi %mul3A_1597, %add3A_1599 : vector<16xi32>
      %mul3A_1601 = arith.constant 0 : i32
      %mul3A_1602 = vector.broadcast %mul3A_1601 : i32 to vector<16xi32>
      %mul3A_1603 = arith.muli %iota3A, %mul3A_1602 : vector<16xi32>
      %add3A_1604 = arith.constant 32 : i32
      %add3A_1605 = vector.broadcast %add3A_1604 : i32 to vector<16xi32>
      %add3A_1606 = arith.addi %mul3A_1603, %add3A_1605 : vector<16xi32>
      %add3A_1607 = arith.addi %add3A_1600, %add3A_1606 : vector<16xi32>
      %shift_right_arithmetic3A_1608 = arith.constant 1 : i32
      %shift_right_arithmetic3A_1609 = vector.broadcast %shift_right_arithmetic3A_1608 : i32 to vector<16xi32>
      %shift_right_arithmetic3A_1610 = arith.shrsi %add3A_1607, %shift_right_arithmetic3A_1609 : vector<16xi32>
      %gather3A_1611 = tpu.vector_load_idx %arg10[%shift_right_arithmetic3A_1610] : memref<32xi32, #tpu.memory_space<vmem>>[vector<16xi32>], vector<16xi32>,
      %lt3A_1612 = arith.cmpi slt, %gather3A_1611, %get3A_1521 : vector<16xi32>
      %add3A_1613 = arith.constant 1 : i32
      %add3A_1614 = vector.broadcast %add3A_1613 : i32 to vector<16xi32>
      %add3A_1615 = arith.addi %shift_right_arithmetic3A_1610, %add3A_1614 : vector<16xi32>
      %select_n3A_1616 = arith.select %lt3A_1612, %add3A_1615, %add3A_1600 : vector<16xi1>, vector<16xi32>
      %select_n3A_1617 = arith.select %lt3A_1612, %add3A_1606, %shift_right_arithmetic3A_1610 : vector<16xi1>, vector<16xi32>
      %add3A_1618 = arith.addi %select_n3A_1616, %select_n3A_1617 : vector<16xi32>
      %shift_right_arithmetic3A_1619 = arith.constant 1 : i32
      %shift_right_arithmetic3A_1620 = vector.broadcast %shift_right_arithmetic3A_1619 : i32 to vector<16xi32>
      %shift_right_arithmetic3A_1621 = arith.shrsi %add3A_1618, %shift_right_arithmetic3A_1620 : vector<16xi32>
      %gather3A_1622 = tpu.vector_load_idx %arg10[%shift_right_arithmetic3A_1621] : memref<32xi32, #tpu.memory_space<vmem>>[vector<16xi32>], vector<16xi32>,
      %lt3A_1623 = arith.cmpi slt, %gather3A_1622, %get3A_1521 : vector<16xi32>
      %add3A_1624 = arith.constant 1 : i32
      %add3A_1625 = vector.broadcast %add3A_1624 : i32 to vector<16xi32>
      %add3A_1626 = arith.addi %shift_right_arithmetic3A_1621, %add3A_1625 : vector<16xi32>
      %select_n3A_1627 = arith.select %lt3A_1623, %add3A_1626, %select_n3A_1616 : vector<16xi1>, vector<16xi32>
      %select_n3A_1628 = arith.select %lt3A_1623, %select_n3A_1617, %shift_right_arithmetic3A_1621 : vector<16xi1>, vector<16xi32>
      %add3A_1629 = arith.addi %select_n3A_1627, %select_n3A_1628 : vector<16xi32>
      %shift_right_arithmetic3A_1630 = arith.constant 1 : i32
      %shift_right_arithmetic3A_1631 = vector.broadcast %shift_right_arithmetic3A_1630 : i32 to vector<16xi32>
      %shift_right_arithmetic3A_1632 = arith.shrsi %add3A_1629, %shift_right_arithmetic3A_1631 : vector<16xi32>
      %gather3A_1633 = tpu.vector_load_idx %arg10[%shift_right_arithmetic3A_1632] : memref<32xi32, #tpu.memory_space<vmem>>[vector<16xi32>], vector<16xi32>,
      %lt3A_1634 = arith.cmpi slt, %gather3A_1633, %get3A_1521 : vector<16xi32>
      %add3A_1635 = arith.constant 1 : i32
      %add3A_1636 = vector.broadcast %add3A_1635 : i32 to vector<16xi32>
      %add3A_1637 = arith.addi %shift_right_arithmetic3A_1632, %add3A_1636 : vector<16xi32>
      %select_n3A_1638 = arith.select %lt3A_1634, %add3A_1637, %select_n3A_1627 : vector<16xi1>, vector<16xi32>
      %select_n3A_1639 = arith.select %lt3A_1634, %select_n3A_1628, %shift_right_arithmetic3A_1632 : vector<16xi1>, vector<16xi32>
      %add3A_1640 = arith.addi %select_n3A_1638, %select_n3A_1639 : vector<16xi32>
      %shift_right_arithmetic3A_1641 = arith.constant 1 : i32
      %shift_right_arithmetic3A_1642 = vector.broadcast %shift_right_arithmetic3A_1641 : i32 to vector<16xi32>
      %shift_right_arithmetic3A_1643 = arith.shrsi %add3A_1640, %shift_right_arithmetic3A_1642 : vector<16xi32>
      %gather3A_1644 = tpu.vector_load_idx %arg10[%shift_right_arithmetic3A_1643] : memref<32xi32, #tpu.memory_space<vmem>>[vector<16xi32>], vector<16xi32>,
      %lt3A_1645 = arith.cmpi slt, %gather3A_1644, %get3A_1521 : vector<16xi32>
      %add3A_1646 = arith.constant 1 : i32
      %add3A_1647 = vector.broadcast %add3A_1646 : i32 to vector<16xi32>
      %add3A_1648 = arith.addi %shift_right_arithmetic3A_1643, %add3A_1647 : vector<16xi32>
      %select_n3A_1649 = arith.select %lt3A_1645, %add3A_1648, %select_n3A_1638 : vector<16xi1>, vector<16xi32>
      %select_n3A_1650 = arith.select %lt3A_1645, %select_n3A_1639, %shift_right_arithmetic3A_1643 : vector<16xi1>, vector<16xi32>
      %add3A_1651 = arith.addi %select_n3A_1649, %select_n3A_1650 : vector<16xi32>
      %shift_right_arithmetic3A_1652 = arith.constant 1 : i32
      %shift_right_arithmetic3A_1653 = vector.broadcast %shift_right_arithmetic3A_1652 : i32 to vector<16xi32>
      %shift_right_arithmetic3A_1654 = arith.shrsi %add3A_1651, %shift_right_arithmetic3A_1653 : vector<16xi32>
      %gather3A_1655 = tpu.vector_load_idx %arg10[%shift_right_arithmetic3A_1654] : memref<32xi32, #tpu.memory_space<vmem>>[vector<16xi32>], vector<16xi32>,
      %lt3A_1656 = arith.cmpi slt, %gather3A_1655, %get3A_1521 : vector<16xi32>
      %add3A_1657 = arith.constant 1 : i32
      %add3A_1658 = vector.broadcast %add3A_1657 : i32 to vector<16xi32>
      %add3A_1659 = arith.addi %shift_right_arithmetic3A_1654, %add3A_1658 : vector<16xi32>
      %select_n3A_1660 = arith.select %lt3A_1656, %add3A_1659, %select_n3A_1649 : vector<16xi1>, vector<16xi32>
      %select_n3A_1661 = arith.select %lt3A_1656, %select_n3A_1650, %shift_right_arithmetic3A_1654 : vector<16xi1>, vector<16xi32>
      %eq3A_1662 = arith.constant 9999 : i32
      %eq3A_1663 = vector.broadcast %eq3A_1662 : i32 to vector<16xi32>
      %eq3A_1664 = arith.cmpi eq, %get3A_1526, %eq3A_1663 : vector<16xi32>
      %select_n3A_1665 = arith.select %eq3A_1664, %select_n3A_1660, %select_n3A_1593 : vector<16xi1>, vector<16xi32>
      %lt3A_1666 = arith.cmpi slt, %gather3A_1527, %get3A_1521 : vector<16xi32>
      %jit3A_1667 = arith.constant 0 : i32
      %broadcast_in_dim3A_1668 = vector.broadcast %jit3A_1667 : i32 to vector<16xi32>
      %select_n3A_1669 = arith.select %lt3A_1666, %select_n3A_1665, %broadcast_in_dim3A_1668 : vector<16xi1>, vector<16xi32>
      %mul3A_1670 = arith.constant 32 : i32
      %mul3A_1671 = vector.broadcast %mul3A_1670 : i32 to vector<16xi32>
      %mul3A_1672 = arith.muli %get3A_1526, %mul3A_1671 : vector<16xi32>
      %add3A_1673 = arith.addi %mul3A_1672, %select_n3A_1669 : vector<16xi32>
      %min3A_1674 = arith.constant 319999 : i32
      %min3A_1675 = vector.broadcast %min3A_1674 : i32 to vector<16xi32>
      %min3A_1676 = arith.minsi %add3A_1673, %min3A_1675 : vector<16xi32>
      %swap3A_1677 = arith.constant 64 : index
      %swap3A_1678 = tpu.vector_load %arg14[%swap3A_1677] {strides = array<i32>} : memref<80xi32, #tpu.memory_space<vmem>>, vector<16xi32>,
      tpu.vector_store %arg14[%swap3A_1677], %min3A_1676 {strides = array<i32>} : memref<80xi32, #tpu.memory_space<vmem>>, vector<16xi32>,
      %dma_start3A_1679 = arith.constant 0 : i32
      %dma_start3A_1680 = arith.constant 0 : i32
      %dma_start3A_1681 = tpu.memref_slice %arg3[%dma_start3A_1679, %dma_start3A_1680] : memref<320008x8xi32, #tpu.memory_space<hbm>> -> memref<320008x8xi32, #tpu.memory_space<hbm>>
      tpu.enqueue_indirect_dma source(%dma_start3A_1681 : memref<320008x8xi32, #tpu.memory_space<hbm>>) target(%arg15 : memref<80x8xi32, #tpu.memory_space<vmem>>) offsets(%arg14 : memref<80xi32, #tpu.memory_space<vmem>>) semaphore(%arg18 : memref<!tpu.dma_semaphore, #tpu.memory_space<semaphore_mem>>)
      %dma_wait3A_1682 = arith.constant 0 : i32
      %dma_wait3A_1683 = arith.constant 0 : i32
      %dma_wait3A_1684 = tpu.memref_slice %arg3[%dma_wait3A_1682, %dma_wait3A_1683] : memref<320008x8xi32, #tpu.memory_space<hbm>> -> memref<320008x8xi32, #tpu.memory_space<hbm>>
      tpu.wait_indirect_dma semaphore(%arg18 : memref<!tpu.dma_semaphore, #tpu.memory_space<semaphore_mem>>) src(%dma_wait3A_1684 : memref<320008x8xi32, #tpu.memory_space<hbm>>) dst(%arg15 : memref<80x8xi32, #tpu.memory_space<vmem>>)
      %add3A_1685 = arith.constant 0 : i32
      %add3A_1686 = vector.broadcast %add3A_1685 : i32 to vector<16xi32>
      %add3A_1687 = arith.addi %add3A_1686, %iota3A : vector<16xi32>
      %mul3A_1688 = arith.constant 0 : i32
      %mul3A_1689 = vector.broadcast %mul3A_1688 : i32 to vector<16xi32>
      %mul3A_1690 = arith.muli %iota3A, %mul3A_1689 : vector<16xi32>
      %gather3A_1691 = tpu.vector_load_idx %arg15[%add3A_1687, %mul3A_1690] : memref<80x8xi32, #tpu.memory_space<vmem>>[vector<16xi32>, vector<16xi32>], vector<16xi32>,
      %mul3A_1692 = arith.constant 0 : i32
      %mul3A_1693 = vector.broadcast %mul3A_1692 : i32 to vector<16xi32>
      %mul3A_1694 = arith.muli %iota3A, %mul3A_1693 : vector<16xi32>
      %add3A_1695 = arith.constant 1 : i32
      %add3A_1696 = vector.broadcast %add3A_1695 : i32 to vector<16xi32>
      %add3A_1697 = arith.addi %mul3A_1694, %add3A_1696 : vector<16xi32>
      %gather3A_1698 = tpu.vector_load_idx %arg15[%add3A_1687, %add3A_1697] : memref<80x8xi32, #tpu.memory_space<vmem>>[vector<16xi32>, vector<16xi32>], vector<16xi32>,
      %get3A_1699 = arith.constant 0 : index
      %get3A_1700 = tpu.vector_load %arg11[%get3A_1699] {strides = array<i32>} : memref<80xi32, #tpu.memory_space<vmem>>, vector<16xi32>,
      %add3A_1701 = arith.constant 0 : i32
      %add3A_1702 = arith.addi %multiple_of3A, %add3A_1701 : i32
      %add3A_1703 = vector.broadcast %add3A_1702 : i32 to vector<16xi32>
      %add3A_1704 = arith.addi %add3A_1703, %iota3A : vector<16xi32>
      %eq3A_1705 = arith.cmpi eq, %gather3A_1698, %get3A_1700 : vector<16xi32>
      %select_n3A_1706 = arith.select %eq3A_1705, %gather3A_1691, %add3A_1704 : vector<16xi1>, vector<16xi32>
      %swap3A_1707 = arith.constant 0 : index
      %swap3A_1708 = tpu.vector_load %arg16[%swap3A_1707] {strides = array<i32>} : memref<80xi32, #tpu.memory_space<vmem>>, vector<16xi32>,
      tpu.vector_store %arg16[%swap3A_1707], %select_n3A_1706 {strides = array<i32>} : memref<80xi32, #tpu.memory_space<vmem>>, vector<16xi32>,
      %add3A_1709 = arith.constant 16 : i32
      %add3A_1710 = vector.broadcast %add3A_1709 : i32 to vector<16xi32>
      %add3A_1711 = arith.addi %add3A_1710, %iota3A : vector<16xi32>
      %mul3A_1712 = arith.constant 0 : i32
      %mul3A_1713 = vector.broadcast %mul3A_1712 : i32 to vector<16xi32>
      %mul3A_1714 = arith.muli %iota3A, %mul3A_1713 : vector<16xi32>
      %gather3A_1715 = tpu.vector_load_idx %arg15[%add3A_1711, %mul3A_1714] : memref<80x8xi32, #tpu.memory_space<vmem>>[vector<16xi32>, vector<16xi32>], vector<16xi32>,
      %mul3A_1716 = arith.constant 0 : i32
      %mul3A_1717 = vector.broadcast %mul3A_1716 : i32 to vector<16xi32>
      %mul3A_1718 = arith.muli %iota3A, %mul3A_1717 : vector<16xi32>
      %add3A_1719 = arith.constant 1 : i32
      %add3A_1720 = vector.broadcast %add3A_1719 : i32 to vector<16xi32>
      %add3A_1721 = arith.addi %mul3A_1718, %add3A_1720 : vector<16xi32>
      %gather3A_1722 = tpu.vector_load_idx %arg15[%add3A_1711, %add3A_1721] : memref<80x8xi32, #tpu.memory_space<vmem>>[vector<16xi32>, vector<16xi32>], vector<16xi32>,
      %get3A_1723 = arith.constant 16 : index
      %get3A_1724 = tpu.vector_load %arg11[%get3A_1723] {strides = array<i32>} : memref<80xi32, #tpu.memory_space<vmem>>, vector<16xi32>,
      %add3A_1725 = arith.constant 16 : i32
      %add3A_1726 = arith.addi %multiple_of3A, %add3A_1725 : i32
      %add3A_1727 = vector.broadcast %add3A_1726 : i32 to vector<16xi32>
      %add3A_1728 = arith.addi %add3A_1727, %iota3A : vector<16xi32>
      %eq3A_1729 = arith.cmpi eq, %gather3A_1722, %get3A_1724 : vector<16xi32>
      %select_n3A_1730 = arith.select %eq3A_1729, %gather3A_1715, %add3A_1728 : vector<16xi1>, vector<16xi32>
      %swap3A_1731 = arith.constant 16 : index
      %swap3A_1732 = tpu.vector_load %arg16[%swap3A_1731] {strides = array<i32>} : memref<80xi32, #tpu.memory_space<vmem>>, vector<16xi32>,
      tpu.vector_store %arg16[%swap3A_1731], %select_n3A_1730 {strides = array<i32>} : memref<80xi32, #tpu.memory_space<vmem>>, vector<16xi32>,
      %add3A_1733 = arith.constant 32 : i32
      %add3A_1734 = vector.broadcast %add3A_1733 : i32 to vector<16xi32>
      %add3A_1735 = arith.addi %add3A_1734, %iota3A : vector<16xi32>
      %mul3A_1736 = arith.constant 0 : i32
      %mul3A_1737 = vector.broadcast %mul3A_1736 : i32 to vector<16xi32>
      %mul3A_1738 = arith.muli %iota3A, %mul3A_1737 : vector<16xi32>
      %gather3A_1739 = tpu.vector_load_idx %arg15[%add3A_1735, %mul3A_1738] : memref<80x8xi32, #tpu.memory_space<vmem>>[vector<16xi32>, vector<16xi32>], vector<16xi32>,
      %mul3A_1740 = arith.constant 0 : i32
      %mul3A_1741 = vector.broadcast %mul3A_1740 : i32 to vector<16xi32>
      %mul3A_1742 = arith.muli %iota3A, %mul3A_1741 : vector<16xi32>
      %add3A_1743 = arith.constant 1 : i32
      %add3A_1744 = vector.broadcast %add3A_1743 : i32 to vector<16xi32>
      %add3A_1745 = arith.addi %mul3A_1742, %add3A_1744 : vector<16xi32>
      %gather3A_1746 = tpu.vector_load_idx %arg15[%add3A_1735, %add3A_1745] : memref<80x8xi32, #tpu.memory_space<vmem>>[vector<16xi32>, vector<16xi32>], vector<16xi32>,
      %get3A_1747 = arith.constant 32 : index
      %get3A_1748 = tpu.vector_load %arg11[%get3A_1747] {strides = array<i32>} : memref<80xi32, #tpu.memory_space<vmem>>, vector<16xi32>,
      %add3A_1749 = arith.constant 32 : i32
      %add3A_1750 = arith.addi %multiple_of3A, %add3A_1749 : i32
      %add3A_1751 = vector.broadcast %add3A_1750 : i32 to vector<16xi32>
      %add3A_1752 = arith.addi %add3A_1751, %iota3A : vector<16xi32>
      %eq3A_1753 = arith.cmpi eq, %gather3A_1746, %get3A_1748 : vector<16xi32>
      %select_n3A_1754 = arith.select %eq3A_1753, %gather3A_1739, %add3A_1752 : vector<16xi1>, vector<16xi32>
      %swap3A_1755 = arith.constant 32 : index
      %swap3A_1756 = tpu.vector_load %arg16[%swap3A_1755] {strides = array<i32>} : memref<80xi32, #tpu.memory_space<vmem>>, vector<16xi32>,
      tpu.vector_store %arg16[%swap3A_1755], %select_n3A_1754 {strides = array<i32>} : memref<80xi32, #tpu.memory_space<vmem>>, vector<16xi32>,
      %add3A_1757 = arith.constant 48 : i32
      %add3A_1758 = vector.broadcast %add3A_1757 : i32 to vector<16xi32>
      %add3A_1759 = arith.addi %add3A_1758, %iota3A : vector<16xi32>
      %mul3A_1760 = arith.constant 0 : i32
      %mul3A_1761 = vector.broadcast %mul3A_1760 : i32 to vector<16xi32>
      %mul3A_1762 = arith.muli %iota3A, %mul3A_1761 : vector<16xi32>
      %gather3A_1763 = tpu.vector_load_idx %arg15[%add3A_1759, %mul3A_1762] : memref<80x8xi32, #tpu.memory_space<vmem>>[vector<16xi32>, vector<16xi32>], vector<16xi32>,
      %mul3A_1764 = arith.constant 0 : i32
      %mul3A_1765 = vector.broadcast %mul3A_1764 : i32 to vector<16xi32>
      %mul3A_1766 = arith.muli %iota3A, %mul3A_1765 : vector<16xi32>
      %add3A_1767 = arith.constant 1 : i32
      %add3A_1768 = vector.broadcast %add3A_1767 : i32 to vector<16xi32>
      %add3A_1769 = arith.addi %mul3A_1766, %add3A_1768 : vector<16xi32>
      %gather3A_1770 = tpu.vector_load_idx %arg15[%add3A_1759, %add3A_1769] : memref<80x8xi32, #tpu.memory_space<vmem>>[vector<16xi32>, vector<16xi32>], vector<16xi32>,
      %get3A_1771 = arith.constant 48 : index
      %get3A_1772 = tpu.vector_load %arg11[%get3A_1771] {strides = array<i32>} : memref<80xi32, #tpu.memory_space<vmem>>, vector<16xi32>,
      %add3A_1773 = arith.constant 48 : i32
      %add3A_1774 = arith.addi %multiple_of3A, %add3A_1773 : i32
      %add3A_1775 = vector.broadcast %add3A_1774 : i32 to vector<16xi32>
      %add3A_1776 = arith.addi %add3A_1775, %iota3A : vector<16xi32>
      %eq3A_1777 = arith.cmpi eq, %gather3A_1770, %get3A_1772 : vector<16xi32>
      %select_n3A_1778 = arith.select %eq3A_1777, %gather3A_1763, %add3A_1776 : vector<16xi1>, vector<16xi32>
      %swap3A_1779 = arith.constant 48 : index
      %swap3A_1780 = tpu.vector_load %arg16[%swap3A_1779] {strides = array<i32>} : memref<80xi32, #tpu.memory_space<vmem>>, vector<16xi32>,
      tpu.vector_store %arg16[%swap3A_1779], %select_n3A_1778 {strides = array<i32>} : memref<80xi32, #tpu.memory_space<vmem>>, vector<16xi32>,
      %add3A_1781 = arith.constant 64 : i32
      %add3A_1782 = vector.broadcast %add3A_1781 : i32 to vector<16xi32>
      %add3A_1783 = arith.addi %add3A_1782, %iota3A : vector<16xi32>
      %mul3A_1784 = arith.constant 0 : i32
      %mul3A_1785 = vector.broadcast %mul3A_1784 : i32 to vector<16xi32>
      %mul3A_1786 = arith.muli %iota3A, %mul3A_1785 : vector<16xi32>
      %gather3A_1787 = tpu.vector_load_idx %arg15[%add3A_1783, %mul3A_1786] : memref<80x8xi32, #tpu.memory_space<vmem>>[vector<16xi32>, vector<16xi32>], vector<16xi32>,
      %mul3A_1788 = arith.constant 0 : i32
      %mul3A_1789 = vector.broadcast %mul3A_1788 : i32 to vector<16xi32>
      %mul3A_1790 = arith.muli %iota3A, %mul3A_1789 : vector<16xi32>
      %add3A_1791 = arith.constant 1 : i32
      %add3A_1792 = vector.broadcast %add3A_1791 : i32 to vector<16xi32>
      %add3A_1793 = arith.addi %mul3A_1790, %add3A_1792 : vector<16xi32>
      %gather3A_1794 = tpu.vector_load_idx %arg15[%add3A_1783, %add3A_1793] : memref<80x8xi32, #tpu.memory_space<vmem>>[vector<16xi32>, vector<16xi32>], vector<16xi32>,
      %get3A_1795 = arith.constant 64 : index
      %get3A_1796 = tpu.vector_load %arg11[%get3A_1795] {strides = array<i32>} : memref<80xi32, #tpu.memory_space<vmem>>, vector<16xi32>,
      %add3A_1797 = arith.constant 64 : i32
      %add3A_1798 = arith.addi %multiple_of3A, %add3A_1797 : i32
      %add3A_1799 = vector.broadcast %add3A_1798 : i32 to vector<16xi32>
      %add3A_1800 = arith.addi %add3A_1799, %iota3A : vector<16xi32>
      %eq3A_1801 = arith.cmpi eq, %gather3A_1794, %get3A_1796 : vector<16xi32>
      %select_n3A_1802 = arith.select %eq3A_1801, %gather3A_1787, %add3A_1800 : vector<16xi1>, vector<16xi32>
      %swap3A_1803 = arith.constant 64 : index
      %swap3A_1804 = tpu.vector_load %arg16[%swap3A_1803] {strides = array<i32>} : memref<80xi32, #tpu.memory_space<vmem>>, vector<16xi32>,
      tpu.vector_store %arg16[%swap3A_1803], %select_n3A_1802 {strides = array<i32>} : memref<80xi32, #tpu.memory_space<vmem>>, vector<16xi32>,
      %dma_start3A_1805 = arith.constant 0 : i32
      %dma_start3A_1806 = arith.constant 0 : i32
      %dma_start3A_1807 = tpu.memref_slice %arg2[%dma_start3A_1805, %dma_start3A_1806] : memref<320000x64xf32, #tpu.memory_space<hbm>> -> memref<320000x64xf32, #tpu.memory_space<hbm>>
      tpu.enqueue_indirect_dma source(%dma_start3A_1807 : memref<320000x64xf32, #tpu.memory_space<hbm>>) target(%arg17 : memref<80x64xf32, #tpu.memory_space<vmem>>) offsets(%arg16 : memref<80xi32, #tpu.memory_space<vmem>>) semaphore(%arg18 : memref<!tpu.dma_semaphore, #tpu.memory_space<semaphore_mem>>)
      %dma_wait3A_1808 = arith.constant 0 : i32
      %dma_wait3A_1809 = arith.constant 0 : i32
      %dma_wait3A_1810 = tpu.memref_slice %arg2[%dma_wait3A_1808, %dma_wait3A_1809] : memref<320000x64xf32, #tpu.memory_space<hbm>> -> memref<320000x64xf32, #tpu.memory_space<hbm>>
      tpu.wait_indirect_dma semaphore(%arg18 : memref<!tpu.dma_semaphore, #tpu.memory_space<semaphore_mem>>) src(%dma_wait3A_1810 : memref<320000x64xf32, #tpu.memory_space<hbm>>) dst(%arg17 : memref<80x64xf32, #tpu.memory_space<vmem>>)
      "tpu.region"() ({
        %run_scoped3A = tpu.sem_alloc : memref<!tpu.dma_semaphore, #tpu.memory_space<semaphore_mem>>
        %dma_start3A_1811 = arith.constant 0 : i32
        %dma_start3A_1812 = tpu.memref_slice %arg8[%multiple_of3A, %dma_start3A_1811] : memref<320000x64xf32, #tpu.memory_space<hbm>> -> memref<80x64xf32, #tpu.memory_space<hbm>>
        %dma_start3A_1813 = arith.constant 0 : i32
        %dma_start3A_1814 = tpu.memref_slice %arg8[%multiple_of3A, %dma_start3A_1813] : memref<320000x64xf32, #tpu.memory_space<hbm>> -> memref<80x64xf32, #tpu.memory_space<hbm>>
        tpu.enqueue_dma source(%arg17 : memref<80x64xf32, #tpu.memory_space<vmem>>) target(%dma_start3A_1814 : memref<80x64xf32, #tpu.memory_space<hbm>>) target_semaphore(%run_scoped3A : memref<!tpu.dma_semaphore, #tpu.memory_space<semaphore_mem>>)
        %dma_wait3A_1815 = arith.constant 0 : i32
        %dma_wait3A_1816 = tpu.memref_slice %arg8[%multiple_of3A, %dma_wait3A_1815] : memref<320000x64xf32, #tpu.memory_space<hbm>> -> memref<80x64xf32, #tpu.memory_space<hbm>>
        %dma_wait3A_1817 = arith.constant 0 : i32
        %dma_wait3A_1818 = tpu.memref_slice %arg8[%multiple_of3A, %dma_wait3A_1817] : memref<320000x64xf32, #tpu.memory_space<hbm>> -> memref<80x64xf32, #tpu.memory_space<hbm>>
        tpu.wait_dma2 semaphore(%run_scoped3A : memref<!tpu.dma_semaphore, #tpu.memory_space<semaphore_mem>>) src(%arg17 : memref<80x64xf32, #tpu.memory_space<vmem>>) dst(%dma_wait3A_1818 : memref<80x64xf32, #tpu.memory_space<hbm>>)
        tpu.yield
      }) : () -> ()
    }
    %scan3A_7 = arith.constant 125 : i32
    return
  }
}

#map = affine_map<(d0, d1) -> (0, 0)>
#map1 = affine_map<(d0, d1) -> (0)>
#map2 = affine_map<(d0, d1) -> (0, 0, 0)>
module attributes {stable_mosaic.version = 14 : i64} {
  func.func @k(%arg0: i32, %arg1: i32, %arg2: memref<320000x8xf32, #tpu.memory_space<hbm>>, %arg3: memref<320000xi32, #tpu.memory_space<hbm>>, %arg4: memref<10000x8xf32, #tpu.memory_space<hbm>>, %arg5: memref<2x10000x8xf32, #tpu.memory_space<hbm>>, %arg6: memref<80xi32, #tpu.memory_space<vmem>>, %arg7: memref<80x8xf32, #tpu.memory_space<vmem>>, %arg8: memref<10000x8xf32, #tpu.memory_space<vmem_shared>>, %arg9: memref<!tpu.dma_semaphore, #tpu.memory_space<semaphore_mem>>) attributes {dimension_semantics = [#tpu.dimension_semantics<core_parallel>, #tpu.dimension_semantics<subcore_parallel>], iteration_bounds = array<i64: 2, 16>, scalar_prefetch = 0 : i64, scratch_operands = 4 : i64, tpu.core_type = #tpu.core_type<sc_vector_subcore>, window_params = [{transform_indices = #map}, {transform_indices = #map1}, {transform_indices = #map}, {transform_indices = #map2}]} {
    %mul3A = arith.constant 2 : i32
    %mul3A_0 = arith.muli %arg1, %mul3A : i32
    %add3A = arith.addi %mul3A_0, %arg0 : i32
    %mul3A_1 = arith.constant 10000 : i32
    %mul3A_2 = arith.muli %add3A, %mul3A_1 : i32
    %lt3A = arith.constant 10 : i32
    %lt3A_3 = arith.cmpi slt, %arg1, %lt3A : i32
    %convert_element_type3A = arith.extui %lt3A_3 : i1 to i32
    %cond3A = arith.constant 0 : i32
    %cond3A_4 = arith.cmpi ne, %convert_element_type3A, %cond3A : i32
    scf.if %cond3A_4 {
      %mul3A_16 = arith.constant 1000 : i32
      %mul3A_17 = arith.muli %arg1, %mul3A_16 : i32
      %multiple_of3A = tpu.assume_multiple %mul3A_17, 8 : i32
      "tpu.region"() ({
        %run_scoped3A = tpu.sem_alloc : memref<!tpu.dma_semaphore, #tpu.memory_space<semaphore_mem>>
        %dma_start3A = arith.constant 0 : i32
        %dma_start3A_18 = tpu.memref_slice %arg8[%multiple_of3A, %dma_start3A] : memref<10000x8xf32, #tpu.memory_space<vmem_shared>> -> memref<1000x8xf32, #tpu.memory_space<vmem_shared>>
        %dma_start3A_19 = arith.constant 0 : i32
        %dma_start3A_20 = tpu.memref_slice %arg4[%multiple_of3A, %dma_start3A_19] : memref<10000x8xf32, #tpu.memory_space<hbm>> -> memref<1000x8xf32, #tpu.memory_space<hbm>>
        tpu.enqueue_dma source(%dma_start3A_20 : memref<1000x8xf32, #tpu.memory_space<hbm>>) target(%dma_start3A_18 : memref<1000x8xf32, #tpu.memory_space<vmem_shared>>) target_semaphore(%run_scoped3A : memref<!tpu.dma_semaphore, #tpu.memory_space<semaphore_mem>>)
        %dma_wait3A = arith.constant 0 : i32
        %dma_wait3A_21 = tpu.memref_slice %arg8[%multiple_of3A, %dma_wait3A] : memref<10000x8xf32, #tpu.memory_space<vmem_shared>> -> memref<1000x8xf32, #tpu.memory_space<vmem_shared>>
        %dma_wait3A_22 = arith.constant 0 : i32
        %dma_wait3A_23 = tpu.memref_slice %arg4[%multiple_of3A, %dma_wait3A_22] : memref<10000x8xf32, #tpu.memory_space<hbm>> -> memref<1000x8xf32, #tpu.memory_space<hbm>>
        tpu.wait_dma2 semaphore(%run_scoped3A : memref<!tpu.dma_semaphore, #tpu.memory_space<semaphore_mem>>) src(%dma_wait3A_23 : memref<1000x8xf32, #tpu.memory_space<hbm>>) dst(%dma_wait3A_21 : memref<1000x8xf32, #tpu.memory_space<vmem_shared>>)
        tpu.yield
      }) : () -> ()
    } else {
    }
    %barrier3A = arith.constant 0 : index
    tpu.barrier barrier_id(%barrier3A)
    %scan3A = arith.constant 0 : i32
    %scan3A_5 = arith.constant 0 : i32
    %scan3A_6 = arith.constant 125 : i32
    %scan3A_7 = arith.addi %scan3A_5, %scan3A_6 : i32
    %scan3A_8 = arith.constant 1 : i32
    scf.for %scan3A_16 = %scan3A_5 to %scan3A_7 step %scan3A_8  : i32 {
      %mul3A_17 = arith.constant 80 : i32
      %mul3A_18 = arith.muli %scan3A_16, %mul3A_17 : i32
      %add3A_19 = arith.addi %mul3A_2, %mul3A_18 : i32
      %multiple_of3A = tpu.assume_multiple %add3A_19, 8 : i32
      "tpu.region"() ({
        %run_scoped3A = tpu.sem_alloc : memref<!tpu.dma_semaphore, #tpu.memory_space<semaphore_mem>>
        %dma_start3A_24 = tpu.memref_slice %arg3[%multiple_of3A] : memref<320000xi32, #tpu.memory_space<hbm>> -> memref<80xi32, #tpu.memory_space<hbm>>
        %dma_start3A_25 = tpu.memref_slice %arg3[%multiple_of3A] : memref<320000xi32, #tpu.memory_space<hbm>> -> memref<80xi32, #tpu.memory_space<hbm>>
        tpu.enqueue_dma source(%dma_start3A_25 : memref<80xi32, #tpu.memory_space<hbm>>) target(%arg6 : memref<80xi32, #tpu.memory_space<vmem>>) target_semaphore(%run_scoped3A : memref<!tpu.dma_semaphore, #tpu.memory_space<semaphore_mem>>)
        %dma_wait3A_26 = tpu.memref_slice %arg3[%multiple_of3A] : memref<320000xi32, #tpu.memory_space<hbm>> -> memref<80xi32, #tpu.memory_space<hbm>>
        %dma_wait3A_27 = tpu.memref_slice %arg3[%multiple_of3A] : memref<320000xi32, #tpu.memory_space<hbm>> -> memref<80xi32, #tpu.memory_space<hbm>>
        tpu.wait_dma2 semaphore(%run_scoped3A : memref<!tpu.dma_semaphore, #tpu.memory_space<semaphore_mem>>) src(%dma_wait3A_27 : memref<80xi32, #tpu.memory_space<hbm>>) dst(%arg6 : memref<80xi32, #tpu.memory_space<vmem>>)
        tpu.yield
      }) : () -> ()
      "tpu.region"() ({
        %run_scoped3A = tpu.sem_alloc : memref<!tpu.dma_semaphore, #tpu.memory_space<semaphore_mem>>
        %dma_start3A_24 = arith.constant 0 : i32
        %dma_start3A_25 = tpu.memref_slice %arg2[%multiple_of3A, %dma_start3A_24] : memref<320000x8xf32, #tpu.memory_space<hbm>> -> memref<80x8xf32, #tpu.memory_space<hbm>>
        %dma_start3A_26 = arith.constant 0 : i32
        %dma_start3A_27 = tpu.memref_slice %arg2[%multiple_of3A, %dma_start3A_26] : memref<320000x8xf32, #tpu.memory_space<hbm>> -> memref<80x8xf32, #tpu.memory_space<hbm>>
        tpu.enqueue_dma source(%dma_start3A_27 : memref<80x8xf32, #tpu.memory_space<hbm>>) target(%arg7 : memref<80x8xf32, #tpu.memory_space<vmem>>) target_semaphore(%run_scoped3A : memref<!tpu.dma_semaphore, #tpu.memory_space<semaphore_mem>>)
        %dma_wait3A_28 = arith.constant 0 : i32
        %dma_wait3A_29 = tpu.memref_slice %arg2[%multiple_of3A, %dma_wait3A_28] : memref<320000x8xf32, #tpu.memory_space<hbm>> -> memref<80x8xf32, #tpu.memory_space<hbm>>
        %dma_wait3A_30 = arith.constant 0 : i32
        %dma_wait3A_31 = tpu.memref_slice %arg2[%multiple_of3A, %dma_wait3A_30] : memref<320000x8xf32, #tpu.memory_space<hbm>> -> memref<80x8xf32, #tpu.memory_space<hbm>>
        tpu.wait_dma2 semaphore(%run_scoped3A : memref<!tpu.dma_semaphore, #tpu.memory_space<semaphore_mem>>) src(%dma_wait3A_31 : memref<80x8xf32, #tpu.memory_space<hbm>>) dst(%arg7 : memref<80x8xf32, #tpu.memory_space<vmem>>)
        tpu.yield
      }) : () -> ()
      %dma_start3A = arith.constant 0 : i32
      %dma_start3A_20 = arith.constant 0 : i32
      %dma_start3A_21 = tpu.memref_slice %arg8[%dma_start3A, %dma_start3A_20] : memref<10000x8xf32, #tpu.memory_space<vmem_shared>> -> memref<10000x8xf32, #tpu.memory_space<vmem_shared>>
      tpu.enqueue_indirect_dma source(%arg7 : memref<80x8xf32, #tpu.memory_space<vmem>>) target(%dma_start3A_21 : memref<10000x8xf32, #tpu.memory_space<vmem_shared>>) offsets(%arg6 : memref<80xi32, #tpu.memory_space<vmem>>) semaphore(%arg9 : memref<!tpu.dma_semaphore, #tpu.memory_space<semaphore_mem>>) {add = true}
      %dma_wait3A = arith.constant 0 : i32
      %dma_wait3A_22 = arith.constant 0 : i32
      %dma_wait3A_23 = tpu.memref_slice %arg8[%dma_wait3A, %dma_wait3A_22] : memref<10000x8xf32, #tpu.memory_space<vmem_shared>> -> memref<10000x8xf32, #tpu.memory_space<vmem_shared>>
      tpu.wait_indirect_dma semaphore(%arg9 : memref<!tpu.dma_semaphore, #tpu.memory_space<semaphore_mem>>) src(%arg7 : memref<80x8xf32, #tpu.memory_space<vmem>>) dst(%dma_wait3A_23 : memref<10000x8xf32, #tpu.memory_space<vmem_shared>>)
    }
    %scan3A_9 = arith.constant 125 : i32
    %barrier3A_10 = arith.constant 0 : index
    tpu.barrier barrier_id(%barrier3A_10)
    %lt3A_11 = arith.constant 10 : i32
    %lt3A_12 = arith.cmpi slt, %arg1, %lt3A_11 : i32
    %convert_element_type3A_13 = arith.extui %lt3A_12 : i1 to i32
    %cond3A_14 = arith.constant 0 : i32
    %cond3A_15 = arith.cmpi ne, %convert_element_type3A_13, %cond3A_14 : i32
    scf.if %cond3A_15 {
      %mul3A_16 = arith.constant 1000 : i32
      %mul3A_17 = arith.muli %arg1, %mul3A_16 : i32
      %multiple_of3A = tpu.assume_multiple %mul3A_17, 8 : i32
      "tpu.region"() ({
        %run_scoped3A = tpu.sem_alloc : memref<!tpu.dma_semaphore, #tpu.memory_space<semaphore_mem>>
        %dma_start3A = arith.constant 0 : i32
        %dma_start3A_18 = tpu.memref_slice %arg5[%arg0, %multiple_of3A, %dma_start3A] : memref<2x10000x8xf32, #tpu.memory_space<hbm>> -> memref<1x1000x8xf32, #tpu.memory_space<hbm>>
        %dma_start3A_19 = tpu.memref_squeeze %dma_start3A_18 : memref<1x1000x8xf32, #tpu.memory_space<hbm>> -> memref<1000x8xf32, #tpu.memory_space<hbm>>
        %dma_start3A_20 = arith.constant 0 : i32
        %dma_start3A_21 = tpu.memref_slice %arg8[%multiple_of3A, %dma_start3A_20] : memref<10000x8xf32, #tpu.memory_space<vmem_shared>> -> memref<1000x8xf32, #tpu.memory_space<vmem_shared>>
        tpu.enqueue_dma source(%dma_start3A_21 : memref<1000x8xf32, #tpu.memory_space<vmem_shared>>) target(%dma_start3A_19 : memref<1000x8xf32, #tpu.memory_space<hbm>>) target_semaphore(%run_scoped3A : memref<!tpu.dma_semaphore, #tpu.memory_space<semaphore_mem>>)
        %dma_wait3A = arith.constant 0 : i32
        %dma_wait3A_22 = tpu.memref_slice %arg5[%arg0, %multiple_of3A, %dma_wait3A] : memref<2x10000x8xf32, #tpu.memory_space<hbm>> -> memref<1x1000x8xf32, #tpu.memory_space<hbm>>
        %dma_wait3A_23 = tpu.memref_squeeze %dma_wait3A_22 : memref<1x1000x8xf32, #tpu.memory_space<hbm>> -> memref<1000x8xf32, #tpu.memory_space<hbm>>
        %dma_wait3A_24 = arith.constant 0 : i32
        %dma_wait3A_25 = tpu.memref_slice %arg8[%multiple_of3A, %dma_wait3A_24] : memref<10000x8xf32, #tpu.memory_space<vmem_shared>> -> memref<1000x8xf32, #tpu.memory_space<vmem_shared>>
        tpu.wait_dma2 semaphore(%run_scoped3A : memref<!tpu.dma_semaphore, #tpu.memory_space<semaphore_mem>>) src(%dma_wait3A_25 : memref<1000x8xf32, #tpu.memory_space<vmem_shared>>) dst(%dma_wait3A_23 : memref<1000x8xf32, #tpu.memory_space<hbm>>)
        tpu.yield
      }) : () -> ()
    } else {
    }
    return
  }
}

#map = affine_map<(d0, d1) -> (0, 0)>
#map1 = affine_map<(d0, d1) -> (0)>
module attributes {stable_mosaic.version = 14 : i64} {
  func.func @k(%arg0: i32, %arg1: i32, %arg2: memref<10000x8xf32, #tpu.memory_space<hbm>>, %arg3: memref<320000xi32, #tpu.memory_space<hbm>>, %arg4: memref<320000xi32, #tpu.memory_space<hbm>>, %arg5: memref<320000x8xf32, #tpu.memory_space<hbm>>, %arg6: memref<320000x8xf32, #tpu.memory_space<hbm>>, %arg7: memref<80xi32, #tpu.memory_space<vmem>>, %arg8: memref<80xi32, #tpu.memory_space<vmem>>, %arg9: memref<80x8xf32, #tpu.memory_space<vmem>>, %arg10: memref<80x8xf32, #tpu.memory_space<vmem>>, %arg11: memref<!tpu.dma_semaphore, #tpu.memory_space<semaphore_mem>>, %arg12: memref<!tpu.dma_semaphore, #tpu.memory_space<semaphore_mem>>) attributes {dimension_semantics = [#tpu.dimension_semantics<core_parallel>, #tpu.dimension_semantics<subcore_parallel>], iteration_bounds = array<i64: 2, 16>, scalar_prefetch = 0 : i64, scratch_operands = 6 : i64, tpu.core_type = #tpu.core_type<sc_vector_subcore>, window_params = [{transform_indices = #map}, {transform_indices = #map1}, {transform_indices = #map1}, {transform_indices = #map}, {transform_indices = #map}]} {
    %mul3A = arith.constant 2 : i32
    %mul3A_0 = arith.muli %arg1, %mul3A : i32
    %add3A = arith.addi %mul3A_0, %arg0 : i32
    %mul3A_1 = arith.constant 10000 : i32
    %mul3A_2 = arith.muli %add3A, %mul3A_1 : i32
    %scan3A = arith.constant 0 : i32
    %scan3A_3 = arith.constant 0 : i32
    %scan3A_4 = arith.constant 125 : i32
    %scan3A_5 = arith.addi %scan3A_3, %scan3A_4 : i32
    %scan3A_6 = arith.constant 1 : i32
    scf.for %scan3A_8 = %scan3A_3 to %scan3A_5 step %scan3A_6  : i32 {
      %mul3A_9 = arith.constant 80 : i32
      %mul3A_10 = arith.muli %scan3A_8, %mul3A_9 : i32
      %add3A_11 = arith.addi %mul3A_2, %mul3A_10 : i32
      %multiple_of3A = tpu.assume_multiple %add3A_11, 8 : i32
      "tpu.region"() ({
        %run_scoped3A = tpu.sem_alloc : memref<!tpu.dma_semaphore, #tpu.memory_space<semaphore_mem>>
        %dma_start3A_22 = tpu.memref_slice %arg3[%multiple_of3A] : memref<320000xi32, #tpu.memory_space<hbm>> -> memref<80xi32, #tpu.memory_space<hbm>>
        %dma_start3A_23 = tpu.memref_slice %arg3[%multiple_of3A] : memref<320000xi32, #tpu.memory_space<hbm>> -> memref<80xi32, #tpu.memory_space<hbm>>
        tpu.enqueue_dma source(%dma_start3A_23 : memref<80xi32, #tpu.memory_space<hbm>>) target(%arg7 : memref<80xi32, #tpu.memory_space<vmem>>) target_semaphore(%run_scoped3A : memref<!tpu.dma_semaphore, #tpu.memory_space<semaphore_mem>>)
        %dma_wait3A_24 = tpu.memref_slice %arg3[%multiple_of3A] : memref<320000xi32, #tpu.memory_space<hbm>> -> memref<80xi32, #tpu.memory_space<hbm>>
        %dma_wait3A_25 = tpu.memref_slice %arg3[%multiple_of3A] : memref<320000xi32, #tpu.memory_space<hbm>> -> memref<80xi32, #tpu.memory_space<hbm>>
        tpu.wait_dma2 semaphore(%run_scoped3A : memref<!tpu.dma_semaphore, #tpu.memory_space<semaphore_mem>>) src(%dma_wait3A_25 : memref<80xi32, #tpu.memory_space<hbm>>) dst(%arg7 : memref<80xi32, #tpu.memory_space<vmem>>)
        tpu.yield
      }) : () -> ()
      "tpu.region"() ({
        %run_scoped3A = tpu.sem_alloc : memref<!tpu.dma_semaphore, #tpu.memory_space<semaphore_mem>>
        %dma_start3A_22 = tpu.memref_slice %arg4[%multiple_of3A] : memref<320000xi32, #tpu.memory_space<hbm>> -> memref<80xi32, #tpu.memory_space<hbm>>
        %dma_start3A_23 = tpu.memref_slice %arg4[%multiple_of3A] : memref<320000xi32, #tpu.memory_space<hbm>> -> memref<80xi32, #tpu.memory_space<hbm>>
        tpu.enqueue_dma source(%dma_start3A_23 : memref<80xi32, #tpu.memory_space<hbm>>) target(%arg8 : memref<80xi32, #tpu.memory_space<vmem>>) target_semaphore(%run_scoped3A : memref<!tpu.dma_semaphore, #tpu.memory_space<semaphore_mem>>)
        %dma_wait3A_24 = tpu.memref_slice %arg4[%multiple_of3A] : memref<320000xi32, #tpu.memory_space<hbm>> -> memref<80xi32, #tpu.memory_space<hbm>>
        %dma_wait3A_25 = tpu.memref_slice %arg4[%multiple_of3A] : memref<320000xi32, #tpu.memory_space<hbm>> -> memref<80xi32, #tpu.memory_space<hbm>>
        tpu.wait_dma2 semaphore(%run_scoped3A : memref<!tpu.dma_semaphore, #tpu.memory_space<semaphore_mem>>) src(%dma_wait3A_25 : memref<80xi32, #tpu.memory_space<hbm>>) dst(%arg8 : memref<80xi32, #tpu.memory_space<vmem>>)
        tpu.yield
      }) : () -> ()
      %dma_start3A = arith.constant 0 : i32
      %dma_start3A_12 = arith.constant 0 : i32
      %dma_start3A_13 = tpu.memref_slice %arg2[%dma_start3A, %dma_start3A_12] : memref<10000x8xf32, #tpu.memory_space<hbm>> -> memref<10000x8xf32, #tpu.memory_space<hbm>>
      tpu.enqueue_indirect_dma source(%dma_start3A_13 : memref<10000x8xf32, #tpu.memory_space<hbm>>) target(%arg9 : memref<80x8xf32, #tpu.memory_space<vmem>>) offsets(%arg7 : memref<80xi32, #tpu.memory_space<vmem>>) semaphore(%arg11 : memref<!tpu.dma_semaphore, #tpu.memory_space<semaphore_mem>>)
      %dma_start3A_14 = arith.constant 0 : i32
      %dma_start3A_15 = arith.constant 0 : i32
      %dma_start3A_16 = tpu.memref_slice %arg2[%dma_start3A_14, %dma_start3A_15] : memref<10000x8xf32, #tpu.memory_space<hbm>> -> memref<10000x8xf32, #tpu.memory_space<hbm>>
      tpu.enqueue_indirect_dma source(%dma_start3A_16 : memref<10000x8xf32, #tpu.memory_space<hbm>>) target(%arg10 : memref<80x8xf32, #tpu.memory_space<vmem>>) offsets(%arg8 : memref<80xi32, #tpu.memory_space<vmem>>) semaphore(%arg12 : memref<!tpu.dma_semaphore, #tpu.memory_space<semaphore_mem>>)
      %dma_wait3A = arith.constant 0 : i32
      %dma_wait3A_17 = arith.constant 0 : i32
      %dma_wait3A_18 = tpu.memref_slice %arg2[%dma_wait3A, %dma_wait3A_17] : memref<10000x8xf32, #tpu.memory_space<hbm>> -> memref<10000x8xf32, #tpu.memory_space<hbm>>
      tpu.wait_indirect_dma semaphore(%arg11 : memref<!tpu.dma_semaphore, #tpu.memory_space<semaphore_mem>>) src(%dma_wait3A_18 : memref<10000x8xf32, #tpu.memory_space<hbm>>) dst(%arg9 : memref<80x8xf32, #tpu.memory_space<vmem>>)
      %dma_wait3A_19 = arith.constant 0 : i32
      %dma_wait3A_20 = arith.constant 0 : i32
      %dma_wait3A_21 = tpu.memref_slice %arg2[%dma_wait3A_19, %dma_wait3A_20] : memref<10000x8xf32, #tpu.memory_space<hbm>> -> memref<10000x8xf32, #tpu.memory_space<hbm>>
      tpu.wait_indirect_dma semaphore(%arg12 : memref<!tpu.dma_semaphore, #tpu.memory_space<semaphore_mem>>) src(%dma_wait3A_21 : memref<10000x8xf32, #tpu.memory_space<hbm>>) dst(%arg10 : memref<80x8xf32, #tpu.memory_space<vmem>>)
      "tpu.region"() ({
        %run_scoped3A = tpu.sem_alloc : memref<!tpu.dma_semaphore, #tpu.memory_space<semaphore_mem>>
        %dma_start3A_22 = arith.constant 0 : i32
        %dma_start3A_23 = tpu.memref_slice %arg5[%multiple_of3A, %dma_start3A_22] : memref<320000x8xf32, #tpu.memory_space<hbm>> -> memref<80x8xf32, #tpu.memory_space<hbm>>
        %dma_start3A_24 = arith.constant 0 : i32
        %dma_start3A_25 = tpu.memref_slice %arg5[%multiple_of3A, %dma_start3A_24] : memref<320000x8xf32, #tpu.memory_space<hbm>> -> memref<80x8xf32, #tpu.memory_space<hbm>>
        tpu.enqueue_dma source(%arg9 : memref<80x8xf32, #tpu.memory_space<vmem>>) target(%dma_start3A_25 : memref<80x8xf32, #tpu.memory_space<hbm>>) target_semaphore(%run_scoped3A : memref<!tpu.dma_semaphore, #tpu.memory_space<semaphore_mem>>)
        %dma_wait3A_26 = arith.constant 0 : i32
        %dma_wait3A_27 = tpu.memref_slice %arg5[%multiple_of3A, %dma_wait3A_26] : memref<320000x8xf32, #tpu.memory_space<hbm>> -> memref<80x8xf32, #tpu.memory_space<hbm>>
        %dma_wait3A_28 = arith.constant 0 : i32
        %dma_wait3A_29 = tpu.memref_slice %arg5[%multiple_of3A, %dma_wait3A_28] : memref<320000x8xf32, #tpu.memory_space<hbm>> -> memref<80x8xf32, #tpu.memory_space<hbm>>
        tpu.wait_dma2 semaphore(%run_scoped3A : memref<!tpu.dma_semaphore, #tpu.memory_space<semaphore_mem>>) src(%arg9 : memref<80x8xf32, #tpu.memory_space<vmem>>) dst(%dma_wait3A_29 : memref<80x8xf32, #tpu.memory_space<hbm>>)
        tpu.yield
      }) : () -> ()
      "tpu.region"() ({
        %run_scoped3A = tpu.sem_alloc : memref<!tpu.dma_semaphore, #tpu.memory_space<semaphore_mem>>
        %dma_start3A_22 = arith.constant 0 : i32
        %dma_start3A_23 = tpu.memref_slice %arg6[%multiple_of3A, %dma_start3A_22] : memref<320000x8xf32, #tpu.memory_space<hbm>> -> memref<80x8xf32, #tpu.memory_space<hbm>>
        %dma_start3A_24 = arith.constant 0 : i32
        %dma_start3A_25 = tpu.memref_slice %arg6[%multiple_of3A, %dma_start3A_24] : memref<320000x8xf32, #tpu.memory_space<hbm>> -> memref<80x8xf32, #tpu.memory_space<hbm>>
        tpu.enqueue_dma source(%arg10 : memref<80x8xf32, #tpu.memory_space<vmem>>) target(%dma_start3A_25 : memref<80x8xf32, #tpu.memory_space<hbm>>) target_semaphore(%run_scoped3A : memref<!tpu.dma_semaphore, #tpu.memory_space<semaphore_mem>>)
        %dma_wait3A_26 = arith.constant 0 : i32
        %dma_wait3A_27 = tpu.memref_slice %arg6[%multiple_of3A, %dma_wait3A_26] : memref<320000x8xf32, #tpu.memory_space<hbm>> -> memref<80x8xf32, #tpu.memory_space<hbm>>
        %dma_wait3A_28 = arith.constant 0 : i32
        %dma_wait3A_29 = tpu.memref_slice %arg6[%multiple_of3A, %dma_wait3A_28] : memref<320000x8xf32, #tpu.memory_space<hbm>> -> memref<80x8xf32, #tpu.memory_space<hbm>>
        tpu.wait_dma2 semaphore(%run_scoped3A : memref<!tpu.dma_semaphore, #tpu.memory_space<semaphore_mem>>) src(%arg10 : memref<80x8xf32, #tpu.memory_space<vmem>>) dst(%dma_wait3A_29 : memref<80x8xf32, #tpu.memory_space<hbm>>)
        tpu.yield
      }) : () -> ()
    }
    %scan3A_7 = arith.constant 125 : i32
    return
  }
}

module attributes {stable_mosaic.version = 14 : i64} {
  func.func @_tc_bmm_body(%arg0: i32, %arg1: memref<1000x64xf32, #tpu.memory_space<vmem>>, %arg2: memref<1000x64xf32, #tpu.memory_space<vmem>>, %arg3: memref<1000x64xf32, #tpu.memory_space<vmem>>, %arg4: memref<1000x8xf32, #tpu.memory_space<vmem>>) attributes {dimension_semantics = [#tpu.dimension_semantics<arbitrary>], iteration_bounds = array<i64: 320>, scalar_prefetch = 0 : i64, scratch_operands = 0 : i64, tpu.core_type = #tpu.core_type<tc>, window_params = [{transform_indices = @transform_0, window_bounds = array<i64: 1000, 64>}, {transform_indices = @transform_1, window_bounds = array<i64: 1000, 64>}, {transform_indices = @transform_2, window_bounds = array<i64: 1000, 64>}, {transform_indices = @transform_3, window_bounds = array<i64: 1000, 8>}]} {
    %iota3A = tpu.iota {dimensions = array<i32: 1>} : vector<8x64xi32>
    %iota3A_0 = tpu.iota {dimensions = array<i32: 0>} : vector<8x64xi32>
    %jit3A = arith.constant 8 : i32
    %div3A = vector.broadcast %jit3A : i32 to vector<8x64xi32>
    %div3A_1 = arith.divsi %iota3A, %div3A : vector<8x64xi32>
    %sign3A = arith.constant 0 : i32
    %sign3A_2 = vector.broadcast %sign3A : i32 to vector<8x64xi32>
    %sign3A_3 = arith.cmpi sgt, %iota3A, %sign3A_2 : vector<8x64xi32>
    %sign3A_4 = arith.extui %sign3A_3 : vector<8x64xi1> to vector<8x64xi32>
    %sign3A_5 = arith.constant 0 : i32
    %sign3A_6 = vector.broadcast %sign3A_5 : i32 to vector<8x64xi32>
    %sign3A_7 = arith.cmpi slt, %iota3A, %sign3A_6 : vector<8x64xi32>
    %sign3A_8 = arith.extui %sign3A_7 : vector<8x64xi1> to vector<8x64xi32>
    %sign3A_9 = arith.subi %sign3A_4, %sign3A_8 : vector<8x64xi32>
    %sign3A_10 = arith.constant 0 : i32
    %sign3A_11 = arith.cmpi sgt, %jit3A, %sign3A_10 : i32
    %sign3A_12 = arith.extui %sign3A_11 : i1 to i32
    %sign3A_13 = arith.constant 0 : i32
    %sign3A_14 = arith.cmpi slt, %jit3A, %sign3A_13 : i32
    %sign3A_15 = arith.extui %sign3A_14 : i1 to i32
    %sign3A_16 = arith.subi %sign3A_12, %sign3A_15 : i32
    %ne3A = vector.broadcast %sign3A_16 : i32 to vector<8x64xi32>
    %ne3A_17 = arith.cmpi ne, %sign3A_9, %ne3A : vector<8x64xi32>
    %rem3A = vector.broadcast %jit3A : i32 to vector<8x64xi32>
    %rem3A_18 = arith.remsi %iota3A, %rem3A : vector<8x64xi32>
    %ne3A_19 = arith.constant 0 : i32
    %ne3A_20 = vector.broadcast %ne3A_19 : i32 to vector<8x64xi32>
    %ne3A_21 = arith.cmpi ne, %rem3A_18, %ne3A_20 : vector<8x64xi32>
    %and3A = arith.andi %ne3A_17, %ne3A_21 : vector<8x64xi1>
    %sub3A = arith.constant 1 : i32
    %sub3A_22 = vector.broadcast %sub3A : i32 to vector<8x64xi32>
    %sub3A_23 = arith.subi %div3A_1, %sub3A_22 : vector<8x64xi32>
    %select_n3A = arith.select %and3A, %sub3A_23, %div3A_1 : vector<8x64xi1>, vector<8x64xi32>
    %eq3A = arith.cmpi eq, %select_n3A, %iota3A_0 : vector<8x64xi32>
    %convert_element_type3A = arith.extui %eq3A : vector<8x64xi1> to vector<8x64xi32>
    %convert_element_type3A_24 = arith.sitofp %convert_element_type3A : vector<8x64xi32> to vector<8x64xf32>
    %jit3A_25 = arith.constant 8 : i32
    %eq3A_26 = arith.constant 0 : i32
    %eq3A_27 = arith.cmpi eq, %jit3A_25, %eq3A_26 : i32
    %jit3A_28 = arith.constant 1 : i32
    %select_n3A_29 = arith.select %eq3A_27, %jit3A_28, %jit3A_25 : i32
    %rem3A_30 = vector.broadcast %select_n3A_29 : i32 to vector<8x64xi32>
    %rem3A_31 = arith.remsi %iota3A, %rem3A_30 : vector<8x64xi32>
    %ne3A_32 = arith.constant 0 : i32
    %ne3A_33 = vector.broadcast %ne3A_32 : i32 to vector<8x64xi32>
    %ne3A_34 = arith.cmpi ne, %rem3A_31, %ne3A_33 : vector<8x64xi32>
    %lt3A = arith.constant 0 : i32
    %lt3A_35 = vector.broadcast %lt3A : i32 to vector<8x64xi32>
    %lt3A_36 = arith.cmpi slt, %rem3A_31, %lt3A_35 : vector<8x64xi32>
    %lt3A_37 = arith.constant 0 : i32
    %lt3A_38 = arith.cmpi slt, %select_n3A_29, %lt3A_37 : i32
    %ne3A_39 = vector.broadcast %lt3A_38 : i1 to vector<8x64xi1>
    %ne3A_40 = vector.broadcast %ne3A_39 : vector<8x64xi1> to vector<8x64xi1>
    %ne3A_41 = arith.xori %lt3A_36, %ne3A_40 : vector<8x64xi1>
    %and3A_42 = arith.andi %ne3A_41, %ne3A_34 : vector<8x64xi1>
    %add3A = vector.broadcast %select_n3A_29 : i32 to vector<8x64xi32>
    %add3A_43 = arith.addi %rem3A_31, %add3A : vector<8x64xi32>
    %select_n3A_44 = arith.select %and3A_42, %add3A_43, %rem3A_31 : vector<8x64xi1>, vector<8x64xi32>
    %eq3A_45 = arith.cmpi eq, %select_n3A_44, %iota3A_0 : vector<8x64xi32>
    %convert_element_type3A_46 = arith.extui %eq3A_45 : vector<8x64xi1> to vector<8x64xi32>
    %convert_element_type3A_47 = arith.sitofp %convert_element_type3A_46 : vector<8x64xi32> to vector<8x64xf32>
    %get3A = arith.constant 0 : index
    %get3A_48 = arith.constant 0 : index
    %get3A_49 = vector.load %arg1[%get3A, %get3A_48] : memref<1000x64xf32, #tpu.memory_space<vmem>>, vector<1000x64xf32>
    %get3A_50 = arith.constant 0 : index
    %get3A_51 = arith.constant 0 : index
    %get3A_52 = vector.load %arg2[%get3A_50, %get3A_51] : memref<1000x64xf32, #tpu.memory_space<vmem>>, vector<1000x64xf32>
    %broadcast_in_dim3A = arith.constant 0.000000e+00 : f32
    %broadcast_in_dim3A_53 = vector.broadcast %broadcast_in_dim3A : f32 to vector<1000x64xf32>
    %slice3A = vector.extract_strided_slice %get3A_49 {offsets = [0, 0], sizes = [1000, 8], strides = [1, 1]} : vector<1000x64xf32> to vector<1000x8xf32>
    %slice3A_54 = vector.extract_strided_slice %get3A_52 {offsets = [0, 0], sizes = [1000, 8], strides = [1, 1]} : vector<1000x64xf32> to vector<1000x8xf32>
    %dot_general3A = arith.constant dense<0.000000e+00> : vector<1000x64xf32>
    %dot_general3A_55 = tpu.matmul %slice3A, %convert_element_type3A_24, %dot_general3A {dimension_numbers = #tpu.dot_dimension_numbers<[1], [0], [0], [1], [0, 0, 1, 1], [], []>, transpose_lhs_hint = false} : vector<1000x8xf32>, vector<8x64xf32>, vector<1000x64xf32> -> vector<1000x64xf32>
    %dot_general3A_56 = arith.constant dense<0.000000e+00> : vector<1000x64xf32>
    %dot_general3A_57 = tpu.matmul %slice3A_54, %convert_element_type3A_47, %dot_general3A_56 {dimension_numbers = #tpu.dot_dimension_numbers<[1], [0], [0], [1], [0, 0, 1, 1], [], []>, transpose_lhs_hint = false} : vector<1000x8xf32>, vector<8x64xf32>, vector<1000x64xf32> -> vector<1000x64xf32>
    %mul3A = arith.mulf %dot_general3A_55, %dot_general3A_57 : vector<1000x64xf32>
    %add3A_58 = arith.addf %broadcast_in_dim3A_53, %mul3A : vector<1000x64xf32>
    %slice3A_59 = vector.extract_strided_slice %get3A_49 {offsets = [0, 8], sizes = [1000, 8], strides = [1, 1]} : vector<1000x64xf32> to vector<1000x8xf32>
    %slice3A_60 = vector.extract_strided_slice %get3A_52 {offsets = [0, 8], sizes = [1000, 8], strides = [1, 1]} : vector<1000x64xf32> to vector<1000x8xf32>
    %dot_general3A_61 = arith.constant dense<0.000000e+00> : vector<1000x64xf32>
    %dot_general3A_62 = tpu.matmul %slice3A_59, %convert_element_type3A_24, %dot_general3A_61 {dimension_numbers = #tpu.dot_dimension_numbers<[1], [0], [0], [1], [0, 0, 1, 1], [], []>, transpose_lhs_hint = false} : vector<1000x8xf32>, vector<8x64xf32>, vector<1000x64xf32> -> vector<1000x64xf32>
    %dot_general3A_63 = arith.constant dense<0.000000e+00> : vector<1000x64xf32>
    %dot_general3A_64 = tpu.matmul %slice3A_60, %convert_element_type3A_47, %dot_general3A_63 {dimension_numbers = #tpu.dot_dimension_numbers<[1], [0], [0], [1], [0, 0, 1, 1], [], []>, transpose_lhs_hint = false} : vector<1000x8xf32>, vector<8x64xf32>, vector<1000x64xf32> -> vector<1000x64xf32>
    %mul3A_65 = arith.mulf %dot_general3A_62, %dot_general3A_64 : vector<1000x64xf32>
    %add3A_66 = arith.addf %add3A_58, %mul3A_65 : vector<1000x64xf32>
    %slice3A_67 = vector.extract_strided_slice %get3A_49 {offsets = [0, 16], sizes = [1000, 8], strides = [1, 1]} : vector<1000x64xf32> to vector<1000x8xf32>
    %slice3A_68 = vector.extract_strided_slice %get3A_52 {offsets = [0, 16], sizes = [1000, 8], strides = [1, 1]} : vector<1000x64xf32> to vector<1000x8xf32>
    %dot_general3A_69 = arith.constant dense<0.000000e+00> : vector<1000x64xf32>
    %dot_general3A_70 = tpu.matmul %slice3A_67, %convert_element_type3A_24, %dot_general3A_69 {dimension_numbers = #tpu.dot_dimension_numbers<[1], [0], [0], [1], [0, 0, 1, 1], [], []>, transpose_lhs_hint = false} : vector<1000x8xf32>, vector<8x64xf32>, vector<1000x64xf32> -> vector<1000x64xf32>
    %dot_general3A_71 = arith.constant dense<0.000000e+00> : vector<1000x64xf32>
    %dot_general3A_72 = tpu.matmul %slice3A_68, %convert_element_type3A_47, %dot_general3A_71 {dimension_numbers = #tpu.dot_dimension_numbers<[1], [0], [0], [1], [0, 0, 1, 1], [], []>, transpose_lhs_hint = false} : vector<1000x8xf32>, vector<8x64xf32>, vector<1000x64xf32> -> vector<1000x64xf32>
    %mul3A_73 = arith.mulf %dot_general3A_70, %dot_general3A_72 : vector<1000x64xf32>
    %add3A_74 = arith.addf %add3A_66, %mul3A_73 : vector<1000x64xf32>
    %slice3A_75 = vector.extract_strided_slice %get3A_49 {offsets = [0, 24], sizes = [1000, 8], strides = [1, 1]} : vector<1000x64xf32> to vector<1000x8xf32>
    %slice3A_76 = vector.extract_strided_slice %get3A_52 {offsets = [0, 24], sizes = [1000, 8], strides = [1, 1]} : vector<1000x64xf32> to vector<1000x8xf32>
    %dot_general3A_77 = arith.constant dense<0.000000e+00> : vector<1000x64xf32>
    %dot_general3A_78 = tpu.matmul %slice3A_75, %convert_element_type3A_24, %dot_general3A_77 {dimension_numbers = #tpu.dot_dimension_numbers<[1], [0], [0], [1], [0, 0, 1, 1], [], []>, transpose_lhs_hint = false} : vector<1000x8xf32>, vector<8x64xf32>, vector<1000x64xf32> -> vector<1000x64xf32>
    %dot_general3A_79 = arith.constant dense<0.000000e+00> : vector<1000x64xf32>
    %dot_general3A_80 = tpu.matmul %slice3A_76, %convert_element_type3A_47, %dot_general3A_79 {dimension_numbers = #tpu.dot_dimension_numbers<[1], [0], [0], [1], [0, 0, 1, 1], [], []>, transpose_lhs_hint = false} : vector<1000x8xf32>, vector<8x64xf32>, vector<1000x64xf32> -> vector<1000x64xf32>
    %mul3A_81 = arith.mulf %dot_general3A_78, %dot_general3A_80 : vector<1000x64xf32>
    %add3A_82 = arith.addf %add3A_74, %mul3A_81 : vector<1000x64xf32>
    %slice3A_83 = vector.extract_strided_slice %get3A_49 {offsets = [0, 32], sizes = [1000, 8], strides = [1, 1]} : vector<1000x64xf32> to vector<1000x8xf32>
    %slice3A_84 = vector.extract_strided_slice %get3A_52 {offsets = [0, 32], sizes = [1000, 8], strides = [1, 1]} : vector<1000x64xf32> to vector<1000x8xf32>
    %dot_general3A_85 = arith.constant dense<0.000000e+00> : vector<1000x64xf32>
    %dot_general3A_86 = tpu.matmul %slice3A_83, %convert_element_type3A_24, %dot_general3A_85 {dimension_numbers = #tpu.dot_dimension_numbers<[1], [0], [0], [1], [0, 0, 1, 1], [], []>, transpose_lhs_hint = false} : vector<1000x8xf32>, vector<8x64xf32>, vector<1000x64xf32> -> vector<1000x64xf32>
    %dot_general3A_87 = arith.constant dense<0.000000e+00> : vector<1000x64xf32>
    %dot_general3A_88 = tpu.matmul %slice3A_84, %convert_element_type3A_47, %dot_general3A_87 {dimension_numbers = #tpu.dot_dimension_numbers<[1], [0], [0], [1], [0, 0, 1, 1], [], []>, transpose_lhs_hint = false} : vector<1000x8xf32>, vector<8x64xf32>, vector<1000x64xf32> -> vector<1000x64xf32>
    %mul3A_89 = arith.mulf %dot_general3A_86, %dot_general3A_88 : vector<1000x64xf32>
    %add3A_90 = arith.addf %add3A_82, %mul3A_89 : vector<1000x64xf32>
    %slice3A_91 = vector.extract_strided_slice %get3A_49 {offsets = [0, 40], sizes = [1000, 8], strides = [1, 1]} : vector<1000x64xf32> to vector<1000x8xf32>
    %slice3A_92 = vector.extract_strided_slice %get3A_52 {offsets = [0, 40], sizes = [1000, 8], strides = [1, 1]} : vector<1000x64xf32> to vector<1000x8xf32>
    %dot_general3A_93 = arith.constant dense<0.000000e+00> : vector<1000x64xf32>
    %dot_general3A_94 = tpu.matmul %slice3A_91, %convert_element_type3A_24, %dot_general3A_93 {dimension_numbers = #tpu.dot_dimension_numbers<[1], [0], [0], [1], [0, 0, 1, 1], [], []>, transpose_lhs_hint = false} : vector<1000x8xf32>, vector<8x64xf32>, vector<1000x64xf32> -> vector<1000x64xf32>
    %dot_general3A_95 = arith.constant dense<0.000000e+00> : vector<1000x64xf32>
    %dot_general3A_96 = tpu.matmul %slice3A_92, %convert_element_type3A_47, %dot_general3A_95 {dimension_numbers = #tpu.dot_dimension_numbers<[1], [0], [0], [1], [0, 0, 1, 1], [], []>, transpose_lhs_hint = false} : vector<1000x8xf32>, vector<8x64xf32>, vector<1000x64xf32> -> vector<1000x64xf32>
    %mul3A_97 = arith.mulf %dot_general3A_94, %dot_general3A_96 : vector<1000x64xf32>
    %add3A_98 = arith.addf %add3A_90, %mul3A_97 : vector<1000x64xf32>
    %slice3A_99 = vector.extract_strided_slice %get3A_49 {offsets = [0, 48], sizes = [1000, 8], strides = [1, 1]} : vector<1000x64xf32> to vector<1000x8xf32>
    %slice3A_100 = vector.extract_strided_slice %get3A_52 {offsets = [0, 48], sizes = [1000, 8], strides = [1, 1]} : vector<1000x64xf32> to vector<1000x8xf32>
    %dot_general3A_101 = arith.constant dense<0.000000e+00> : vector<1000x64xf32>
    %dot_general3A_102 = tpu.matmul %slice3A_99, %convert_element_type3A_24, %dot_general3A_101 {dimension_numbers = #tpu.dot_dimension_numbers<[1], [0], [0], [1], [0, 0, 1, 1], [], []>, transpose_lhs_hint = false} : vector<1000x8xf32>, vector<8x64xf32>, vector<1000x64xf32> -> vector<1000x64xf32>
    %dot_general3A_103 = arith.constant dense<0.000000e+00> : vector<1000x64xf32>
    %dot_general3A_104 = tpu.matmul %slice3A_100, %convert_element_type3A_47, %dot_general3A_103 {dimension_numbers = #tpu.dot_dimension_numbers<[1], [0], [0], [1], [0, 0, 1, 1], [], []>, transpose_lhs_hint = false} : vector<1000x8xf32>, vector<8x64xf32>, vector<1000x64xf32> -> vector<1000x64xf32>
    %mul3A_105 = arith.mulf %dot_general3A_102, %dot_general3A_104 : vector<1000x64xf32>
    %add3A_106 = arith.addf %add3A_98, %mul3A_105 : vector<1000x64xf32>
    %slice3A_107 = vector.extract_strided_slice %get3A_49 {offsets = [0, 56], sizes = [1000, 8], strides = [1, 1]} : vector<1000x64xf32> to vector<1000x8xf32>
    %slice3A_108 = vector.extract_strided_slice %get3A_52 {offsets = [0, 56], sizes = [1000, 8], strides = [1, 1]} : vector<1000x64xf32> to vector<1000x8xf32>
    %dot_general3A_109 = arith.constant dense<0.000000e+00> : vector<1000x64xf32>
    %dot_general3A_110 = tpu.matmul %slice3A_107, %convert_element_type3A_24, %dot_general3A_109 {dimension_numbers = #tpu.dot_dimension_numbers<[1], [0], [0], [1], [0, 0, 1, 1], [], []>, transpose_lhs_hint = false} : vector<1000x8xf32>, vector<8x64xf32>, vector<1000x64xf32> -> vector<1000x64xf32>
    %dot_general3A_111 = arith.constant dense<0.000000e+00> : vector<1000x64xf32>
    %dot_general3A_112 = tpu.matmul %slice3A_108, %convert_element_type3A_47, %dot_general3A_111 {dimension_numbers = #tpu.dot_dimension_numbers<[1], [0], [0], [1], [0, 0, 1, 1], [], []>, transpose_lhs_hint = false} : vector<1000x8xf32>, vector<8x64xf32>, vector<1000x64xf32> -> vector<1000x64xf32>
    %mul3A_113 = arith.mulf %dot_general3A_110, %dot_general3A_112 : vector<1000x64xf32>
    %add3A_114 = arith.addf %add3A_106, %mul3A_113 : vector<1000x64xf32>
    %swap3A = arith.constant 0 : index
    %swap3A_115 = arith.constant 0 : index
    %swap3A_116 = vector.load %arg3[%swap3A, %swap3A_115] : memref<1000x64xf32, #tpu.memory_space<vmem>>, vector<1000x64xf32>
    tpu.vector_store %arg3[%swap3A, %swap3A_115], %add3A_114 {strides = array<i32>} : memref<1000x64xf32, #tpu.memory_space<vmem>>, vector<1000x64xf32>,
    %iota3A_117 = tpu.iota {dimensions = array<i32: 0>} : vector<64x8xi32>
    %iota3A_118 = tpu.iota {dimensions = array<i32: 1>} : vector<64x8xi32>
    %jit3A_119 = arith.constant 8 : i32
    %div3A_120 = vector.broadcast %jit3A_119 : i32 to vector<64x8xi32>
    %div3A_121 = arith.divsi %iota3A_117, %div3A_120 : vector<64x8xi32>
    %sign3A_122 = arith.constant 0 : i32
    %sign3A_123 = vector.broadcast %sign3A_122 : i32 to vector<64x8xi32>
    %sign3A_124 = arith.cmpi sgt, %iota3A_117, %sign3A_123 : vector<64x8xi32>
    %sign3A_125 = arith.extui %sign3A_124 : vector<64x8xi1> to vector<64x8xi32>
    %sign3A_126 = arith.constant 0 : i32
    %sign3A_127 = vector.broadcast %sign3A_126 : i32 to vector<64x8xi32>
    %sign3A_128 = arith.cmpi slt, %iota3A_117, %sign3A_127 : vector<64x8xi32>
    %sign3A_129 = arith.extui %sign3A_128 : vector<64x8xi1> to vector<64x8xi32>
    %sign3A_130 = arith.subi %sign3A_125, %sign3A_129 : vector<64x8xi32>
    %sign3A_131 = arith.constant 0 : i32
    %sign3A_132 = arith.cmpi sgt, %jit3A_119, %sign3A_131 : i32
    %sign3A_133 = arith.extui %sign3A_132 : i1 to i32
    %sign3A_134 = arith.constant 0 : i32
    %sign3A_135 = arith.cmpi slt, %jit3A_119, %sign3A_134 : i32
    %sign3A_136 = arith.extui %sign3A_135 : i1 to i32
    %sign3A_137 = arith.subi %sign3A_133, %sign3A_136 : i32
    %ne3A_138 = vector.broadcast %sign3A_137 : i32 to vector<64x8xi32>
    %ne3A_139 = arith.cmpi ne, %sign3A_130, %ne3A_138 : vector<64x8xi32>
    %rem3A_140 = vector.broadcast %jit3A_119 : i32 to vector<64x8xi32>
    %rem3A_141 = arith.remsi %iota3A_117, %rem3A_140 : vector<64x8xi32>
    %ne3A_142 = arith.constant 0 : i32
    %ne3A_143 = vector.broadcast %ne3A_142 : i32 to vector<64x8xi32>
    %ne3A_144 = arith.cmpi ne, %rem3A_141, %ne3A_143 : vector<64x8xi32>
    %and3A_145 = arith.andi %ne3A_139, %ne3A_144 : vector<64x8xi1>
    %sub3A_146 = arith.constant 1 : i32
    %sub3A_147 = vector.broadcast %sub3A_146 : i32 to vector<64x8xi32>
    %sub3A_148 = arith.subi %div3A_121, %sub3A_147 : vector<64x8xi32>
    %select_n3A_149 = arith.select %and3A_145, %sub3A_148, %div3A_121 : vector<64x8xi1>, vector<64x8xi32>
    %eq3A_150 = arith.cmpi eq, %select_n3A_149, %iota3A_118 : vector<64x8xi32>
    %convert_element_type3A_151 = arith.extui %eq3A_150 : vector<64x8xi1> to vector<64x8xi32>
    %convert_element_type3A_152 = arith.sitofp %convert_element_type3A_151 : vector<64x8xi32> to vector<64x8xf32>
    %abs3A = math.absf %add3A_114 : vector<1000x64xf32>
    %dot_general3A_153 = arith.constant dense<0.000000e+00> : vector<1000x8xf32>
    %dot_general3A_154 = tpu.matmul %abs3A, %convert_element_type3A_152, %dot_general3A_153 {dimension_numbers = #tpu.dot_dimension_numbers<[1], [0], [0], [1], [0, 0, 1, 1], [], []>, transpose_lhs_hint = false} : vector<1000x64xf32>, vector<64x8xf32>, vector<1000x8xf32> -> vector<1000x8xf32>
    %swap3A_155 = arith.constant 0 : index
    %swap3A_156 = arith.constant 0 : index
    %swap3A_157 = vector.load %arg4[%swap3A_155, %swap3A_156] : memref<1000x8xf32, #tpu.memory_space<vmem>>, vector<1000x8xf32>
    tpu.vector_store %arg4[%swap3A_155, %swap3A_156], %dot_general3A_154 {strides = array<i32>} : memref<1000x8xf32, #tpu.memory_space<vmem>>, vector<1000x8xf32>,
    return
  }
  func.func @transform_0(%arg0: i32) -> (i32, i32) {
    %c0_i32 = arith.constant 0 : i32
    %c0_i32_0 = arith.constant 0 : i32
    return %arg0, %c0_i32 : i32, i32
  }
  func.func @transform_1(%arg0: i32) -> (i32, i32) {
    %c0_i32 = arith.constant 0 : i32
    %c0_i32_0 = arith.constant 0 : i32
    return %arg0, %c0_i32 : i32, i32
  }
  func.func @transform_2(%arg0: i32) -> (i32, i32) {
    %c0_i32 = arith.constant 0 : i32
    %c0_i32_0 = arith.constant 0 : i32
    return %arg0, %c0_i32 : i32, i32
  }
  func.func @transform_3(%arg0: i32) -> (i32, i32) {
    %c0_i32 = arith.constant 0 : i32
    %c0_i32_0 = arith.constant 0 : i32
    return %arg0, %c0_i32 : i32, i32
  }
}

module attributes {stable_mosaic.version = 14 : i64} {
  func.func @_tc_finalize_body(%arg0: i32, %arg1: memref<1000x64xf32, #tpu.memory_space<vmem>>, %arg2: memref<1000x8xf32, #tpu.memory_space<vmem>>, %arg3: memref<1000x8xf32, #tpu.memory_space<vmem>>, %arg4: memref<1000x1xi32, #tpu.memory_space<vmem>>, %arg5: memref<1000x1xi32, #tpu.memory_space<vmem>>, %arg6: memref<1000x8xf32, #tpu.memory_space<vmem>>, %arg7: memref<1x1000x64xf32, #tpu.memory_space<vmem>>, %arg8: memref<2x1x1000x64xi32, #tpu.memory_space<vmem>>) attributes {dimension_semantics = [#tpu.dimension_semantics<arbitrary>], iteration_bounds = array<i64: 330>, scalar_prefetch = 0 : i64, scratch_operands = 0 : i64, tpu.core_type = #tpu.core_type<tc>, window_params = [{transform_indices = @transform_0, window_bounds = array<i64: 1000, 64>}, {transform_indices = @transform_1, window_bounds = array<i64: 1000, 8>}, {transform_indices = @transform_2, window_bounds = array<i64: 1000, 8>}, {transform_indices = @transform_3, window_bounds = array<i64: 1000, 1>}, {transform_indices = @transform_4, window_bounds = array<i64: 1000, 1>}, {transform_indices = @transform_5, window_bounds = array<i64: 1000, 8>}, {transform_indices = @transform_6, window_bounds = array<i64: 1, 1000, 64>}, {transform_indices = @transform_7, window_bounds = array<i64: 2, 1, 1000, 64>}]} {
    %iota3A = tpu.iota {dimensions = array<i32: 1>} : vector<8x64xi32>
    %iota3A_0 = tpu.iota {dimensions = array<i32: 0>} : vector<8x64xi32>
    %jit3A = arith.constant 8 : i32
    %div3A = vector.broadcast %jit3A : i32 to vector<8x64xi32>
    %div3A_1 = arith.divsi %iota3A, %div3A : vector<8x64xi32>
    %sign3A = arith.constant 0 : i32
    %sign3A_2 = vector.broadcast %sign3A : i32 to vector<8x64xi32>
    %sign3A_3 = arith.cmpi sgt, %iota3A, %sign3A_2 : vector<8x64xi32>
    %sign3A_4 = arith.extui %sign3A_3 : vector<8x64xi1> to vector<8x64xi32>
    %sign3A_5 = arith.constant 0 : i32
    %sign3A_6 = vector.broadcast %sign3A_5 : i32 to vector<8x64xi32>
    %sign3A_7 = arith.cmpi slt, %iota3A, %sign3A_6 : vector<8x64xi32>
    %sign3A_8 = arith.extui %sign3A_7 : vector<8x64xi1> to vector<8x64xi32>
    %sign3A_9 = arith.subi %sign3A_4, %sign3A_8 : vector<8x64xi32>
    %sign3A_10 = arith.constant 0 : i32
    %sign3A_11 = arith.cmpi sgt, %jit3A, %sign3A_10 : i32
    %sign3A_12 = arith.extui %sign3A_11 : i1 to i32
    %sign3A_13 = arith.constant 0 : i32
    %sign3A_14 = arith.cmpi slt, %jit3A, %sign3A_13 : i32
    %sign3A_15 = arith.extui %sign3A_14 : i1 to i32
    %sign3A_16 = arith.subi %sign3A_12, %sign3A_15 : i32
    %ne3A = vector.broadcast %sign3A_16 : i32 to vector<8x64xi32>
    %ne3A_17 = arith.cmpi ne, %sign3A_9, %ne3A : vector<8x64xi32>
    %rem3A = vector.broadcast %jit3A : i32 to vector<8x64xi32>
    %rem3A_18 = arith.remsi %iota3A, %rem3A : vector<8x64xi32>
    %ne3A_19 = arith.constant 0 : i32
    %ne3A_20 = vector.broadcast %ne3A_19 : i32 to vector<8x64xi32>
    %ne3A_21 = arith.cmpi ne, %rem3A_18, %ne3A_20 : vector<8x64xi32>
    %and3A = arith.andi %ne3A_17, %ne3A_21 : vector<8x64xi1>
    %sub3A = arith.constant 1 : i32
    %sub3A_22 = vector.broadcast %sub3A : i32 to vector<8x64xi32>
    %sub3A_23 = arith.subi %div3A_1, %sub3A_22 : vector<8x64xi32>
    %select_n3A = arith.select %and3A, %sub3A_23, %div3A_1 : vector<8x64xi1>, vector<8x64xi32>
    %eq3A = arith.cmpi eq, %select_n3A, %iota3A_0 : vector<8x64xi32>
    %convert_element_type3A = arith.extui %eq3A : vector<8x64xi1> to vector<8x64xi32>
    %convert_element_type3A_24 = arith.sitofp %convert_element_type3A : vector<8x64xi32> to vector<8x64xf32>
    %jit3A_25 = arith.constant 8 : i32
    %eq3A_26 = arith.constant 0 : i32
    %eq3A_27 = arith.cmpi eq, %jit3A_25, %eq3A_26 : i32
    %jit3A_28 = arith.constant 1 : i32
    %select_n3A_29 = arith.select %eq3A_27, %jit3A_28, %jit3A_25 : i32
    %rem3A_30 = vector.broadcast %select_n3A_29 : i32 to vector<8x64xi32>
    %rem3A_31 = arith.remsi %iota3A, %rem3A_30 : vector<8x64xi32>
    %ne3A_32 = arith.constant 0 : i32
    %ne3A_33 = vector.broadcast %ne3A_32 : i32 to vector<8x64xi32>
    %ne3A_34 = arith.cmpi ne, %rem3A_31, %ne3A_33 : vector<8x64xi32>
    %lt3A = arith.constant 0 : i32
    %lt3A_35 = vector.broadcast %lt3A : i32 to vector<8x64xi32>
    %lt3A_36 = arith.cmpi slt, %rem3A_31, %lt3A_35 : vector<8x64xi32>
    %lt3A_37 = arith.constant 0 : i32
    %lt3A_38 = arith.cmpi slt, %select_n3A_29, %lt3A_37 : i32
    %ne3A_39 = vector.broadcast %lt3A_38 : i1 to vector<8x64xi1>
    %ne3A_40 = vector.broadcast %ne3A_39 : vector<8x64xi1> to vector<8x64xi1>
    %ne3A_41 = arith.xori %lt3A_36, %ne3A_40 : vector<8x64xi1>
    %and3A_42 = arith.andi %ne3A_41, %ne3A_34 : vector<8x64xi1>
    %add3A = vector.broadcast %select_n3A_29 : i32 to vector<8x64xi32>
    %add3A_43 = arith.addi %rem3A_31, %add3A : vector<8x64xi32>
    %select_n3A_44 = arith.select %and3A_42, %add3A_43, %rem3A_31 : vector<8x64xi1>, vector<8x64xi32>
    %eq3A_45 = arith.cmpi eq, %select_n3A_44, %iota3A_0 : vector<8x64xi32>
    %convert_element_type3A_46 = arith.extui %eq3A_45 : vector<8x64xi1> to vector<8x64xi32>
    %convert_element_type3A_47 = arith.sitofp %convert_element_type3A_46 : vector<8x64xi32> to vector<8x64xf32>
    %iota3A_48 = tpu.iota {dimensions = array<i32: 1>} : vector<1000x64xi32>
    %jit3A_49 = arith.constant 8 : i32
    %div3A_50 = vector.broadcast %jit3A_49 : i32 to vector<1000x64xi32>
    %div3A_51 = arith.divsi %iota3A_48, %div3A_50 : vector<1000x64xi32>
    %sign3A_52 = arith.constant 0 : i32
    %sign3A_53 = vector.broadcast %sign3A_52 : i32 to vector<1000x64xi32>
    %sign3A_54 = arith.cmpi sgt, %iota3A_48, %sign3A_53 : vector<1000x64xi32>
    %sign3A_55 = arith.extui %sign3A_54 : vector<1000x64xi1> to vector<1000x64xi32>
    %sign3A_56 = arith.constant 0 : i32
    %sign3A_57 = vector.broadcast %sign3A_56 : i32 to vector<1000x64xi32>
    %sign3A_58 = arith.cmpi slt, %iota3A_48, %sign3A_57 : vector<1000x64xi32>
    %sign3A_59 = arith.extui %sign3A_58 : vector<1000x64xi1> to vector<1000x64xi32>
    %sign3A_60 = arith.subi %sign3A_55, %sign3A_59 : vector<1000x64xi32>
    %sign3A_61 = arith.constant 0 : i32
    %sign3A_62 = arith.cmpi sgt, %jit3A_49, %sign3A_61 : i32
    %sign3A_63 = arith.extui %sign3A_62 : i1 to i32
    %sign3A_64 = arith.constant 0 : i32
    %sign3A_65 = arith.cmpi slt, %jit3A_49, %sign3A_64 : i32
    %sign3A_66 = arith.extui %sign3A_65 : i1 to i32
    %sign3A_67 = arith.subi %sign3A_63, %sign3A_66 : i32
    %ne3A_68 = vector.broadcast %sign3A_67 : i32 to vector<1000x64xi32>
    %ne3A_69 = arith.cmpi ne, %sign3A_60, %ne3A_68 : vector<1000x64xi32>
    %rem3A_70 = vector.broadcast %jit3A_49 : i32 to vector<1000x64xi32>
    %rem3A_71 = arith.remsi %iota3A_48, %rem3A_70 : vector<1000x64xi32>
    %ne3A_72 = arith.constant 0 : i32
    %ne3A_73 = vector.broadcast %ne3A_72 : i32 to vector<1000x64xi32>
    %ne3A_74 = arith.cmpi ne, %rem3A_71, %ne3A_73 : vector<1000x64xi32>
    %and3A_75 = arith.andi %ne3A_69, %ne3A_74 : vector<1000x64xi1>
    %sub3A_76 = arith.constant 1 : i32
    %sub3A_77 = vector.broadcast %sub3A_76 : i32 to vector<1000x64xi32>
    %sub3A_78 = arith.subi %div3A_51, %sub3A_77 : vector<1000x64xi32>
    %select_n3A_79 = arith.select %and3A_75, %sub3A_78, %div3A_51 : vector<1000x64xi1>, vector<1000x64xi32>
    %jit3A_80 = arith.constant 8 : i32
    %eq3A_81 = arith.constant 0 : i32
    %eq3A_82 = arith.cmpi eq, %jit3A_80, %eq3A_81 : i32
    %jit3A_83 = arith.constant 1 : i32
    %select_n3A_84 = arith.select %eq3A_82, %jit3A_83, %jit3A_80 : i32
    %rem3A_85 = vector.broadcast %select_n3A_84 : i32 to vector<1000x64xi32>
    %rem3A_86 = arith.remsi %iota3A_48, %rem3A_85 : vector<1000x64xi32>
    %ne3A_87 = arith.constant 0 : i32
    %ne3A_88 = vector.broadcast %ne3A_87 : i32 to vector<1000x64xi32>
    %ne3A_89 = arith.cmpi ne, %rem3A_86, %ne3A_88 : vector<1000x64xi32>
    %lt3A_90 = arith.constant 0 : i32
    %lt3A_91 = vector.broadcast %lt3A_90 : i32 to vector<1000x64xi32>
    %lt3A_92 = arith.cmpi slt, %rem3A_86, %lt3A_91 : vector<1000x64xi32>
    %lt3A_93 = arith.constant 0 : i32
    %lt3A_94 = arith.cmpi slt, %select_n3A_84, %lt3A_93 : i32
    %ne3A_95 = vector.broadcast %lt3A_94 : i1 to vector<1000x64xi1>
    %ne3A_96 = vector.broadcast %ne3A_95 : vector<1000x64xi1> to vector<1000x64xi1>
    %ne3A_97 = arith.xori %lt3A_92, %ne3A_96 : vector<1000x64xi1>
    %and3A_98 = arith.andi %ne3A_97, %ne3A_89 : vector<1000x64xi1>
    %add3A_99 = vector.broadcast %select_n3A_84 : i32 to vector<1000x64xi32>
    %add3A_100 = arith.addi %rem3A_86, %add3A_99 : vector<1000x64xi32>
    %select_n3A_101 = arith.select %and3A_98, %add3A_100, %rem3A_86 : vector<1000x64xi1>, vector<1000x64xi32>
    %lt3A_102 = arith.constant 320 : i32
    %lt3A_103 = arith.cmpi slt, %arg0, %lt3A_102 : i32
    %convert_element_type3A_104 = arith.extui %lt3A_103 : i1 to i32
    %cond3A = arith.constant 0 : i32
    %cond3A_105 = arith.cmpi ne, %convert_element_type3A_104, %cond3A : i32
    scf.if %cond3A_105 {
      %get3A = arith.constant 0 : index
      %get3A_110 = arith.constant 0 : index
      %get3A_111 = vector.load %arg2[%get3A, %get3A_110] : memref<1000x8xf32, #tpu.memory_space<vmem>>, vector<1000x8xf32>
      %dot_general3A = arith.constant dense<0.000000e+00> : vector<1000x64xf32>
      %dot_general3A_112 = tpu.matmul %get3A_111, %convert_element_type3A_24, %dot_general3A {dimension_numbers = #tpu.dot_dimension_numbers<[1], [0], [0], [1], [0, 0, 1, 1], [], []>, transpose_lhs_hint = false} : vector<1000x8xf32>, vector<8x64xf32>, vector<1000x64xf32> -> vector<1000x64xf32>
      %get3A_113 = arith.constant 0 : index
      %get3A_114 = arith.constant 0 : index
      %get3A_115 = vector.load %arg3[%get3A_113, %get3A_114] : memref<1000x8xf32, #tpu.memory_space<vmem>>, vector<1000x8xf32>
      %dot_general3A_116 = arith.constant dense<0.000000e+00> : vector<1000x64xf32>
      %dot_general3A_117 = tpu.matmul %get3A_115, %convert_element_type3A_47, %dot_general3A_116 {dimension_numbers = #tpu.dot_dimension_numbers<[1], [0], [0], [1], [0, 0, 1, 1], [], []>, transpose_lhs_hint = false} : vector<1000x8xf32>, vector<8x64xf32>, vector<1000x64xf32> -> vector<1000x64xf32>
      %get3A_118 = arith.constant 0 : index
      %get3A_119 = arith.constant 0 : index
      %get3A_120 = vector.load %arg1[%get3A_118, %get3A_119] : memref<1000x64xf32, #tpu.memory_space<vmem>>, vector<1000x64xf32>
      %mul3A = arith.mulf %dot_general3A_112, %get3A_120 : vector<1000x64xf32>
      %mul3A_121 = arith.mulf %mul3A, %dot_general3A_117 : vector<1000x64xf32>
      %swap3A = arith.constant 0 : index
      %swap3A_122 = arith.constant 0 : index
      %swap3A_123 = arith.constant 0 : index
      %swap3A_124 = vector.load %arg7[%swap3A, %swap3A_122, %swap3A_123] : memref<1x1000x64xf32, #tpu.memory_space<vmem>>, vector<1x1000x64xf32>
      %swap3A_125 = vector.shape_cast %swap3A_124 : vector<1x1000x64xf32> to vector<1000x64xf32>
      %swap3A_126 = vector.shape_cast %mul3A_121 : vector<1000x64xf32> to vector<1x1000x64xf32>
      tpu.vector_store %arg7[%swap3A, %swap3A_122, %swap3A_123], %swap3A_126 {strides = array<i32>} : memref<1x1000x64xf32, #tpu.memory_space<vmem>>, vector<1x1000x64xf32>,
      %get3A_127 = arith.constant 0 : index
      %get3A_128 = arith.constant 0 : index
      %get3A_129 = vector.load %arg4[%get3A_127, %get3A_128] : memref<1000x1xi32, #tpu.memory_space<vmem>>, vector<1000x1xi32>
      %get3A_130 = arith.constant 0 : index
      %get3A_131 = arith.constant 0 : index
      %get3A_132 = vector.load %arg5[%get3A_130, %get3A_131] : memref<1000x1xi32, #tpu.memory_space<vmem>>, vector<1000x1xi32>
      %mul3A_133 = arith.constant 8 : i32
      %mul3A_134 = vector.broadcast %mul3A_133 : i32 to vector<1000x1xi32>
      %mul3A_135 = arith.muli %get3A_129, %mul3A_134 : vector<1000x1xi32>
      %add3A_136 = vector.broadcast %mul3A_135 : vector<1000x1xi32> to vector<1000x64xi32>
      %add3A_137 = arith.addi %add3A_136, %select_n3A_79 : vector<1000x64xi32>
      %swap3A_138 = arith.constant 0 : index
      %swap3A_139 = arith.constant 0 : index
      %swap3A_140 = arith.constant 0 : index
      %swap3A_141 = arith.constant 0 : index
      %swap3A_142 = vector.load %arg8[%swap3A_138, %swap3A_139, %swap3A_140, %swap3A_141] : memref<2x1x1000x64xi32, #tpu.memory_space<vmem>>, vector<1x1x1000x64xi32>
      %swap3A_143 = vector.shape_cast %swap3A_142 : vector<1x1x1000x64xi32> to vector<1000x64xi32>
      %swap3A_144 = vector.shape_cast %add3A_137 : vector<1000x64xi32> to vector<1x1x1000x64xi32>
      tpu.vector_store %arg8[%swap3A_138, %swap3A_139, %swap3A_140, %swap3A_141], %swap3A_144 {strides = array<i32>} : memref<2x1x1000x64xi32, #tpu.memory_space<vmem>>, vector<1x1x1000x64xi32>,
      %mul3A_145 = arith.constant 8 : i32
      %mul3A_146 = vector.broadcast %mul3A_145 : i32 to vector<1000x1xi32>
      %mul3A_147 = arith.muli %get3A_132, %mul3A_146 : vector<1000x1xi32>
      %add3A_148 = vector.broadcast %mul3A_147 : vector<1000x1xi32> to vector<1000x64xi32>
      %add3A_149 = arith.addi %add3A_148, %select_n3A_101 : vector<1000x64xi32>
      %swap3A_150 = arith.constant 1 : index
      %swap3A_151 = arith.constant 0 : index
      %swap3A_152 = arith.constant 0 : index
      %swap3A_153 = arith.constant 0 : index
      %swap3A_154 = vector.load %arg8[%swap3A_150, %swap3A_151, %swap3A_152, %swap3A_153] : memref<2x1x1000x64xi32, #tpu.memory_space<vmem>>, vector<1x1x1000x64xi32>
      %swap3A_155 = vector.shape_cast %swap3A_154 : vector<1x1x1000x64xi32> to vector<1000x64xi32>
      %swap3A_156 = vector.shape_cast %add3A_149 : vector<1000x64xi32> to vector<1x1x1000x64xi32>
      tpu.vector_store %arg8[%swap3A_150, %swap3A_151, %swap3A_152, %swap3A_153], %swap3A_156 {strides = array<i32>} : memref<2x1x1000x64xi32, #tpu.memory_space<vmem>>, vector<1x1x1000x64xi32>,
    } else {
    }
    %ge3A = arith.constant 320 : i32
    %ge3A_106 = arith.cmpi sge, %arg0, %ge3A : i32
    %convert_element_type3A_107 = arith.extui %ge3A_106 : i1 to i32
    %cond3A_108 = arith.constant 0 : i32
    %cond3A_109 = arith.cmpi ne, %convert_element_type3A_107, %cond3A_108 : i32
    scf.if %cond3A_109 {
      %get3A = arith.constant 0 : index
      %get3A_110 = arith.constant 0 : index
      %get3A_111 = vector.load %arg6[%get3A, %get3A_110] : memref<1000x8xf32, #tpu.memory_space<vmem>>, vector<1000x8xf32>
      %dot_general3A = arith.constant dense<0.000000e+00> : vector<1000x64xf32>
      %dot_general3A_112 = tpu.matmul %get3A_111, %convert_element_type3A_24, %dot_general3A {dimension_numbers = #tpu.dot_dimension_numbers<[1], [0], [0], [1], [0, 0, 1, 1], [], []>, transpose_lhs_hint = false} : vector<1000x8xf32>, vector<8x64xf32>, vector<1000x64xf32> -> vector<1000x64xf32>
      %dot_general3A_113 = arith.constant dense<0.000000e+00> : vector<1000x64xf32>
      %dot_general3A_114 = tpu.matmul %get3A_111, %convert_element_type3A_47, %dot_general3A_113 {dimension_numbers = #tpu.dot_dimension_numbers<[1], [0], [0], [1], [0, 0, 1, 1], [], []>, transpose_lhs_hint = false} : vector<1000x8xf32>, vector<8x64xf32>, vector<1000x64xf32> -> vector<1000x64xf32>
      %eq3A_115 = arith.cmpi eq, %select_n3A_79, %select_n3A_101 : vector<1000x64xi32>
      %mul3A = arith.mulf %dot_general3A_112, %dot_general3A_114 : vector<1000x64xf32>
      %jit3A_116 = arith.constant 0.000000e+00 : f32
      %broadcast_in_dim3A = vector.broadcast %jit3A_116 : f32 to vector<1000x64xf32>
      %select_n3A_117 = arith.select %eq3A_115, %mul3A, %broadcast_in_dim3A : vector<1000x64xi1>, vector<1000x64xf32>
      %swap3A = arith.constant 0 : index
      %swap3A_118 = arith.constant 0 : index
      %swap3A_119 = arith.constant 0 : index
      %swap3A_120 = vector.load %arg7[%swap3A, %swap3A_118, %swap3A_119] : memref<1x1000x64xf32, #tpu.memory_space<vmem>>, vector<1x1000x64xf32>
      %swap3A_121 = vector.shape_cast %swap3A_120 : vector<1x1000x64xf32> to vector<1000x64xf32>
      %swap3A_122 = vector.shape_cast %select_n3A_117 : vector<1000x64xf32> to vector<1x1000x64xf32>
      tpu.vector_store %arg7[%swap3A, %swap3A_118, %swap3A_119], %swap3A_122 {strides = array<i32>} : memref<1x1000x64xf32, #tpu.memory_space<vmem>>, vector<1x1000x64xf32>,
      %sub3A_123 = arith.constant 320 : i32
      %sub3A_124 = arith.subi %arg0, %sub3A_123 : i32
      %mul3A_125 = arith.constant 1000 : i32
      %mul3A_126 = arith.muli %sub3A_124, %mul3A_125 : i32
      %iota3A_127 = tpu.iota {dimensions = array<i32: 0>} : vector<1000x64xi32>
      %add3A_128 = vector.broadcast %mul3A_126 : i32 to vector<1000x64xi32>
      %add3A_129 = arith.addi %add3A_128, %iota3A_127 : vector<1000x64xi32>
      %mul3A_130 = arith.constant 8 : i32
      %mul3A_131 = vector.broadcast %mul3A_130 : i32 to vector<1000x64xi32>
      %mul3A_132 = arith.muli %add3A_129, %mul3A_131 : vector<1000x64xi32>
      %add3A_133 = arith.addi %mul3A_132, %select_n3A_79 : vector<1000x64xi32>
      %swap3A_134 = arith.constant 0 : index
      %swap3A_135 = arith.constant 0 : index
      %swap3A_136 = arith.constant 0 : index
      %swap3A_137 = arith.constant 0 : index
      %swap3A_138 = vector.load %arg8[%swap3A_134, %swap3A_135, %swap3A_136, %swap3A_137] : memref<2x1x1000x64xi32, #tpu.memory_space<vmem>>, vector<1x1x1000x64xi32>
      %swap3A_139 = vector.shape_cast %swap3A_138 : vector<1x1x1000x64xi32> to vector<1000x64xi32>
      %swap3A_140 = vector.shape_cast %add3A_133 : vector<1000x64xi32> to vector<1x1x1000x64xi32>
      tpu.vector_store %arg8[%swap3A_134, %swap3A_135, %swap3A_136, %swap3A_137], %swap3A_140 {strides = array<i32>} : memref<2x1x1000x64xi32, #tpu.memory_space<vmem>>, vector<1x1x1000x64xi32>,
      %mul3A_141 = arith.constant 8 : i32
      %mul3A_142 = vector.broadcast %mul3A_141 : i32 to vector<1000x64xi32>
      %mul3A_143 = arith.muli %add3A_129, %mul3A_142 : vector<1000x64xi32>
      %add3A_144 = arith.addi %mul3A_143, %select_n3A_101 : vector<1000x64xi32>
      %swap3A_145 = arith.constant 1 : index
      %swap3A_146 = arith.constant 0 : index
      %swap3A_147 = arith.constant 0 : index
      %swap3A_148 = arith.constant 0 : index
      %swap3A_149 = vector.load %arg8[%swap3A_145, %swap3A_146, %swap3A_147, %swap3A_148] : memref<2x1x1000x64xi32, #tpu.memory_space<vmem>>, vector<1x1x1000x64xi32>
      %swap3A_150 = vector.shape_cast %swap3A_149 : vector<1x1x1000x64xi32> to vector<1000x64xi32>
      %swap3A_151 = vector.shape_cast %add3A_144 : vector<1000x64xi32> to vector<1x1x1000x64xi32>
      tpu.vector_store %arg8[%swap3A_145, %swap3A_146, %swap3A_147, %swap3A_148], %swap3A_151 {strides = array<i32>} : memref<2x1x1000x64xi32, #tpu.memory_space<vmem>>, vector<1x1x1000x64xi32>,
    } else {
    }
    return
  }
  func.func @transform_0(%arg0: i32) -> (i32, i32) {
    %min3A = arith.constant 319 : i32
    %min3A_0 = arith.minsi %arg0, %min3A : i32
    %c0_i32 = arith.constant 0 : i32
    %c0_i32_1 = arith.constant 0 : i32
    return %min3A_0, %c0_i32 : i32, i32
  }
  func.func @transform_1(%arg0: i32) -> (i32, i32) {
    %min3A = arith.constant 319 : i32
    %min3A_0 = arith.minsi %arg0, %min3A : i32
    %c0_i32 = arith.constant 0 : i32
    %c0_i32_1 = arith.constant 0 : i32
    return %min3A_0, %c0_i32 : i32, i32
  }
  func.func @transform_2(%arg0: i32) -> (i32, i32) {
    %min3A = arith.constant 319 : i32
    %min3A_0 = arith.minsi %arg0, %min3A : i32
    %c0_i32 = arith.constant 0 : i32
    %c0_i32_1 = arith.constant 0 : i32
    return %min3A_0, %c0_i32 : i32, i32
  }
  func.func @transform_3(%arg0: i32) -> (i32, i32) {
    %min3A = arith.constant 319 : i32
    %min3A_0 = arith.minsi %arg0, %min3A : i32
    %c0_i32 = arith.constant 0 : i32
    %c0_i32_1 = arith.constant 0 : i32
    return %min3A_0, %c0_i32 : i32, i32
  }
  func.func @transform_4(%arg0: i32) -> (i32, i32) {
    %min3A = arith.constant 319 : i32
    %min3A_0 = arith.minsi %arg0, %min3A : i32
    %c0_i32 = arith.constant 0 : i32
    %c0_i32_1 = arith.constant 0 : i32
    return %min3A_0, %c0_i32 : i32, i32
  }
  func.func @transform_5(%arg0: i32) -> (i32, i32) {
    %sub3A = arith.constant 320 : i32
    %sub3A_0 = arith.subi %arg0, %sub3A : i32
    %max3A = arith.constant 0 : i32
    %max3A_1 = arith.maxsi %sub3A_0, %max3A : i32
    %c0_i32 = arith.constant 0 : i32
    %c0_i32_2 = arith.constant 0 : i32
    return %max3A_1, %c0_i32 : i32, i32
  }
  func.func @transform_6(%arg0: i32) -> (i32, i32, i32) {
    %c0_i32 = arith.constant 0 : i32
    %c0_i32_0 = arith.constant 0 : i32
    %c0_i32_1 = arith.constant 0 : i32
    return %arg0, %c0_i32, %c0_i32_0 : i32, i32, i32
  }
  func.func @transform_7(%arg0: i32) -> (i32, i32, i32, i32) {
    %c0_i32 = arith.constant 0 : i32
    %c0_i32_0 = arith.constant 0 : i32
    %c0_i32_1 = arith.constant 0 : i32
    %c0_i32_2 = arith.constant 0 : i32
    return %c0_i32, %arg0, %c0_i32_0, %c0_i32_1 : i32, i32, i32, i32
  }
}

</mosaic_0001>

<sc_bundles>
// kernel: kernel.10.cloned.1.call-start
scs
__scs_entry_jumppad:
0x0: {  	(pc) =	sbr.rel $0x88, $3  }
0x1: {  	(tag) =	ssettag $0x0;
	lr =	simm.s32 $0x1  }
0x2: {  	[smem:$0x3F9F] =	sst lr;
	_ =	strace $0xD0000000  }
0x3: {  	_ = 	snop  }
0x4: {  	_ = 	snop  }
0x5: {  	_ = 	snop  }
0x6: {  	_ = 	snop  }
0x7: {  	_ = 	snop  }
__scs_overlays_trampoline_lowered:
0x8: {  	[smem:$0x3FAE] =	sst s0  }
0x9: {  	[smem:$0x3FAF] =	sst s1  }
0xa: {  	[smem:$0x3FB0] =	sst s2  }
0xb: {  	[smem:$0x3FB1] =	sst s3  }
0xc: {  	[smem:$0x3FB2] =	sst s4  }
0xd: {  	[smem:$0x3FB3] =	sst s5  }
0xe: {  	[smem:$0x3FB4] =	sst s6  }
0xf: {  	[smem:$0x3FB5] =	sst s7  }
0x10: {  	[smem:$0x3FB6] =	sst s8  }
0x11: {  	[smem:$0x3FB7] =	sst s9;
	s0 =	simm.s32 @!p0 $0x0  }
0x12: {  	s1 =	sld [smem:$0x3F9D];
	s0 =	simm.s32 @p0 $0x1  }
0x13: {  	[smem:$0x3FB8] =	sst s0;
	s0 =	simm.s32 @!p1 $0x0  }
0x14: {  	s2 =	sld [smem:$0x3F9C];
	s0 =	simm.s32 @p1 $0x1  }
0x15: {  	[smem:$0x3FB9] =	sst s0;
	s0 =	simm.s32 @!p2 $0x0  }
0x16: {  	s3 =	sld [smem:$0x3FDB];
	s0 =	simm.s32 @p2 $0x1  }
0x17: {  	s4 =	simm.s32 $0x1BF5;
	[smem:$0x3FBB] =	sst s0  }
0x18: {  	s0 =	sld [smem:$0x3F9E];
	_ =	swait.ge [sflag:s4], $0x0  }
0x19: {  	s7 =	sld [smem:$0x3F9F]  }
0x1a: {  	s8 =	sadd.s32 $0xFFFFE003, lr  }
0x1b: {  	s9 =	sadd.s32 $0xFFFFFEF7, lr;
	s5 =	simm.s32 $0xFFFFFFFF;
	p2 =	slt.u32 s8, $0xFFFFF086  }
0x1c: {  	p1 =	slt.u32 s9, $0xF7A;
	s5 =	simm.s32 @!p2 $0x0  }
0x1d: {  	s5 =	simm.s32 @p1 $0x1;
	p0 =	seq.s32 s7, s2  }
0x1e: {  	s7 =	smul.u32 @!p0 $0xF7A, s2;
	p2 =	seq.s32 @!p0 s5, $0x0  }
0x1f: {  	s9 =	smul.u32 $0xF7A, s1;
	s8 =	simm.s32 @!p0 $0x1BF5;
	p2 =	por !p2, p0  }
0x20: {  	[sflag:s8] =	ssyncset.s32 @!p0 $0xFFFFF086;
	s6 =	sadd.s32 @!p0 s3, s7;
	s7 =	simm.s32 @!p0 $0x108  }
0x21: {  	s3 =	sadd.s32 s3, s9;
	s6 =	sadd.s32 @!p0 $0x88, s6;
	s7 =	simm.s32 @p2 $0x1082  }
0x22: {  	[simem:s7], [sflag:s8] =	dma.local @!p0 [hbm:s6], $0xF7A  }
0x23: {  	s9 =	sor.u32 $0xD0000000, s2;
	s6 =	simm.s32 $0x108;
	_ =	swait.ge @!p0 [sflag:s8], $0x0  }
0x24: {  	s3 =	sadd.s32 $0x88, s3;
	s6 =	simm.s32 @!p1 $0x1082;
	[sflag:s4] =	ssyncset.s32 $0xFFFFF086  }
0x25: {  	[simem:s6], [sflag:s4] =	dma.local [hbm:s3], $0xF7A  }
0x26: {  	[smem:$0x3F9F] =	sst s1;
	(tag) =	ssettag s2;
	_ =	strace s9  }
0x27: {  	s1 =	sld [smem:$0x3FAF]  }
0x28: {  	s2 =	sld [smem:$0x3FB0]  }
0x29: {  	s4 =	sld [smem:$0x3FB2]  }
0x2a: {  	p0 =	seq.s32 s5, $0x0;
	s5 =	sld [smem:$0x3FB3]  }
0x2b: {  	s6 =	sld [smem:$0x3FB4]  }
0x2c: {  	s7 =	sld [smem:$0x3FB5]  }
0x2d: {  	s3 =	simm.s32 $0x108;
	s8 =	sld [smem:$0x3FB6]  }
0x2e: {  	s3 =	simm.s32 @!p0 $0x1082;
	s9 =	sld [smem:$0x3FB7]  }
0x2f: {  	lr =	sadd.s32 s0, s3;
	s0 =	sld [smem:$0x3FAE]  }
0x30: {  	s3 =	sld [smem:$0x3FB1]  }
0x31: {  	[smem:$0x3FBA] =	sst s10  }
0x32: {  	s10 =	sld [smem:$0x3FB8];
	_ =	sdelay $0x3  }
0x33: {  	p0 =	seq.s32 s10, $0x1;
	s10 =	sld [smem:$0x3FBA];
	_ =	sdelay $0x3  }
0x34: {  	[smem:$0x3FBA] =	sst s10  }
0x35: {  	s10 =	sld [smem:$0x3FB9];
	_ =	sdelay $0x3  }
0x36: {  	p1 =	seq.s32 s10, $0x1;
	s10 =	sld [smem:$0x3FBA];
	_ =	sdelay $0x3  }
0x37: {  	[smem:$0x3FBA] =	sst s10  }
0x38: {  	s10 =	sld [smem:$0x3FBB]  }
0x39: {  	_ = 	snop;
	(pc) =	sbr.ind lr, $3  }
0x3a: {  	_ = 	snop  }
0x3b: {  	_ = 	snop  }
0x3c: {  	p2 =	seq.s32 s10, $0x1;
	s10 =	sld [smem:$0x3FBA]  }
0x3d: {  	_ =	shalt  }
0x3e: {  	_ =	shalt  }
0x3f: {  	_ =	shalt  }
0x40: {  	_ =	shalt  }
0x41: {  	_ =	shalt  }
0x42: {  	_ =	shalt  }
0x43: {  	_ =	shalt  }
0x44: {  	_ =	shalt  }
0x45: {  	_ =	shalt  }
0x46: {  	_ =	shalt  }
0x47: {  	_ =	shalt  }
0x48: {  	_ =	shalt  }
0x49: {  	_ =	shalt  }
0x4a: {  	_ =	shalt  }
0x4b: {  	_ =	shalt  }
0x4c: {  	_ =	shalt  }
0x4d: {  	_ =	shalt  }
0x4e: {  	_ =	shalt  }
0x4f: {  	_ =	shalt  }
0x50: {  	_ =	shalt  }
0x51: {  	_ =	shalt  }
0x52: {  	_ =	shalt  }
0x53: {  	_ =	shalt  }
0x54: {  	_ =	shalt  }
0x55: {  	_ =	shalt  }
0x56: {  	_ =	shalt  }
0x57: {  	_ =	shalt  }
0x58: {  	_ =	shalt  }
0x59: {  	_ =	shalt  }
0x5a: {  	_ =	shalt  }
0x5b: {  	_ =	shalt  }
0x5c: {  	_ =	shalt  }
0x5d: {  	_ =	shalt  }
0x5e: {  	_ =	shalt  }
0x5f: {  	_ =	shalt  }
0x60: {  	_ =	shalt  }
0x61: {  	_ =	shalt  }
0x62: {  	_ =	shalt  }
0x63: {  	_ =	shalt  }
0x64: {  	_ =	shalt  }
0x65: {  	_ =	shalt  }
0x66: {  	_ =	shalt  }
0x67: {  	_ =	shalt  }
0x68: {  	_ =	shalt  }
0x69: {  	_ =	shalt  }
0x6a: {  	_ =	shalt  }
0x6b: {  	_ =	shalt  }
0x6c: {  	_ =	shalt  }
0x6d: {  	_ =	shalt  }
0x6e: {  	_ =	shalt  }
0x6f: {  	_ =	shalt  }
0x70: {  	_ =	shalt  }
0x71: {  	_ =	shalt  }
0x72: {  	_ =	shalt  }
0x73: {  	_ =	shalt  }
0x74: {  	_ =	shalt  }
0x75: {  	_ =	shalt  }
0x76: {  	_ =	shalt  }
0x77: {  	_ =	shalt  }
0x78: {  	_ =	shalt  }
0x79: {  	_ =	shalt  }
0x7a: {  	_ =	shalt  }
0x7b: {  	_ =	shalt  }
0x7c: {  	_ =	shalt  }
0x7d: {  	_ =	shalt  }
0x7e: {  	_ =	shalt  }
0x7f: {  	_ =	shalt  }
0x80: {  	_ =	shalt  }
0x81: {  	_ =	shalt  }
0x82: {  	_ =	shalt  }
0x83: {  	_ =	shalt  }
0x84: {  	_ =	shalt  }
0x85: {  	_ =	shalt  }
0x86: {  	_ =	shalt  }
0x87: {  	_ =	shalt  }
.Lfunc_end0:
.L_simem_size_0:
called_computation.1_lowered:
.L_overlay_start_0:
0x88: {  	s2 =	sld [smem:$0x3FD9]  }
0x89: {  	s3 =	sld [smem:$0x3FFE];
	_ =	sdelay $0x1  }
0x8a: {  	s1 =	srdreg.scid  }
0x8b: {  	s0 =	sand.u32 $0x1, s1  }
0x8c: {  	s14 =	sshll.u32 s0, $0xA;
	s2 =	sadd.s32 s3, s2  }
0x8d: {  	s2 =	sadd.s32 s2, s14  }
0x8e: {  	[smem:$0x3FC6] =	sst s2  }
0x8f: {  	_ = 	snop  }
0x90: {  	s2 =	sld [smem:$0x3FD0];
	_ =	sdelay $0x2  }
0x91: {  	s15 =	simm.s32 $0xA;
	s4 =	simm.s32 $0x10  }
0x92: {  	[smem:s4], [sflag:s15] =	dma.local [hbm:s2], $0x1  }
0x93: {  	_ =	swait.eq [sflag:s15], $0x1  }
0x94: {  	s16 =	sld [smem:$0x10];
	[sflag:s15] =	ssyncset.done $0x0  }
0x95: {  	s17 =	sld [smem:$0x11];
	[sflag:s15] =	ssyncadd.s32 $0xFFFFFFFF  }
0x96: {  	s18 =	sld [smem:$0x12];
	(tm) =	ssettm $0x1  }
0x97: {  	s5 =	sld [smem:$0x3FFB];
	_ =	sdelay $0x3  }
0x98: {  	_ =	strace s5  }
0x99: {  	s5 =	sld [smem:$0x3FFC];
	_ =	sdelay $0x3  }
0x9a: {  	_ =	strace s5  }
0x9b: {  	s5 =	sld [smem:$0x3FFD];
	_ =	sdelay $0x3  }
0x9c: {  	_ =	strace s5  }
0x9d: {  	_ =	strace $0x8FFFFFFF  }
0x9e: {  	s19 =	sld [smem:$0x3FDB];
	_ =	sdelay $0x1  }
0x9f: {  	s6 =	simm.s32 $_scs_section_size  }
0xa0: {  	s7 =	simm.s32 $_size__tile_overlayer_lowered;
	s8 =	simm.s32 $_tile_overlayer_lowered  }
0xa1: {  	s22 =	simm.s32 $0x1BFF;
	s21 =	sshll.u32 s8, $0x1;
	s5 =	sadd.s32 s6, s19  }
0xa2: {  	s9 =	simm.s32 $0x0;
	s20 =	sshll.u32 s7, $0x1;
	s7 =	sadd.s32 s21, s5  }
0xa3: {  	[timem:s9], [sflag:s22] =	dma.local [hbm:s7], s20  }
0xa4: {  	_ =	swait.ge [sflag:s22], s20  }
0xa5: {  	s6 =	ssub.s32 $0x0, s20;
	[sflag:s22] =	ssyncset.done $0x0  }
0xa6: {  	[sflag:s22] =	ssyncadd.s32 s6;
	_ =	sdelay $0x1  }
0xa7: {  	s23 =	simm.s32 $0x1B8B  }
0xa8: {  	_ =	swait.ge [sflag:s23], $0x1  }
0xa9: {  	[sflag:s23] =	ssyncset.done $0x0  }
0xaa: {  	s25 =	simm.s32 $0x1B8E;
	s24 =	sld [smem:$0x3FFE];
	[sflag:s23] =	ssyncadd.s32 $0xFFFFFFFF  }
0xab: {  	s26 =	simm.s32 $execute0_lowered;
	[smem:$0x3FD2] =	sst s25  }
0xac: {  	s7 =	sshll.u32 s26, $0x1;
	_ =	strace $0x80000049;
	[dreg:$0x1] =	wrdreg $0xFFFFFFFF  }
0xad: {  	s28 =	simm.s32 $_size_execute0_lowered;
	s5 =	sadd.s32 s5, s7;
	[dreg:$0x0] =	wrdreg $0x0  }
0xae: {  	s7 =	sshll.u32 s28, $0x1;
	[dreg:$0x2] =	wrdreg s5  }
0xaf: {  	[dreg:$0x3] =	wrdreg s7  }
0xb0: {  	[dreg:$0x4] =	wrdreg $0xC0  }
0xb1: {  	_ =	task [dreg:s9], $0x5FFFF  }
0xb2: {  	[dreg:$0x1] =	wrdreg $0xFFFFFFFF  }
0xb3: {  	[dreg:$0x0] =	wrdreg $0x60  }
0xb4: {  	[dreg:$0x2] =	wrdreg s18  }
0xb5: {  	[dreg:$0x3] =	wrdreg s24  }
0xb6: {  	[dreg:$0x4] =	wrdreg s16  }
0xb7: {  	[dreg:$0x5] =	wrdreg s17  }
0xb8: {  	[dreg:$0x6] =	wrdreg $0x2D00  }
0xb9: {  	[dreg:$0x7] =	wrdreg $0x9  }
0xba: {  	_ =	task.clear_ibuf [dreg:s9], $0x8FFFF;
	_ =	strace $0x90000049  }
0xbb: {  	s29 =	simm.s32 $0x9;
	_ =	strace $0x8000004B  }
0xbc: {  	_ =	swait.ge [sflag:s29], $0x1  }
0xbd: {  	[sflag:s29] =	ssyncadd.s32 $0xFFFFFFFF  }
0xbe: {  	_ =	strace $0x9000004B  }
0xbf: {  	_ =	sfence  }
0xc0: {  	s30 =	sld [smem:$0x0];
	_ =	sdelay $0x2  }
0xc1: {  	s31 =	sshll.u32 s1, $0xD;
	s1 =	sshrl.u32 s1, $0x2  }
0xc2: {  	s3 =	sand.u32 $0x4000, s31;
	s1 =	sadd.s32 s1, s30  }
0xc3: {  	s0 =	sor.u32 s3, s0;
	s1 =	sshll.u32 s1, $0x11  }
0xc4: {  	s0 =	sor.u32 s1, s0  }
0xc5: {  	s0 =	sadd.s32 $0x8F2B, s0  }
0xc6: {  	[sflag:s0] =	ssyncadd.remote.s32 $0x1  }
0xc7: {  	_ =	sfence.sel $0xFFFF  }
0xc8: {  	[dreg:$0x0] =	wrdreg $0xFFFFFFFF;
	(pc) =	sbr.abs _section_cstart, $3  }
0xc9: {  	[dreg:$0x1] =	wrdreg $0xFFFFFFFF  }
0xca: {  	_ =	task.clear_ibuf [dreg:s9], $0x2FFFF;
	_ =	strace $0x9FFFFFFF  }
0xcb: {  	(tm) =	ssettm $0x7FFFFFFF  }
tec
execute0_lowered:
.L_overlay_start_1:
0x0: {  	(tag) =	ssettag $0x1  }
0x1: {  	s7 =	rddreg [dreg:$0x0]  }
0x2: {  	s4 =	rddreg [dreg:$0x1]  }
0x3: {  	s5 =	rddreg [dreg:$0x2];
	s1 =	srdreg.scid  }
0x4: {  	s0 =	stileid.u32;
	s6 =	rddreg [dreg:$0x3]  }
0x5: {  	s2 =	rddreg [dreg:$0x4];
	s3 =	simm.s32 $0x0;
	s13 =	simm.s32 $0x1  }
0x6: {  	s8 =	sand.u32 $0x1, s1;
	s9 =	smul.u32 $0x4E20, s0;
	s1 =	rddreg [dreg:$0x5]  }
0x7: {  	s14 =	simm.s32 $0x0;
	[smem:$0x7FF] =	sst s3;
	s28 =	smul.u32 $0x1F40, s0  }
0x8: {  	p0 =	sgt.u32 s0, $0x9;
	s10 =	smul.u32 $0x2710, s8;
	s12 =	ssub.s32 $0x2, s8  }
0x9: {  	s8 =	smul.u32 $0x13880, s8;
	_ =	strace $0x8000004A;
	s29 =	sshrl.u32 s12, $0x1  }
0xa: {  	s30 =	sshrl.u32 s28, $0x3;
	s9 =	sadd.s32 s10, s9;
	s12 =	ssub.s32 s12, s29  }
0xb: {  	s8 =	sadd.s32 s28, s8;
	s10 =	sadd.s32 s28, s2;
	s11 =	sshrl.u32 s9, $0x3  }
0xc: {  	s31 =	sshrl.u32 s8, $0x3;
	s7 =	sadd.s32 s7, s9;
	s9 =	sshll.u32 @!p0 s0, $0x6  }
0xd: {  	s10 =	sshrl.u32 @!p0 s10, $0x3;
	s11 =	sadd.s32 s11, s4;
	s4 =	sadd.s32 s5, s30  }
0xe: {  	s5 =	sadd.s32 s6, s31;
	s6 =	smax.u32 s12, $0x1;
	s9 =	sor.u32 @!p0 $0x1C02, s9  }
0xf: {  	s12 =	simm.s32 $0x50;
	s8 =	sadd.s32 $0x14C00, s11;
	s11 =	simm.s32 $0x2  }
.LBB2_1:
0x10: {  	[spmem:s10], [sflag:s9] =	dma.local @!p0 [hbm:s4], $0x3E8  }
0x11: {  	s15 =	simm.s32 @!p0 $0x2  }
0x12: {  	_ =	swait.ge @!p0 [sflag:s15], $0x3E8  }
0x13: {  	[sflag:s15] =	ssyncset.done @!p0 $0x0  }
0x14: {  	[sflag:s15] =	ssyncadd.s32 @!p0 $0xFFFFFC18  }
0x15: {  	s31 =	sadd.s32 $0x0, s8;
	[bflag:$0x0] =	sbarrier.arrive $0xFFFF  }
0x16: {  	[tilespmem:s3], [sflag:$0x2] =	stream.linear.gather [hbm4b:s31+s3], $0x50, $0x38;
	[tilespmem:$0x1658] =	vst v63  }
0x17: {  	_ =	swait.ge [sflag:s11], $0x50  }
0x18: {  	[sflag:s11] =	ssyncset.done $0x0  }
0x19: {  	[sflag:s11] =	ssyncadd.s32 $0xFFFFFFB0  }
0x1a: {  	[tilespmem:s12], [sflag:$0x2] =	stream.linear.gather [hbm4b:s7+s3], $0x280, $0x38;
	[tilespmem:$0x1658] =	vst v63  }
0x1b: {  	_ =	swait.ge [sflag:s11], $0x280  }
0x1c: {  	[sflag:s11] =	ssyncset.done $0x0  }
0x1d: {  	[sflag:s11] =	ssyncadd.s32 $0xFFFFFD80  }
0x1e: {  	[spmem:s2] =	stream.indirect.scatter.add.f32 [tilespmem:s12], [sflag:$0x1], $0x8, s3, s12, $0xb8;
	[tilespmem:$0x1658] =	vst v63  }
0x1f: {  	s16 =	simm.s32 $0xA;
	_ =	swait.ge [sflag:s13], $0x280  }
0x20: {  	s17 =	simm.s32 $0x14;
	s15 =	sadd.s32 $0x50, s7;
	[sflag:s13] =	ssyncset.done $0x0  }
.LBB2_2:
0x21: {  	s18 =	sadd.s32 s16, s8  }
0x22: {  	[sflag:s13] =	ssyncadd.s32 $0xFFFFFD80;
	s16 =	smov.u32 s17;
	s19 =	sadd.s32 $0xA, s17  }
0x23: {  	[tilespmem:s3], [sflag:$0x2] =	stream.linear.gather [hbm4b:s18+s3], $0x50, $0x38;
	[tilespmem:$0x1658] =	vst v63  }
0x24: {  	p1 =	sne.s32 s17, $0x4D8;
	_ =	swait.ge [sflag:s11], $0x50  }
0x25: {  	[sflag:s11] =	ssyncset.done $0x0  }
0x26: {  	[sflag:s11] =	ssyncadd.s32 $0xFFFFFFB0  }
0x27: {  	[tilespmem:s12], [sflag:$0x2] =	stream.linear.gather [hbm4b:s15+s3], $0x280, $0x38;
	[tilespmem:$0x1658] =	vst v63  }
0x28: {  	_ =	swait.ge [sflag:s11], $0x280  }
.Ltmp0:
0x29: {  	[sflag:s11] =	ssyncset.done $0x0;
	(pc) =	sbr.rel @p1 .LBB2_2-.Ltmp0, $4  }
0x2a: {  	[sflag:s11] =	ssyncadd.s32 $0xFFFFFD80  }
0x2b: {  	[spmem:s2] =	stream.indirect.scatter.add.f32 [tilespmem:s12], [sflag:$0x1], $0x8, s3, s12, $0xb8;
	[tilespmem:$0x1658] =	vst v63  }
0x2c: {  	_ =	swait.ge [sflag:s13], $0x280  }
0x2d: {  	s17 =	smov.u32 s19;
	s15 =	sadd.s32 $0x50, s15;
	[sflag:s13] =	ssyncset.done $0x0  }
0x2e: {  	s16 =	sadd.s32 s16, s8;
	[sflag:s13] =	ssyncadd.s32 $0xFFFFFD80  }
0x2f: {  	[tilespmem:s3], [sflag:$0x2] =	stream.linear.gather [hbm4b:s16+s3], $0x50, $0x38;
	[tilespmem:$0x1658] =	vst v63  }
0x30: {  	_ =	swait.ge [sflag:s11], $0x50  }
0x31: {  	[sflag:s11] =	ssyncset.done $0x0  }
0x32: {  	[sflag:s11] =	ssyncadd.s32 $0xFFFFFFB0  }
0x33: {  	[tilespmem:s12], [sflag:$0x2] =	stream.linear.gather [hbm4b:s15+s3], $0x280, $0x38;
	[tilespmem:$0x1658] =	vst v63  }
0x34: {  	_ =	swait.ge [sflag:s11], $0x280  }
0x35: {  	[sflag:s11] =	ssyncset.done $0x0  }
0x36: {  	[sflag:s11] =	ssyncadd.s32 $0xFFFFFD80  }
0x37: {  	[spmem:s2] =	stream.indirect.scatter.add.f32 [tilespmem:s12], [sflag:$0x1], $0x8, s3, s12, $0xb8;
	[tilespmem:$0x1658] =	vst v63  }
0x38: {  	_ =	swait.ge [sflag:s13], $0x280  }
0x39: {  	s14 =	sadd.s32 $0x1, s14;
	[sflag:s13] =	ssyncset.done $0x0  }
0x3a: {  	p1 =	sne.s32 s14, s6;
	[sflag:s13] =	ssyncadd.s32 $0xFFFFFD80  }
.Ltmp1:
0x3b: {  	s15 =	simm.s32 @!p0 $0x2;
	[bflag:$0x0] =	sbarrier.arrive $0xFFFF;
	(pc) =	sbr.rel @p1 .LBB2_1-.Ltmp1, $4  }
0x3c: {  	[hbm:s5], [sflag:s9] =	dma.local @!p0 [spmem:s10], $0x3E8  }
0x3d: {  	_ =	swait.ge @!p0 [sflag:s15], $0x3E8  }
0x3e: {  	[sflag:s15] =	ssyncset.done @!p0 $0x0  }
0x3f: {  	[sflag:s15] =	ssyncadd.s32 @!p0 $0xFFFFFC18  }
0x40: {  	_ =	sfence.sel $0x180000  }
0x41: {  	[bflag:$0x0] =	sbarrier.arrive $0xFFFF  }
0x42: {  	p0 =	sne.s32 s0, $0x0;
	_ =	strace $0x9000004A  }
0x43: {  	s0 =	sadd.s32 @!p0 $0x100000, s1;
	[bflag:$0x2] =	sbarrier.arrive $0xFFFF  }
0x44: {  	[sflag:s0] =	ssyncadd.tile.s32 @!p0 $0x1;
	_ =	shalt  }
.Lfunc_end2:
_tile_overlayer_lowered:
.L_overlay_start_2:
0x45: {  	(tag) =	ssettag $0x2  }
0x46: {  	s0 =	rddreg [dreg:$0x0];
	s2 =	stileid.u32  }
0x47: {  	s1 =	rddreg [dreg:$0x1];
	p0 =	sne.s32 s2, $0x0  }
0x48: {  	s3 =	rddreg [dreg:$0x2];
	[bflag:$0x3] =	sbarrier.arrive $0xFFFF;
	s2 =	simm.s32 @!p0 $0x1C02  }
0x49: {  	[timem:s3], [sflag:s2] =	dma.local @!p0 [hbm:s0], s1  }
0x4a: {  	s0 =	simm.s32 @!p0 $0x2  }
0x4b: {  	_ =	swait.ge @!p0 [sflag:s0], s1  }
0x4c: {  	s1 =	ssub.s32 @!p0 $0x0, s1;
	[sflag:s0] =	ssyncset.done @!p0 $0x0  }
0x4d: {  	[sflag:s0] =	ssyncadd.s32 @!p0 s1  }
0x4e: {  	[bflag:$0x3] =	sbarrier.arrive $0xFFFF  }
0x4f: {  	_ =	shalt  }

// kernel: kernel.13.cloned.1.call-start
scs
__scs_entry_jumppad:
0x0: {  	(pc) =	sbr.rel $0x88, $3  }
0x1: {  	(tag) =	ssettag $0x0;
	lr =	simm.s32 $0x1  }
0x2: {  	[smem:$0x3F9F] =	sst lr;
	_ =	strace $0xD0000000  }
0x3: {  	_ = 	snop  }
0x4: {  	_ = 	snop  }
0x5: {  	_ = 	snop  }
0x6: {  	_ = 	snop  }
0x7: {  	_ = 	snop  }
__scs_overlays_trampoline_lowered:
0x8: {  	[smem:$0x3FAE] =	sst s0  }
0x9: {  	[smem:$0x3FAF] =	sst s1  }
0xa: {  	[smem:$0x3FB0] =	sst s2  }
0xb: {  	[smem:$0x3FB1] =	sst s3  }
0xc: {  	[smem:$0x3FB2] =	sst s4  }
0xd: {  	[smem:$0x3FB3] =	sst s5  }
0xe: {  	[smem:$0x3FB4] =	sst s6  }
0xf: {  	[smem:$0x3FB5] =	sst s7  }
0x10: {  	[smem:$0x3FB6] =	sst s8  }
0x11: {  	[smem:$0x3FB7] =	sst s9;
	s0 =	simm.s32 @!p0 $0x0  }
0x12: {  	s1 =	sld [smem:$0x3F9D];
	s0 =	simm.s32 @p0 $0x1  }
0x13: {  	[smem:$0x3FB8] =	sst s0;
	s0 =	simm.s32 @!p1 $0x0  }
0x14: {  	s2 =	sld [smem:$0x3F9C];
	s0 =	simm.s32 @p1 $0x1  }
0x15: {  	[smem:$0x3FB9] =	sst s0;
	s0 =	simm.s32 @!p2 $0x0  }
0x16: {  	s3 =	sld [smem:$0x3FDB];
	s0 =	simm.s32 @p2 $0x1  }
0x17: {  	s4 =	simm.s32 $0x1BF5;
	[smem:$0x3FBB] =	sst s0  }
0x18: {  	s0 =	sld [smem:$0x3F9E];
	_ =	swait.ge [sflag:s4], $0x0  }
0x19: {  	s7 =	sld [smem:$0x3F9F]  }
0x1a: {  	s8 =	sadd.s32 $0xFFFFE003, lr  }
0x1b: {  	s9 =	sadd.s32 $0xFFFFFEF7, lr;
	s5 =	simm.s32 $0xFFFFFFFF;
	p2 =	slt.u32 s8, $0xFFFFF086  }
0x1c: {  	p1 =	slt.u32 s9, $0xF7A;
	s5 =	simm.s32 @!p2 $0x0  }
0x1d: {  	s5 =	simm.s32 @p1 $0x1;
	p0 =	seq.s32 s7, s2  }
0x1e: {  	s7 =	smul.u32 @!p0 $0xF7A, s2;
	p2 =	seq.s32 @!p0 s5, $0x0  }
0x1f: {  	s9 =	smul.u32 $0xF7A, s1;
	s8 =	simm.s32 @!p0 $0x1BF5;
	p2 =	por !p2, p0  }
0x20: {  	[sflag:s8] =	ssyncset.s32 @!p0 $0xFFFFF086;
	s6 =	sadd.s32 @!p0 s3, s7;
	s7 =	simm.s32 @!p0 $0x108  }
0x21: {  	s3 =	sadd.s32 s3, s9;
	s6 =	sadd.s32 @!p0 $0x88, s6;
	s7 =	simm.s32 @p2 $0x1082  }
0x22: {  	[simem:s7], [sflag:s8] =	dma.local @!p0 [hbm:s6], $0xF7A  }
0x23: {  	s9 =	sor.u32 $0xD0000000, s2;
	s6 =	simm.s32 $0x108;
	_ =	swait.ge @!p0 [sflag:s8], $0x0  }
0x24: {  	s3 =	sadd.s32 $0x88, s3;
	s6 =	simm.s32 @!p1 $0x1082;
	[sflag:s4] =	ssyncset.s32 $0xFFFFF086  }
0x25: {  	[simem:s6], [sflag:s4] =	dma.local [hbm:s3], $0xF7A  }
0x26: {  	[smem:$0x3F9F] =	sst s1;
	(tag) =	ssettag s2;
	_ =	strace s9  }
0x27: {  	s1 =	sld [smem:$0x3FAF]  }
0x28: {  	s2 =	sld [smem:$0x3FB0]  }
0x29: {  	s4 =	sld [smem:$0x3FB2]  }
0x2a: {  	p0 =	seq.s32 s5, $0x0;
	s5 =	sld [smem:$0x3FB3]  }
0x2b: {  	s6 =	sld [smem:$0x3FB4]  }
0x2c: {  	s7 =	sld [smem:$0x3FB5]  }
0x2d: {  	s3 =	simm.s32 $0x108;
	s8 =	sld [smem:$0x3FB6]  }
0x2e: {  	s3 =	simm.s32 @!p0 $0x1082;
	s9 =	sld [smem:$0x3FB7]  }
0x2f: {  	lr =	sadd.s32 s0, s3;
	s0 =	sld [smem:$0x3FAE]  }
0x30: {  	s3 =	sld [smem:$0x3FB1]  }
0x31: {  	[smem:$0x3FBA] =	sst s10  }
0x32: {  	s10 =	sld [smem:$0x3FB8];
	_ =	sdelay $0x3  }
0x33: {  	p0 =	seq.s32 s10, $0x1;
	s10 =	sld [smem:$0x3FBA];
	_ =	sdelay $0x3  }
0x34: {  	[smem:$0x3FBA] =	sst s10  }
0x35: {  	s10 =	sld [smem:$0x3FB9];
	_ =	sdelay $0x3  }
0x36: {  	p1 =	seq.s32 s10, $0x1;
	s10 =	sld [smem:$0x3FBA];
	_ =	sdelay $0x3  }
0x37: {  	[smem:$0x3FBA] =	sst s10  }
0x38: {  	s10 =	sld [smem:$0x3FBB]  }
0x39: {  	_ = 	snop;
	(pc) =	sbr.ind lr, $3  }
0x3a: {  	_ = 	snop  }
0x3b: {  	_ = 	snop  }
0x3c: {  	p2 =	seq.s32 s10, $0x1;
	s10 =	sld [smem:$0x3FBA]  }
0x3d: {  	_ =	shalt  }
0x3e: {  	_ =	shalt  }
0x3f: {  	_ =	shalt  }
0x40: {  	_ =	shalt  }
0x41: {  	_ =	shalt  }
0x42: {  	_ =	shalt  }
0x43: {  	_ =	shalt  }
0x44: {  	_ =	shalt  }
0x45: {  	_ =	shalt  }
0x46: {  	_ =	shalt  }
0x47: {  	_ =	shalt  }
0x48: {  	_ =	shalt  }
0x49: {  	_ =	shalt  }
0x4a: {  	_ =	shalt  }
0x4b: {  	_ =	shalt  }
0x4c: {  	_ =	shalt  }
0x4d: {  	_ =	shalt  }
0x4e: {  	_ =	shalt  }
0x4f: {  	_ =	shalt  }
0x50: {  	_ =	shalt  }
0x51: {  	_ =	shalt  }
0x52: {  	_ =	shalt  }
0x53: {  	_ =	shalt  }
0x54: {  	_ =	shalt  }
0x55: {  	_ =	shalt  }
0x56: {  	_ =	shalt  }
0x57: {  	_ =	shalt  }
0x58: {  	_ =	shalt  }
0x59: {  	_ =	shalt  }
0x5a: {  	_ =	shalt  }
0x5b: {  	_ =	shalt  }
0x5c: {  	_ =	shalt  }
0x5d: {  	_ =	shalt  }
0x5e: {  	_ =	shalt  }
0x5f: {  	_ =	shalt  }
0x60: {  	_ =	shalt  }
0x61: {  	_ =	shalt  }
0x62: {  	_ =	shalt  }
0x63: {  	_ =	shalt  }
0x64: {  	_ =	shalt  }
0x65: {  	_ =	shalt  }
0x66: {  	_ =	shalt  }
0x67: {  	_ =	shalt  }
0x68: {  	_ =	shalt  }
0x69: {  	_ =	shalt  }
0x6a: {  	_ =	shalt  }
0x6b: {  	_ =	shalt  }
0x6c: {  	_ =	shalt  }
0x6d: {  	_ =	shalt  }
0x6e: {  	_ =	shalt  }
0x6f: {  	_ =	shalt  }
0x70: {  	_ =	shalt  }
0x71: {  	_ =	shalt  }
0x72: {  	_ =	shalt  }
0x73: {  	_ =	shalt  }
0x74: {  	_ =	shalt  }
0x75: {  	_ =	shalt  }
0x76: {  	_ =	shalt  }
0x77: {  	_ =	shalt  }
0x78: {  	_ =	shalt  }
0x79: {  	_ =	shalt  }
0x7a: {  	_ =	shalt  }
0x7b: {  	_ =	shalt  }
0x7c: {  	_ =	shalt  }
0x7d: {  	_ =	shalt  }
0x7e: {  	_ =	shalt  }
0x7f: {  	_ =	shalt  }
0x80: {  	_ =	shalt  }
0x81: {  	_ =	shalt  }
0x82: {  	_ =	shalt  }
0x83: {  	_ =	shalt  }
0x84: {  	_ =	shalt  }
0x85: {  	_ =	shalt  }
0x86: {  	_ =	shalt  }
0x87: {  	_ =	shalt  }
.Lfunc_end0:
.L_simem_size_0:
called_computation.2_lowered:
.L_overlay_start_0:
0x88: {  	s2 =	sld [smem:$0x3FD9]  }
0x89: {  	s3 =	sld [smem:$0x3FFE];
	_ =	sdelay $0x1  }
0x8a: {  	s1 =	srdreg.scid  }
0x8b: {  	s0 =	sand.u32 $0x1, s1  }
0x8c: {  	s14 =	sshll.u32 s0, $0xA;
	s2 =	sadd.s32 s3, s2  }
0x8d: {  	s2 =	sadd.s32 s2, s14  }
0x8e: {  	[smem:$0x3FC6] =	sst s2  }
0x8f: {  	_ = 	snop  }
0x90: {  	s2 =	sld [smem:$0x3FD0];
	_ =	sdelay $0x2  }
0x91: {  	s15 =	simm.s32 $0xA;
	s4 =	simm.s32 $0x10  }
0x92: {  	[smem:s4], [sflag:s15] =	dma.local [hbm:s2], $0x1  }
0x93: {  	_ =	swait.eq [sflag:s15], $0x1  }
0x94: {  	[sflag:s15] =	ssyncset.done $0x0  }
0x95: {  	[sflag:s15] =	ssyncadd.s32 $0xFFFFFFFF  }
0x96: {  	s16 =	sld [smem:$0x11];
	(tm) =	ssettm $0x1  }
0x97: {  	s17 =	sld [smem:$0x3FFB];
	_ =	sdelay $0x3  }
0x98: {  	_ =	strace s17  }
0x99: {  	s3 =	sld [smem:$0x3FFC];
	_ =	sdelay $0x3  }
0x9a: {  	_ =	strace s3  }
0x9b: {  	s3 =	sld [smem:$0x3FFD];
	_ =	sdelay $0x3  }
0x9c: {  	_ =	strace s3  }
0x9d: {  	_ =	strace $0x8FFFFFFF  }
0x9e: {  	s18 =	sld [smem:$0x3FDB];
	_ =	sdelay $0x1  }
0x9f: {  	s19 =	simm.s32 $_scs_section_size  }
0xa0: {  	s5 =	simm.s32 $_size__tile_overlayer_lowered;
	s6 =	simm.s32 $_tile_overlayer_lowered  }
0xa1: {  	s22 =	simm.s32 $0x1BFF;
	s21 =	sshll.u32 s6, $0x1;
	s3 =	sadd.s32 s19, s18  }
0xa2: {  	s7 =	simm.s32 $0x0;
	s20 =	sshll.u32 s5, $0x1;
	s5 =	sadd.s32 s21, s3  }
0xa3: {  	[timem:s7], [sflag:s22] =	dma.local [hbm:s5], s20  }
0xa4: {  	_ =	swait.ge [sflag:s22], s20  }
0xa5: {  	s4 =	ssub.s32 $0x0, s20;
	[sflag:s22] =	ssyncset.done $0x0  }
0xa6: {  	[sflag:s22] =	ssyncadd.s32 s4;
	_ =	sdelay $0x1  }
0xa7: {  	s23 =	simm.s32 $0x1B8B  }
0xa8: {  	_ =	swait.ge [sflag:s23], $0x1  }
0xa9: {  	[sflag:s23] =	ssyncset.done $0x0  }
0xaa: {  	s25 =	simm.s32 $0x1B8E;
	s24 =	sld [smem:$0x3FFE];
	[sflag:s23] =	ssyncadd.s32 $0xFFFFFFFF  }
0xab: {  	s26 =	simm.s32 $execute0_lowered;
	[smem:$0x3FD2] =	sst s25  }
0xac: {  	s5 =	sshll.u32 s26, $0x1;
	_ =	strace $0x8000004C;
	[dreg:$0x1] =	wrdreg $0xFFFFFFFF  }
0xad: {  	s28 =	simm.s32 $_size_execute0_lowered;
	s3 =	sadd.s32 s3, s5;
	[dreg:$0x0] =	wrdreg $0x0  }
0xae: {  	s5 =	sshll.u32 s28, $0x1;
	[dreg:$0x2] =	wrdreg s3  }
0xaf: {  	[dreg:$0x3] =	wrdreg s5  }
0xb0: {  	[dreg:$0x4] =	wrdreg $0xC0  }
0xb1: {  	_ =	task [dreg:s7], $0x5FFFF  }
0xb2: {  	[dreg:$0x1] =	wrdreg $0xFFFFFFFF  }
0xb3: {  	[dreg:$0x0] =	wrdreg $0x60  }
0xb4: {  	[dreg:$0x2] =	wrdreg s24  }
0xb5: {  	[dreg:$0x3] =	wrdreg s16  }
0xb6: {  	[dreg:$0x4] =	wrdreg $0x9  }
0xb7: {  	_ =	task.clear_ibuf [dreg:s7], $0x5FFFF;
	_ =	strace $0x9000004C  }
0xb8: {  	s29 =	simm.s32 $0x9;
	_ =	strace $0x8000004E  }
0xb9: {  	_ =	swait.ge [sflag:s29], $0x1  }
0xba: {  	[sflag:s29] =	ssyncadd.s32 $0xFFFFFFFF  }
0xbb: {  	_ =	strace $0x9000004E  }
0xbc: {  	_ =	sfence  }
0xbd: {  	s30 =	sld [smem:$0x0];
	_ =	sdelay $0x2  }
0xbe: {  	s31 =	sshll.u32 s1, $0xD;
	s1 =	sshrl.u32 s1, $0x2  }
0xbf: {  	s3 =	sand.u32 $0x4000, s31;
	s1 =	sadd.s32 s1, s30  }
0xc0: {  	s0 =	sor.u32 s3, s0;
	s1 =	sshll.u32 s1, $0x11  }
0xc1: {  	s0 =	sor.u32 s1, s0  }
0xc2: {  	s0 =	sadd.s32 $0x8F2B, s0  }
0xc3: {  	[sflag:s0] =	ssyncadd.remote.s32 $0x1  }
0xc4: {  	_ =	sfence.sel $0xFFFF  }
0xc5: {  	[dreg:$0x0] =	wrdreg $0xFFFFFFFF;
	(pc) =	sbr.abs _section_cstart, $3  }
0xc6: {  	[dreg:$0x1] =	wrdreg $0xFFFFFFFF  }
0xc7: {  	_ =	task.clear_ibuf [dreg:s7], $0x2FFFF;
	_ =	strace $0x9FFFFFFF  }
0xc8: {  	(tm) =	ssettm $0x7FFFFFFF  }
0xc9: {  	_ =	shalt  }
tec
execute0_lowered:
.L_overlay_start_1:
0x0: {  	(tag) =	ssettag $0x1  }
0x1: {  	s4 =	rddreg [dreg:$0x0];
	s1 =	srdreg.scid  }
0x2: {  	s0 =	stileid.u32;
	s6 =	rddreg [dreg:$0x1]  }
0x3: {  	s2 =	simm.s32 $0x0;
	s11 =	simm.s32 $0xA0;
	s12 =	simm.s32 $0x320  }
0x4: {  	s13 =	simm.s32 $0x1;
	s14 =	simm.s32 $0x2;
	s15 =	simm.s32 $0x0  }
0x5: {  	s3 =	sand.u32 $0x1, s1;
	s5 =	smul.u32 $0x4E20, s0;
	s1 =	rddreg [dreg:$0x2]  }
0x6: {  	[smem:$0x7FF] =	sst s2;
	s7 =	smul.u32 $0x2710, s3;
	s30 =	ssub.s32 $0x2, s3  }
0x7: {  	_ =	strace $0x8000004D;
	s3 =	sadd.s32 $0x4FA00, s4;
	s9 =	sshrl.u32 s30, $0x1  }
0x8: {  	s7 =	sadd.s32 s7, s5;
	s31 =	ssub.s32 s30, s9;
	s9 =	simm.s32 $0x3  }
0x9: {  	s8 =	sshrl.u32 s7, $0x3;
	s10 =	sadd.s32 s7, s4;
	s6 =	sadd.s32 s6, s7  }
0xa: {  	s8 =	sadd.s32 s8, s4;
	s4 =	smax.u32 s31, $0x1;
	s5 =	sadd.s32 $0x52200, s10  }
0xb: {  	s10 =	simm.s32 $0x50;
	s7 =	sadd.s32 $0x1EA00, s8;
	s8 =	sadd.s32 $0x14C00, s8  }
.LBB2_1:
0xc: {  	s16 =	sadd.s32 $0x0, s8  }
0xd: {  	[tilespmem:s2], [sflag:$0x3] =	stream.linear.gather [hbm4b:s16+s2], $0x50, $0x38;
	[tilespmem:$0x5A0] =	vst v63  }
0xe: {  	_ =	swait.ge [sflag:s9], $0x50  }
0xf: {  	[sflag:s9] =	ssyncset.done $0x0  }
0x10: {  	s31 =	sadd.s32 $0x0, s7;
	[sflag:s9] =	ssyncadd.s32 $0xFFFFFFB0  }
0x11: {  	[tilespmem:s10], [sflag:$0x3] =	stream.linear.gather [hbm4b:s31+s2], $0x50, $0x38;
	[tilespmem:$0x5A0] =	vst v63  }
0x12: {  	_ =	swait.ge [sflag:s9], $0x50  }
0x13: {  	[sflag:s9] =	ssyncset.done $0x0  }
0x14: {  	[sflag:s9] =	ssyncadd.s32 $0xFFFFFFB0  }
0x15: {  	[tilespmem:s11], [sflag:$0x1] =	stream.indirect.gather [hbm4b:s3+s10], $0x8, s2, s10, $0xb8;
	[tilespmem:$0x5A0] =	vst v63  }
0x16: {  	_ = 	snop  }
0x17: {  	[tilespmem:s12], [sflag:$0x2] =	stream.indirect.gather [hbm4b:s3+s10], $0x8, s10, s10, $0xb8;
	[tilespmem:$0x5A0] =	vst v63  }
0x18: {  	_ =	swait.ge [sflag:s13], $0x280  }
0x19: {  	[sflag:s13] =	ssyncset.done $0x0  }
0x1a: {  	[sflag:s13] =	ssyncadd.s32 $0xFFFFFD80  }
0x1b: {  	_ =	swait.ge [sflag:s14], $0x280  }
0x1c: {  	[sflag:s14] =	ssyncset.done $0x0  }
0x1d: {  	[sflag:s14] =	ssyncadd.s32 $0xFFFFFD80  }
0x1e: {  	[hbm4b:s6+s2] =	stream.linear.scatter [tilespmem:s11], [sflag:$0x3], $0x280, $0x38;
	[tilespmem:$0x5A0] =	vst v63  }
0x1f: {  	_ =	swait.ge [sflag:s9], $0x280  }
0x20: {  	[sflag:s9] =	ssyncset.done $0x0  }
0x21: {  	[sflag:s9] =	ssyncadd.s32 $0xFFFFFD80  }
0x22: {  	[hbm4b:s5+s2] =	stream.linear.scatter [tilespmem:s12], [sflag:$0x3], $0x280, $0x38;
	[tilespmem:$0x5A0] =	vst v63  }
0x23: {  	s18 =	simm.s32 $0xA;
	s19 =	simm.s32 $0x14;
	_ =	swait.ge [sflag:s9], $0x280  }
0x24: {  	s17 =	sadd.s32 $0x50, s6;
	s16 =	sadd.s32 $0x50, s5;
	[sflag:s9] =	ssyncset.done $0x0  }
.LBB2_2:
0x25: {  	s20 =	sadd.s32 s18, s8  }
0x26: {  	[sflag:s9] =	ssyncadd.s32 $0xFFFFFD80;
	s21 =	smov.u32 s19;
	s22 =	sadd.s32 $0xA, s19  }
0x27: {  	[tilespmem:s2], [sflag:$0x3] =	stream.linear.gather [hbm4b:s20+s2], $0x50, $0x38;
	[tilespmem:$0x5A0] =	vst v63  }
0x28: {  	p0 =	sne.s32 s19, $0x4D8;
	_ =	swait.ge [sflag:s9], $0x50  }
0x29: {  	[sflag:s9] =	ssyncset.done $0x0  }
0x2a: {  	s19 =	sadd.s32 s18, s7;
	s18 =	smov.u32 s21;
	[sflag:s9] =	ssyncadd.s32 $0xFFFFFFB0  }
0x2b: {  	[tilespmem:s10], [sflag:$0x3] =	stream.linear.gather [hbm4b:s19+s2], $0x50, $0x38;
	[tilespmem:$0x5A0] =	vst v63  }
0x2c: {  	_ =	swait.ge [sflag:s9], $0x50  }
0x2d: {  	[sflag:s9] =	ssyncset.done $0x0  }
0x2e: {  	[sflag:s9] =	ssyncadd.s32 $0xFFFFFFB0  }
0x2f: {  	[tilespmem:s11], [sflag:$0x1] =	stream.indirect.gather [hbm4b:s3+s10], $0x8, s2, s10, $0xb8;
	[tilespmem:$0x5A0] =	vst v63  }
0x30: {  	_ = 	snop  }
0x31: {  	[tilespmem:s12], [sflag:$0x2] =	stream.indirect.gather [hbm4b:s3+s10], $0x8, s10, s10, $0xb8;
	[tilespmem:$0x5A0] =	vst v63  }
0x32: {  	_ =	swait.ge [sflag:s13], $0x280  }
0x33: {  	[sflag:s13] =	ssyncset.done $0x0  }
0x34: {  	[sflag:s13] =	ssyncadd.s32 $0xFFFFFD80  }
0x35: {  	_ =	swait.ge [sflag:s14], $0x280  }
0x36: {  	[sflag:s14] =	ssyncset.done $0x0  }
0x37: {  	[sflag:s14] =	ssyncadd.s32 $0xFFFFFD80  }
0x38: {  	[hbm4b:s17+s2] =	stream.linear.scatter [tilespmem:s11], [sflag:$0x3], $0x280, $0x38;
	[tilespmem:$0x5A0] =	vst v63  }
0x39: {  	_ =	swait.ge [sflag:s9], $0x280  }
.Ltmp0:
0x3a: {  	[sflag:s9] =	ssyncset.done $0x0;
	(pc) =	sbr.rel @p0 .LBB2_2-.Ltmp0, $4  }
0x3b: {  	[sflag:s9] =	ssyncadd.s32 $0xFFFFFD80  }
0x3c: {  	[hbm4b:s16+s2] =	stream.linear.scatter [tilespmem:s12], [sflag:$0x3], $0x280, $0x38;
	[tilespmem:$0x5A0] =	vst v63  }
0x3d: {  	s19 =	smov.u32 s22;
	_ =	swait.ge [sflag:s9], $0x280  }
0x3e: {  	s17 =	sadd.s32 $0x50, s17;
	s16 =	sadd.s32 $0x50, s16;
	[sflag:s9] =	ssyncset.done $0x0  }
0x3f: {  	s19 =	sadd.s32 s18, s8;
	[sflag:s9] =	ssyncadd.s32 $0xFFFFFD80  }
0x40: {  	[tilespmem:s2], [sflag:$0x3] =	stream.linear.gather [hbm4b:s19+s2], $0x50, $0x38;
	[tilespmem:$0x5A0] =	vst v63  }
0x41: {  	_ =	swait.ge [sflag:s9], $0x50  }
0x42: {  	[sflag:s9] =	ssyncset.done $0x0  }
0x43: {  	s31 =	sadd.s32 s18, s7;
	[sflag:s9] =	ssyncadd.s32 $0xFFFFFFB0  }
0x44: {  	[tilespmem:s10], [sflag:$0x3] =	stream.linear.gather [hbm4b:s31+s2], $0x50, $0x38;
	[tilespmem:$0x5A0] =	vst v63  }
0x45: {  	_ =	swait.ge [sflag:s9], $0x50  }
0x46: {  	[sflag:s9] =	ssyncset.done $0x0  }
0x47: {  	[sflag:s9] =	ssyncadd.s32 $0xFFFFFFB0  }
0x48: {  	[tilespmem:s11], [sflag:$0x1] =	stream.indirect.gather [hbm4b:s3+s10], $0x8, s2, s10, $0xb8;
	[tilespmem:$0x5A0] =	vst v63  }
0x49: {  	_ = 	snop  }
0x4a: {  	[tilespmem:s12], [sflag:$0x2] =	stream.indirect.gather [hbm4b:s3+s10], $0x8, s10, s10, $0xb8;
	[tilespmem:$0x5A0] =	vst v63  }
0x4b: {  	_ =	swait.ge [sflag:s13], $0x280  }
0x4c: {  	[sflag:s13] =	ssyncset.done $0x0  }
0x4d: {  	[sflag:s13] =	ssyncadd.s32 $0xFFFFFD80  }
0x4e: {  	_ =	swait.ge [sflag:s14], $0x280  }
0x4f: {  	[sflag:s14] =	ssyncset.done $0x0  }
0x50: {  	[sflag:s14] =	ssyncadd.s32 $0xFFFFFD80  }
0x51: {  	[hbm4b:s17+s2] =	stream.linear.scatter [tilespmem:s11], [sflag:$0x3], $0x280, $0x38;
	[tilespmem:$0x5A0] =	vst v63  }
0x52: {  	s15 =	sadd.s32 $0x1, s15;
	_ =	swait.ge [sflag:s9], $0x280  }
0x53: {  	p0 =	sne.s32 s15, s4;
	[sflag:s9] =	ssyncset.done $0x0  }
.Ltmp1:
0x54: {  	[sflag:s9] =	ssyncadd.s32 $0xFFFFFD80;
	(pc) =	sbr.rel @p0 .LBB2_1-.Ltmp1, $4  }
0x55: {  	[hbm4b:s16+s2] =	stream.linear.scatter [tilespmem:s12], [sflag:$0x3], $0x280, $0x38;
	[tilespmem:$0x5A0] =	vst v63  }
0x56: {  	_ =	swait.ge [sflag:s9], $0x280  }
0x57: {  	[sflag:s9] =	ssyncset.done $0x0  }
0x58: {  	[sflag:s9] =	ssyncadd.s32 $0xFFFFFD80  }
0x59: {  	_ =	sfence.sel $0x180000  }
0x5a: {  	[bflag:$0x0] =	sbarrier.arrive $0xFFFF  }
0x5b: {  	p0 =	sne.s32 s0, $0x0;
	_ =	strace $0x9000004D  }
0x5c: {  	s0 =	sadd.s32 @!p0 $0x100000, s1;
	[bflag:$0x2] =	sbarrier.arrive $0xFFFF  }
0x5d: {  	[sflag:s0] =	ssyncadd.tile.s32 @!p0 $0x1;
	_ =	shalt  }
.Lfunc_end2:
_tile_overlayer_lowered:
.L_overlay_start_2:
0x5e: {  	(tag) =	ssettag $0x2  }
0x5f: {  	s0 =	rddreg [dreg:$0x0];
	s2 =	stileid.u32  }
0x60: {  	s1 =	rddreg [dreg:$0x1];
	p0 =	sne.s32 s2, $0x0  }
0x61: {  	s3 =	rddreg [dreg:$0x2];
	[bflag:$0x3] =	sbarrier.arrive $0xFFFF;
	s2 =	simm.s32 @!p0 $0x1C03  }
0x62: {  	[timem:s3], [sflag:s2] =	dma.local @!p0 [hbm:s0], s1  }
0x63: {  	s0 =	simm.s32 @!p0 $0x3  }
0x64: {  	_ =	swait.ge @!p0 [sflag:s0], s1  }
0x65: {  	s1 =	ssub.s32 @!p0 $0x0, s1;
	[sflag:s0] =	ssyncset.done @!p0 $0x0  }
0x66: {  	[sflag:s0] =	ssyncadd.s32 @!p0 s1  }
0x67: {  	[bflag:$0x3] =	sbarrier.arrive $0xFFFF  }
0x68: {  	_ =	shalt  }

// kernel: kernel.7.cloned.1.call-start
scs
__scs_entry_jumppad:
0x0: {  	(pc) =	sbr.rel $0x88, $3  }
0x1: {  	(tag) =	ssettag $0x0;
	lr =	simm.s32 $0x1  }
0x2: {  	[smem:$0x3F9F] =	sst lr;
	_ =	strace $0xD0000000  }
0x3: {  	_ = 	snop  }
0x4: {  	_ = 	snop  }
0x5: {  	_ = 	snop  }
0x6: {  	_ = 	snop  }
0x7: {  	_ = 	snop  }
__scs_overlays_trampoline_lowered:
0x8: {  	[smem:$0x3FAE] =	sst s0  }
0x9: {  	[smem:$0x3FAF] =	sst s1  }
0xa: {  	[smem:$0x3FB0] =	sst s2  }
0xb: {  	[smem:$0x3FB1] =	sst s3  }
0xc: {  	[smem:$0x3FB2] =	sst s4  }
0xd: {  	[smem:$0x3FB3] =	sst s5  }
0xe: {  	[smem:$0x3FB4] =	sst s6  }
0xf: {  	[smem:$0x3FB5] =	sst s7  }
0x10: {  	[smem:$0x3FB6] =	sst s8  }
0x11: {  	[smem:$0x3FB7] =	sst s9;
	s0 =	simm.s32 @!p0 $0x0  }
0x12: {  	s1 =	sld [smem:$0x3F9D];
	s0 =	simm.s32 @p0 $0x1  }
0x13: {  	[smem:$0x3FB8] =	sst s0;
	s0 =	simm.s32 @!p1 $0x0  }
0x14: {  	s2 =	sld [smem:$0x3F9C];
	s0 =	simm.s32 @p1 $0x1  }
0x15: {  	[smem:$0x3FB9] =	sst s0;
	s0 =	simm.s32 @!p2 $0x0  }
0x16: {  	s3 =	sld [smem:$0x3FDB];
	s0 =	simm.s32 @p2 $0x1  }
0x17: {  	s4 =	simm.s32 $0x1BF5;
	[smem:$0x3FBB] =	sst s0  }
0x18: {  	s0 =	sld [smem:$0x3F9E];
	_ =	swait.ge [sflag:s4], $0x0  }
0x19: {  	s7 =	sld [smem:$0x3F9F]  }
0x1a: {  	s8 =	sadd.s32 $0xFFFFE003, lr  }
0x1b: {  	s9 =	sadd.s32 $0xFFFFFEF7, lr;
	s5 =	simm.s32 $0xFFFFFFFF;
	p2 =	slt.u32 s8, $0xFFFFF086  }
0x1c: {  	p1 =	slt.u32 s9, $0xF7A;
	s5 =	simm.s32 @!p2 $0x0  }
0x1d: {  	s5 =	simm.s32 @p1 $0x1;
	p0 =	seq.s32 s7, s2  }
0x1e: {  	s7 =	smul.u32 @!p0 $0xF7A, s2;
	p2 =	seq.s32 @!p0 s5, $0x0  }
0x1f: {  	s9 =	smul.u32 $0xF7A, s1;
	s8 =	simm.s32 @!p0 $0x1BF5;
	p2 =	por !p2, p0  }
0x20: {  	[sflag:s8] =	ssyncset.s32 @!p0 $0xFFFFF086;
	s6 =	sadd.s32 @!p0 s3, s7;
	s7 =	simm.s32 @!p0 $0x108  }
0x21: {  	s3 =	sadd.s32 s3, s9;
	s6 =	sadd.s32 @!p0 $0x88, s6;
	s7 =	simm.s32 @p2 $0x1082  }
0x22: {  	[simem:s7], [sflag:s8] =	dma.local @!p0 [hbm:s6], $0xF7A  }
0x23: {  	s9 =	sor.u32 $0xD0000000, s2;
	s6 =	simm.s32 $0x108;
	_ =	swait.ge @!p0 [sflag:s8], $0x0  }
0x24: {  	s3 =	sadd.s32 $0x88, s3;
	s6 =	simm.s32 @!p1 $0x1082;
	[sflag:s4] =	ssyncset.s32 $0xFFFFF086  }
0x25: {  	[simem:s6], [sflag:s4] =	dma.local [hbm:s3], $0xF7A  }
0x26: {  	[smem:$0x3F9F] =	sst s1;
	(tag) =	ssettag s2;
	_ =	strace s9  }
0x27: {  	s1 =	sld [smem:$0x3FAF]  }
0x28: {  	s2 =	sld [smem:$0x3FB0]  }
0x29: {  	s4 =	sld [smem:$0x3FB2]  }
0x2a: {  	p0 =	seq.s32 s5, $0x0;
	s5 =	sld [smem:$0x3FB3]  }
0x2b: {  	s6 =	sld [smem:$0x3FB4]  }
0x2c: {  	s7 =	sld [smem:$0x3FB5]  }
0x2d: {  	s3 =	simm.s32 $0x108;
	s8 =	sld [smem:$0x3FB6]  }
0x2e: {  	s3 =	simm.s32 @!p0 $0x1082;
	s9 =	sld [smem:$0x3FB7]  }
0x2f: {  	lr =	sadd.s32 s0, s3;
	s0 =	sld [smem:$0x3FAE]  }
0x30: {  	s3 =	sld [smem:$0x3FB1]  }
0x31: {  	[smem:$0x3FBA] =	sst s10  }
0x32: {  	s10 =	sld [smem:$0x3FB8];
	_ =	sdelay $0x3  }
0x33: {  	p0 =	seq.s32 s10, $0x1;
	s10 =	sld [smem:$0x3FBA];
	_ =	sdelay $0x3  }
0x34: {  	[smem:$0x3FBA] =	sst s10  }
0x35: {  	s10 =	sld [smem:$0x3FB9];
	_ =	sdelay $0x3  }
0x36: {  	p1 =	seq.s32 s10, $0x1;
	s10 =	sld [smem:$0x3FBA];
	_ =	sdelay $0x3  }
0x37: {  	[smem:$0x3FBA] =	sst s10  }
0x38: {  	s10 =	sld [smem:$0x3FBB]  }
0x39: {  	_ = 	snop;
	(pc) =	sbr.ind lr, $3  }
0x3a: {  	_ = 	snop  }
0x3b: {  	_ = 	snop  }
0x3c: {  	p2 =	seq.s32 s10, $0x1;
	s10 =	sld [smem:$0x3FBA]  }
0x3d: {  	_ =	shalt  }
0x3e: {  	_ =	shalt  }
0x3f: {  	_ =	shalt  }
0x40: {  	_ =	shalt  }
0x41: {  	_ =	shalt  }
0x42: {  	_ =	shalt  }
0x43: {  	_ =	shalt  }
0x44: {  	_ =	shalt  }
0x45: {  	_ =	shalt  }
0x46: {  	_ =	shalt  }
0x47: {  	_ =	shalt  }
0x48: {  	_ =	shalt  }
0x49: {  	_ =	shalt  }
0x4a: {  	_ =	shalt  }
0x4b: {  	_ =	shalt  }
0x4c: {  	_ =	shalt  }
0x4d: {  	_ =	shalt  }
0x4e: {  	_ =	shalt  }
0x4f: {  	_ =	shalt  }
0x50: {  	_ =	shalt  }
0x51: {  	_ =	shalt  }
0x52: {  	_ =	shalt  }
0x53: {  	_ =	shalt  }
0x54: {  	_ =	shalt  }
0x55: {  	_ =	shalt  }
0x56: {  	_ =	shalt  }
0x57: {  	_ =	shalt  }
0x58: {  	_ =	shalt  }
0x59: {  	_ =	shalt  }
0x5a: {  	_ =	shalt  }
0x5b: {  	_ =	shalt  }
0x5c: {  	_ =	shalt  }
0x5d: {  	_ =	shalt  }
0x5e: {  	_ =	shalt  }
0x5f: {  	_ =	shalt  }
0x60: {  	_ =	shalt  }
0x61: {  	_ =	shalt  }
0x62: {  	_ =	shalt  }
0x63: {  	_ =	shalt  }
0x64: {  	_ =	shalt  }
0x65: {  	_ =	shalt  }
0x66: {  	_ =	shalt  }
0x67: {  	_ =	shalt  }
0x68: {  	_ =	shalt  }
0x69: {  	_ =	shalt  }
0x6a: {  	_ =	shalt  }
0x6b: {  	_ =	shalt  }
0x6c: {  	_ =	shalt  }
0x6d: {  	_ =	shalt  }
0x6e: {  	_ =	shalt  }
0x6f: {  	_ =	shalt  }
0x70: {  	_ =	shalt  }
0x71: {  	_ =	shalt  }
0x72: {  	_ =	shalt  }
0x73: {  	_ =	shalt  }
0x74: {  	_ =	shalt  }
0x75: {  	_ =	shalt  }
0x76: {  	_ =	shalt  }
0x77: {  	_ =	shalt  }
0x78: {  	_ =	shalt  }
0x79: {  	_ =	shalt  }
0x7a: {  	_ =	shalt  }
0x7b: {  	_ =	shalt  }
0x7c: {  	_ =	shalt  }
0x7d: {  	_ =	shalt  }
0x7e: {  	_ =	shalt  }
0x7f: {  	_ =	shalt  }
0x80: {  	_ =	shalt  }
0x81: {  	_ =	shalt  }
0x82: {  	_ =	shalt  }
0x83: {  	_ =	shalt  }
0x84: {  	_ =	shalt  }
0x85: {  	_ =	shalt  }
0x86: {  	_ =	shalt  }
0x87: {  	_ =	shalt  }
.Lfunc_end0:
.L_simem_size_0:
called_computation_lowered:
.L_overlay_start_0:
0x88: {  	s2 =	sld [smem:$0x3FD9]  }
0x89: {  	s3 =	sld [smem:$0x3FFE];
	_ =	sdelay $0x1  }
0x8a: {  	s1 =	srdreg.scid  }
0x8b: {  	s0 =	sand.u32 $0x1, s1  }
0x8c: {  	s14 =	sshll.u32 s0, $0xA;
	s2 =	sadd.s32 s3, s2  }
0x8d: {  	s2 =	sadd.s32 s2, s14  }
0x8e: {  	[smem:$0x3FC6] =	sst s2  }
0x8f: {  	_ = 	snop  }
0x90: {  	s2 =	sld [smem:$0x3FD0];
	_ =	sdelay $0x2  }
0x91: {  	s15 =	simm.s32 $0xA;
	s4 =	simm.s32 $0x10  }
0x92: {  	[smem:s4], [sflag:s15] =	dma.local [hbm:s2], $0x1  }
0x93: {  	_ =	swait.eq [sflag:s15], $0x1  }
0x94: {  	[sflag:s15] =	ssyncset.done $0x0  }
0x95: {  	s16 =	sld [smem:$0x11];
	[sflag:s15] =	ssyncadd.s32 $0xFFFFFFFF  }
0x96: {  	s17 =	sld [smem:$0x12];
	(tm) =	ssettm $0x1  }
0x97: {  	s18 =	sld [smem:$0x3FFB];
	_ =	sdelay $0x3  }
0x98: {  	_ =	strace s18  }
0x99: {  	s4 =	sld [smem:$0x3FFC];
	_ =	sdelay $0x3  }
0x9a: {  	_ =	strace s4  }
0x9b: {  	s4 =	sld [smem:$0x3FFD];
	_ =	sdelay $0x3  }
0x9c: {  	_ =	strace s4  }
0x9d: {  	_ =	strace $0x8FFFFFFF  }
0x9e: {  	s19 =	sld [smem:$0x3FDB];
	_ =	sdelay $0x1  }
0x9f: {  	s5 =	simm.s32 $_scs_section_size  }
0xa0: {  	s6 =	simm.s32 $_size__tile_overlayer_lowered;
	s7 =	simm.s32 $_tile_overlayer_lowered  }
0xa1: {  	s22 =	simm.s32 $0x1BFF;
	s21 =	sshll.u32 s7, $0x1;
	s4 =	sadd.s32 s5, s19  }
0xa2: {  	s8 =	simm.s32 $0x0;
	s20 =	sshll.u32 s6, $0x1;
	s6 =	sadd.s32 s21, s4  }
0xa3: {  	[timem:s8], [sflag:s22] =	dma.local [hbm:s6], s20  }
0xa4: {  	_ =	swait.ge [sflag:s22], s20  }
0xa5: {  	s5 =	ssub.s32 $0x0, s20;
	[sflag:s22] =	ssyncset.done $0x0  }
0xa6: {  	[sflag:s22] =	ssyncadd.s32 s5;
	_ =	sdelay $0x1  }
0xa7: {  	s23 =	simm.s32 $0x1B8B  }
0xa8: {  	_ =	swait.ge [sflag:s23], $0x1  }
0xa9: {  	[sflag:s23] =	ssyncset.done $0x0  }
0xaa: {  	s25 =	simm.s32 $0x1B8E;
	s24 =	sld [smem:$0x3FFE];
	[sflag:s23] =	ssyncadd.s32 $0xFFFFFFFF  }
0xab: {  	s26 =	simm.s32 $execute0_lowered;
	[smem:$0x3FD2] =	sst s25  }
0xac: {  	s6 =	sshll.u32 s26, $0x1;
	_ =	strace $0x80000046;
	[dreg:$0x1] =	wrdreg $0xFFFFFFFF  }
0xad: {  	s28 =	simm.s32 $_size_execute0_lowered;
	s4 =	sadd.s32 s4, s6;
	[dreg:$0x0] =	wrdreg $0x0  }
0xae: {  	s6 =	sshll.u32 s28, $0x1;
	[dreg:$0x2] =	wrdreg s4  }
0xaf: {  	[dreg:$0x3] =	wrdreg s6  }
0xb0: {  	[dreg:$0x4] =	wrdreg $0xC0  }
0xb1: {  	_ =	task [dreg:s8], $0x5FFFF  }
0xb2: {  	[dreg:$0x1] =	wrdreg $0xFFFFFFFF  }
0xb3: {  	[dreg:$0x0] =	wrdreg $0x60  }
0xb4: {  	[dreg:$0x2] =	wrdreg s17  }
0xb5: {  	[dreg:$0x3] =	wrdreg s24  }
0xb6: {  	[dreg:$0x4] =	wrdreg s16  }
0xb7: {  	[dreg:$0x5] =	wrdreg $0x9  }
0xb8: {  	_ =	task.clear_ibuf [dreg:s8], $0x6FFFF;
	_ =	strace $0x90000046  }
0xb9: {  	s29 =	simm.s32 $0x9;
	_ =	strace $0x80000048  }
0xba: {  	_ =	swait.ge [sflag:s29], $0x1  }
0xbb: {  	[sflag:s29] =	ssyncadd.s32 $0xFFFFFFFF  }
0xbc: {  	_ =	strace $0x90000048  }
0xbd: {  	_ =	sfence  }
0xbe: {  	s30 =	sld [smem:$0x0];
	_ =	sdelay $0x2  }
0xbf: {  	s31 =	sshll.u32 s1, $0xD;
	s1 =	sshrl.u32 s1, $0x2  }
0xc0: {  	s3 =	sand.u32 $0x4000, s31;
	s1 =	sadd.s32 s1, s30  }
0xc1: {  	s0 =	sor.u32 s3, s0;
	s1 =	sshll.u32 s1, $0x11  }
0xc2: {  	s0 =	sor.u32 s1, s0  }
0xc3: {  	s0 =	sadd.s32 $0x8F2B, s0  }
0xc4: {  	[sflag:s0] =	ssyncadd.remote.s32 $0x1  }
0xc5: {  	_ =	sfence.sel $0xFFFF  }
0xc6: {  	[dreg:$0x0] =	wrdreg $0xFFFFFFFF;
	(pc) =	sbr.abs _section_cstart, $3  }
0xc7: {  	[dreg:$0x1] =	wrdreg $0xFFFFFFFF  }
0xc8: {  	_ =	task.clear_ibuf [dreg:s8], $0x2FFFF;
	_ =	strace $0x9FFFFFFF  }
0xc9: {  	(tm) =	ssettm $0x7FFFFFFF  }
tec
execute0_lowered:
.L_overlay_start_1:
0x0: {  	(tag) =	ssettag $0x1  }
0x1: {  	s1 =	rddreg [dreg:$0x0]  }
0x2: {  	s9 =	rddreg [dreg:$0x1]  }
0x3: {  	s10 =	rddreg [dreg:$0x2]  }
0x4: {  	s0 =	rddreg [dreg:$0x3]  }
0x5: {  	s3 =	simm.s32 $0x0;
	s4 =	srdreg.scid;
	s2 =	stileid.u32  }
0x6: {  	s16 =	simm.s32 $0x2780;
	s17 =	simm.s32 $0x27D0;
	s18 =	simm.s32 $0x1  }
0x7: {  	s19 =	simm.s32 $0x31D0;
	s20 =	simm.s32 $0x3220;
	s21 =	simm.s32 $0x34A0  }
0x8: {  	v0 =	vlaneseq.u32;
	v1 =	vimm.s32 $0x1388;
	v3 =	vimm.s32 $0x0;
	s22 =	simm.s32 $0x34F0;
	s23 =	simm.s32 $0x0;
	[smem:$0x7FF] =	sst s3  }
0x9: {  	v4 =	vimm.s32 $0x9C4;
	v5 =	vimm.s32 $0x1;
	s11 =	sand.u32 $0x1, s4;
	s8 =	smul.u32 $0x4E20, s2;
	s4 =	sadd.s32 $0x32800, s9;
	v2 =	vmul.u32 $0x20, v0  }
0xa: {  	v7 =	vimm.s32 $0x10;
	v8 =	vimm.s32 $0x8;
	s5 =	sadd.s32 $0x81200, s9;
	s6 =	sadd.s32 $0x80C00, s9;
	s13 =	smul.u32 $0x27100, s2;
	v14 =	vmul.u32 $0x8, v0  }
0xb: {  	s7 =	sadd.s32 $0x32600, s9;
	s12 =	smul.u32 $0x2710, s11;
	s30 =	ssub.s32 $0x2, s11;
	v6 =	vor.u32 $0x10, v2;
	v9 =	vor.u32 $0x210, v2;
	v10 =	vor.u32 $0x200, v2  }
0xc: {  	_ =	strace $0x80000047;
	s11 =	smul.u32 $0x13880, s11;
	s15 =	sshrl.u32 s30, $0x1;
	v11 =	vor.u32 $0x410, v2;
	v12 =	vor.u32 $0x400, v2;
	v13 =	vor.u32 $0x610, v2  }
0xd: {  	s10 =	sadd.s32 s13, s10;
	s13 =	simm.s32 $0x2710;
	v15 =	vor.u32 $0x600, v2;
	v16 =	vor.u32 $0x810, v2;
	v17 =	vor.u32 $0x800, v2;
	s8 =	sadd.s32 s12, s8  }
0xe: {  	v18 =	vor.u32 $0x1, v14;
	v19 =	vor.u32 $0x80, v14;
	v20 =	vor.u32 $0x81, v14;
	s31 =	ssub.s32 s30, s15;
	s10 =	sadd.s32 s11, s10;
	s14 =	sshrl.u32 s8, $0x3  }
0xf: {  	v21 =	vor.u32 $0x100, v14;
	v22 =	vor.u32 $0x101, v14;
	v23 =	vor.u32 $0x180, v14;
	s12 =	simm.s32 $0x2;
	s15 =	simm.s32 $0x50;
	s14 =	sadd.s32 s14, s9  }
0x10: {  	v24 =	vor.u32 $0x181, v14;
	v25 =	vor.u32 $0x200, v14;
	v26 =	vor.u32 $0x201, v14;
	s9 =	smax.u32 s31, $0x1;
	s11 =	sadd.s32 $0x28800, s14;
	s14 =	simm.s32 $0x2730  }
.LBB2_1:
0x11: {  	[tilespmem:s3], [sflag:$0x2] =	stream.linear.gather [hbm4b:s6+s3], $0x2710, $0x38;
	[tilespmem:$0x48F0] =	vst v63  }
0x12: {  	_ =	swait.ge [sflag:s12], $0x2710  }
0x13: {  	[sflag:s12] =	ssyncset.done $0x0  }
0x14: {  	[sflag:s12] =	ssyncadd.s32 $0xFFFFD8F0  }
0x15: {  	[tilespmem:s13], [sflag:$0x2] =	stream.linear.gather [hbm4b:s7+s3], $0x20, $0x38;
	[tilespmem:$0x48F0] =	vst v63  }
0x16: {  	_ =	swait.ge [sflag:s12], $0x20  }
0x17: {  	s24 =	smov.u32 s11;
	[sflag:s12] =	ssyncset.done $0x0  }
0x18: {  	s25 =	smov.u32 s10;
	s26 =	simm.s32 $0x0;
	[sflag:s12] =	ssyncadd.s32 $0xFFFFFFE0  }
.LBB2_2:
0x19: {  	[tilespmem:s14], [sflag:$0x2] =	stream.linear.gather [hbm4b:s24+s3], $0x50, $0x38;
	[tilespmem:$0x48F0] =	vst v63  }
0x1a: {  	_ =	swait.ge [sflag:s12], $0x50  }
0x1b: {  	[sflag:s12] =	ssyncset.done $0x0  }
0x1c: {  	[sflag:s12] =	ssyncadd.s32 $0xFFFFFFB0  }
0x1d: {  	v27 =	vld [tilespmem:$0x2730]  }
0x1e: {  	v28 =	vld.idx.msk [tilespmem:v1+s3+$0x0], $0xffff;
	_ =	sdelay $0x4  }
0x1f: {  	vm0 =	vlt.s32 v28, v27  }
0x20: {  	v28 =	vsel vm0, $0x1D4C, v4;
	_ =	sdelay $0x4  }
0x21: {  	v29 =	vld.idx.msk [tilespmem:v28+s3+$0x0], $0xffff;
	_ =	sdelay $0x4  }
0x22: {  	v30 =	vsel vm0, $0x2710, v1;
	vm1 =	vlt.s32 v29, v27  }
0x23: {  	v54 =	vsel vm0, $0x1389, v3;
	v31 =	vor.u32 $0x1, v28;
	v28 =	vsel vm1, v30, v28  }
0x24: {  	v29 =	vsel vm1, v31, v54;
	v30 =	vadd.s32 $0xFFFFFFFF, v28  }
0x25: {  	v30 =	vadd.s32 v30, v29  }
0x26: {  	v30 =	vadd.s32 $0x1, v30  }
0x27: {  	v30 =	vshrl.u32 v30, $0x1;
	_ =	sdelay $0x4  }
0x28: {  	v55 =	vld.idx.msk [tilespmem:v30+s3+$0x0], $0xffff;
	_ =	sdelay $0x4  }
0x29: {  	v56 =	vor.u32 $0x1, v30;
	vm11 =	vlt.s32 v55, v27  }
0x2a: {  	v29 =	vsel vm11, v56, v29;
	v28 =	vsel vm11, v28, v30  }
0x2b: {  	v30 =	vadd.s32 v28, v29  }
0x2c: {  	v30 =	vshrl.u32 v30, $0x1;
	_ =	sdelay $0x4  }
0x2d: {  	v57 =	vld.idx.msk [tilespmem:v30+s3+$0x0], $0xffff;
	_ =	sdelay $0x4  }
0x2e: {  	v58 =	vadd.s32 $0x1, v30;
	vm12 =	vlt.s32 v57, v27  }
0x2f: {  	v29 =	vsel vm12, v58, v29;
	v28 =	vsel vm12, v28, v30  }
0x30: {  	v30 =	vadd.s32 v28, v29  }
0x31: {  	v30 =	vshrl.u32 v30, $0x1;
	_ =	sdelay $0x4  }
0x32: {  	v59 =	vld.idx.msk [tilespmem:v30+s3+$0x0], $0xffff;
	_ =	sdelay $0x4  }
0x33: {  	v60 =	vadd.s32 $0x1, v30;
	vm13 =	vlt.s32 v59, v27  }
0x34: {  	v29 =	vsel vm13, v60, v29;
	v28 =	vsel vm13, v28, v30  }
0x35: {  	v30 =	vadd.s32 v28, v29  }
0x36: {  	v30 =	vshrl.u32 v30, $0x1;
	_ =	sdelay $0x4  }
0x37: {  	v61 =	vld.idx.msk [tilespmem:v30+s3+$0x0], $0xffff;
	_ =	sdelay $0x4  }
0x38: {  	v62 =	vadd.s32 $0x1, v30;
	vm14 =	vlt.s32 v61, v27  }
0x39: {  	v29 =	vsel vm14, v62, v29;
	v28 =	vsel vm14, v28, v30  }
0x3a: {  	v30 =	vadd.s32 v28, v29  }
0x3b: {  	v30 =	vshrl.u32 v30, $0x1;
	_ =	sdelay $0x4  }
0x3c: {  	v63 =	vld.idx.msk [tilespmem:v30+s3+$0x0], $0xffff;
	_ =	sdelay $0x4  }
0x3d: {  	v33 =	vadd.s32 $0x1, v30;
	vm15 =	vlt.s32 v63, v27  }
0x3e: {  	v29 =	vsel vm15, v33, v29;
	v28 =	vsel vm15, v28, v30  }
0x3f: {  	v30 =	vadd.s32 v28, v29  }
0x40: {  	v30 =	vshrl.u32 v30, $0x1;
	_ =	sdelay $0x4  }
0x41: {  	v34 =	vld.idx.msk [tilespmem:v30+s3+$0x0], $0xffff;
	_ =	sdelay $0x4  }
0x42: {  	v35 =	vadd.s32 $0x1, v30;
	vm4 =	vlt.s32 v34, v27  }
0x43: {  	v29 =	vsel vm4, v35, v29;
	v28 =	vsel vm4, v28, v30  }
0x44: {  	v30 =	vadd.s32 v28, v29  }
0x45: {  	v30 =	vshrl.u32 v30, $0x1;
	_ =	sdelay $0x4  }
0x46: {  	v36 =	vld.idx.msk [tilespmem:v30+s3+$0x0], $0xffff;
	_ =	sdelay $0x4  }
0x47: {  	v37 =	vadd.s32 $0x1, v30;
	vm5 =	vlt.s32 v36, v27  }
0x48: {  	v29 =	vsel vm5, v37, v29;
	v28 =	vsel vm5, v28, v30  }
0x49: {  	v30 =	vadd.s32 v28, v29  }
0x4a: {  	v30 =	vshrl.u32 v30, $0x1;
	_ =	sdelay $0x4  }
0x4b: {  	v38 =	vld.idx.msk [tilespmem:v30+s3+$0x0], $0xffff;
	_ =	sdelay $0x4  }
0x4c: {  	v39 =	vadd.s32 $0x1, v30;
	vm6 =	vlt.s32 v38, v27  }
0x4d: {  	v29 =	vsel vm6, v39, v29;
	v28 =	vsel vm6, v28, v30  }
0x4e: {  	v30 =	vadd.s32 v28, v29  }
0x4f: {  	v30 =	vshrl.u32 v30, $0x1;
	_ =	sdelay $0x4  }
0x50: {  	v40 =	vld.idx.msk [tilespmem:v30+s3+$0x0], $0xffff;
	_ =	sdelay $0x4  }
0x51: {  	v41 =	vadd.s32 $0x1, v30;
	vm7 =	vlt.s32 v40, v27  }
0x52: {  	v29 =	vsel vm7, v41, v29;
	v28 =	vsel vm7, v28, v30  }
0x53: {  	v30 =	vadd.s32 v28, v29  }
0x54: {  	v30 =	vshrl.u32 v30, $0x1;
	_ =	sdelay $0x4  }
0x55: {  	v42 =	vld.idx.msk [tilespmem:v30+s3+$0x0], $0xffff;
	_ =	sdelay $0x4  }
0x56: {  	v43 =	vadd.s32 $0x1, v30;
	vm8 =	vlt.s32 v42, v27  }
0x57: {  	v29 =	vsel vm8, v43, v29;
	v28 =	vsel vm8, v28, v30  }
0x58: {  	v30 =	vadd.s32 v28, v29  }
0x59: {  	v30 =	vshrl.u32 v30, $0x1;
	_ =	sdelay $0x4  }
0x5a: {  	v44 =	vld.idx.msk [tilespmem:v30+s3+$0x0], $0xffff;
	_ =	sdelay $0x4  }
0x5b: {  	v45 =	vadd.s32 $0x1, v30;
	vm9 =	vlt.s32 v44, v27  }
0x5c: {  	v29 =	vsel vm9, v45, v29;
	v28 =	vsel vm9, v28, v30  }
0x5d: {  	v28 =	vadd.s32 v28, v29  }
0x5e: {  	v28 =	vshrl.u32 v28, $0x1;
	_ =	sdelay $0x4  }
0x5f: {  	v46 =	vld.idx.msk [tilespmem:v28+s3+$0x0], $0xffff;
	_ =	sdelay $0x3  }
0x60: {  	v29 =	vmax.u32 v29, $0x1  }
0x61: {  	vm10 =	vlt.s32 v46, v27;
	v27 =	vsub.s32 v29, v5  }
0x62: {  	v27 =	vsel vm10, v28, v27  }
0x63: {  	[tilespmem:$0x2780] =	vst v27;
	v27 =	vld [tilespmem:$0x2740]  }
0x64: {  	v47 =	vld.idx.msk [tilespmem:v1+s3+$0x0], $0xffff;
	_ =	sdelay $0x4  }
0x65: {  	vm11 =	vlt.s32 v47, v27  }
0x66: {  	v28 =	vsel vm11, $0x1D4C, v4;
	_ =	sdelay $0x4  }
0x67: {  	v48 =	vld.idx.msk [tilespmem:v28+s3+$0x0], $0xffff;
	_ =	sdelay $0x4  }
0x68: {  	v49 =	vsel vm11, $0x2710, v1;
	vm12 =	vlt.s32 v48, v27  }
0x69: {  	v50 =	vsel vm11, $0x1389, v3;
	v51 =	vor.u32 $0x1, v28;
	v28 =	vsel vm12, v49, v28  }
0x6a: {  	v29 =	vsel vm12, v51, v50;
	v30 =	vadd.s32 $0xFFFFFFFF, v28  }
0x6b: {  	v30 =	vadd.s32 v30, v29  }
0x6c: {  	v30 =	vadd.s32 $0x1, v30  }
0x6d: {  	v30 =	vshrl.u32 v30, $0x1;
	_ =	sdelay $0x4  }
0x6e: {  	v52 =	vld.idx.msk [tilespmem:v30+s3+$0x0], $0xffff;
	_ =	sdelay $0x4  }
0x6f: {  	v53 =	vor.u32 $0x1, v30;
	vm13 =	vlt.s32 v52, v27  }
0x70: {  	v29 =	vsel vm13, v53, v29;
	v28 =	vsel vm13, v28, v30  }
0x71: {  	v30 =	vadd.s32 v28, v29  }
0x72: {  	v30 =	vshrl.u32 v30, $0x1;
	_ =	sdelay $0x4  }
0x73: {  	v54 =	vld.idx.msk [tilespmem:v30+s3+$0x0], $0xffff;
	_ =	sdelay $0x4  }
0x74: {  	v55 =	vadd.s32 $0x1, v30;
	vm14 =	vlt.s32 v54, v27  }
0x75: {  	v29 =	vsel vm14, v55, v29;
	v28 =	vsel vm14, v28, v30  }
0x76: {  	v30 =	vadd.s32 v28, v29  }
0x77: {  	v30 =	vshrl.u32 v30, $0x1;
	_ =	sdelay $0x4  }
0x78: {  	v56 =	vld.idx.msk [tilespmem:v30+s3+$0x0], $0xffff;
	_ =	sdelay $0x4  }
0x79: {  	v57 =	vadd.s32 $0x1, v30;
	vm15 =	vlt.s32 v56, v27  }
0x7a: {  	v29 =	vsel vm15, v57, v29;
	v28 =	vsel vm15, v28, v30  }
0x7b: {  	v30 =	vadd.s32 v28, v29  }
0x7c: {  	v30 =	vshrl.u32 v30, $0x1;
	_ =	sdelay $0x4  }
0x7d: {  	v58 =	vld.idx.msk [tilespmem:v30+s3+$0x0], $0xffff;
	_ =	sdelay $0x4  }
0x7e: {  	v59 =	vadd.s32 $0x1, v30;
	vm4 =	vlt.s32 v58, v27  }
0x7f: {  	v29 =	vsel vm4, v59, v29;
	v28 =	vsel vm4, v28, v30  }
0x80: {  	v30 =	vadd.s32 v28, v29  }
0x81: {  	v30 =	vshrl.u32 v30, $0x1;
	_ =	sdelay $0x4  }
0x82: {  	v60 =	vld.idx.msk [tilespmem:v30+s3+$0x0], $0xffff;
	_ =	sdelay $0x4  }
0x83: {  	v61 =	vadd.s32 $0x1, v30;
	vm5 =	vlt.s32 v60, v27  }
0x84: {  	v29 =	vsel vm5, v61, v29;
	v28 =	vsel vm5, v28, v30  }
0x85: {  	v30 =	vadd.s32 v28, v29  }
0x86: {  	v30 =	vshrl.u32 v30, $0x1;
	_ =	sdelay $0x4  }
0x87: {  	v62 =	vld.idx.msk [tilespmem:v30+s3+$0x0], $0xffff;
	_ =	sdelay $0x4  }
0x88: {  	v63 =	vadd.s32 $0x1, v30;
	vm6 =	vlt.s32 v62, v27  }
0x89: {  	v29 =	vsel vm6, v63, v29;
	v28 =	vsel vm6, v28, v30  }
0x8a: {  	v30 =	vadd.s32 v28, v29  }
0x8b: {  	v30 =	vshrl.u32 v30, $0x1;
	_ =	sdelay $0x4  }
0x8c: {  	v33 =	vld.idx.msk [tilespmem:v30+s3+$0x0], $0xffff;
	_ =	sdelay $0x4  }
0x8d: {  	v34 =	vadd.s32 $0x1, v30;
	vm7 =	vlt.s32 v33, v27  }
0x8e: {  	v29 =	vsel vm7, v34, v29;
	v28 =	vsel vm7, v28, v30  }
0x8f: {  	v30 =	vadd.s32 v28, v29  }
0x90: {  	v30 =	vshrl.u32 v30, $0x1;
	_ =	sdelay $0x4  }
0x91: {  	v35 =	vld.idx.msk [tilespmem:v30+s3+$0x0], $0xffff;
	_ =	sdelay $0x4  }
0x92: {  	v36 =	vadd.s32 $0x1, v30;
	vm8 =	vlt.s32 v35, v27  }
0x93: {  	v29 =	vsel vm8, v36, v29;
	v28 =	vsel vm8, v28, v30  }
0x94: {  	v30 =	vadd.s32 v28, v29  }
0x95: {  	v30 =	vshrl.u32 v30, $0x1;
	_ =	sdelay $0x4  }
0x96: {  	v37 =	vld.idx.msk [tilespmem:v30+s3+$0x0], $0xffff;
	_ =	sdelay $0x4  }
0x97: {  	v38 =	vadd.s32 $0x1, v30;
	vm9 =	vlt.s32 v37, v27  }
0x98: {  	v29 =	vsel vm9, v38, v29;
	v28 =	vsel vm9, v28, v30  }
0x99: {  	v30 =	vadd.s32 v28, v29  }
0x9a: {  	v30 =	vshrl.u32 v30, $0x1;
	_ =	sdelay $0x4  }
0x9b: {  	v39 =	vld.idx.msk [tilespmem:v30+s3+$0x0], $0xffff;
	_ =	sdelay $0x4  }
0x9c: {  	v40 =	vadd.s32 $0x1, v30;
	vm10 =	vlt.s32 v39, v27  }
0x9d: {  	v29 =	vsel vm10, v40, v29;
	v28 =	vsel vm10, v28, v30  }
0x9e: {  	v30 =	vadd.s32 v28, v29  }
0x9f: {  	v30 =	vshrl.u32 v30, $0x1;
	_ =	sdelay $0x4  }
0xa0: {  	v41 =	vld.idx.msk [tilespmem:v30+s3+$0x0], $0xffff;
	_ =	sdelay $0x4  }
0xa1: {  	v42 =	vadd.s32 $0x1, v30;
	vm11 =	vlt.s32 v41, v27  }
0xa2: {  	v29 =	vsel vm11, v42, v29;
	v28 =	vsel vm11, v28, v30  }
0xa3: {  	v28 =	vadd.s32 v28, v29  }
0xa4: {  	v28 =	vshrl.u32 v28, $0x1;
	_ =	sdelay $0x4  }
0xa5: {  	v43 =	vld.idx.msk [tilespmem:v28+s3+$0x0], $0xffff;
	_ =	sdelay $0x3  }
0xa6: {  	v29 =	vmax.u32 v29, $0x1  }
0xa7: {  	vm12 =	vlt.s32 v43, v27;
	v27 =	vsub.s32 v29, v5  }
0xa8: {  	v27 =	vsel vm12, v28, v27  }
0xa9: {  	[tilespmem:$0x2790] =	vst v27;
	v27 =	vld [tilespmem:$0x2750]  }
0xaa: {  	v44 =	vld.idx.msk [tilespmem:v1+s3+$0x0], $0xffff;
	_ =	sdelay $0x4  }
0xab: {  	vm13 =	vlt.s32 v44, v27  }
0xac: {  	v28 =	vsel vm13, $0x1D4C, v4;
	_ =	sdelay $0x4  }
0xad: {  	v45 =	vld.idx.msk [tilespmem:v28+s3+$0x0], $0xffff;
	_ =	sdelay $0x4  }
0xae: {  	v46 =	vsel vm13, $0x2710, v1;
	vm14 =	vlt.s32 v45, v27  }
0xaf: {  	v47 =	vsel vm13, $0x1389, v3;
	v48 =	vor.u32 $0x1, v28;
	v28 =	vsel vm14, v46, v28  }
0xb0: {  	v29 =	vsel vm14, v48, v47;
	v30 =	vadd.s32 $0xFFFFFFFF, v28  }
0xb1: {  	v30 =	vadd.s32 v30, v29  }
0xb2: {  	v30 =	vadd.s32 $0x1, v30  }
0xb3: {  	v30 =	vshrl.u32 v30, $0x1;
	_ =	sdelay $0x4  }
0xb4: {  	v49 =	vld.idx.msk [tilespmem:v30+s3+$0x0], $0xffff;
	_ =	sdelay $0x4  }
0xb5: {  	v50 =	vor.u32 $0x1, v30;
	vm15 =	vlt.s32 v49, v27  }
0xb6: {  	v29 =	vsel vm15, v50, v29;
	v28 =	vsel vm15, v28, v30  }
0xb7: {  	v30 =	vadd.s32 v28, v29  }
0xb8: {  	v30 =	vshrl.u32 v30, $0x1;
	_ =	sdelay $0x4  }
0xb9: {  	v51 =	vld.idx.msk [tilespmem:v30+s3+$0x0], $0xffff;
	_ =	sdelay $0x4  }
0xba: {  	v52 =	vadd.s32 $0x1, v30;
	vm4 =	vlt.s32 v51, v27  }
0xbb: {  	v29 =	vsel vm4, v52, v29;
	v28 =	vsel vm4, v28, v30  }
0xbc: {  	v30 =	vadd.s32 v28, v29  }
0xbd: {  	v30 =	vshrl.u32 v30, $0x1;
	_ =	sdelay $0x4  }
0xbe: {  	v53 =	vld.idx.msk [tilespmem:v30+s3+$0x0], $0xffff;
	_ =	sdelay $0x4  }
0xbf: {  	v54 =	vadd.s32 $0x1, v30;
	vm5 =	vlt.s32 v53, v27  }
0xc0: {  	v29 =	vsel vm5, v54, v29;
	v28 =	vsel vm5, v28, v30  }
0xc1: {  	v30 =	vadd.s32 v28, v29  }
0xc2: {  	v30 =	vshrl.u32 v30, $0x1;
	_ =	sdelay $0x4  }
0xc3: {  	v55 =	vld.idx.msk [tilespmem:v30+s3+$0x0], $0xffff;
	_ =	sdelay $0x4  }
0xc4: {  	v56 =	vadd.s32 $0x1, v30;
	vm6 =	vlt.s32 v55, v27  }
0xc5: {  	v29 =	vsel vm6, v56, v29;
	v28 =	vsel vm6, v28, v30  }
0xc6: {  	v30 =	vadd.s32 v28, v29  }
0xc7: {  	v30 =	vshrl.u32 v30, $0x1;
	_ =	sdelay $0x4  }
0xc8: {  	v57 =	vld.idx.msk [tilespmem:v30+s3+$0x0], $0xffff;
	_ =	sdelay $0x4  }
0xc9: {  	v58 =	vadd.s32 $0x1, v30;
	vm7 =	vlt.s32 v57, v27  }
0xca: {  	v29 =	vsel vm7, v58, v29;
	v28 =	vsel vm7, v28, v30  }
0xcb: {  	v30 =	vadd.s32 v28, v29  }
0xcc: {  	v30 =	vshrl.u32 v30, $0x1;
	_ =	sdelay $0x4  }
0xcd: {  	v59 =	vld.idx.msk [tilespmem:v30+s3+$0x0], $0xffff;
	_ =	sdelay $0x4  }
0xce: {  	v60 =	vadd.s32 $0x1, v30;
	vm8 =	vlt.s32 v59, v27  }
0xcf: {  	v29 =	vsel vm8, v60, v29;
	v28 =	vsel vm8, v28, v30  }
0xd0: {  	v30 =	vadd.s32 v28, v29  }
0xd1: {  	v30 =	vshrl.u32 v30, $0x1;
	_ =	sdelay $0x4  }
0xd2: {  	v61 =	vld.idx.msk [tilespmem:v30+s3+$0x0], $0xffff;
	_ =	sdelay $0x4  }
0xd3: {  	v62 =	vadd.s32 $0x1, v30;
	vm9 =	vlt.s32 v61, v27  }
0xd4: {  	v29 =	vsel vm9, v62, v29;
	v28 =	vsel vm9, v28, v30  }
0xd5: {  	v30 =	vadd.s32 v28, v29  }
0xd6: {  	v30 =	vshrl.u32 v30, $0x1;
	_ =	sdelay $0x4  }
0xd7: {  	v63 =	vld.idx.msk [tilespmem:v30+s3+$0x0], $0xffff;
	_ =	sdelay $0x4  }
0xd8: {  	v33 =	vadd.s32 $0x1, v30;
	vm10 =	vlt.s32 v63, v27  }
0xd9: {  	v29 =	vsel vm10, v33, v29;
	v28 =	vsel vm10, v28, v30  }
0xda: {  	v30 =	vadd.s32 v28, v29  }
0xdb: {  	v30 =	vshrl.u32 v30, $0x1;
	_ =	sdelay $0x4  }
0xdc: {  	v34 =	vld.idx.msk [tilespmem:v30+s3+$0x0], $0xffff;
	_ =	sdelay $0x4  }
0xdd: {  	v35 =	vadd.s32 $0x1, v30;
	vm11 =	vlt.s32 v34, v27  }
0xde: {  	v29 =	vsel vm11, v35, v29;
	v28 =	vsel vm11, v28, v30  }
0xdf: {  	v30 =	vadd.s32 v28, v29  }
0xe0: {  	v30 =	vshrl.u32 v30, $0x1;
	_ =	sdelay $0x4  }
0xe1: {  	v36 =	vld.idx.msk [tilespmem:v30+s3+$0x0], $0xffff;
	_ =	sdelay $0x4  }
0xe2: {  	v37 =	vadd.s32 $0x1, v30;
	vm12 =	vlt.s32 v36, v27  }
0xe3: {  	v29 =	vsel vm12, v37, v29;
	v28 =	vsel vm12, v28, v30  }
0xe4: {  	v30 =	vadd.s32 v28, v29  }
0xe5: {  	v30 =	vshrl.u32 v30, $0x1;
	_ =	sdelay $0x4  }
0xe6: {  	v38 =	vld.idx.msk [tilespmem:v30+s3+$0x0], $0xffff;
	_ =	sdelay $0x4  }
0xe7: {  	v39 =	vadd.s32 $0x1, v30;
	vm13 =	vlt.s32 v38, v27  }
0xe8: {  	v29 =	vsel vm13, v39, v29;
	v28 =	vsel vm13, v28, v30  }
0xe9: {  	v28 =	vadd.s32 v28, v29  }
0xea: {  	v28 =	vshrl.u32 v28, $0x1;
	_ =	sdelay $0x4  }
0xeb: {  	v40 =	vld.idx.msk [tilespmem:v28+s3+$0x0], $0xffff;
	_ =	sdelay $0x3  }
0xec: {  	v29 =	vmax.u32 v29, $0x1  }
0xed: {  	vm14 =	vlt.s32 v40, v27;
	v27 =	vsub.s32 v29, v5  }
0xee: {  	v27 =	vsel vm14, v28, v27  }
0xef: {  	[tilespmem:$0x27A0] =	vst v27;
	v27 =	vld [tilespmem:$0x2760]  }
0xf0: {  	v41 =	vld.idx.msk [tilespmem:v1+s3+$0x0], $0xffff;
	_ =	sdelay $0x4  }
0xf1: {  	vm15 =	vlt.s32 v41, v27  }
0xf2: {  	v28 =	vsel vm15, $0x1D4C, v4;
	_ =	sdelay $0x4  }
0xf3: {  	v42 =	vld.idx.msk [tilespmem:v28+s3+$0x0], $0xffff;
	_ =	sdelay $0x4  }
0xf4: {  	v43 =	vsel vm15, $0x2710, v1;
	vm4 =	vlt.s32 v42, v27  }
0xf5: {  	v44 =	vsel vm15, $0x1389, v3;
	v45 =	vor.u32 $0x1, v28;
	v28 =	vsel vm4, v43, v28  }
0xf6: {  	v29 =	vsel vm4, v45, v44;
	v30 =	vadd.s32 $0xFFFFFFFF, v28  }
0xf7: {  	v30 =	vadd.s32 v30, v29  }
0xf8: {  	v30 =	vadd.s32 $0x1, v30  }
0xf9: {  	v30 =	vshrl.u32 v30, $0x1;
	_ =	sdelay $0x4  }
0xfa: {  	v46 =	vld.idx.msk [tilespmem:v30+s3+$0x0], $0xffff;
	_ =	sdelay $0x4  }
0xfb: {  	v47 =	vor.u32 $0x1, v30;
	vm5 =	vlt.s32 v46, v27  }
0xfc: {  	v29 =	vsel vm5, v47, v29;
	v28 =	vsel vm5, v28, v30  }
0xfd: {  	v30 =	vadd.s32 v28, v29  }
0xfe: {  	v30 =	vshrl.u32 v30, $0x1;
	_ =	sdelay $0x4  }
0xff: {  	v48 =	vld.idx.msk [tilespmem:v30+s3+$0x0], $0xffff;
	_ =	sdelay $0x4  }
0x100: {  	v49 =	vadd.s32 $0x1, v30;
	vm6 =	vlt.s32 v48, v27  }
0x101: {  	v29 =	vsel vm6, v49, v29;
	v28 =	vsel vm6, v28, v30  }
0x102: {  	v30 =	vadd.s32 v28, v29  }
0x103: {  	v30 =	vshrl.u32 v30, $0x1;
	_ =	sdelay $0x4  }
0x104: {  	v50 =	vld.idx.msk [tilespmem:v30+s3+$0x0], $0xffff;
	_ =	sdelay $0x4  }
0x105: {  	v51 =	vadd.s32 $0x1, v30;
	vm7 =	vlt.s32 v50, v27  }
0x106: {  	v29 =	vsel vm7, v51, v29;
	v28 =	vsel vm7, v28, v30  }
0x107: {  	v30 =	vadd.s32 v28, v29  }
0x108: {  	v30 =	vshrl.u32 v30, $0x1;
	_ =	sdelay $0x4  }
0x109: {  	v52 =	vld.idx.msk [tilespmem:v30+s3+$0x0], $0xffff;
	_ =	sdelay $0x4  }
0x10a: {  	v53 =	vadd.s32 $0x1, v30;
	vm8 =	vlt.s32 v52, v27  }
0x10b: {  	v29 =	vsel vm8, v53, v29;
	v28 =	vsel vm8, v28, v30  }
0x10c: {  	v30 =	vadd.s32 v28, v29  }
0x10d: {  	v30 =	vshrl.u32 v30, $0x1;
	_ =	sdelay $0x4  }
0x10e: {  	v54 =	vld.idx.msk [tilespmem:v30+s3+$0x0], $0xffff;
	_ =	sdelay $0x4  }
0x10f: {  	v55 =	vadd.s32 $0x1, v30;
	vm9 =	vlt.s32 v54, v27  }
0x110: {  	v29 =	vsel vm9, v55, v29;
	v28 =	vsel vm9, v28, v30  }
0x111: {  	v30 =	vadd.s32 v28, v29  }
0x112: {  	v30 =	vshrl.u32 v30, $0x1;
	_ =	sdelay $0x4  }
0x113: {  	v56 =	vld.idx.msk [tilespmem:v30+s3+$0x0], $0xffff;
	_ =	sdelay $0x4  }
0x114: {  	v57 =	vadd.s32 $0x1, v30;
	vm10 =	vlt.s32 v56, v27  }
0x115: {  	v29 =	vsel vm10, v57, v29;
	v28 =	vsel vm10, v28, v30  }
0x116: {  	v30 =	vadd.s32 v28, v29  }
0x117: {  	v30 =	vshrl.u32 v30, $0x1;
	_ =	sdelay $0x4  }
0x118: {  	v58 =	vld.idx.msk [tilespmem:v30+s3+$0x0], $0xffff;
	_ =	sdelay $0x4  }
0x119: {  	v59 =	vadd.s32 $0x1, v30;
	vm11 =	vlt.s32 v58, v27  }
0x11a: {  	v29 =	vsel vm11, v59, v29;
	v28 =	vsel vm11, v28, v30  }
0x11b: {  	v30 =	vadd.s32 v28, v29  }
0x11c: {  	v30 =	vshrl.u32 v30, $0x1;
	_ =	sdelay $0x4  }
0x11d: {  	v60 =	vld.idx.msk [tilespmem:v30+s3+$0x0], $0xffff;
	_ =	sdelay $0x4  }
0x11e: {  	v61 =	vadd.s32 $0x1, v30;
	vm12 =	vlt.s32 v60, v27  }
0x11f: {  	v29 =	vsel vm12, v61, v29;
	v28 =	vsel vm12, v28, v30  }
0x120: {  	v30 =	vadd.s32 v28, v29  }
0x121: {  	v30 =	vshrl.u32 v30, $0x1;
	_ =	sdelay $0x4  }
0x122: {  	v62 =	vld.idx.msk [tilespmem:v30+s3+$0x0], $0xffff;
	_ =	sdelay $0x4  }
0x123: {  	v63 =	vadd.s32 $0x1, v30;
	vm13 =	vlt.s32 v62, v27  }
0x124: {  	v29 =	vsel vm13, v63, v29;
	v28 =	vsel vm13, v28, v30  }
0x125: {  	v30 =	vadd.s32 v28, v29  }
0x126: {  	v30 =	vshrl.u32 v30, $0x1;
	_ =	sdelay $0x4  }
0x127: {  	v33 =	vld.idx.msk [tilespmem:v30+s3+$0x0], $0xffff;
	_ =	sdelay $0x4  }
0x128: {  	v34 =	vadd.s32 $0x1, v30;
	vm14 =	vlt.s32 v33, v27  }
0x129: {  	v29 =	vsel vm14, v34, v29;
	v28 =	vsel vm14, v28, v30  }
0x12a: {  	v30 =	vadd.s32 v28, v29  }
0x12b: {  	v30 =	vshrl.u32 v30, $0x1;
	_ =	sdelay $0x4  }
0x12c: {  	v35 =	vld.idx.msk [tilespmem:v30+s3+$0x0], $0xffff;
	_ =	sdelay $0x4  }
0x12d: {  	v36 =	vadd.s32 $0x1, v30;
	vm15 =	vlt.s32 v35, v27  }
0x12e: {  	v29 =	vsel vm15, v36, v29;
	v28 =	vsel vm15, v28, v30  }
0x12f: {  	v28 =	vadd.s32 v28, v29  }
0x130: {  	v28 =	vshrl.u32 v28, $0x1;
	_ =	sdelay $0x4  }
0x131: {  	v37 =	vld.idx.msk [tilespmem:v28+s3+$0x0], $0xffff;
	_ =	sdelay $0x3  }
0x132: {  	v29 =	vmax.u32 v29, $0x1  }
0x133: {  	vm4 =	vlt.s32 v37, v27;
	v27 =	vsub.s32 v29, v5  }
0x134: {  	v27 =	vsel vm4, v28, v27  }
0x135: {  	[tilespmem:$0x27B0] =	vst v27;
	v27 =	vld [tilespmem:$0x2770]  }
0x136: {  	v38 =	vld.idx.msk [tilespmem:v1+s3+$0x0], $0xffff;
	_ =	sdelay $0x4  }
0x137: {  	vm5 =	vlt.s32 v38, v27  }
0x138: {  	v28 =	vsel vm5, $0x1D4C, v4;
	_ =	sdelay $0x4  }
0x139: {  	v39 =	vld.idx.msk [tilespmem:v28+s3+$0x0], $0xffff;
	_ =	sdelay $0x4  }
0x13a: {  	v40 =	vsel vm5, $0x2710, v1;
	vm6 =	vlt.s32 v39, v27  }
0x13b: {  	v41 =	vsel vm5, $0x1389, v3;
	v42 =	vor.u32 $0x1, v28;
	v28 =	vsel vm6, v40, v28  }
0x13c: {  	v29 =	vsel vm6, v42, v41;
	v30 =	vadd.s32 $0xFFFFFFFF, v28  }
0x13d: {  	v30 =	vadd.s32 v30, v29  }
0x13e: {  	v30 =	vadd.s32 $0x1, v30  }
0x13f: {  	v30 =	vshrl.u32 v30, $0x1;
	_ =	sdelay $0x4  }
0x140: {  	v43 =	vld.idx.msk [tilespmem:v30+s3+$0x0], $0xffff;
	_ =	sdelay $0x4  }
0x141: {  	v44 =	vor.u32 $0x1, v30;
	vm7 =	vlt.s32 v43, v27  }
0x142: {  	v29 =	vsel vm7, v44, v29;
	v28 =	vsel vm7, v28, v30  }
0x143: {  	v30 =	vadd.s32 v28, v29  }
0x144: {  	v30 =	vshrl.u32 v30, $0x1;
	_ =	sdelay $0x4  }
0x145: {  	v45 =	vld.idx.msk [tilespmem:v30+s3+$0x0], $0xffff;
	_ =	sdelay $0x4  }
0x146: {  	v46 =	vadd.s32 $0x1, v30;
	vm8 =	vlt.s32 v45, v27  }
0x147: {  	v29 =	vsel vm8, v46, v29;
	v28 =	vsel vm8, v28, v30  }
0x148: {  	v30 =	vadd.s32 v28, v29  }
0x149: {  	v30 =	vshrl.u32 v30, $0x1;
	_ =	sdelay $0x4  }
0x14a: {  	v47 =	vld.idx.msk [tilespmem:v30+s3+$0x0], $0xffff;
	_ =	sdelay $0x4  }
0x14b: {  	v48 =	vadd.s32 $0x1, v30;
	vm9 =	vlt.s32 v47, v27  }
0x14c: {  	v29 =	vsel vm9, v48, v29;
	v28 =	vsel vm9, v28, v30  }
0x14d: {  	v30 =	vadd.s32 v28, v29  }
0x14e: {  	v30 =	vshrl.u32 v30, $0x1;
	_ =	sdelay $0x4  }
0x14f: {  	v49 =	vld.idx.msk [tilespmem:v30+s3+$0x0], $0xffff;
	_ =	sdelay $0x4  }
0x150: {  	v50 =	vadd.s32 $0x1, v30;
	vm10 =	vlt.s32 v49, v27  }
0x151: {  	v29 =	vsel vm10, v50, v29;
	v28 =	vsel vm10, v28, v30  }
0x152: {  	v30 =	vadd.s32 v28, v29  }
0x153: {  	v30 =	vshrl.u32 v30, $0x1;
	_ =	sdelay $0x4  }
0x154: {  	v51 =	vld.idx.msk [tilespmem:v30+s3+$0x0], $0xffff;
	_ =	sdelay $0x4  }
0x155: {  	v52 =	vadd.s32 $0x1, v30;
	vm11 =	vlt.s32 v51, v27  }
0x156: {  	v29 =	vsel vm11, v52, v29;
	v28 =	vsel vm11, v28, v30  }
0x157: {  	v30 =	vadd.s32 v28, v29  }
0x158: {  	v30 =	vshrl.u32 v30, $0x1;
	_ =	sdelay $0x4  }
0x159: {  	v53 =	vld.idx.msk [tilespmem:v30+s3+$0x0], $0xffff;
	_ =	sdelay $0x4  }
0x15a: {  	v54 =	vadd.s32 $0x1, v30;
	vm12 =	vlt.s32 v53, v27  }
0x15b: {  	v29 =	vsel vm12, v54, v29;
	v28 =	vsel vm12, v28, v30  }
0x15c: {  	v30 =	vadd.s32 v28, v29  }
0x15d: {  	v30 =	vshrl.u32 v30, $0x1;
	_ =	sdelay $0x4  }
0x15e: {  	v55 =	vld.idx.msk [tilespmem:v30+s3+$0x0], $0xffff;
	_ =	sdelay $0x4  }
0x15f: {  	v56 =	vadd.s32 $0x1, v30;
	vm13 =	vlt.s32 v55, v27  }
0x160: {  	v29 =	vsel vm13, v56, v29;
	v28 =	vsel vm13, v28, v30  }
0x161: {  	v30 =	vadd.s32 v28, v29  }
0x162: {  	v30 =	vshrl.u32 v30, $0x1;
	_ =	sdelay $0x4  }
0x163: {  	v57 =	vld.idx.msk [tilespmem:v30+s3+$0x0], $0xffff;
	_ =	sdelay $0x4  }
0x164: {  	v58 =	vadd.s32 $0x1, v30;
	vm14 =	vlt.s32 v57, v27  }
0x165: {  	v29 =	vsel vm14, v58, v29;
	v28 =	vsel vm14, v28, v30  }
0x166: {  	v30 =	vadd.s32 v28, v29  }
0x167: {  	v30 =	vshrl.u32 v30, $0x1;
	_ =	sdelay $0x4  }
0x168: {  	v59 =	vld.idx.msk [tilespmem:v30+s3+$0x0], $0xffff;
	_ =	sdelay $0x4  }
0x169: {  	v60 =	vadd.s32 $0x1, v30;
	vm15 =	vlt.s32 v59, v27  }
0x16a: {  	v29 =	vsel vm15, v60, v29;
	v28 =	vsel vm15, v28, v30  }
0x16b: {  	v30 =	vadd.s32 v28, v29  }
0x16c: {  	v30 =	vshrl.u32 v30, $0x1;
	_ =	sdelay $0x4  }
0x16d: {  	v61 =	vld.idx.msk [tilespmem:v30+s3+$0x0], $0xffff;
	_ =	sdelay $0x4  }
0x16e: {  	v62 =	vadd.s32 $0x1, v30;
	vm4 =	vlt.s32 v61, v27  }
0x16f: {  	v29 =	vsel vm4, v62, v29;
	v28 =	vsel vm4, v28, v30  }
0x170: {  	v30 =	vadd.s32 v28, v29  }
0x171: {  	v30 =	vshrl.u32 v30, $0x1;
	_ =	sdelay $0x4  }
0x172: {  	v63 =	vld.idx.msk [tilespmem:v30+s3+$0x0], $0xffff;
	_ =	sdelay $0x4  }
0x173: {  	v33 =	vadd.s32 $0x1, v30;
	vm5 =	vlt.s32 v63, v27  }
0x174: {  	v29 =	vsel vm5, v33, v29;
	v28 =	vsel vm5, v28, v30  }
0x175: {  	v28 =	vadd.s32 v28, v29  }
0x176: {  	v28 =	vshrl.u32 v28, $0x1;
	_ =	sdelay $0x4  }
0x177: {  	v34 =	vld.idx.msk [tilespmem:v28+s3+$0x0], $0xffff;
	_ =	sdelay $0x3  }
0x178: {  	v29 =	vmax.u32 v29, $0x1  }
0x179: {  	vm6 =	vlt.s32 v34, v27;
	v27 =	vsub.s32 v29, v5  }
0x17a: {  	v27 =	vsel vm6, v28, v27  }
0x17b: {  	[tilespmem:$0x27C0] =	vst v27  }
0x17c: {  	[tilespmem:s17], [sflag:$0x1] =	stream.indirect.gather [hbm4b:s5+s15], $0x20, s16, s15, $0xb8;
	[tilespmem:$0x48F0] =	vst v63  }
0x17d: {  	_ =	swait.ge [sflag:s18], $0xA00  }
0x17e: {  	[sflag:s18] =	ssyncset.done $0x0  }
0x17f: {  	[sflag:s18] =	ssyncadd.s32 $0xFFFFF600  }
0x180: {  	v27 =	vld [tilespmem:$0x2730]  }
0x181: {  	v35 =	vld.idx.msk [tilespmem:v6+s17+$0x0], $0xffff;
	_ =	sdelay $0x1  }
0x182: {  	v37 =	vld.idx.msk [tilespmem:v7+s13+$0x0], $0xffff;
	_ =	sdelay $0x2  }
0x183: {  	vm7 =	vlt.s32 v35, v27  }
0x184: {  	v28 =	vsel vm7, $0x18, v8  }
0x185: {  	vm8 =	vlt.s32 v37, v27;
	v36 =	vor.u32 v2, v28  }
0x186: {  	v30 =	vsel vm8, $0x18, v8;
	_ =	sdelay $0x3  }
0x187: {  	v29 =	vld.idx.msk [tilespmem:v36+s17+$0x0], $0xffff  }
0x188: {  	v40 =	vld.idx.msk [tilespmem:v30+s13+$0x0], $0xffff;
	_ =	sdelay $0x2  }
0x189: {  	v38 =	vsel vm7, $0x11, v5;
	v32 =	vsel vm7, $0x20, v7;
	v34 =	vsel vm8, $0x11, v5  }
0x18a: {  	v35 =	vsel vm8, $0x20, v7;
	v39 =	vor.u32 $0x1, v28;
	vm2 =	vlt.s32 v29, v27  }
0x18b: {  	v42 =	vor.u32 $0x1, v30;
	vm9 =	vlt.s32 v40, v27;
	v29 =	vsel vm2, v39, v38  }
0x18c: {  	v31 =	vsel vm9, v42, v34;
	v28 =	vsel vm2, v32, v28;
	v41 =	vadd.s32 $0xFFFFFFFF, v29  }
0x18d: {  	v30 =	vsel vm9, v35, v30;
	v34 =	vadd.s32 $0xFFFFFFFF, v31;
	v32 =	vadd.s32 v41, v28  }
0x18e: {  	v34 =	vadd.s32 v34, v30;
	v32 =	vshrl.u32 v32, $0x1  }
0x18f: {  	v34 =	vshrl.u32 v34, $0x1;
	v33 =	vand.u32 $0x3C, v32  }
0x190: {  	v33 =	vadd.s32 v2, v33;
	_ =	sdelay $0x3  }
0x191: {  	v43 =	vld.idx.msk [tilespmem:v34+s13+$0x0], $0xffff  }
0x192: {  	v33 =	vld.idx.msk [tilespmem:v33+s17+$0x0], $0xffff;
	_ =	sdelay $0x3  }
0x193: {  	v46 =	vor.u32 $0x1, v34  }
0x194: {  	v44 =	vor.u32 $0x1, v32;
	vm11 =	vlt.s32 v43, v27;
	vm10 =	vlt.s32 v33, v27  }
0x195: {  	v31 =	vsel vm11, v46, v31;
	v30 =	vsel vm11, v30, v34;
	v29 =	vsel vm10, v44, v29  }
0x196: {  	v33 =	vadd.s32 $0xFFFFFFFF, v31;
	v28 =	vsel vm10, v28, v32;
	v45 =	vadd.s32 $0xFFFFFFFF, v29  }
0x197: {  	v33 =	vadd.s32 v33, v30;
	v32 =	vadd.s32 v45, v28  }
0x198: {  	v33 =	vadd.s32 $0x1, v33;
	v32 =	vadd.s32 $0x1, v32  }
0x199: {  	v33 =	vshrl.u32 v33, $0x1;
	v32 =	vshrl.u32 v32, $0x1  }
0x19a: {  	v47 =	vadd.s32 v2, v32;
	_ =	sdelay $0x3  }
0x19b: {  	v48 =	vld.idx.msk [tilespmem:v33+s13+$0x0], $0xffff  }
0x19c: {  	v34 =	vld.idx.msk [tilespmem:v47+s17+$0x0], $0xffff;
	_ =	sdelay $0x3  }
0x19d: {  	v50 =	vadd.s32 $0x1, v33;
	vm13 =	vlt.s32 v48, v27  }
0x19e: {  	v49 =	vadd.s32 $0x1, v32;
	v31 =	vsel vm13, v50, v31;
	vm12 =	vlt.s32 v34, v27  }
0x19f: {  	v30 =	vsel vm13, v30, v33;
	v29 =	vsel vm12, v49, v29;
	v28 =	vsel vm12, v28, v32  }
0x1a0: {  	v30 =	vadd.s32 v30, v31;
	v28 =	vadd.s32 v28, v29  }
0x1a1: {  	v51 =	vld [tilespmem:$0x2780];
	v30 =	vshrl.u32 v30, $0x1;
	v28 =	vshrl.u32 v28, $0x1  }
0x1a2: {  	v52 =	vadd.s32 v2, v28;
	_ =	sdelay $0x3  }
0x1a3: {  	v53 =	vld.idx.msk [tilespmem:v30+s13+$0x0], $0xffff  }
0x1a4: {  	v33 =	vld.idx.msk [tilespmem:v52+s17+$0x0], $0xffff;
	_ =	sdelay $0x1  }
0x1a5: {  	v54 =	vld.idx.msk [tilespmem:v51+s3+$0x0], $0xffff;
	_ =	sdelay $0x1  }
0x1a6: {  	v28 =	vadd.s32 $0x1, v28  }
0x1a7: {  	v30 =	vadd.s32 $0x1, v30;
	vm15 =	vlt.s32 v53, v27;
	vm14 =	vlt.s32 v33, v27  }
0x1a8: {  	vm4 =	veq.s32 v51, $0x270F;
	v55 =	vsel vm15, v30, v31;
	v28 =	vsel vm14, v28, v29  }
0x1a9: {  	vm5 =	vlt.s32 v54, v27;
	v28 =	vsel vm4, v55, v28  }
0x1aa: {  	v56 =	vshll.u32 v51, $0x5;
	v27 =	vnsel vm5, $0x0, v28  }
0x1ab: {  	v27 =	vadd.s32 v56, v27  }
0x1ac: {  	vm6 =	vlt.s32 v27, $0x4E1FF  }
0x1ad: {  	v27 =	vnsel vm6, $0x4E1FF, v27  }
0x1ae: {  	[tilespmem:$0x31D0] =	vst v27;
	v27 =	vld [tilespmem:$0x2740]  }
0x1af: {  	v57 =	vld.idx.msk [tilespmem:v9+s17+$0x0], $0xffff;
	_ =	sdelay $0x1  }
0x1b0: {  	v59 =	vld.idx.msk [tilespmem:v7+s13+$0x0], $0xffff;
	_ =	sdelay $0x2  }
0x1b1: {  	vm7 =	vlt.s32 v57, v27  }
0x1b2: {  	v28 =	vsel vm7, $0x18, v8  }
0x1b3: {  	vm8 =	vlt.s32 v59, v27;
	v58 =	vor.u32 v10, v28  }
0x1b4: {  	v30 =	vsel vm8, $0x18, v8;
	_ =	sdelay $0x3  }
0x1b5: {  	v29 =	vld.idx.msk [tilespmem:v58+s17+$0x0], $0xffff  }
0x1b6: {  	v63 =	vld.idx.msk [tilespmem:v30+s13+$0x0], $0xffff;
	_ =	sdelay $0x2  }
0x1b7: {  	v60 =	vsel vm7, $0x11, v5;
	v62 =	vsel vm7, $0x20, v7;
	v38 =	vsel vm8, $0x11, v5  }
0x1b8: {  	v40 =	vsel vm8, $0x20, v7;
	v61 =	vor.u32 $0x1, v28;
	vm9 =	vlt.s32 v29, v27  }
0x1b9: {  	v39 =	vor.u32 $0x1, v30;
	vm10 =	vlt.s32 v63, v27;
	v29 =	vsel vm9, v61, v60  }
0x1ba: {  	v31 =	vsel vm10, v39, v38;
	v28 =	vsel vm9, v62, v28;
	v36 =	vadd.s32 $0xFFFFFFFF, v29  }
0x1bb: {  	v30 =	vsel vm10, v40, v30;
	v34 =	vadd.s32 $0xFFFFFFFF, v31;
	v32 =	vadd.s32 v36, v28  }
0x1bc: {  	v34 =	vadd.s32 v34, v30;
	v32 =	vshrl.u32 v32, $0x1  }
0x1bd: {  	v34 =	vshrl.u32 v34, $0x1;
	v37 =	vand.u32 $0x3C, v32  }
0x1be: {  	v33 =	vadd.s32 v10, v37;
	_ =	sdelay $0x3  }
0x1bf: {  	v41 =	vld.idx.msk [tilespmem:v34+s13+$0x0], $0xffff  }
0x1c0: {  	v33 =	vld.idx.msk [tilespmem:v33+s17+$0x0], $0xffff;
	_ =	sdelay $0x3  }
0x1c1: {  	v44 =	vor.u32 $0x1, v34  }
0x1c2: {  	v42 =	vor.u32 $0x1, v32;
	vm12 =	vlt.s32 v41, v27;
	vm11 =	vlt.s32 v33, v27  }
0x1c3: {  	v31 =	vsel vm12, v44, v31;
	v30 =	vsel vm12, v30, v34;
	v29 =	vsel vm11, v42, v29  }
0x1c4: {  	v33 =	vadd.s32 $0xFFFFFFFF, v31;
	v28 =	vsel vm11, v28, v32;
	v43 =	vadd.s32 $0xFFFFFFFF, v29  }
0x1c5: {  	v33 =	vadd.s32 v33, v30;
	v32 =	vadd.s32 v43, v28  }
0x1c6: {  	v33 =	vadd.s32 $0x1, v33;
	v32 =	vadd.s32 $0x1, v32  }
0x1c7: {  	v33 =	vshrl.u32 v33, $0x1;
	v32 =	vshrl.u32 v32, $0x1  }
0x1c8: {  	v45 =	vadd.s32 v10, v32;
	_ =	sdelay $0x3  }
0x1c9: {  	v46 =	vld.idx.msk [tilespmem:v33+s13+$0x0], $0xffff  }
0x1ca: {  	v34 =	vld.idx.msk [tilespmem:v45+s17+$0x0], $0xffff;
	_ =	sdelay $0x3  }
0x1cb: {  	v48 =	vadd.s32 $0x1, v33;
	vm14 =	vlt.s32 v46, v27  }
0x1cc: {  	v47 =	vadd.s32 $0x1, v32;
	v31 =	vsel vm14, v48, v31;
	vm13 =	vlt.s32 v34, v27  }
0x1cd: {  	v30 =	vsel vm14, v30, v33;
	v29 =	vsel vm13, v47, v29;
	v28 =	vsel vm13, v28, v32  }
0x1ce: {  	v30 =	vadd.s32 v30, v31;
	v28 =	vadd.s32 v28, v29  }
0x1cf: {  	v49 =	vld [tilespmem:$0x2790];
	v30 =	vshrl.u32 v30, $0x1;
	v28 =	vshrl.u32 v28, $0x1  }
0x1d0: {  	v50 =	vadd.s32 v10, v28;
	_ =	sdelay $0x3  }
0x1d1: {  	v51 =	vld.idx.msk [tilespmem:v30+s13+$0x0], $0xffff  }
0x1d2: {  	v33 =	vld.idx.msk [tilespmem:v50+s17+$0x0], $0xffff;
	_ =	sdelay $0x1  }
0x1d3: {  	v52 =	vld.idx.msk [tilespmem:v49+s3+$0x0], $0xffff;
	_ =	sdelay $0x1  }
0x1d4: {  	v28 =	vadd.s32 $0x1, v28  }
0x1d5: {  	v30 =	vadd.s32 $0x1, v30;
	vm4 =	vlt.s32 v51, v27;
	vm15 =	vlt.s32 v33, v27  }
0x1d6: {  	vm5 =	veq.s32 v49, $0x270F;
	v53 =	vsel vm4, v30, v31;
	v28 =	vsel vm15, v28, v29  }
0x1d7: {  	vm6 =	vlt.s32 v52, v27;
	v28 =	vsel vm5, v53, v28  }
0x1d8: {  	v54 =	vshll.u32 v49, $0x5;
	v27 =	vnsel vm6, $0x0, v28  }
0x1d9: {  	v27 =	vadd.s32 v54, v27  }
0x1da: {  	vm7 =	vlt.s32 v27, $0x4E1FF  }
0x1db: {  	v27 =	vnsel vm7, $0x4E1FF, v27  }
0x1dc: {  	[tilespmem:$0x31E0] =	vst v27;
	v27 =	vld [tilespmem:$0x2750]  }
0x1dd: {  	v55 =	vld.idx.msk [tilespmem:v11+s17+$0x0], $0xffff;
	_ =	sdelay $0x1  }
0x1de: {  	v57 =	vld.idx.msk [tilespmem:v7+s13+$0x0], $0xffff;
	_ =	sdelay $0x2  }
0x1df: {  	vm8 =	vlt.s32 v55, v27  }
0x1e0: {  	v28 =	vsel vm8, $0x18, v8  }
0x1e1: {  	vm9 =	vlt.s32 v57, v27;
	v56 =	vor.u32 v12, v28  }
0x1e2: {  	v30 =	vsel vm9, $0x18, v8;
	_ =	sdelay $0x3  }
0x1e3: {  	v29 =	vld.idx.msk [tilespmem:v56+s17+$0x0], $0xffff  }
0x1e4: {  	v61 =	vld.idx.msk [tilespmem:v30+s13+$0x0], $0xffff;
	_ =	sdelay $0x2  }
0x1e5: {  	v58 =	vsel vm8, $0x11, v5;
	v60 =	vsel vm8, $0x20, v7;
	v36 =	vsel vm9, $0x11, v5  }
0x1e6: {  	v38 =	vsel vm9, $0x20, v7;
	v59 =	vor.u32 $0x1, v28;
	vm10 =	vlt.s32 v29, v27  }
0x1e7: {  	v37 =	vor.u32 $0x1, v30;
	vm11 =	vlt.s32 v61, v27;
	v29 =	vsel vm10, v59, v58  }
0x1e8: {  	v31 =	vsel vm11, v37, v36;
	v28 =	vsel vm10, v60, v28;
	v62 =	vadd.s32 $0xFFFFFFFF, v29  }
0x1e9: {  	v30 =	vsel vm11, v38, v30;
	v34 =	vadd.s32 $0xFFFFFFFF, v31;
	v32 =	vadd.s32 v62, v28  }
0x1ea: {  	v34 =	vadd.s32 v34, v30;
	v32 =	vshrl.u32 v32, $0x1  }
0x1eb: {  	v34 =	vshrl.u32 v34, $0x1;
	v63 =	vand.u32 $0x3C, v32  }
0x1ec: {  	v33 =	vadd.s32 v12, v63;
	_ =	sdelay $0x3  }
0x1ed: {  	v39 =	vld.idx.msk [tilespmem:v34+s13+$0x0], $0xffff  }
0x1ee: {  	v33 =	vld.idx.msk [tilespmem:v33+s17+$0x0], $0xffff;
	_ =	sdelay $0x3  }
0x1ef: {  	v42 =	vor.u32 $0x1, v34  }
0x1f0: {  	v40 =	vor.u32 $0x1, v32;
	vm13 =	vlt.s32 v39, v27;
	vm12 =	vlt.s32 v33, v27  }
0x1f1: {  	v31 =	vsel vm13, v42, v31;
	v30 =	vsel vm13, v30, v34;
	v29 =	vsel vm12, v40, v29  }
0x1f2: {  	v33 =	vadd.s32 $0xFFFFFFFF, v31;
	v28 =	vsel vm12, v28, v32;
	v41 =	vadd.s32 $0xFFFFFFFF, v29  }
0x1f3: {  	v33 =	vadd.s32 v33, v30;
	v32 =	vadd.s32 v41, v28  }
0x1f4: {  	v33 =	vadd.s32 $0x1, v33;
	v32 =	vadd.s32 $0x1, v32  }
0x1f5: {  	v33 =	vshrl.u32 v33, $0x1;
	v32 =	vshrl.u32 v32, $0x1  }
0x1f6: {  	v43 =	vadd.s32 v12, v32;
	_ =	sdelay $0x3  }
0x1f7: {  	v44 =	vld.idx.msk [tilespmem:v33+s13+$0x0], $0xffff  }
0x1f8: {  	v34 =	vld.idx.msk [tilespmem:v43+s17+$0x0], $0xffff;
	_ =	sdelay $0x3  }
0x1f9: {  	v46 =	vadd.s32 $0x1, v33;
	vm15 =	vlt.s32 v44, v27  }
0x1fa: {  	v45 =	vadd.s32 $0x1, v32;
	v31 =	vsel vm15, v46, v31;
	vm14 =	vlt.s32 v34, v27  }
0x1fb: {  	v30 =	vsel vm15, v30, v33;
	v29 =	vsel vm14, v45, v29;
	v28 =	vsel vm14, v28, v32  }
0x1fc: {  	v30 =	vadd.s32 v30, v31;
	v28 =	vadd.s32 v28, v29  }
0x1fd: {  	v47 =	vld [tilespmem:$0x27A0];
	v30 =	vshrl.u32 v30, $0x1;
	v28 =	vshrl.u32 v28, $0x1  }
0x1fe: {  	v48 =	vadd.s32 v12, v28;
	_ =	sdelay $0x3  }
0x1ff: {  	v49 =	vld.idx.msk [tilespmem:v30+s13+$0x0], $0xffff  }
0x200: {  	v33 =	vld.idx.msk [tilespmem:v48+s17+$0x0], $0xffff;
	_ =	sdelay $0x1  }
0x201: {  	v50 =	vld.idx.msk [tilespmem:v47+s3+$0x0], $0xffff;
	_ =	sdelay $0x1  }
0x202: {  	v28 =	vadd.s32 $0x1, v28  }
0x203: {  	v30 =	vadd.s32 $0x1, v30;
	vm5 =	vlt.s32 v49, v27;
	vm4 =	vlt.s32 v33, v27  }
0x204: {  	vm6 =	veq.s32 v47, $0x270F;
	v51 =	vsel vm5, v30, v31;
	v28 =	vsel vm4, v28, v29  }
0x205: {  	vm7 =	vlt.s32 v50, v27;
	v28 =	vsel vm6, v51, v28  }
0x206: {  	v52 =	vshll.u32 v47, $0x5;
	v27 =	vnsel vm7, $0x0, v28  }
0x207: {  	v27 =	vadd.s32 v52, v27  }
0x208: {  	vm8 =	vlt.s32 v27, $0x4E1FF  }
0x209: {  	v27 =	vnsel vm8, $0x4E1FF, v27  }
0x20a: {  	[tilespmem:$0x31F0] =	vst v27;
	v27 =	vld [tilespmem:$0x2760]  }
0x20b: {  	v53 =	vld.idx.msk [tilespmem:v13+s17+$0x0], $0xffff;
	_ =	sdelay $0x1  }
0x20c: {  	v55 =	vld.idx.msk [tilespmem:v7+s13+$0x0], $0xffff;
	_ =	sdelay $0x2  }
0x20d: {  	vm9 =	vlt.s32 v53, v27  }
0x20e: {  	v28 =	vsel vm9, $0x18, v8  }
0x20f: {  	vm10 =	vlt.s32 v55, v27;
	v54 =	vor.u32 v15, v28  }
0x210: {  	v30 =	vsel vm10, $0x18, v8;
	_ =	sdelay $0x3  }
0x211: {  	v29 =	vld.idx.msk [tilespmem:v54+s17+$0x0], $0xffff  }
0x212: {  	v59 =	vld.idx.msk [tilespmem:v30+s13+$0x0], $0xffff;
	_ =	sdelay $0x2  }
0x213: {  	v56 =	vsel vm9, $0x11, v5;
	v58 =	vsel vm9, $0x20, v7;
	v62 =	vsel vm10, $0x11, v5  }
0x214: {  	v36 =	vsel vm10, $0x20, v7;
	v57 =	vor.u32 $0x1, v28;
	vm11 =	vlt.s32 v29, v27  }
0x215: {  	v63 =	vor.u32 $0x1, v30;
	vm12 =	vlt.s32 v59, v27;
	v29 =	vsel vm11, v57, v56  }
0x216: {  	v31 =	vsel vm12, v63, v62;
	v28 =	vsel vm11, v58, v28;
	v60 =	vadd.s32 $0xFFFFFFFF, v29  }
0x217: {  	v30 =	vsel vm12, v36, v30;
	v34 =	vadd.s32 $0xFFFFFFFF, v31;
	v32 =	vadd.s32 v60, v28  }
0x218: {  	v34 =	vadd.s32 v34, v30;
	v32 =	vshrl.u32 v32, $0x1  }
0x219: {  	v34 =	vshrl.u32 v34, $0x1;
	v61 =	vand.u32 $0x3C, v32  }
0x21a: {  	v33 =	vadd.s32 v15, v61;
	_ =	sdelay $0x3  }
0x21b: {  	v37 =	vld.idx.msk [tilespmem:v34+s13+$0x0], $0xffff  }
0x21c: {  	v33 =	vld.idx.msk [tilespmem:v33+s17+$0x0], $0xffff;
	_ =	sdelay $0x3  }
0x21d: {  	v40 =	vor.u32 $0x1, v34  }
0x21e: {  	v38 =	vor.u32 $0x1, v32;
	vm14 =	vlt.s32 v37, v27;
	vm13 =	vlt.s32 v33, v27  }
0x21f: {  	v31 =	vsel vm14, v40, v31;
	v30 =	vsel vm14, v30, v34;
	v29 =	vsel vm13, v38, v29  }
0x220: {  	v33 =	vadd.s32 $0xFFFFFFFF, v31;
	v28 =	vsel vm13, v28, v32;
	v39 =	vadd.s32 $0xFFFFFFFF, v29  }
0x221: {  	v33 =	vadd.s32 v33, v30;
	v32 =	vadd.s32 v39, v28  }
0x222: {  	v33 =	vadd.s32 $0x1, v33;
	v32 =	vadd.s32 $0x1, v32  }
0x223: {  	v33 =	vshrl.u32 v33, $0x1;
	v32 =	vshrl.u32 v32, $0x1  }
0x224: {  	v41 =	vadd.s32 v15, v32;
	_ =	sdelay $0x3  }
0x225: {  	v42 =	vld.idx.msk [tilespmem:v33+s13+$0x0], $0xffff  }
0x226: {  	v34 =	vld.idx.msk [tilespmem:v41+s17+$0x0], $0xffff;
	_ =	sdelay $0x3  }
0x227: {  	v44 =	vadd.s32 $0x1, v33;
	vm4 =	vlt.s32 v42, v27  }
0x228: {  	v43 =	vadd.s32 $0x1, v32;
	v31 =	vsel vm4, v44, v31;
	vm15 =	vlt.s32 v34, v27  }
0x229: {  	v30 =	vsel vm4, v30, v33;
	v29 =	vsel vm15, v43, v29;
	v28 =	vsel vm15, v28, v32  }
0x22a: {  	v30 =	vadd.s32 v30, v31;
	v28 =	vadd.s32 v28, v29  }
0x22b: {  	v45 =	vld [tilespmem:$0x27B0];
	v30 =	vshrl.u32 v30, $0x1;
	v28 =	vshrl.u32 v28, $0x1  }
0x22c: {  	v46 =	vadd.s32 v15, v28;
	_ =	sdelay $0x3  }
0x22d: {  	v47 =	vld.idx.msk [tilespmem:v30+s13+$0x0], $0xffff  }
0x22e: {  	v33 =	vld.idx.msk [tilespmem:v46+s17+$0x0], $0xffff;
	_ =	sdelay $0x1  }
0x22f: {  	v48 =	vld.idx.msk [tilespmem:v45+s3+$0x0], $0xffff;
	_ =	sdelay $0x1  }
0x230: {  	v28 =	vadd.s32 $0x1, v28  }
0x231: {  	v30 =	vadd.s32 $0x1, v30;
	vm6 =	vlt.s32 v47, v27;
	vm5 =	vlt.s32 v33, v27  }
0x232: {  	vm7 =	veq.s32 v45, $0x270F;
	v49 =	vsel vm6, v30, v31;
	v28 =	vsel vm5, v28, v29  }
0x233: {  	vm8 =	vlt.s32 v48, v27;
	v28 =	vsel vm7, v49, v28  }
0x234: {  	v50 =	vshll.u32 v45, $0x5;
	v27 =	vnsel vm8, $0x0, v28  }
0x235: {  	v27 =	vadd.s32 v50, v27  }
0x236: {  	vm9 =	vlt.s32 v27, $0x4E1FF  }
0x237: {  	v27 =	vnsel vm9, $0x4E1FF, v27  }
0x238: {  	[tilespmem:$0x3200] =	vst v27;
	v27 =	vld [tilespmem:$0x2770]  }
0x239: {  	v51 =	vld.idx.msk [tilespmem:v16+s17+$0x0], $0xffff;
	_ =	sdelay $0x1  }
0x23a: {  	v53 =	vld.idx.msk [tilespmem:v7+s13+$0x0], $0xffff;
	_ =	sdelay $0x2  }
0x23b: {  	vm10 =	vlt.s32 v51, v27  }
0x23c: {  	v28 =	vsel vm10, $0x18, v8  }
0x23d: {  	vm11 =	vlt.s32 v53, v27;
	v52 =	vor.u32 v17, v28  }
0x23e: {  	v30 =	vsel vm11, $0x18, v8;
	_ =	sdelay $0x3  }
0x23f: {  	v29 =	vld.idx.msk [tilespmem:v52+s17+$0x0], $0xffff  }
0x240: {  	v57 =	vld.idx.msk [tilespmem:v30+s13+$0x0], $0xffff;
	_ =	sdelay $0x2  }
0x241: {  	v54 =	vsel vm10, $0x11, v5;
	v56 =	vsel vm10, $0x20, v7;
	v60 =	vsel vm11, $0x11, v5  }
0x242: {  	v62 =	vsel vm11, $0x20, v7;
	v55 =	vor.u32 $0x1, v28;
	vm12 =	vlt.s32 v29, v27  }
0x243: {  	v61 =	vor.u32 $0x1, v30;
	vm13 =	vlt.s32 v57, v27;
	v29 =	vsel vm12, v55, v54  }
0x244: {  	v31 =	vsel vm13, v61, v60;
	v28 =	vsel vm12, v56, v28;
	v58 =	vadd.s32 $0xFFFFFFFF, v29  }
0x245: {  	v30 =	vsel vm13, v62, v30;
	v34 =	vadd.s32 $0xFFFFFFFF, v31;
	v32 =	vadd.s32 v58, v28  }
0x246: {  	v34 =	vadd.s32 v34, v30;
	v32 =	vshrl.u32 v32, $0x1  }
0x247: {  	v34 =	vshrl.u32 v34, $0x1;
	v59 =	vand.u32 $0x3C, v32  }
0x248: {  	v33 =	vadd.s32 v17, v59;
	_ =	sdelay $0x3  }
0x249: {  	v63 =	vld.idx.msk [tilespmem:v34+s13+$0x0], $0xffff  }
0x24a: {  	v33 =	vld.idx.msk [tilespmem:v33+s17+$0x0], $0xffff;
	_ =	sdelay $0x3  }
0x24b: {  	v38 =	vor.u32 $0x1, v34  }
0x24c: {  	v36 =	vor.u32 $0x1, v32;
	vm15 =	vlt.s32 v63, v27;
	vm14 =	vlt.s32 v33, v27  }
0x24d: {  	v31 =	vsel vm15, v38, v31;
	v30 =	vsel vm15, v30, v34;
	v29 =	vsel vm14, v36, v29  }
0x24e: {  	v33 =	vadd.s32 $0xFFFFFFFF, v31;
	v28 =	vsel vm14, v28, v32;
	v37 =	vadd.s32 $0xFFFFFFFF, v29  }
0x24f: {  	v33 =	vadd.s32 v33, v30;
	v32 =	vadd.s32 v37, v28  }
0x250: {  	v33 =	vadd.s32 $0x1, v33;
	v32 =	vadd.s32 $0x1, v32  }
0x251: {  	v33 =	vshrl.u32 v33, $0x1;
	v32 =	vshrl.u32 v32, $0x1  }
0x252: {  	v39 =	vadd.s32 v17, v32;
	_ =	sdelay $0x3  }
0x253: {  	v40 =	vld.idx.msk [tilespmem:v33+s13+$0x0], $0xffff  }
0x254: {  	v34 =	vld.idx.msk [tilespmem:v39+s17+$0x0], $0xffff;
	_ =	sdelay $0x3  }
0x255: {  	v42 =	vadd.s32 $0x1, v33;
	vm5 =	vlt.s32 v40, v27  }
0x256: {  	v41 =	vadd.s32 $0x1, v32;
	v31 =	vsel vm5, v42, v31;
	vm4 =	vlt.s32 v34, v27  }
0x257: {  	v30 =	vsel vm5, v30, v33;
	v29 =	vsel vm4, v41, v29;
	v28 =	vsel vm4, v28, v32  }
0x258: {  	v30 =	vadd.s32 v30, v31;
	v28 =	vadd.s32 v28, v29  }
0x259: {  	v43 =	vld [tilespmem:$0x27C0];
	v30 =	vshrl.u32 v30, $0x1;
	v28 =	vshrl.u32 v28, $0x1  }
0x25a: {  	v44 =	vadd.s32 v17, v28;
	_ =	sdelay $0x3  }
0x25b: {  	v45 =	vld.idx.msk [tilespmem:v30+s13+$0x0], $0xffff  }
0x25c: {  	v33 =	vld.idx.msk [tilespmem:v44+s17+$0x0], $0xffff;
	_ =	sdelay $0x1  }
0x25d: {  	v46 =	vld.idx.msk [tilespmem:v43+s3+$0x0], $0xffff;
	_ =	sdelay $0x1  }
0x25e: {  	v28 =	vadd.s32 $0x1, v28  }
0x25f: {  	v30 =	vadd.s32 $0x1, v30;
	vm7 =	vlt.s32 v45, v27;
	vm6 =	vlt.s32 v33, v27  }
0x260: {  	vm8 =	veq.s32 v43, $0x270F;
	v47 =	vsel vm7, v30, v31;
	v28 =	vsel vm6, v28, v29  }
0x261: {  	vm9 =	vlt.s32 v46, v27;
	v28 =	vsel vm8, v47, v28  }
0x262: {  	v48 =	vshll.u32 v43, $0x5;
	v27 =	vnsel vm9, $0x0, v28  }
0x263: {  	v27 =	vadd.s32 v48, v27  }
0x264: {  	vm10 =	vlt.s32 v27, $0x4E1FF  }
0x265: {  	v27 =	vnsel vm10, $0x4E1FF, v27  }
0x266: {  	[tilespmem:$0x3210] =	vst v27  }
0x267: {  	[tilespmem:s20], [sflag:$0x1] =	stream.indirect.gather [hbm4b:s4+s15], $0x8, s19, s15, $0xb8;
	[tilespmem:$0x48F0] =	vst v63  }
0x268: {  	_ =	swait.ge [sflag:s18], $0x280  }
0x269: {  	[sflag:s18] =	ssyncset.done $0x0  }
0x26a: {  	[sflag:s18] =	ssyncadd.s32 $0xFFFFFD80  }
0x26b: {  	v27 =	vld.idx.msk [tilespmem:v18+s20+$0x0], $0xffff  }
0x26c: {  	v49 =	vld [tilespmem:$0x2730]  }
0x26d: {  	v50 =	vld.idx.msk [tilespmem:v14+s20+$0x0], $0xffff;
	_ =	sdelay $0x2  }
0x26e: {  	s28 =	sadd.s32 s26, s8  }
0x26f: {  	v51 =	vor.u32 s28, v0;
	vm11 =	veq.s32 v27, v49  }
0x270: {  	v27 =	vsel vm11, v50, v51  }
0x271: {  	v52 =	vld [tilespmem:$0x2740];
	[tilespmem:$0x34A0] =	vst v27  }
0x272: {  	v27 =	vld.idx.msk [tilespmem:v20+s20+$0x0], $0xffff  }
0x273: {  	v53 =	vld.idx.msk [tilespmem:v19+s20+$0x0], $0xffff;
	_ =	sdelay $0x2  }
0x274: {  	s29 =	sadd.s32 $0x10, s28  }
0x275: {  	v54 =	vor.u32 s29, v0;
	vm12 =	veq.s32 v27, v52  }
0x276: {  	v27 =	vsel vm12, v53, v54  }
0x277: {  	v55 =	vld [tilespmem:$0x2750];
	[tilespmem:$0x34B0] =	vst v27  }
0x278: {  	v27 =	vld.idx.msk [tilespmem:v22+s20+$0x0], $0xffff  }
0x279: {  	v56 =	vld.idx.msk [tilespmem:v21+s20+$0x0], $0xffff;
	_ =	sdelay $0x2  }
0x27a: {  	s30 =	sadd.s32 $0x20, s28  }
0x27b: {  	v57 =	vor.u32 s30, v0;
	vm13 =	veq.s32 v27, v55  }
0x27c: {  	v27 =	vsel vm13, v56, v57  }
0x27d: {  	v58 =	vld [tilespmem:$0x2760];
	[tilespmem:$0x34C0] =	vst v27  }
0x27e: {  	v27 =	vld.idx.msk [tilespmem:v24+s20+$0x0], $0xffff  }
0x27f: {  	v59 =	vld.idx.msk [tilespmem:v23+s20+$0x0], $0xffff;
	_ =	sdelay $0x2  }
0x280: {  	s31 =	sadd.s32 $0x30, s28  }
0x281: {  	v60 =	vor.u32 s31, v0;
	vm14 =	veq.s32 v27, v58  }
0x282: {  	v27 =	vsel vm14, v59, v60  }
0x283: {  	v61 =	vld [tilespmem:$0x2770];
	[tilespmem:$0x34D0] =	vst v27  }
0x284: {  	v27 =	vld.idx.msk [tilespmem:v26+s20+$0x0], $0xffff  }
0x285: {  	v62 =	vld.idx.msk [tilespmem:v25+s20+$0x0], $0xffff;
	_ =	sdelay $0x2  }
0x286: {  	s28 =	sadd.s32 $0x40, s28  }
0x287: {  	v63 =	vor.u32 s28, v0;
	vm15 =	veq.s32 v27, v61  }
0x288: {  	v27 =	vsel vm15, v62, v63  }
0x289: {  	[tilespmem:$0x34E0] =	vst v27  }
0x28a: {  	[tilespmem:s22], [sflag:$0x1] =	stream.indirect.gather [hbm4b:s1+s15], $0x40, s21, s15, $0xb8;
	[tilespmem:$0x48F0] =	vst v63  }
0x28b: {  	_ =	swait.ge [sflag:s18], $0x1400  }
0x28c: {  	p0 =	sne.s32 s26, $0x26C0;
	[sflag:s18] =	ssyncset.done $0x0  }
.Ltmp0:
0x28d: {  	[sflag:s18] =	ssyncadd.s32 $0xFFFFEC00;
	(pc) =	sbr.rel @p0 .LBB2_2-.Ltmp0, $4  }
0x28e: {  	[hbm4b:s25+s3] =	stream.linear.scatter [tilespmem:s22], [sflag:$0x2], $0x1400, $0x38;
	[tilespmem:$0x48F0] =	vst v63  }
0x28f: {  	_ =	swait.ge [sflag:s12], $0x1400  }
0x290: {  	s24 =	sadd.s32 $0xA, s24;
	[sflag:s12] =	ssyncset.done $0x0  }
0x291: {  	s26 =	sadd.s32 $0x50, s26;
	s25 =	sadd.s32 $0x280, s25;
	[sflag:s12] =	ssyncadd.s32 $0xFFFFEC00  }
0x292: {  	s23 =	sadd.s32 $0x1, s23  }
0x293: {  	p0 =	sne.s32 s23, s9  }
.Ltmp1:
0x294: {  	_ = 	snop;
	(pc) =	sbr.rel @p0 .LBB2_1-.Ltmp1, $1  }
0x295: {  	_ =	sdelay $0x3  }
0x296: {  	_ =	sfence.sel $0x180000  }
0x297: {  	[bflag:$0x0] =	sbarrier.arrive $0xFFFF  }
0x298: {  	p0 =	sne.s32 s2, $0x0;
	_ =	strace $0x90000047  }
0x299: {  	s0 =	sadd.s32 @!p0 $0x100000, s0;
	[bflag:$0x2] =	sbarrier.arrive $0xFFFF  }
0x29a: {  	[sflag:s0] =	ssyncadd.tile.s32 @!p0 $0x1;
	_ =	shalt  }
.Lfunc_end2:
_tile_overlayer_lowered:
.L_overlay_start_2:
0x29b: {  	(tag) =	ssettag $0x2  }
0x29c: {  	s0 =	rddreg [dreg:$0x0];
	s2 =	stileid.u32  }
0x29d: {  	s1 =	rddreg [dreg:$0x1];
	p0 =	sne.s32 s2, $0x0  }
0x29e: {  	s3 =	rddreg [dreg:$0x2];
	[bflag:$0x3] =	sbarrier.arrive $0xFFFF;
	s2 =	simm.s32 @!p0 $0x1C02  }
0x29f: {  	[timem:s3], [sflag:s2] =	dma.local @!p0 [hbm:s0], s1  }
0x2a0: {  	s0 =	simm.s32 @!p0 $0x2  }
0x2a1: {  	_ =	swait.ge @!p0 [sflag:s0], s1  }
0x2a2: {  	s1 =	ssub.s32 @!p0 $0x0, s1;
	[sflag:s0] =	ssyncset.done @!p0 $0x0  }
0x2a3: {  	[sflag:s0] =	ssyncadd.s32 @!p0 s1  }
0x2a4: {  	[bflag:$0x3] =	sbarrier.arrive $0xFFFF  }
0x2a5: {  	_ =	shalt  }

</sc_bundles>
